<compile_context>
chip_gen: v7x
topology: tpu7x:2x2x1
jax: 0.10.2.dev20260603
libtpu: 0.0.44.dev20260713+nightly
codegen_flags: <defaults>
</compile_context>

<pallas_src>
import functools

import jax
import jax.numpy as jnp
from jax import lax
from jax.experimental import pallas as pl
from jax.experimental.pallas import tpu as pltpu
from jax.experimental.pallas import tpu_sc as plsc

N_USERS = 20000
N_ITEMS = 30000
N_NODES = N_USERS + N_ITEMS
E = 800000
D = 64
DELTA = 0.8
N_LAYERS = 2

FCH = 4
LW = 32
FPC = FCH // 2
ER = 6400
EPAD = ER * 128
RPT = ER // 16
NBR = 2
NBATCH = RPT // NBR
N_PAD = 50048
NPT = N_PAD // 16



def _mm_body(x_ref, w_ref, b_ref, o_ref, *, normalize):
    y = jnp.dot(x_ref[...], w_ref[...], preferred_element_type=jnp.float32)
    y = y + b_ref[...]
    if normalize:
        n2 = jnp.sum(y * y, axis=1, keepdims=True)
        y = y * jax.lax.rsqrt(jnp.maximum(n2, 1e-24))
    o_ref[...] = y


def _mm(x, w, b, block_rows, normalize=False):
    m, k = x.shape
    n = w.shape[1]
    assert m % block_rows == 0
    return pl.pallas_call(
        functools.partial(_mm_body, normalize=normalize),
        grid=(m // block_rows,),
        in_specs=[
            pl.BlockSpec((block_rows, k), lambda i: (i, 0)),
            pl.BlockSpec((k, n), lambda i: (0, 0)),
            pl.BlockSpec((1, n), lambda i: (0, 0)),
        ],
        out_specs=pl.BlockSpec((block_rows, n), lambda i: (i, 0)),
        out_shape=jax.ShapeDtypeStruct((m, n), jnp.float32),
    )(x, w, b)



def _bcast_lane(vec, l):
    idx = jnp.full((16, 1), l, dtype=jnp.int32)
    dnums = lax.GatherDimensionNumbers(
        offset_dims=(), collapsed_slice_dims=(0,), start_index_map=(0,))
    return lax.gather(vec, idx, dnums, (1,),
                      mode=lax.GatherScatterMode.PROMISE_IN_BOUNDS)


def _prop_body(x2, zer, srcp, dstr, wr, y2, sidx, didx, wv, rows_bf,
               rows32, acc, gsem, ssem, isem, jsem):
    c = lax.axis_index("c")
    s = lax.axis_index("s")
    row_lo = s * RPT
    node_lo = s * NPT
    EB = NBR * 128

    def fchunk_body(r, _):
        f = c * FPC + r
        fbase = f * N_PAD

        pltpu.sync_copy(zer.at[pl.ds(node_lo, NPT)],
                        acc.at[pl.ds(node_lo, NPT)])
        plsc.subcore_barrier()

        def fire_idx_s(t):
            eb = (row_lo + t * NBR) * 128
            pltpu.async_copy(srcp.at[pl.ds(f * EPAD + eb, EB)],
                             sidx.at[t % 3], isem)

        def drain_idx_s(t):
            eb = (row_lo + t * NBR) * 128
            pltpu.make_async_copy(srcp.at[pl.ds(f * EPAD + eb, EB)],
                                  sidx.at[t % 3], isem).wait()

        def fire_idx_dw(t):
            eb = (row_lo + t * NBR) * 128
            pltpu.async_copy(dstr.at[pl.ds(eb, EB)], didx.at[t % 3], jsem)
            pltpu.async_copy(wr.at[pl.ds(eb, EB)], wv.at[t % 2], jsem)

        def drain_idx_dw(t):
            eb = (row_lo + t * NBR) * 128
            pltpu.make_async_copy(dstr.at[pl.ds(eb, EB)], didx.at[t % 3],
                                  jsem).wait()
            pltpu.make_async_copy(wr.at[pl.ds(eb, EB)], wv.at[t % 2],
                                  jsem).wait()

        def fire_gathers(t):
            for q in range(NBR):
                pltpu.async_copy(x2.at[sidx.at[t % 3, pl.ds(q * 128, 128)]],
                                 rows_bf.at[t % 3, pl.ds(q * 128, 128)], gsem)

        def drain_gathers(t):
            for q in range(NBR):
                pltpu.make_async_copy(
                    x2.at[sidx.at[t % 3, pl.ds(q * 128, 128)]],
                    rows_bf.at[t % 3, pl.ds(q * 128, 128)], gsem).wait()

        def fire_scatter(t):
            for q in range(NBR):
                pltpu.async_copy(rows32.at[t % 2, pl.ds(q * 128, 128)],
                                 acc.at[didx.at[t % 3, pl.ds(q * 128, 128)]],
                                 ssem, add=True)

        def drain_scatter(t):
            for q in range(NBR):
                pltpu.make_async_copy(
                    rows32.at[t % 2, pl.ds(q * 128, 128)],
                    acc.at[didx.at[t % 3, pl.ds(q * 128, 128)]], ssem).wait()

        def compute(t):
            ib3, ib2 = t % 3, t % 2

            @plsc.parallel_loop(0, EB // 16, unroll=2)
            def k_body(k):
                wk = wv[t % 2, pl.ds(k * 16, 16)]
                for l in range(16):
                    i = k * 16 + l
                    wl = _bcast_lane(wk, l)
                    a, b2 = plsc.unpack(rows_bf[ib3, i],
                                        format=plsc.PackFormat.INTERLEAVED)
                    rows32[ib2, i, pl.ds(0, 16)] = a * wl
                    rows32[ib2, i, pl.ds(16, 16)] = b2 * wl

        fire_idx_s(0)
        fire_idx_s(1)
        fire_idx_s(2)
        drain_idx_s(0)
        fire_gathers(0)
        drain_idx_s(1)
        fire_gathers(1)
        fire_idx_dw(0)

        def batch_body(b, _):
            drain_gathers(b)

            @pl.when(b >= 2)
            def _():
                drain_scatter(b - 2)

            @pl.when(b + 3 < NBATCH)
            def _():
                fire_idx_s(b + 3)

            @pl.when(b + 1 < NBATCH)
            def _():
                fire_idx_dw(b + 1)

            @pl.when(b + 2 < NBATCH)
            def _():
                drain_idx_s(b + 2)
                fire_gathers(b + 2)
            drain_idx_dw(b)
            compute(b)
            fire_scatter(b)
            return 0
        lax.fori_loop(0, NBATCH, batch_body, 0)
        drain_scatter(NBATCH - 2)
        drain_scatter(NBATCH - 1)
        plsc.subcore_barrier()

        pltpu.sync_copy(acc.at[pl.ds(node_lo, NPT)],
                        y2.at[pl.ds(fbase + node_lo, NPT)])
        plsc.subcore_barrier()
        return 0

    lax.fori_loop(0, FPC, fchunk_body, 0)


def _propagate_layer(x2b, zer, srcp, dstr, wr):
    return pl.kernel(
        _prop_body,
        out_type=jax.ShapeDtypeStruct((FCH * N_PAD, LW), jnp.float32),
        mesh=plsc.VectorSubcoreMesh(core_axis_name="c", subcore_axis_name="s"),
        compiler_params=pltpu.CompilerParams(use_tc_tiling_on_sc=False,
                                             needs_layout_passes=False),
        scratch_types=[
            pltpu.VMEM((3, NBR * 128), jnp.int32),
            pltpu.VMEM((3, NBR * 128), jnp.int32),
            pltpu.VMEM((2, NBR * 128), jnp.float32),
            pltpu.VMEM((3, NBR * 128, LW), jnp.bfloat16),
            pltpu.VMEM((2, NBR * 128, LW), jnp.float32),
            pltpu.VMEM_SHARED((N_PAD, LW), jnp.float32),
            pltpu.SemaphoreType.DMA,
            pltpu.SemaphoreType.DMA,
            pltpu.SemaphoreType.DMA,
            pltpu.SemaphoreType.DMA,
        ],
    )(x2b, zer, srcp, dstr, wr)


def kernel(edge_index, edge_weight, users, neg_items, image_preference,
           text_preference, image_query, text_query, image_embedding,
           text_embedding, W_img, b_img, W_txt, b_txt, v_rel_mlp, t_rel_mlp,
           image_rel, text_rel, uv_agg, ut_agg):
    b_img2 = b_img.reshape(1, -1)
    b_txt2 = b_txt.reshape(1, -1)
    zeros_n = jnp.zeros((1, D), jnp.float32)

    image_emb = _mm(image_embedding, W_img, b_img2, 2000, normalize=True)
    text_emb = _mm(text_embedding, W_txt, b_txt2, 2000, normalize=True)

    x = jnp.concatenate(
        [jnp.concatenate([image_preference, image_emb], axis=0),
         jnp.concatenate([text_preference, text_emb], axis=0)], axis=1)
    x = jnp.pad(x, ((0, N_PAD - N_NODES), (0, 0)))
    xn = x.reshape(N_PAD, FCH, LW).transpose(1, 0, 2).reshape(
        FCH * N_PAD, LW)
    zer = jnp.zeros((N_PAD, LW), jnp.float32)

    src = edge_index[0]
    dst = edge_index[1]
    pad = EPAD - E
    src_p = jnp.concatenate([src, jnp.zeros((pad,), jnp.int32)])
    dst_p = jnp.concatenate([dst, jnp.zeros((pad,), jnp.int32)])
    w_p = jnp.concatenate([edge_weight[:, 0], jnp.zeros((pad,), jnp.float32)])
    srcp = (src_p.reshape(1, EPAD)
            + (jnp.arange(FCH, dtype=jnp.int32) * N_PAD).reshape(FCH, 1)
            ).reshape(FCH * EPAD)
    dstr = dst_p
    wr = w_p

    for _ in range(N_LAYERS):
        x2b = xn.reshape(-1, 2, 16).transpose(0, 2, 1).reshape(
            -1, LW).astype(jnp.bfloat16)
        y2 = _propagate_layer(x2b, zer, srcp, dstr, wr)
        xn = y2 + DELTA * xn

    x = xn.reshape(FCH, N_PAD, LW).transpose(1, 0, 2).reshape(N_PAD, 128)
    user_preference = x[:N_USERS]
    items = x[N_USERS:N_NODES]

    comp_rel_v = _mm(image_rel, v_rel_mlp, zeros_n, 2000)
    comp_rel_t = _mm(text_rel, t_rel_mlp, zeros_n, 2000)

    image_neg_samples = jnp.concatenate(
        [uv_agg[users], image_embedding[neg_items]], axis=1)
    compressed_img_negsams = _mm(image_neg_samples, v_rel_mlp, zeros_n, 2048)
    text_neg_samples = jnp.concatenate(
        [ut_agg[users], text_embedding[neg_items]], axis=1)
    compressed_txt_negsams = _mm(text_neg_samples, t_rel_mlp, zeros_n, 2048)

    return (user_preference, items, image_query, text_query, comp_rel_v,
            comp_rel_t, compressed_img_negsams, compressed_txt_negsams,
            v_rel_mlp, t_rel_mlp, image_embedding, text_embedding)

# --- scband reference (transcript-rebuilt; emitter-appended) ---
"""Pipeline reference for scband-icen-rce-10943576670299 (READ-ONLY COPY).

The authoritative reference and input builder live on the scoring server;
editing this copy changes nothing except your own understanding.
"""

import jax, jax.numpy as jnp
import numpy as np

N_USERS = 20000
N_ITEMS = 30000
N_NODES = N_USERS + N_ITEMS
E = 800000
D = 64          # feat_embed_dim
REL_D = 64      # args.rel_embed_dim
V_DIM = 512     # image feature dim
T_DIM = 384     # text feature dim
N_TRAINS = 50000  # number of train interactions (rows of image_rel/text_rel)
B = 4096
N_LAYERS = 2
DELTA = 0.8
HAS_NORM = True


def _xavier(key, shape):
    fan_in, fan_out = shape[0], shape[1]
    a = float(np.sqrt(6.0 / (fan_in + fan_out)))
    return jax.random.uniform(key, shape, dtype=jnp.float32, minval=-a, maxval=a)


def setup_inputs(seed: int = 0) -> dict:
    key = jax.random.key(seed)
    ks = jax.random.split(key, 24)
    return {
        'edge_index': jax.random.randint(ks[0], (2, E), 0, N_NODES, dtype=jnp.int32),
        'edge_weight': jax.random.uniform(ks[1], (E, 1), dtype=jnp.float32),
        'users': jax.random.randint(ks[2], (B,), 0, N_USERS, dtype=jnp.int32),
        'neg_items': jax.random.randint(ks[3], (B,), 0, N_ITEMS, dtype=jnp.int32),
        'image_preference': _xavier(ks[4], (N_USERS, D)),
        'text_preference': _xavier(ks[5], (N_USERS, D)),
        'image_query': _xavier(ks[6], (N_USERS, REL_D)),
        'text_query': _xavier(ks[7], (N_USERS, REL_D)),
        'image_embedding': jax.random.normal(ks[8], (N_ITEMS, V_DIM), dtype=jnp.float32),
        'text_embedding': jax.random.normal(ks[9], (N_ITEMS, T_DIM), dtype=jnp.float32),
        'W_img': _xavier(ks[10], (V_DIM, D)),
        'b_img': jnp.zeros((D,), dtype=jnp.float32),
        'W_txt': _xavier(ks[11], (T_DIM, D)),
        'b_txt': jnp.zeros((D,), dtype=jnp.float32),
        'v_rel_mlp': _xavier(ks[12], (2 * V_DIM, REL_D)),
        't_rel_mlp': _xavier(ks[13], (2 * T_DIM, REL_D)),
        'image_rel': jax.random.normal(ks[14], (N_TRAINS, 2 * V_DIM), dtype=jnp.float32),
        'text_rel': jax.random.normal(ks[15], (N_TRAINS, 2 * T_DIM), dtype=jnp.float32),
        'uv_agg': jax.random.normal(ks[16], (N_USERS, V_DIM), dtype=jnp.float32),
        'ut_agg': jax.random.normal(ks[17], (N_USERS, T_DIM), dtype=jnp.float32),
    }


def _normalize(x):
    n = jnp.linalg.norm(x, axis=1, keepdims=True)
    return x / jnp.maximum(n, 1e-12)


def reference(edge_index, edge_weight, users, neg_items,
              image_preference, text_preference, image_query, text_query,
              image_embedding, text_embedding, W_img, b_img, W_txt, b_txt,
              v_rel_mlp, t_rel_mlp, image_rel, text_rel, uv_agg, ut_agg):
    image_emb = image_embedding @ W_img + b_img
    text_emb = text_embedding @ W_txt + b_txt
    if HAS_NORM:
        image_emb = _normalize(image_emb)
        text_emb = _normalize(text_emb)

    ego_image_emb = jnp.concatenate([image_preference, image_emb], axis=0)
    ego_text_emb = jnp.concatenate([text_preference, text_emb], axis=0)

    src = edge_index[0]
    dst = edge_index[1]
    for _ in range(N_LAYERS):
        # Our_GCNs: message = x_j * weight_vector, aggr='add', identity update
        side_image_emb = jax.ops.segment_sum(ego_image_emb[src] * edge_weight, dst, num_segments=N_NODES)
        side_text_emb = jax.ops.segment_sum(ego_text_emb[src] * edge_weight, dst, num_segments=N_NODES)
        ego_image_emb = side_image_emb + DELTA * ego_image_emb
        ego_text_emb = side_text_emb + DELTA * ego_text_emb

    final_image_preference = ego_image_emb[:N_USERS]
    final_image_emb = ego_image_emb[N_USERS:]
    final_text_preference = ego_text_emb[:N_USERS]
    final_text_emb = ego_text_emb[N_USERS:]

    comp_rel_v = image_rel @ v_rel_mlp
    comp_rel_t = text_rel @ t_rel_mlp

    # len(neg_items) != 1 branch
    image_neg_samples = jnp.concatenate([uv_agg[users], image_embedding[neg_items]], axis=1)
    compressed_img_negsams = image_neg_samples @ v_rel_mlp
    text_neg_samples = jnp.concatenate([ut_agg[users], text_embedding[neg_items]], axis=1)
    compressed_txt_negsams = text_neg_samples @ t_rel_mlp

    items = jnp.concatenate([final_image_emb, final_text_emb], axis=1)
    user_preference = jnp.concatenate([final_image_preference, final_text_preference], axis=1)
    return (user_preference, items, image_query, text_query, comp_rel_v, comp_rel_t,
            compressed_img_negsams, compressed_txt_negsams, v_rel_mlp, t_rel_mlp,
            image_embedding, text_embedding)

if __name__ == "__main__":
    import jax
    _d = setup_inputs()
    print(jax.jit(kernel)(*tuple(_d.values())))

</pallas_src>

<mosaic_0001>
#map = affine_map<(d0, d1) -> (0, 0)>
#map1 = affine_map<(d0, d1) -> (0)>
module attributes {stable_mosaic.version = 14 : i64} {
  func.func @_prop_body(%arg0: i32, %arg1: i32, %arg2: memref<200192x32xbf16, #tpu.memory_space<hbm>>, %arg3: memref<50048x32xf32, #tpu.memory_space<hbm>>, %arg4: memref<3276800xi32, #tpu.memory_space<hbm>>, %arg5: memref<819200xi32, #tpu.memory_space<hbm>>, %arg6: memref<819200xf32, #tpu.memory_space<hbm>>, %arg7: memref<200192x32xf32, #tpu.memory_space<hbm>>, %arg8: memref<3x256xi32, #tpu.memory_space<vmem>>, %arg9: memref<3x256xi32, #tpu.memory_space<vmem>>, %arg10: memref<2x256xf32, #tpu.memory_space<vmem>>, %arg11: memref<3x256x32xbf16, #tpu.memory_space<vmem>>, %arg12: memref<2x256x32xf32, #tpu.memory_space<vmem>>, %arg13: memref<50048x32xf32, #tpu.memory_space<vmem_shared>>, %arg14: memref<!tpu.dma_semaphore, #tpu.memory_space<semaphore_mem>>, %arg15: memref<!tpu.dma_semaphore, #tpu.memory_space<semaphore_mem>>, %arg16: memref<!tpu.dma_semaphore, #tpu.memory_space<semaphore_mem>>, %arg17: memref<!tpu.dma_semaphore, #tpu.memory_space<semaphore_mem>>) attributes {dimension_semantics = [#tpu.dimension_semantics<core_parallel>, #tpu.dimension_semantics<subcore_parallel>], iteration_bounds = array<i64: 2, 16>, scalar_prefetch = 0 : i64, scratch_operands = 10 : i64, tpu.core_type = #tpu.core_type<sc_vector_subcore>, window_params = [{transform_indices = #map}, {transform_indices = #map}, {transform_indices = #map1}, {transform_indices = #map1}, {transform_indices = #map1}, {transform_indices = #map}]} {
    %mul3A = arith.constant 400 : i32
    %mul3A_0 = arith.muli %arg1, %mul3A : i32
    %mul3A_1 = arith.constant 3128 : i32
    %mul3A_2 = arith.muli %arg1, %mul3A_1 : i32
    %scan3A = arith.constant 0 : i32
    %scan3A_3 = arith.constant 0 : i32
    %scan3A_4 = arith.constant 2 : i32
    %scan3A_5 = arith.addi %scan3A_3, %scan3A_4 : i32
    %scan3A_6 = arith.constant 1 : i32
    %scan3A_7 = scf.for %scan3A_9 = %scan3A_3 to %scan3A_5 step %scan3A_6 iter_args(%scan3A_10 = %scan3A) -> (i32)  : i32 {
      %mul3A_11 = arith.constant 2 : i32
      %mul3A_12 = arith.muli %arg0, %mul3A_11 : i32
      %add3A = arith.addi %mul3A_12, %scan3A_9 : i32
      %mul3A_13 = arith.constant 50048 : i32
      %mul3A_14 = arith.muli %add3A, %mul3A_13 : i32
      "tpu.region"() ({
        %run_scoped3A = tpu.sem_alloc : memref<!tpu.dma_semaphore, #tpu.memory_space<semaphore_mem>>
        %dma_start3A_222 = arith.constant 0 : i32
        %dma_start3A_223 = tpu.memref_slice %arg13[%mul3A_2, %dma_start3A_222] : memref<50048x32xf32, #tpu.memory_space<vmem_shared>> -> memref<3128x32xf32, #tpu.memory_space<vmem_shared>>
        %dma_start3A_224 = arith.constant 0 : i32
        %dma_start3A_225 = tpu.memref_slice %arg3[%mul3A_2, %dma_start3A_224] : memref<50048x32xf32, #tpu.memory_space<hbm>> -> memref<3128x32xf32, #tpu.memory_space<hbm>>
        tpu.enqueue_dma source(%dma_start3A_225 : memref<3128x32xf32, #tpu.memory_space<hbm>>) target(%dma_start3A_223 : memref<3128x32xf32, #tpu.memory_space<vmem_shared>>) target_semaphore(%run_scoped3A : memref<!tpu.dma_semaphore, #tpu.memory_space<semaphore_mem>>)
        %dma_wait3A_226 = arith.constant 0 : i32
        %dma_wait3A_227 = tpu.memref_slice %arg13[%mul3A_2, %dma_wait3A_226] : memref<50048x32xf32, #tpu.memory_space<vmem_shared>> -> memref<3128x32xf32, #tpu.memory_space<vmem_shared>>
        %dma_wait3A_228 = arith.constant 0 : i32
        %dma_wait3A_229 = tpu.memref_slice %arg3[%mul3A_2, %dma_wait3A_228] : memref<50048x32xf32, #tpu.memory_space<hbm>> -> memref<3128x32xf32, #tpu.memory_space<hbm>>
        tpu.wait_dma2 semaphore(%run_scoped3A : memref<!tpu.dma_semaphore, #tpu.memory_space<semaphore_mem>>) src(%dma_wait3A_229 : memref<3128x32xf32, #tpu.memory_space<hbm>>) dst(%dma_wait3A_227 : memref<3128x32xf32, #tpu.memory_space<vmem_shared>>)
        tpu.yield
      }) : () -> ()
      %barrier3A = arith.constant 0 : index
      tpu.barrier barrier_id(%barrier3A)
      %add3A_15 = arith.constant 0 : i32
      %add3A_16 = arith.addi %mul3A_0, %add3A_15 : i32
      %mul3A_17 = arith.constant 128 : i32
      %mul3A_18 = arith.muli %add3A_16, %mul3A_17 : i32
      %mul3A_19 = arith.constant 819200 : i32
      %mul3A_20 = arith.muli %add3A, %mul3A_19 : i32
      %add3A_21 = arith.addi %mul3A_20, %mul3A_18 : i32
      %dma_start3A = arith.constant 0 : i32
      %dma_start3A_22 = arith.constant 0 : i32
      %dma_start3A_23 = tpu.memref_slice %arg8[%dma_start3A, %dma_start3A_22] : memref<3x256xi32, #tpu.memory_space<vmem>> -> memref<1x256xi32, #tpu.memory_space<vmem>>
      %dma_start3A_24 = tpu.memref_squeeze %dma_start3A_23 : memref<1x256xi32, #tpu.memory_space<vmem>> -> memref<256xi32, #tpu.memory_space<vmem>>
      %dma_start3A_25 = tpu.memref_slice %arg4[%add3A_21] : memref<3276800xi32, #tpu.memory_space<hbm>> -> memref<256xi32, #tpu.memory_space<hbm>>
      %dma_start3A_26 = arith.constant 0 : i32
      %dma_start3A_27 = tpu.memref_slice %arg8[%dma_start3A, %dma_start3A_26] : memref<3x256xi32, #tpu.memory_space<vmem>> -> memref<1x256xi32, #tpu.memory_space<vmem>>
      %dma_start3A_28 = tpu.memref_squeeze %dma_start3A_27 : memref<1x256xi32, #tpu.memory_space<vmem>> -> memref<256xi32, #tpu.memory_space<vmem>>
      %dma_start3A_29 = tpu.memref_slice %arg4[%add3A_21] : memref<3276800xi32, #tpu.memory_space<hbm>> -> memref<256xi32, #tpu.memory_space<hbm>>
      tpu.enqueue_dma source(%dma_start3A_29 : memref<256xi32, #tpu.memory_space<hbm>>) target(%dma_start3A_28 : memref<256xi32, #tpu.memory_space<vmem>>) target_semaphore(%arg16 : memref<!tpu.dma_semaphore, #tpu.memory_space<semaphore_mem>>)
      %add3A_30 = arith.constant 2 : i32
      %add3A_31 = arith.addi %mul3A_0, %add3A_30 : i32
      %mul3A_32 = arith.constant 128 : i32
      %mul3A_33 = arith.muli %add3A_31, %mul3A_32 : i32
      %mul3A_34 = arith.constant 819200 : i32
      %mul3A_35 = arith.muli %add3A, %mul3A_34 : i32
      %add3A_36 = arith.addi %mul3A_35, %mul3A_33 : i32
      %dma_start3A_37 = arith.constant 1 : i32
      %dma_start3A_38 = arith.constant 0 : i32
      %dma_start3A_39 = tpu.memref_slice %arg8[%dma_start3A_37, %dma_start3A_38] : memref<3x256xi32, #tpu.memory_space<vmem>> -> memref<1x256xi32, #tpu.memory_space<vmem>>
      %dma_start3A_40 = tpu.memref_squeeze %dma_start3A_39 : memref<1x256xi32, #tpu.memory_space<vmem>> -> memref<256xi32, #tpu.memory_space<vmem>>
      %dma_start3A_41 = tpu.memref_slice %arg4[%add3A_36] : memref<3276800xi32, #tpu.memory_space<hbm>> -> memref<256xi32, #tpu.memory_space<hbm>>
      %dma_start3A_42 = arith.constant 0 : i32
      %dma_start3A_43 = tpu.memref_slice %arg8[%dma_start3A_37, %dma_start3A_42] : memref<3x256xi32, #tpu.memory_space<vmem>> -> memref<1x256xi32, #tpu.memory_space<vmem>>
      %dma_start3A_44 = tpu.memref_squeeze %dma_start3A_43 : memref<1x256xi32, #tpu.memory_space<vmem>> -> memref<256xi32, #tpu.memory_space<vmem>>
      %dma_start3A_45 = tpu.memref_slice %arg4[%add3A_36] : memref<3276800xi32, #tpu.memory_space<hbm>> -> memref<256xi32, #tpu.memory_space<hbm>>
      tpu.enqueue_dma source(%dma_start3A_45 : memref<256xi32, #tpu.memory_space<hbm>>) target(%dma_start3A_44 : memref<256xi32, #tpu.memory_space<vmem>>) target_semaphore(%arg16 : memref<!tpu.dma_semaphore, #tpu.memory_space<semaphore_mem>>)
      %add3A_46 = arith.constant 4 : i32
      %add3A_47 = arith.addi %mul3A_0, %add3A_46 : i32
      %mul3A_48 = arith.constant 128 : i32
      %mul3A_49 = arith.muli %add3A_47, %mul3A_48 : i32
      %mul3A_50 = arith.constant 819200 : i32
      %mul3A_51 = arith.muli %add3A, %mul3A_50 : i32
      %add3A_52 = arith.addi %mul3A_51, %mul3A_49 : i32
      %dma_start3A_53 = arith.constant 2 : i32
      %dma_start3A_54 = arith.constant 0 : i32
      %dma_start3A_55 = tpu.memref_slice %arg8[%dma_start3A_53, %dma_start3A_54] : memref<3x256xi32, #tpu.memory_space<vmem>> -> memref<1x256xi32, #tpu.memory_space<vmem>>
      %dma_start3A_56 = tpu.memref_squeeze %dma_start3A_55 : memref<1x256xi32, #tpu.memory_space<vmem>> -> memref<256xi32, #tpu.memory_space<vmem>>
      %dma_start3A_57 = tpu.memref_slice %arg4[%add3A_52] : memref<3276800xi32, #tpu.memory_space<hbm>> -> memref<256xi32, #tpu.memory_space<hbm>>
      %dma_start3A_58 = arith.constant 0 : i32
      %dma_start3A_59 = tpu.memref_slice %arg8[%dma_start3A_53, %dma_start3A_58] : memref<3x256xi32, #tpu.memory_space<vmem>> -> memref<1x256xi32, #tpu.memory_space<vmem>>
      %dma_start3A_60 = tpu.memref_squeeze %dma_start3A_59 : memref<1x256xi32, #tpu.memory_space<vmem>> -> memref<256xi32, #tpu.memory_space<vmem>>
      %dma_start3A_61 = tpu.memref_slice %arg4[%add3A_52] : memref<3276800xi32, #tpu.memory_space<hbm>> -> memref<256xi32, #tpu.memory_space<hbm>>
      tpu.enqueue_dma source(%dma_start3A_61 : memref<256xi32, #tpu.memory_space<hbm>>) target(%dma_start3A_60 : memref<256xi32, #tpu.memory_space<vmem>>) target_semaphore(%arg16 : memref<!tpu.dma_semaphore, #tpu.memory_space<semaphore_mem>>)
      %add3A_62 = arith.constant 0 : i32
      %add3A_63 = arith.addi %mul3A_0, %add3A_62 : i32
      %mul3A_64 = arith.constant 128 : i32
      %mul3A_65 = arith.muli %add3A_63, %mul3A_64 : i32
      %mul3A_66 = arith.constant 819200 : i32
      %mul3A_67 = arith.muli %add3A, %mul3A_66 : i32
      %add3A_68 = arith.addi %mul3A_67, %mul3A_65 : i32
      %dma_wait3A = arith.constant 0 : i32
      %dma_wait3A_69 = arith.constant 0 : i32
      %dma_wait3A_70 = tpu.memref_slice %arg8[%dma_wait3A, %dma_wait3A_69] : memref<3x256xi32, #tpu.memory_space<vmem>> -> memref<1x256xi32, #tpu.memory_space<vmem>>
      %dma_wait3A_71 = tpu.memref_squeeze %dma_wait3A_70 : memref<1x256xi32, #tpu.memory_space<vmem>> -> memref<256xi32, #tpu.memory_space<vmem>>
      %dma_wait3A_72 = tpu.memref_slice %arg4[%add3A_68] : memref<3276800xi32, #tpu.memory_space<hbm>> -> memref<256xi32, #tpu.memory_space<hbm>>
      %dma_wait3A_73 = arith.constant 0 : i32
      %dma_wait3A_74 = tpu.memref_slice %arg8[%dma_wait3A, %dma_wait3A_73] : memref<3x256xi32, #tpu.memory_space<vmem>> -> memref<1x256xi32, #tpu.memory_space<vmem>>
      %dma_wait3A_75 = tpu.memref_squeeze %dma_wait3A_74 : memref<1x256xi32, #tpu.memory_space<vmem>> -> memref<256xi32, #tpu.memory_space<vmem>>
      %dma_wait3A_76 = tpu.memref_slice %arg4[%add3A_68] : memref<3276800xi32, #tpu.memory_space<hbm>> -> memref<256xi32, #tpu.memory_space<hbm>>
      tpu.wait_dma2 semaphore(%arg16 : memref<!tpu.dma_semaphore, #tpu.memory_space<semaphore_mem>>) src(%dma_wait3A_76 : memref<256xi32, #tpu.memory_space<hbm>>) dst(%dma_wait3A_75 : memref<256xi32, #tpu.memory_space<vmem>>)
      %dma_start3A_77 = arith.constant 0 : i32
      %dma_start3A_78 = arith.constant 0 : i32
      %dma_start3A_79 = arith.constant 0 : i32
      %dma_start3A_80 = arith.constant 0 : i32
      %dma_start3A_81 = tpu.memref_slice %arg11[%dma_start3A_78, %dma_start3A_79, %dma_start3A_80] : memref<3x256x32xbf16, #tpu.memory_space<vmem>> -> memref<1x128x32xbf16, #tpu.memory_space<vmem>>
      %dma_start3A_82 = tpu.memref_squeeze %dma_start3A_81 : memref<1x128x32xbf16, #tpu.memory_space<vmem>> -> memref<128x32xbf16, #tpu.memory_space<vmem>>
      %dma_start3A_83 = arith.constant 0 : i32
      %dma_start3A_84 = tpu.memref_slice %arg8[%dma_start3A_77, %dma_start3A_83] : memref<3x256xi32, #tpu.memory_space<vmem>> -> memref<1x128xi32, #tpu.memory_space<vmem>>
      %dma_start3A_85 = tpu.memref_squeeze %dma_start3A_84 : memref<1x128xi32, #tpu.memory_space<vmem>> -> memref<128xi32, #tpu.memory_space<vmem>>
      %dma_start3A_86 = arith.constant 0 : i32
      %dma_start3A_87 = arith.constant 0 : i32
      %dma_start3A_88 = tpu.memref_slice %arg2[%dma_start3A_86, %dma_start3A_87] : memref<200192x32xbf16, #tpu.memory_space<hbm>> -> memref<200192x32xbf16, #tpu.memory_space<hbm>>
      tpu.enqueue_indirect_dma source(%dma_start3A_88 : memref<200192x32xbf16, #tpu.memory_space<hbm>>) target(%dma_start3A_82 : memref<128x32xbf16, #tpu.memory_space<vmem>>) offsets(%dma_start3A_85 : memref<128xi32, #tpu.memory_space<vmem>>) semaphore(%arg14 : memref<!tpu.dma_semaphore, #tpu.memory_space<semaphore_mem>>)
      %dma_start3A_89 = arith.constant 0 : i32
      %dma_start3A_90 = arith.constant 0 : i32
      %dma_start3A_91 = arith.constant 128 : i32
      %dma_start3A_92 = arith.constant 0 : i32
      %dma_start3A_93 = tpu.memref_slice %arg11[%dma_start3A_90, %dma_start3A_91, %dma_start3A_92] : memref<3x256x32xbf16, #tpu.memory_space<vmem>> -> memref<1x128x32xbf16, #tpu.memory_space<vmem>>
      %dma_start3A_94 = tpu.memref_squeeze %dma_start3A_93 : memref<1x128x32xbf16, #tpu.memory_space<vmem>> -> memref<128x32xbf16, #tpu.memory_space<vmem>>
      %dma_start3A_95 = arith.constant 128 : i32
      %dma_start3A_96 = tpu.memref_slice %arg8[%dma_start3A_89, %dma_start3A_95] : memref<3x256xi32, #tpu.memory_space<vmem>> -> memref<1x128xi32, #tpu.memory_space<vmem>>
      %dma_start3A_97 = tpu.memref_squeeze %dma_start3A_96 : memref<1x128xi32, #tpu.memory_space<vmem>> -> memref<128xi32, #tpu.memory_space<vmem>>
      %dma_start3A_98 = arith.constant 0 : i32
      %dma_start3A_99 = arith.constant 0 : i32
      %dma_start3A_100 = tpu.memref_slice %arg2[%dma_start3A_98, %dma_start3A_99] : memref<200192x32xbf16, #tpu.memory_space<hbm>> -> memref<200192x32xbf16, #tpu.memory_space<hbm>>
      tpu.enqueue_indirect_dma source(%dma_start3A_100 : memref<200192x32xbf16, #tpu.memory_space<hbm>>) target(%dma_start3A_94 : memref<128x32xbf16, #tpu.memory_space<vmem>>) offsets(%dma_start3A_97 : memref<128xi32, #tpu.memory_space<vmem>>) semaphore(%arg14 : memref<!tpu.dma_semaphore, #tpu.memory_space<semaphore_mem>>)
      %add3A_101 = arith.constant 2 : i32
      %add3A_102 = arith.addi %mul3A_0, %add3A_101 : i32
      %mul3A_103 = arith.constant 128 : i32
      %mul3A_104 = arith.muli %add3A_102, %mul3A_103 : i32
      %mul3A_105 = arith.constant 819200 : i32
      %mul3A_106 = arith.muli %add3A, %mul3A_105 : i32
      %add3A_107 = arith.addi %mul3A_106, %mul3A_104 : i32
      %dma_wait3A_108 = arith.constant 1 : i32
      %dma_wait3A_109 = arith.constant 0 : i32
      %dma_wait3A_110 = tpu.memref_slice %arg8[%dma_wait3A_108, %dma_wait3A_109] : memref<3x256xi32, #tpu.memory_space<vmem>> -> memref<1x256xi32, #tpu.memory_space<vmem>>
      %dma_wait3A_111 = tpu.memref_squeeze %dma_wait3A_110 : memref<1x256xi32, #tpu.memory_space<vmem>> -> memref<256xi32, #tpu.memory_space<vmem>>
      %dma_wait3A_112 = tpu.memref_slice %arg4[%add3A_107] : memref<3276800xi32, #tpu.memory_space<hbm>> -> memref<256xi32, #tpu.memory_space<hbm>>
      %dma_wait3A_113 = arith.constant 0 : i32
      %dma_wait3A_114 = tpu.memref_slice %arg8[%dma_wait3A_108, %dma_wait3A_113] : memref<3x256xi32, #tpu.memory_space<vmem>> -> memref<1x256xi32, #tpu.memory_space<vmem>>
      %dma_wait3A_115 = tpu.memref_squeeze %dma_wait3A_114 : memref<1x256xi32, #tpu.memory_space<vmem>> -> memref<256xi32, #tpu.memory_space<vmem>>
      %dma_wait3A_116 = tpu.memref_slice %arg4[%add3A_107] : memref<3276800xi32, #tpu.memory_space<hbm>> -> memref<256xi32, #tpu.memory_space<hbm>>
      tpu.wait_dma2 semaphore(%arg16 : memref<!tpu.dma_semaphore, #tpu.memory_space<semaphore_mem>>) src(%dma_wait3A_116 : memref<256xi32, #tpu.memory_space<hbm>>) dst(%dma_wait3A_115 : memref<256xi32, #tpu.memory_space<vmem>>)
      %dma_start3A_117 = arith.constant 1 : i32
      %dma_start3A_118 = arith.constant 1 : i32
      %dma_start3A_119 = arith.constant 0 : i32
      %dma_start3A_120 = arith.constant 0 : i32
      %dma_start3A_121 = tpu.memref_slice %arg11[%dma_start3A_118, %dma_start3A_119, %dma_start3A_120] : memref<3x256x32xbf16, #tpu.memory_space<vmem>> -> memref<1x128x32xbf16, #tpu.memory_space<vmem>>
      %dma_start3A_122 = tpu.memref_squeeze %dma_start3A_121 : memref<1x128x32xbf16, #tpu.memory_space<vmem>> -> memref<128x32xbf16, #tpu.memory_space<vmem>>
      %dma_start3A_123 = arith.constant 0 : i32
      %dma_start3A_124 = tpu.memref_slice %arg8[%dma_start3A_117, %dma_start3A_123] : memref<3x256xi32, #tpu.memory_space<vmem>> -> memref<1x128xi32, #tpu.memory_space<vmem>>
      %dma_start3A_125 = tpu.memref_squeeze %dma_start3A_124 : memref<1x128xi32, #tpu.memory_space<vmem>> -> memref<128xi32, #tpu.memory_space<vmem>>
      %dma_start3A_126 = arith.constant 0 : i32
      %dma_start3A_127 = arith.constant 0 : i32
      %dma_start3A_128 = tpu.memref_slice %arg2[%dma_start3A_126, %dma_start3A_127] : memref<200192x32xbf16, #tpu.memory_space<hbm>> -> memref<200192x32xbf16, #tpu.memory_space<hbm>>
      tpu.enqueue_indirect_dma source(%dma_start3A_128 : memref<200192x32xbf16, #tpu.memory_space<hbm>>) target(%dma_start3A_122 : memref<128x32xbf16, #tpu.memory_space<vmem>>) offsets(%dma_start3A_125 : memref<128xi32, #tpu.memory_space<vmem>>) semaphore(%arg14 : memref<!tpu.dma_semaphore, #tpu.memory_space<semaphore_mem>>)
      %dma_start3A_129 = arith.constant 1 : i32
      %dma_start3A_130 = arith.constant 1 : i32
      %dma_start3A_131 = arith.constant 128 : i32
      %dma_start3A_132 = arith.constant 0 : i32
      %dma_start3A_133 = tpu.memref_slice %arg11[%dma_start3A_130, %dma_start3A_131, %dma_start3A_132] : memref<3x256x32xbf16, #tpu.memory_space<vmem>> -> memref<1x128x32xbf16, #tpu.memory_space<vmem>>
      %dma_start3A_134 = tpu.memref_squeeze %dma_start3A_133 : memref<1x128x32xbf16, #tpu.memory_space<vmem>> -> memref<128x32xbf16, #tpu.memory_space<vmem>>
      %dma_start3A_135 = arith.constant 128 : i32
      %dma_start3A_136 = tpu.memref_slice %arg8[%dma_start3A_129, %dma_start3A_135] : memref<3x256xi32, #tpu.memory_space<vmem>> -> memref<1x128xi32, #tpu.memory_space<vmem>>
      %dma_start3A_137 = tpu.memref_squeeze %dma_start3A_136 : memref<1x128xi32, #tpu.memory_space<vmem>> -> memref<128xi32, #tpu.memory_space<vmem>>
      %dma_start3A_138 = arith.constant 0 : i32
      %dma_start3A_139 = arith.constant 0 : i32
      %dma_start3A_140 = tpu.memref_slice %arg2[%dma_start3A_138, %dma_start3A_139] : memref<200192x32xbf16, #tpu.memory_space<hbm>> -> memref<200192x32xbf16, #tpu.memory_space<hbm>>
      tpu.enqueue_indirect_dma source(%dma_start3A_140 : memref<200192x32xbf16, #tpu.memory_space<hbm>>) target(%dma_start3A_134 : memref<128x32xbf16, #tpu.memory_space<vmem>>) offsets(%dma_start3A_137 : memref<128xi32, #tpu.memory_space<vmem>>) semaphore(%arg14 : memref<!tpu.dma_semaphore, #tpu.memory_space<semaphore_mem>>)
      %add3A_141 = arith.constant 0 : i32
      %add3A_142 = arith.addi %mul3A_0, %add3A_141 : i32
      %mul3A_143 = arith.constant 128 : i32
      %mul3A_144 = arith.muli %add3A_142, %mul3A_143 : i32
      %dma_start3A_145 = arith.constant 0 : i32
      %dma_start3A_146 = arith.constant 0 : i32
      %dma_start3A_147 = tpu.memref_slice %arg9[%dma_start3A_145, %dma_start3A_146] : memref<3x256xi32, #tpu.memory_space<vmem>> -> memref<1x256xi32, #tpu.memory_space<vmem>>
      %dma_start3A_148 = tpu.memref_squeeze %dma_start3A_147 : memref<1x256xi32, #tpu.memory_space<vmem>> -> memref<256xi32, #tpu.memory_space<vmem>>
      %dma_start3A_149 = tpu.memref_slice %arg5[%mul3A_144] : memref<819200xi32, #tpu.memory_space<hbm>> -> memref<256xi32, #tpu.memory_space<hbm>>
      %dma_start3A_150 = arith.constant 0 : i32
      %dma_start3A_151 = tpu.memref_slice %arg9[%dma_start3A_145, %dma_start3A_150] : memref<3x256xi32, #tpu.memory_space<vmem>> -> memref<1x256xi32, #tpu.memory_space<vmem>>
      %dma_start3A_152 = tpu.memref_squeeze %dma_start3A_151 : memref<1x256xi32, #tpu.memory_space<vmem>> -> memref<256xi32, #tpu.memory_space<vmem>>
      %dma_start3A_153 = tpu.memref_slice %arg5[%mul3A_144] : memref<819200xi32, #tpu.memory_space<hbm>> -> memref<256xi32, #tpu.memory_space<hbm>>
      tpu.enqueue_dma source(%dma_start3A_153 : memref<256xi32, #tpu.memory_space<hbm>>) target(%dma_start3A_152 : memref<256xi32, #tpu.memory_space<vmem>>) target_semaphore(%arg17 : memref<!tpu.dma_semaphore, #tpu.memory_space<semaphore_mem>>)
      %dma_start3A_154 = arith.constant 0 : i32
      %dma_start3A_155 = arith.constant 0 : i32
      %dma_start3A_156 = tpu.memref_slice %arg10[%dma_start3A_154, %dma_start3A_155] : memref<2x256xf32, #tpu.memory_space<vmem>> -> memref<1x256xf32, #tpu.memory_space<vmem>>
      %dma_start3A_157 = tpu.memref_squeeze %dma_start3A_156 : memref<1x256xf32, #tpu.memory_space<vmem>> -> memref<256xf32, #tpu.memory_space<vmem>>
      %dma_start3A_158 = tpu.memref_slice %arg6[%mul3A_144] : memref<819200xf32, #tpu.memory_space<hbm>> -> memref<256xf32, #tpu.memory_space<hbm>>
      %dma_start3A_159 = arith.constant 0 : i32
      %dma_start3A_160 = tpu.memref_slice %arg10[%dma_start3A_154, %dma_start3A_159] : memref<2x256xf32, #tpu.memory_space<vmem>> -> memref<1x256xf32, #tpu.memory_space<vmem>>
      %dma_start3A_161 = tpu.memref_squeeze %dma_start3A_160 : memref<1x256xf32, #tpu.memory_space<vmem>> -> memref<256xf32, #tpu.memory_space<vmem>>
      %dma_start3A_162 = tpu.memref_slice %arg6[%mul3A_144] : memref<819200xf32, #tpu.memory_space<hbm>> -> memref<256xf32, #tpu.memory_space<hbm>>
      tpu.enqueue_dma source(%dma_start3A_162 : memref<256xf32, #tpu.memory_space<hbm>>) target(%dma_start3A_161 : memref<256xf32, #tpu.memory_space<vmem>>) target_semaphore(%arg17 : memref<!tpu.dma_semaphore, #tpu.memory_space<semaphore_mem>>)
      %scan3A_163 = arith.constant 0 : i32
      %scan3A_164 = arith.constant 0 : i32
      %scan3A_165 = arith.constant 200 : i32
      %scan3A_166 = arith.addi %scan3A_164, %scan3A_165 : i32
      %scan3A_167 = arith.constant 1 : i32
      %scan3A_168 = scf.for %scan3A_222 = %scan3A_164 to %scan3A_166 step %scan3A_167 iter_args(%scan3A_223 = %scan3A_163) -> (i32)  : i32 {
        %jit3A = arith.constant 3 : i32
        %eq3A = arith.constant 0 : i32
        %eq3A_224 = arith.cmpi eq, %jit3A, %eq3A : i32
        %jit3A_225 = arith.constant 1 : i32
        %select_n3A = arith.select %eq3A_224, %jit3A_225, %jit3A : i32
        %rem3A = arith.remsi %scan3A_222, %select_n3A : i32
        %ne3A = arith.constant 0 : i32
        %ne3A_226 = arith.cmpi ne, %rem3A, %ne3A : i32
        %lt3A = arith.constant 0 : i32
        %lt3A_227 = arith.cmpi slt, %rem3A, %lt3A : i32
        %lt3A_228 = arith.constant 0 : i32
        %lt3A_229 = arith.cmpi slt, %select_n3A, %lt3A_228 : i32
        %ne3A_230 = arith.xori %lt3A_227, %lt3A_229 : i1
        %and3A = arith.andi %ne3A_230, %ne3A_226 : i1
        %add3A_231 = arith.addi %rem3A, %select_n3A : i32
        %select_n3A_232 = arith.select %and3A, %add3A_231, %rem3A : i32
        %jit3A_233 = arith.constant 3 : i32
        %eq3A_234 = arith.constant 0 : i32
        %eq3A_235 = arith.cmpi eq, %jit3A_233, %eq3A_234 : i32
        %jit3A_236 = arith.constant 1 : i32
        %select_n3A_237 = arith.select %eq3A_235, %jit3A_236, %jit3A_233 : i32
        %rem3A_238 = arith.remsi %scan3A_222, %select_n3A_237 : i32
        %ne3A_239 = arith.constant 0 : i32
        %ne3A_240 = arith.cmpi ne, %rem3A_238, %ne3A_239 : i32
        %lt3A_241 = arith.constant 0 : i32
        %lt3A_242 = arith.cmpi slt, %rem3A_238, %lt3A_241 : i32
        %lt3A_243 = arith.constant 0 : i32
        %lt3A_244 = arith.cmpi slt, %select_n3A_237, %lt3A_243 : i32
        %ne3A_245 = arith.xori %lt3A_242, %lt3A_244 : i1
        %and3A_246 = arith.andi %ne3A_245, %ne3A_240 : i1
        %add3A_247 = arith.addi %rem3A_238, %select_n3A_237 : i32
        %select_n3A_248 = arith.select %and3A_246, %add3A_247, %rem3A_238 : i32
        %dma_wait3A_249 = arith.constant 0 : i32
        %dma_wait3A_250 = arith.constant 0 : i32
        %dma_wait3A_251 = tpu.memref_slice %arg11[%select_n3A_248, %dma_wait3A_249, %dma_wait3A_250] : memref<3x256x32xbf16, #tpu.memory_space<vmem>> -> memref<1x128x32xbf16, #tpu.memory_space<vmem>>
        %dma_wait3A_252 = tpu.memref_squeeze %dma_wait3A_251 : memref<1x128x32xbf16, #tpu.memory_space<vmem>> -> memref<128x32xbf16, #tpu.memory_space<vmem>>
        %dma_wait3A_253 = arith.constant 0 : i32
        %dma_wait3A_254 = tpu.memref_slice %arg8[%select_n3A_232, %dma_wait3A_253] : memref<3x256xi32, #tpu.memory_space<vmem>> -> memref<1x128xi32, #tpu.memory_space<vmem>>
        %dma_wait3A_255 = tpu.memref_squeeze %dma_wait3A_254 : memref<1x128xi32, #tpu.memory_space<vmem>> -> memref<128xi32, #tpu.memory_space<vmem>>
        %dma_wait3A_256 = arith.constant 0 : i32
        %dma_wait3A_257 = arith.constant 0 : i32
        %dma_wait3A_258 = tpu.memref_slice %arg2[%dma_wait3A_256, %dma_wait3A_257] : memref<200192x32xbf16, #tpu.memory_space<hbm>> -> memref<200192x32xbf16, #tpu.memory_space<hbm>>
        tpu.wait_indirect_dma semaphore(%arg14 : memref<!tpu.dma_semaphore, #tpu.memory_space<semaphore_mem>>) src(%dma_wait3A_258 : memref<200192x32xbf16, #tpu.memory_space<hbm>>) dst(%dma_wait3A_252 : memref<128x32xbf16, #tpu.memory_space<vmem>>)
        %jit3A_259 = arith.constant 3 : i32
        %eq3A_260 = arith.constant 0 : i32
        %eq3A_261 = arith.cmpi eq, %jit3A_259, %eq3A_260 : i32
        %jit3A_262 = arith.constant 1 : i32
        %select_n3A_263 = arith.select %eq3A_261, %jit3A_262, %jit3A_259 : i32
        %rem3A_264 = arith.remsi %scan3A_222, %select_n3A_263 : i32
        %ne3A_265 = arith.constant 0 : i32
        %ne3A_266 = arith.cmpi ne, %rem3A_264, %ne3A_265 : i32
        %lt3A_267 = arith.constant 0 : i32
        %lt3A_268 = arith.cmpi slt, %rem3A_264, %lt3A_267 : i32
        %lt3A_269 = arith.constant 0 : i32
        %lt3A_270 = arith.cmpi slt, %select_n3A_263, %lt3A_269 : i32
        %ne3A_271 = arith.xori %lt3A_268, %lt3A_270 : i1
        %and3A_272 = arith.andi %ne3A_271, %ne3A_266 : i1
        %add3A_273 = arith.addi %rem3A_264, %select_n3A_263 : i32
        %select_n3A_274 = arith.select %and3A_272, %add3A_273, %rem3A_264 : i32
        %jit3A_275 = arith.constant 3 : i32
        %eq3A_276 = arith.constant 0 : i32
        %eq3A_277 = arith.cmpi eq, %jit3A_275, %eq3A_276 : i32
        %jit3A_278 = arith.constant 1 : i32
        %select_n3A_279 = arith.select %eq3A_277, %jit3A_278, %jit3A_275 : i32
        %rem3A_280 = arith.remsi %scan3A_222, %select_n3A_279 : i32
        %ne3A_281 = arith.constant 0 : i32
        %ne3A_282 = arith.cmpi ne, %rem3A_280, %ne3A_281 : i32
        %lt3A_283 = arith.constant 0 : i32
        %lt3A_284 = arith.cmpi slt, %rem3A_280, %lt3A_283 : i32
        %lt3A_285 = arith.constant 0 : i32
        %lt3A_286 = arith.cmpi slt, %select_n3A_279, %lt3A_285 : i32
        %ne3A_287 = arith.xori %lt3A_284, %lt3A_286 : i1
        %and3A_288 = arith.andi %ne3A_287, %ne3A_282 : i1
        %add3A_289 = arith.addi %rem3A_280, %select_n3A_279 : i32
        %select_n3A_290 = arith.select %and3A_288, %add3A_289, %rem3A_280 : i32
        %dma_wait3A_291 = arith.constant 128 : i32
        %dma_wait3A_292 = arith.constant 0 : i32
        %dma_wait3A_293 = tpu.memref_slice %arg11[%select_n3A_290, %dma_wait3A_291, %dma_wait3A_292] : memref<3x256x32xbf16, #tpu.memory_space<vmem>> -> memref<1x128x32xbf16, #tpu.memory_space<vmem>>
        %dma_wait3A_294 = tpu.memref_squeeze %dma_wait3A_293 : memref<1x128x32xbf16, #tpu.memory_space<vmem>> -> memref<128x32xbf16, #tpu.memory_space<vmem>>
        %dma_wait3A_295 = arith.constant 128 : i32
        %dma_wait3A_296 = tpu.memref_slice %arg8[%select_n3A_274, %dma_wait3A_295] : memref<3x256xi32, #tpu.memory_space<vmem>> -> memref<1x128xi32, #tpu.memory_space<vmem>>
        %dma_wait3A_297 = tpu.memref_squeeze %dma_wait3A_296 : memref<1x128xi32, #tpu.memory_space<vmem>> -> memref<128xi32, #tpu.memory_space<vmem>>
        %dma_wait3A_298 = arith.constant 0 : i32
        %dma_wait3A_299 = arith.constant 0 : i32
        %dma_wait3A_300 = tpu.memref_slice %arg2[%dma_wait3A_298, %dma_wait3A_299] : memref<200192x32xbf16, #tpu.memory_space<hbm>> -> memref<200192x32xbf16, #tpu.memory_space<hbm>>
        tpu.wait_indirect_dma semaphore(%arg14 : memref<!tpu.dma_semaphore, #tpu.memory_space<semaphore_mem>>) src(%dma_wait3A_300 : memref<200192x32xbf16, #tpu.memory_space<hbm>>) dst(%dma_wait3A_294 : memref<128x32xbf16, #tpu.memory_space<vmem>>)
        %ge3A = arith.constant 2 : i32
        %ge3A_301 = arith.cmpi sge, %scan3A_222, %ge3A : i32
        %convert_element_type3A = arith.extui %ge3A_301 : i1 to i32
        %cond3A = arith.constant 0 : i32
        %cond3A_302 = arith.cmpi ne, %convert_element_type3A, %cond3A : i32
        scf.if %cond3A_302 {
          %sub3A = arith.constant 2 : i32
          %sub3A_496 = arith.subi %scan3A_222, %sub3A : i32
          %jit3A_497 = arith.constant 2 : i32
          %eq3A_498 = arith.constant 0 : i32
          %eq3A_499 = arith.cmpi eq, %jit3A_497, %eq3A_498 : i32
          %jit3A_500 = arith.constant 1 : i32
          %select_n3A_501 = arith.select %eq3A_499, %jit3A_500, %jit3A_497 : i32
          %rem3A_502 = arith.remsi %sub3A_496, %select_n3A_501 : i32
          %ne3A_503 = arith.constant 0 : i32
          %ne3A_504 = arith.cmpi ne, %rem3A_502, %ne3A_503 : i32
          %lt3A_505 = arith.constant 0 : i32
          %lt3A_506 = arith.cmpi slt, %rem3A_502, %lt3A_505 : i32
          %lt3A_507 = arith.constant 0 : i32
          %lt3A_508 = arith.cmpi slt, %select_n3A_501, %lt3A_507 : i32
          %ne3A_509 = arith.xori %lt3A_506, %lt3A_508 : i1
          %and3A_510 = arith.andi %ne3A_509, %ne3A_504 : i1
          %add3A_511 = arith.addi %rem3A_502, %select_n3A_501 : i32
          %select_n3A_512 = arith.select %and3A_510, %add3A_511, %rem3A_502 : i32
          %jit3A_513 = arith.constant 3 : i32
          %eq3A_514 = arith.constant 0 : i32
          %eq3A_515 = arith.cmpi eq, %jit3A_513, %eq3A_514 : i32
          %jit3A_516 = arith.constant 1 : i32
          %select_n3A_517 = arith.select %eq3A_515, %jit3A_516, %jit3A_513 : i32
          %rem3A_518 = arith.remsi %sub3A_496, %select_n3A_517 : i32
          %ne3A_519 = arith.constant 0 : i32
          %ne3A_520 = arith.cmpi ne, %rem3A_518, %ne3A_519 : i32
          %lt3A_521 = arith.constant 0 : i32
          %lt3A_522 = arith.cmpi slt, %rem3A_518, %lt3A_521 : i32
          %lt3A_523 = arith.constant 0 : i32
          %lt3A_524 = arith.cmpi slt, %select_n3A_517, %lt3A_523 : i32
          %ne3A_525 = arith.xori %lt3A_522, %lt3A_524 : i1
          %and3A_526 = arith.andi %ne3A_525, %ne3A_520 : i1
          %add3A_527 = arith.addi %rem3A_518, %select_n3A_517 : i32
          %select_n3A_528 = arith.select %and3A_526, %add3A_527, %rem3A_518 : i32
          %dma_wait3A_529 = arith.constant 0 : i32
          %dma_wait3A_530 = arith.constant 0 : i32
          %dma_wait3A_531 = tpu.memref_slice %arg12[%select_n3A_512, %dma_wait3A_529, %dma_wait3A_530] : memref<2x256x32xf32, #tpu.memory_space<vmem>> -> memref<1x128x32xf32, #tpu.memory_space<vmem>>
          %dma_wait3A_532 = tpu.memref_squeeze %dma_wait3A_531 : memref<1x128x32xf32, #tpu.memory_space<vmem>> -> memref<128x32xf32, #tpu.memory_space<vmem>>
          %dma_wait3A_533 = arith.constant 0 : i32
          %dma_wait3A_534 = tpu.memref_slice %arg9[%select_n3A_528, %dma_wait3A_533] : memref<3x256xi32, #tpu.memory_space<vmem>> -> memref<1x128xi32, #tpu.memory_space<vmem>>
          %dma_wait3A_535 = tpu.memref_squeeze %dma_wait3A_534 : memref<1x128xi32, #tpu.memory_space<vmem>> -> memref<128xi32, #tpu.memory_space<vmem>>
          %dma_wait3A_536 = arith.constant 0 : i32
          %dma_wait3A_537 = arith.constant 0 : i32
          %dma_wait3A_538 = tpu.memref_slice %arg13[%dma_wait3A_536, %dma_wait3A_537] : memref<50048x32xf32, #tpu.memory_space<vmem_shared>> -> memref<50048x32xf32, #tpu.memory_space<vmem_shared>>
          tpu.wait_indirect_dma semaphore(%arg15 : memref<!tpu.dma_semaphore, #tpu.memory_space<semaphore_mem>>) src(%dma_wait3A_532 : memref<128x32xf32, #tpu.memory_space<vmem>>) dst(%dma_wait3A_538 : memref<50048x32xf32, #tpu.memory_space<vmem_shared>>)
          %jit3A_539 = arith.constant 2 : i32
          %eq3A_540 = arith.constant 0 : i32
          %eq3A_541 = arith.cmpi eq, %jit3A_539, %eq3A_540 : i32
          %jit3A_542 = arith.constant 1 : i32
          %select_n3A_543 = arith.select %eq3A_541, %jit3A_542, %jit3A_539 : i32
          %rem3A_544 = arith.remsi %sub3A_496, %select_n3A_543 : i32
          %ne3A_545 = arith.constant 0 : i32
          %ne3A_546 = arith.cmpi ne, %rem3A_544, %ne3A_545 : i32
          %lt3A_547 = arith.constant 0 : i32
          %lt3A_548 = arith.cmpi slt, %rem3A_544, %lt3A_547 : i32
          %lt3A_549 = arith.constant 0 : i32
          %lt3A_550 = arith.cmpi slt, %select_n3A_543, %lt3A_549 : i32
          %ne3A_551 = arith.xori %lt3A_548, %lt3A_550 : i1
          %and3A_552 = arith.andi %ne3A_551, %ne3A_546 : i1
          %add3A_553 = arith.addi %rem3A_544, %select_n3A_543 : i32
          %select_n3A_554 = arith.select %and3A_552, %add3A_553, %rem3A_544 : i32
          %jit3A_555 = arith.constant 3 : i32
          %eq3A_556 = arith.constant 0 : i32
          %eq3A_557 = arith.cmpi eq, %jit3A_555, %eq3A_556 : i32
          %jit3A_558 = arith.constant 1 : i32
          %select_n3A_559 = arith.select %eq3A_557, %jit3A_558, %jit3A_555 : i32
          %rem3A_560 = arith.remsi %sub3A_496, %select_n3A_559 : i32
          %ne3A_561 = arith.constant 0 : i32
          %ne3A_562 = arith.cmpi ne, %rem3A_560, %ne3A_561 : i32
          %lt3A_563 = arith.constant 0 : i32
          %lt3A_564 = arith.cmpi slt, %rem3A_560, %lt3A_563 : i32
          %lt3A_565 = arith.constant 0 : i32
          %lt3A_566 = arith.cmpi slt, %select_n3A_559, %lt3A_565 : i32
          %ne3A_567 = arith.xori %lt3A_564, %lt3A_566 : i1
          %and3A_568 = arith.andi %ne3A_567, %ne3A_562 : i1
          %add3A_569 = arith.addi %rem3A_560, %select_n3A_559 : i32
          %select_n3A_570 = arith.select %and3A_568, %add3A_569, %rem3A_560 : i32
          %dma_wait3A_571 = arith.constant 128 : i32
          %dma_wait3A_572 = arith.constant 0 : i32
          %dma_wait3A_573 = tpu.memref_slice %arg12[%select_n3A_554, %dma_wait3A_571, %dma_wait3A_572] : memref<2x256x32xf32, #tpu.memory_space<vmem>> -> memref<1x128x32xf32, #tpu.memory_space<vmem>>
          %dma_wait3A_574 = tpu.memref_squeeze %dma_wait3A_573 : memref<1x128x32xf32, #tpu.memory_space<vmem>> -> memref<128x32xf32, #tpu.memory_space<vmem>>
          %dma_wait3A_575 = arith.constant 128 : i32
          %dma_wait3A_576 = tpu.memref_slice %arg9[%select_n3A_570, %dma_wait3A_575] : memref<3x256xi32, #tpu.memory_space<vmem>> -> memref<1x128xi32, #tpu.memory_space<vmem>>
          %dma_wait3A_577 = tpu.memref_squeeze %dma_wait3A_576 : memref<1x128xi32, #tpu.memory_space<vmem>> -> memref<128xi32, #tpu.memory_space<vmem>>
          %dma_wait3A_578 = arith.constant 0 : i32
          %dma_wait3A_579 = arith.constant 0 : i32
          %dma_wait3A_580 = tpu.memref_slice %arg13[%dma_wait3A_578, %dma_wait3A_579] : memref<50048x32xf32, #tpu.memory_space<vmem_shared>> -> memref<50048x32xf32, #tpu.memory_space<vmem_shared>>
          tpu.wait_indirect_dma semaphore(%arg15 : memref<!tpu.dma_semaphore, #tpu.memory_space<semaphore_mem>>) src(%dma_wait3A_574 : memref<128x32xf32, #tpu.memory_space<vmem>>) dst(%dma_wait3A_580 : memref<50048x32xf32, #tpu.memory_space<vmem_shared>>)
        } else {
        }
        %add3A_303 = arith.constant 3 : i32
        %add3A_304 = arith.addi %scan3A_222, %add3A_303 : i32
        %lt3A_305 = arith.constant 200 : i32
        %lt3A_306 = arith.cmpi slt, %add3A_304, %lt3A_305 : i32
        %convert_element_type3A_307 = arith.extui %lt3A_306 : i1 to i32
        %cond3A_308 = arith.constant 0 : i32
        %cond3A_309 = arith.cmpi ne, %convert_element_type3A_307, %cond3A_308 : i32
        scf.if %cond3A_309 {
          %add3A_496 = arith.constant 3 : i32
          %add3A_497 = arith.addi %scan3A_222, %add3A_496 : i32
          %mul3A_498 = arith.constant 2 : i32
          %mul3A_499 = arith.muli %add3A_497, %mul3A_498 : i32
          %add3A_500 = arith.addi %mul3A_0, %mul3A_499 : i32
          %mul3A_501 = arith.constant 128 : i32
          %mul3A_502 = arith.muli %add3A_500, %mul3A_501 : i32
          %mul3A_503 = arith.constant 819200 : i32
          %mul3A_504 = arith.muli %add3A, %mul3A_503 : i32
          %add3A_505 = arith.addi %mul3A_504, %mul3A_502 : i32
          %jit3A_506 = arith.constant 3 : i32
          %eq3A_507 = arith.constant 0 : i32
          %eq3A_508 = arith.cmpi eq, %jit3A_506, %eq3A_507 : i32
          %jit3A_509 = arith.constant 1 : i32
          %select_n3A_510 = arith.select %eq3A_508, %jit3A_509, %jit3A_506 : i32
          %rem3A_511 = arith.remsi %add3A_497, %select_n3A_510 : i32
          %ne3A_512 = arith.constant 0 : i32
          %ne3A_513 = arith.cmpi ne, %rem3A_511, %ne3A_512 : i32
          %lt3A_514 = arith.constant 0 : i32
          %lt3A_515 = arith.cmpi slt, %rem3A_511, %lt3A_514 : i32
          %lt3A_516 = arith.constant 0 : i32
          %lt3A_517 = arith.cmpi slt, %select_n3A_510, %lt3A_516 : i32
          %ne3A_518 = arith.xori %lt3A_515, %lt3A_517 : i1
          %and3A_519 = arith.andi %ne3A_518, %ne3A_513 : i1
          %add3A_520 = arith.addi %rem3A_511, %select_n3A_510 : i32
          %select_n3A_521 = arith.select %and3A_519, %add3A_520, %rem3A_511 : i32
          %dma_start3A_522 = arith.constant 0 : i32
          %dma_start3A_523 = tpu.memref_slice %arg8[%select_n3A_521, %dma_start3A_522] : memref<3x256xi32, #tpu.memory_space<vmem>> -> memref<1x256xi32, #tpu.memory_space<vmem>>
          %dma_start3A_524 = tpu.memref_squeeze %dma_start3A_523 : memref<1x256xi32, #tpu.memory_space<vmem>> -> memref<256xi32, #tpu.memory_space<vmem>>
          %dma_start3A_525 = tpu.memref_slice %arg4[%add3A_505] : memref<3276800xi32, #tpu.memory_space<hbm>> -> memref<256xi32, #tpu.memory_space<hbm>>
          %dma_start3A_526 = arith.constant 0 : i32
          %dma_start3A_527 = tpu.memref_slice %arg8[%select_n3A_521, %dma_start3A_526] : memref<3x256xi32, #tpu.memory_space<vmem>> -> memref<1x256xi32, #tpu.memory_space<vmem>>
          %dma_start3A_528 = tpu.memref_squeeze %dma_start3A_527 : memref<1x256xi32, #tpu.memory_space<vmem>> -> memref<256xi32, #tpu.memory_space<vmem>>
          %dma_start3A_529 = tpu.memref_slice %arg4[%add3A_505] : memref<3276800xi32, #tpu.memory_space<hbm>> -> memref<256xi32, #tpu.memory_space<hbm>>
          tpu.enqueue_dma source(%dma_start3A_529 : memref<256xi32, #tpu.memory_space<hbm>>) target(%dma_start3A_528 : memref<256xi32, #tpu.memory_space<vmem>>) target_semaphore(%arg16 : memref<!tpu.dma_semaphore, #tpu.memory_space<semaphore_mem>>)
        } else {
        }
        %add3A_310 = arith.constant 1 : i32
        %add3A_311 = arith.addi %scan3A_222, %add3A_310 : i32
        %lt3A_312 = arith.constant 200 : i32
        %lt3A_313 = arith.cmpi slt, %add3A_311, %lt3A_312 : i32
        %convert_element_type3A_314 = arith.extui %lt3A_313 : i1 to i32
        %cond3A_315 = arith.constant 0 : i32
        %cond3A_316 = arith.cmpi ne, %convert_element_type3A_314, %cond3A_315 : i32
        scf.if %cond3A_316 {
          %add3A_496 = arith.constant 1 : i32
          %add3A_497 = arith.addi %scan3A_222, %add3A_496 : i32
          %mul3A_498 = arith.constant 2 : i32
          %mul3A_499 = arith.muli %add3A_497, %mul3A_498 : i32
          %add3A_500 = arith.addi %mul3A_0, %mul3A_499 : i32
          %mul3A_501 = arith.constant 128 : i32
          %mul3A_502 = arith.muli %add3A_500, %mul3A_501 : i32
          %jit3A_503 = arith.constant 3 : i32
          %eq3A_504 = arith.constant 0 : i32
          %eq3A_505 = arith.cmpi eq, %jit3A_503, %eq3A_504 : i32
          %jit3A_506 = arith.constant 1 : i32
          %select_n3A_507 = arith.select %eq3A_505, %jit3A_506, %jit3A_503 : i32
          %rem3A_508 = arith.remsi %add3A_497, %select_n3A_507 : i32
          %ne3A_509 = arith.constant 0 : i32
          %ne3A_510 = arith.cmpi ne, %rem3A_508, %ne3A_509 : i32
          %lt3A_511 = arith.constant 0 : i32
          %lt3A_512 = arith.cmpi slt, %rem3A_508, %lt3A_511 : i32
          %lt3A_513 = arith.constant 0 : i32
          %lt3A_514 = arith.cmpi slt, %select_n3A_507, %lt3A_513 : i32
          %ne3A_515 = arith.xori %lt3A_512, %lt3A_514 : i1
          %and3A_516 = arith.andi %ne3A_515, %ne3A_510 : i1
          %add3A_517 = arith.addi %rem3A_508, %select_n3A_507 : i32
          %select_n3A_518 = arith.select %and3A_516, %add3A_517, %rem3A_508 : i32
          %dma_start3A_519 = arith.constant 0 : i32
          %dma_start3A_520 = tpu.memref_slice %arg9[%select_n3A_518, %dma_start3A_519] : memref<3x256xi32, #tpu.memory_space<vmem>> -> memref<1x256xi32, #tpu.memory_space<vmem>>
          %dma_start3A_521 = tpu.memref_squeeze %dma_start3A_520 : memref<1x256xi32, #tpu.memory_space<vmem>> -> memref<256xi32, #tpu.memory_space<vmem>>
          %dma_start3A_522 = tpu.memref_slice %arg5[%mul3A_502] : memref<819200xi32, #tpu.memory_space<hbm>> -> memref<256xi32, #tpu.memory_space<hbm>>
          %dma_start3A_523 = arith.constant 0 : i32
          %dma_start3A_524 = tpu.memref_slice %arg9[%select_n3A_518, %dma_start3A_523] : memref<3x256xi32, #tpu.memory_space<vmem>> -> memref<1x256xi32, #tpu.memory_space<vmem>>
          %dma_start3A_525 = tpu.memref_squeeze %dma_start3A_524 : memref<1x256xi32, #tpu.memory_space<vmem>> -> memref<256xi32, #tpu.memory_space<vmem>>
          %dma_start3A_526 = tpu.memref_slice %arg5[%mul3A_502] : memref<819200xi32, #tpu.memory_space<hbm>> -> memref<256xi32, #tpu.memory_space<hbm>>
          tpu.enqueue_dma source(%dma_start3A_526 : memref<256xi32, #tpu.memory_space<hbm>>) target(%dma_start3A_525 : memref<256xi32, #tpu.memory_space<vmem>>) target_semaphore(%arg17 : memref<!tpu.dma_semaphore, #tpu.memory_space<semaphore_mem>>)
          %jit3A_527 = arith.constant 2 : i32
          %eq3A_528 = arith.constant 0 : i32
          %eq3A_529 = arith.cmpi eq, %jit3A_527, %eq3A_528 : i32
          %jit3A_530 = arith.constant 1 : i32
          %select_n3A_531 = arith.select %eq3A_529, %jit3A_530, %jit3A_527 : i32
          %rem3A_532 = arith.remsi %add3A_497, %select_n3A_531 : i32
          %ne3A_533 = arith.constant 0 : i32
          %ne3A_534 = arith.cmpi ne, %rem3A_532, %ne3A_533 : i32
          %lt3A_535 = arith.constant 0 : i32
          %lt3A_536 = arith.cmpi slt, %rem3A_532, %lt3A_535 : i32
          %lt3A_537 = arith.constant 0 : i32
          %lt3A_538 = arith.cmpi slt, %select_n3A_531, %lt3A_537 : i32
          %ne3A_539 = arith.xori %lt3A_536, %lt3A_538 : i1
          %and3A_540 = arith.andi %ne3A_539, %ne3A_534 : i1
          %add3A_541 = arith.addi %rem3A_532, %select_n3A_531 : i32
          %select_n3A_542 = arith.select %and3A_540, %add3A_541, %rem3A_532 : i32
          %dma_start3A_543 = arith.constant 0 : i32
          %dma_start3A_544 = tpu.memref_slice %arg10[%select_n3A_542, %dma_start3A_543] : memref<2x256xf32, #tpu.memory_space<vmem>> -> memref<1x256xf32, #tpu.memory_space<vmem>>
          %dma_start3A_545 = tpu.memref_squeeze %dma_start3A_544 : memref<1x256xf32, #tpu.memory_space<vmem>> -> memref<256xf32, #tpu.memory_space<vmem>>
          %dma_start3A_546 = tpu.memref_slice %arg6[%mul3A_502] : memref<819200xf32, #tpu.memory_space<hbm>> -> memref<256xf32, #tpu.memory_space<hbm>>
          %dma_start3A_547 = arith.constant 0 : i32
          %dma_start3A_548 = tpu.memref_slice %arg10[%select_n3A_542, %dma_start3A_547] : memref<2x256xf32, #tpu.memory_space<vmem>> -> memref<1x256xf32, #tpu.memory_space<vmem>>
          %dma_start3A_549 = tpu.memref_squeeze %dma_start3A_548 : memref<1x256xf32, #tpu.memory_space<vmem>> -> memref<256xf32, #tpu.memory_space<vmem>>
          %dma_start3A_550 = tpu.memref_slice %arg6[%mul3A_502] : memref<819200xf32, #tpu.memory_space<hbm>> -> memref<256xf32, #tpu.memory_space<hbm>>
          tpu.enqueue_dma source(%dma_start3A_550 : memref<256xf32, #tpu.memory_space<hbm>>) target(%dma_start3A_549 : memref<256xf32, #tpu.memory_space<vmem>>) target_semaphore(%arg17 : memref<!tpu.dma_semaphore, #tpu.memory_space<semaphore_mem>>)
        } else {
        }
        %add3A_317 = arith.constant 2 : i32
        %add3A_318 = arith.addi %scan3A_222, %add3A_317 : i32
        %lt3A_319 = arith.constant 200 : i32
        %lt3A_320 = arith.cmpi slt, %add3A_318, %lt3A_319 : i32
        %convert_element_type3A_321 = arith.extui %lt3A_320 : i1 to i32
        %cond3A_322 = arith.constant 0 : i32
        %cond3A_323 = arith.cmpi ne, %convert_element_type3A_321, %cond3A_322 : i32
        scf.if %cond3A_323 {
          %add3A_496 = arith.constant 2 : i32
          %add3A_497 = arith.addi %scan3A_222, %add3A_496 : i32
          %mul3A_498 = arith.constant 2 : i32
          %mul3A_499 = arith.muli %add3A_497, %mul3A_498 : i32
          %add3A_500 = arith.addi %mul3A_0, %mul3A_499 : i32
          %mul3A_501 = arith.constant 128 : i32
          %mul3A_502 = arith.muli %add3A_500, %mul3A_501 : i32
          %mul3A_503 = arith.constant 819200 : i32
          %mul3A_504 = arith.muli %add3A, %mul3A_503 : i32
          %add3A_505 = arith.addi %mul3A_504, %mul3A_502 : i32
          %jit3A_506 = arith.constant 3 : i32
          %eq3A_507 = arith.constant 0 : i32
          %eq3A_508 = arith.cmpi eq, %jit3A_506, %eq3A_507 : i32
          %jit3A_509 = arith.constant 1 : i32
          %select_n3A_510 = arith.select %eq3A_508, %jit3A_509, %jit3A_506 : i32
          %rem3A_511 = arith.remsi %add3A_497, %select_n3A_510 : i32
          %ne3A_512 = arith.constant 0 : i32
          %ne3A_513 = arith.cmpi ne, %rem3A_511, %ne3A_512 : i32
          %lt3A_514 = arith.constant 0 : i32
          %lt3A_515 = arith.cmpi slt, %rem3A_511, %lt3A_514 : i32
          %lt3A_516 = arith.constant 0 : i32
          %lt3A_517 = arith.cmpi slt, %select_n3A_510, %lt3A_516 : i32
          %ne3A_518 = arith.xori %lt3A_515, %lt3A_517 : i1
          %and3A_519 = arith.andi %ne3A_518, %ne3A_513 : i1
          %add3A_520 = arith.addi %rem3A_511, %select_n3A_510 : i32
          %select_n3A_521 = arith.select %and3A_519, %add3A_520, %rem3A_511 : i32
          %dma_wait3A_522 = arith.constant 0 : i32
          %dma_wait3A_523 = tpu.memref_slice %arg8[%select_n3A_521, %dma_wait3A_522] : memref<3x256xi32, #tpu.memory_space<vmem>> -> memref<1x256xi32, #tpu.memory_space<vmem>>
          %dma_wait3A_524 = tpu.memref_squeeze %dma_wait3A_523 : memref<1x256xi32, #tpu.memory_space<vmem>> -> memref<256xi32, #tpu.memory_space<vmem>>
          %dma_wait3A_525 = tpu.memref_slice %arg4[%add3A_505] : memref<3276800xi32, #tpu.memory_space<hbm>> -> memref<256xi32, #tpu.memory_space<hbm>>
          %dma_wait3A_526 = arith.constant 0 : i32
          %dma_wait3A_527 = tpu.memref_slice %arg8[%select_n3A_521, %dma_wait3A_526] : memref<3x256xi32, #tpu.memory_space<vmem>> -> memref<1x256xi32, #tpu.memory_space<vmem>>
          %dma_wait3A_528 = tpu.memref_squeeze %dma_wait3A_527 : memref<1x256xi32, #tpu.memory_space<vmem>> -> memref<256xi32, #tpu.memory_space<vmem>>
          %dma_wait3A_529 = tpu.memref_slice %arg4[%add3A_505] : memref<3276800xi32, #tpu.memory_space<hbm>> -> memref<256xi32, #tpu.memory_space<hbm>>
          tpu.wait_dma2 semaphore(%arg16 : memref<!tpu.dma_semaphore, #tpu.memory_space<semaphore_mem>>) src(%dma_wait3A_529 : memref<256xi32, #tpu.memory_space<hbm>>) dst(%dma_wait3A_528 : memref<256xi32, #tpu.memory_space<vmem>>)
          %add3A_530 = arith.constant 2 : i32
          %add3A_531 = arith.addi %scan3A_222, %add3A_530 : i32
          %jit3A_532 = arith.constant 3 : i32
          %eq3A_533 = arith.constant 0 : i32
          %eq3A_534 = arith.cmpi eq, %jit3A_532, %eq3A_533 : i32
          %jit3A_535 = arith.constant 1 : i32
          %select_n3A_536 = arith.select %eq3A_534, %jit3A_535, %jit3A_532 : i32
          %rem3A_537 = arith.remsi %add3A_531, %select_n3A_536 : i32
          %ne3A_538 = arith.constant 0 : i32
          %ne3A_539 = arith.cmpi ne, %rem3A_537, %ne3A_538 : i32
          %lt3A_540 = arith.constant 0 : i32
          %lt3A_541 = arith.cmpi slt, %rem3A_537, %lt3A_540 : i32
          %lt3A_542 = arith.constant 0 : i32
          %lt3A_543 = arith.cmpi slt, %select_n3A_536, %lt3A_542 : i32
          %ne3A_544 = arith.xori %lt3A_541, %lt3A_543 : i1
          %and3A_545 = arith.andi %ne3A_544, %ne3A_539 : i1
          %add3A_546 = arith.addi %rem3A_537, %select_n3A_536 : i32
          %select_n3A_547 = arith.select %and3A_545, %add3A_546, %rem3A_537 : i32
          %jit3A_548 = arith.constant 3 : i32
          %eq3A_549 = arith.constant 0 : i32
          %eq3A_550 = arith.cmpi eq, %jit3A_548, %eq3A_549 : i32
          %jit3A_551 = arith.constant 1 : i32
          %select_n3A_552 = arith.select %eq3A_550, %jit3A_551, %jit3A_548 : i32
          %rem3A_553 = arith.remsi %add3A_531, %select_n3A_552 : i32
          %ne3A_554 = arith.constant 0 : i32
          %ne3A_555 = arith.cmpi ne, %rem3A_553, %ne3A_554 : i32
          %lt3A_556 = arith.constant 0 : i32
          %lt3A_557 = arith.cmpi slt, %rem3A_553, %lt3A_556 : i32
          %lt3A_558 = arith.constant 0 : i32
          %lt3A_559 = arith.cmpi slt, %select_n3A_552, %lt3A_558 : i32
          %ne3A_560 = arith.xori %lt3A_557, %lt3A_559 : i1
          %and3A_561 = arith.andi %ne3A_560, %ne3A_555 : i1
          %add3A_562 = arith.addi %rem3A_553, %select_n3A_552 : i32
          %select_n3A_563 = arith.select %and3A_561, %add3A_562, %rem3A_553 : i32
          %dma_start3A_564 = arith.constant 0 : i32
          %dma_start3A_565 = arith.constant 0 : i32
          %dma_start3A_566 = tpu.memref_slice %arg11[%select_n3A_563, %dma_start3A_564, %dma_start3A_565] : memref<3x256x32xbf16, #tpu.memory_space<vmem>> -> memref<1x128x32xbf16, #tpu.memory_space<vmem>>
          %dma_start3A_567 = tpu.memref_squeeze %dma_start3A_566 : memref<1x128x32xbf16, #tpu.memory_space<vmem>> -> memref<128x32xbf16, #tpu.memory_space<vmem>>
          %dma_start3A_568 = arith.constant 0 : i32
          %dma_start3A_569 = tpu.memref_slice %arg8[%select_n3A_547, %dma_start3A_568] : memref<3x256xi32, #tpu.memory_space<vmem>> -> memref<1x128xi32, #tpu.memory_space<vmem>>
          %dma_start3A_570 = tpu.memref_squeeze %dma_start3A_569 : memref<1x128xi32, #tpu.memory_space<vmem>> -> memref<128xi32, #tpu.memory_space<vmem>>
          %dma_start3A_571 = arith.constant 0 : i32
          %dma_start3A_572 = arith.constant 0 : i32
          %dma_start3A_573 = tpu.memref_slice %arg2[%dma_start3A_571, %dma_start3A_572] : memref<200192x32xbf16, #tpu.memory_space<hbm>> -> memref<200192x32xbf16, #tpu.memory_space<hbm>>
          tpu.enqueue_indirect_dma source(%dma_start3A_573 : memref<200192x32xbf16, #tpu.memory_space<hbm>>) target(%dma_start3A_567 : memref<128x32xbf16, #tpu.memory_space<vmem>>) offsets(%dma_start3A_570 : memref<128xi32, #tpu.memory_space<vmem>>) semaphore(%arg14 : memref<!tpu.dma_semaphore, #tpu.memory_space<semaphore_mem>>)
          %jit3A_574 = arith.constant 3 : i32
          %eq3A_575 = arith.constant 0 : i32
          %eq3A_576 = arith.cmpi eq, %jit3A_574, %eq3A_575 : i32
          %jit3A_577 = arith.constant 1 : i32
          %select_n3A_578 = arith.select %eq3A_576, %jit3A_577, %jit3A_574 : i32
          %rem3A_579 = arith.remsi %add3A_531, %select_n3A_578 : i32
          %ne3A_580 = arith.constant 0 : i32
          %ne3A_581 = arith.cmpi ne, %rem3A_579, %ne3A_580 : i32
          %lt3A_582 = arith.constant 0 : i32
          %lt3A_583 = arith.cmpi slt, %rem3A_579, %lt3A_582 : i32
          %lt3A_584 = arith.constant 0 : i32
          %lt3A_585 = arith.cmpi slt, %select_n3A_578, %lt3A_584 : i32
          %ne3A_586 = arith.xori %lt3A_583, %lt3A_585 : i1
          %and3A_587 = arith.andi %ne3A_586, %ne3A_581 : i1
          %add3A_588 = arith.addi %rem3A_579, %select_n3A_578 : i32
          %select_n3A_589 = arith.select %and3A_587, %add3A_588, %rem3A_579 : i32
          %jit3A_590 = arith.constant 3 : i32
          %eq3A_591 = arith.constant 0 : i32
          %eq3A_592 = arith.cmpi eq, %jit3A_590, %eq3A_591 : i32
          %jit3A_593 = arith.constant 1 : i32
          %select_n3A_594 = arith.select %eq3A_592, %jit3A_593, %jit3A_590 : i32
          %rem3A_595 = arith.remsi %add3A_531, %select_n3A_594 : i32
          %ne3A_596 = arith.constant 0 : i32
          %ne3A_597 = arith.cmpi ne, %rem3A_595, %ne3A_596 : i32
          %lt3A_598 = arith.constant 0 : i32
          %lt3A_599 = arith.cmpi slt, %rem3A_595, %lt3A_598 : i32
          %lt3A_600 = arith.constant 0 : i32
          %lt3A_601 = arith.cmpi slt, %select_n3A_594, %lt3A_600 : i32
          %ne3A_602 = arith.xori %lt3A_599, %lt3A_601 : i1
          %and3A_603 = arith.andi %ne3A_602, %ne3A_597 : i1
          %add3A_604 = arith.addi %rem3A_595, %select_n3A_594 : i32
          %select_n3A_605 = arith.select %and3A_603, %add3A_604, %rem3A_595 : i32
          %dma_start3A_606 = arith.constant 128 : i32
          %dma_start3A_607 = arith.constant 0 : i32
          %dma_start3A_608 = tpu.memref_slice %arg11[%select_n3A_605, %dma_start3A_606, %dma_start3A_607] : memref<3x256x32xbf16, #tpu.memory_space<vmem>> -> memref<1x128x32xbf16, #tpu.memory_space<vmem>>
          %dma_start3A_609 = tpu.memref_squeeze %dma_start3A_608 : memref<1x128x32xbf16, #tpu.memory_space<vmem>> -> memref<128x32xbf16, #tpu.memory_space<vmem>>
          %dma_start3A_610 = arith.constant 128 : i32
          %dma_start3A_611 = tpu.memref_slice %arg8[%select_n3A_589, %dma_start3A_610] : memref<3x256xi32, #tpu.memory_space<vmem>> -> memref<1x128xi32, #tpu.memory_space<vmem>>
          %dma_start3A_612 = tpu.memref_squeeze %dma_start3A_611 : memref<1x128xi32, #tpu.memory_space<vmem>> -> memref<128xi32, #tpu.memory_space<vmem>>
          %dma_start3A_613 = arith.constant 0 : i32
          %dma_start3A_614 = arith.constant 0 : i32
          %dma_start3A_615 = tpu.memref_slice %arg2[%dma_start3A_613, %dma_start3A_614] : memref<200192x32xbf16, #tpu.memory_space<hbm>> -> memref<200192x32xbf16, #tpu.memory_space<hbm>>
          tpu.enqueue_indirect_dma source(%dma_start3A_615 : memref<200192x32xbf16, #tpu.memory_space<hbm>>) target(%dma_start3A_609 : memref<128x32xbf16, #tpu.memory_space<vmem>>) offsets(%dma_start3A_612 : memref<128xi32, #tpu.memory_space<vmem>>) semaphore(%arg14 : memref<!tpu.dma_semaphore, #tpu.memory_space<semaphore_mem>>)
        } else {
        }
        %mul3A_324 = arith.constant 2 : i32
        %mul3A_325 = arith.muli %scan3A_222, %mul3A_324 : i32
        %add3A_326 = arith.addi %mul3A_0, %mul3A_325 : i32
        %mul3A_327 = arith.constant 128 : i32
        %mul3A_328 = arith.muli %add3A_326, %mul3A_327 : i32
        %jit3A_329 = arith.constant 3 : i32
        %eq3A_330 = arith.constant 0 : i32
        %eq3A_331 = arith.cmpi eq, %jit3A_329, %eq3A_330 : i32
        %jit3A_332 = arith.constant 1 : i32
        %select_n3A_333 = arith.select %eq3A_331, %jit3A_332, %jit3A_329 : i32
        %rem3A_334 = arith.remsi %scan3A_222, %select_n3A_333 : i32
        %ne3A_335 = arith.constant 0 : i32
        %ne3A_336 = arith.cmpi ne, %rem3A_334, %ne3A_335 : i32
        %lt3A_337 = arith.constant 0 : i32
        %lt3A_338 = arith.cmpi slt, %rem3A_334, %lt3A_337 : i32
        %lt3A_339 = arith.constant 0 : i32
        %lt3A_340 = arith.cmpi slt, %select_n3A_333, %lt3A_339 : i32
        %ne3A_341 = arith.xori %lt3A_338, %lt3A_340 : i1
        %and3A_342 = arith.andi %ne3A_341, %ne3A_336 : i1
        %add3A_343 = arith.addi %rem3A_334, %select_n3A_333 : i32
        %select_n3A_344 = arith.select %and3A_342, %add3A_343, %rem3A_334 : i32
        %dma_wait3A_345 = arith.constant 0 : i32
        %dma_wait3A_346 = tpu.memref_slice %arg9[%select_n3A_344, %dma_wait3A_345] : memref<3x256xi32, #tpu.memory_space<vmem>> -> memref<1x256xi32, #tpu.memory_space<vmem>>
        %dma_wait3A_347 = tpu.memref_squeeze %dma_wait3A_346 : memref<1x256xi32, #tpu.memory_space<vmem>> -> memref<256xi32, #tpu.memory_space<vmem>>
        %dma_wait3A_348 = tpu.memref_slice %arg5[%mul3A_328] : memref<819200xi32, #tpu.memory_space<hbm>> -> memref<256xi32, #tpu.memory_space<hbm>>
        %dma_wait3A_349 = arith.constant 0 : i32
        %dma_wait3A_350 = tpu.memref_slice %arg9[%select_n3A_344, %dma_wait3A_349] : memref<3x256xi32, #tpu.memory_space<vmem>> -> memref<1x256xi32, #tpu.memory_space<vmem>>
        %dma_wait3A_351 = tpu.memref_squeeze %dma_wait3A_350 : memref<1x256xi32, #tpu.memory_space<vmem>> -> memref<256xi32, #tpu.memory_space<vmem>>
        %dma_wait3A_352 = tpu.memref_slice %arg5[%mul3A_328] : memref<819200xi32, #tpu.memory_space<hbm>> -> memref<256xi32, #tpu.memory_space<hbm>>
        tpu.wait_dma2 semaphore(%arg17 : memref<!tpu.dma_semaphore, #tpu.memory_space<semaphore_mem>>) src(%dma_wait3A_352 : memref<256xi32, #tpu.memory_space<hbm>>) dst(%dma_wait3A_351 : memref<256xi32, #tpu.memory_space<vmem>>)
        %jit3A_353 = arith.constant 2 : i32
        %eq3A_354 = arith.constant 0 : i32
        %eq3A_355 = arith.cmpi eq, %jit3A_353, %eq3A_354 : i32
        %jit3A_356 = arith.constant 1 : i32
        %select_n3A_357 = arith.select %eq3A_355, %jit3A_356, %jit3A_353 : i32
        %rem3A_358 = arith.remsi %scan3A_222, %select_n3A_357 : i32
        %ne3A_359 = arith.constant 0 : i32
        %ne3A_360 = arith.cmpi ne, %rem3A_358, %ne3A_359 : i32
        %lt3A_361 = arith.constant 0 : i32
        %lt3A_362 = arith.cmpi slt, %rem3A_358, %lt3A_361 : i32
        %lt3A_363 = arith.constant 0 : i32
        %lt3A_364 = arith.cmpi slt, %select_n3A_357, %lt3A_363 : i32
        %ne3A_365 = arith.xori %lt3A_362, %lt3A_364 : i1
        %and3A_366 = arith.andi %ne3A_365, %ne3A_360 : i1
        %add3A_367 = arith.addi %rem3A_358, %select_n3A_357 : i32
        %select_n3A_368 = arith.select %and3A_366, %add3A_367, %rem3A_358 : i32
        %dma_wait3A_369 = arith.constant 0 : i32
        %dma_wait3A_370 = tpu.memref_slice %arg10[%select_n3A_368, %dma_wait3A_369] : memref<2x256xf32, #tpu.memory_space<vmem>> -> memref<1x256xf32, #tpu.memory_space<vmem>>
        %dma_wait3A_371 = tpu.memref_squeeze %dma_wait3A_370 : memref<1x256xf32, #tpu.memory_space<vmem>> -> memref<256xf32, #tpu.memory_space<vmem>>
        %dma_wait3A_372 = tpu.memref_slice %arg6[%mul3A_328] : memref<819200xf32, #tpu.memory_space<hbm>> -> memref<256xf32, #tpu.memory_space<hbm>>
        %dma_wait3A_373 = arith.constant 0 : i32
        %dma_wait3A_374 = tpu.memref_slice %arg10[%select_n3A_368, %dma_wait3A_373] : memref<2x256xf32, #tpu.memory_space<vmem>> -> memref<1x256xf32, #tpu.memory_space<vmem>>
        %dma_wait3A_375 = tpu.memref_squeeze %dma_wait3A_374 : memref<1x256xf32, #tpu.memory_space<vmem>> -> memref<256xf32, #tpu.memory_space<vmem>>
        %dma_wait3A_376 = tpu.memref_slice %arg6[%mul3A_328] : memref<819200xf32, #tpu.memory_space<hbm>> -> memref<256xf32, #tpu.memory_space<hbm>>
        tpu.wait_dma2 semaphore(%arg17 : memref<!tpu.dma_semaphore, #tpu.memory_space<semaphore_mem>>) src(%dma_wait3A_376 : memref<256xf32, #tpu.memory_space<hbm>>) dst(%dma_wait3A_375 : memref<256xf32, #tpu.memory_space<vmem>>)
        %jit3A_377 = arith.constant 3 : i32
        %eq3A_378 = arith.constant 0 : i32
        %eq3A_379 = arith.cmpi eq, %jit3A_377, %eq3A_378 : i32
        %jit3A_380 = arith.constant 1 : i32
        %select_n3A_381 = arith.select %eq3A_379, %jit3A_380, %jit3A_377 : i32
        %rem3A_382 = arith.remsi %scan3A_222, %select_n3A_381 : i32
        %ne3A_383 = arith.constant 0 : i32
        %ne3A_384 = arith.cmpi ne, %rem3A_382, %ne3A_383 : i32
        %lt3A_385 = arith.constant 0 : i32
        %lt3A_386 = arith.cmpi slt, %rem3A_382, %lt3A_385 : i32
        %lt3A_387 = arith.constant 0 : i32
        %lt3A_388 = arith.cmpi slt, %select_n3A_381, %lt3A_387 : i32
        %ne3A_389 = arith.xori %lt3A_386, %lt3A_388 : i1
        %and3A_390 = arith.andi %ne3A_389, %ne3A_384 : i1
        %add3A_391 = arith.addi %rem3A_382, %select_n3A_381 : i32
        %select_n3A_392 = arith.select %and3A_390, %add3A_391, %rem3A_382 : i32
        %jit3A_393 = arith.constant 2 : i32
        %eq3A_394 = arith.constant 0 : i32
        %eq3A_395 = arith.cmpi eq, %jit3A_393, %eq3A_394 : i32
        %jit3A_396 = arith.constant 1 : i32
        %select_n3A_397 = arith.select %eq3A_395, %jit3A_396, %jit3A_393 : i32
        %rem3A_398 = arith.remsi %scan3A_222, %select_n3A_397 : i32
        %ne3A_399 = arith.constant 0 : i32
        %ne3A_400 = arith.cmpi ne, %rem3A_398, %ne3A_399 : i32
        %lt3A_401 = arith.constant 0 : i32
        %lt3A_402 = arith.cmpi slt, %rem3A_398, %lt3A_401 : i32
        %lt3A_403 = arith.constant 0 : i32
        %lt3A_404 = arith.cmpi slt, %select_n3A_397, %lt3A_403 : i32
        %ne3A_405 = arith.xori %lt3A_402, %lt3A_404 : i1
        %and3A_406 = arith.andi %ne3A_405, %ne3A_400 : i1
        %add3A_407 = arith.addi %rem3A_398, %select_n3A_397 : i32
        %select_n3A_408 = arith.select %and3A_406, %add3A_407, %rem3A_398 : i32
        %parallel_loop3A = arith.constant 0 : i32
        %parallel_loop3A_409 = arith.constant 16 : i32
        %parallel_loop3A_410 = arith.constant 1 : i32
        scf.for %parallel_loop3A_496 = %parallel_loop3A to %parallel_loop3A_409 step %parallel_loop3A_410  : i32 {
          %parallel_loop3A_497 = arith.constant 2 : i32
          %parallel_loop3A_498 = arith.constant 0 : i32
          %parallel_loop3A_499 = arith.cmpi eq, %parallel_loop3A_497, %parallel_loop3A_498 : i32
          %parallel_loop3A_500 = arith.constant 1 : i32
          %parallel_loop3A_501 = arith.select %parallel_loop3A_499, %parallel_loop3A_500, %parallel_loop3A_497 : i32
          %parallel_loop3A_502 = arith.remsi %scan3A_222, %parallel_loop3A_501 : i32
          %parallel_loop3A_503 = arith.constant 0 : i32
          %parallel_loop3A_504 = arith.cmpi ne, %parallel_loop3A_502, %parallel_loop3A_503 : i32
          %parallel_loop3A_505 = arith.constant 0 : i32
          %parallel_loop3A_506 = arith.cmpi slt, %parallel_loop3A_502, %parallel_loop3A_505 : i32
          %parallel_loop3A_507 = arith.constant 0 : i32
          %parallel_loop3A_508 = arith.cmpi slt, %parallel_loop3A_501, %parallel_loop3A_507 : i32
          %parallel_loop3A_509 = arith.xori %parallel_loop3A_506, %parallel_loop3A_508 : i1
          %parallel_loop3A_510 = arith.andi %parallel_loop3A_509, %parallel_loop3A_504 : i1
          %parallel_loop3A_511 = arith.addi %parallel_loop3A_502, %parallel_loop3A_501 : i32
          %parallel_loop3A_512 = arith.select %parallel_loop3A_510, %parallel_loop3A_511, %parallel_loop3A_502 : i32
          %parallel_loop3A_513 = arith.constant 16 : i32
          %parallel_loop3A_514 = arith.muli %parallel_loop3A_496, %parallel_loop3A_513 : i32
          %parallel_loop3A_515 = arith.index_cast %parallel_loop3A_512 : i32 to index
          %parallel_loop3A_516 = arith.index_cast %parallel_loop3A_514 : i32 to index
          %parallel_loop3A_517 = tpu.vector_load %arg10[%parallel_loop3A_515, %parallel_loop3A_516] {strides = array<i32>} : memref<2x256xf32, #tpu.memory_space<vmem>>, vector<16xf32>,
          %parallel_loop3A_518 = arith.constant 16 : i32
          %parallel_loop3A_519 = arith.muli %parallel_loop3A_496, %parallel_loop3A_518 : i32
          %parallel_loop3A_520 = arith.constant 0 : i32
          %parallel_loop3A_521 = arith.addi %parallel_loop3A_519, %parallel_loop3A_520 : i32
          %parallel_loop3A_522 = arith.constant 0 : i32
          %parallel_loop3A_523 = vector.broadcast %parallel_loop3A_522 : i32 to vector<16x1xi32>
          %parallel_loop3A_524 = vector.shape_cast %parallel_loop3A_523 : vector<16x1xi32> to vector<16xi32>
          %parallel_loop3A_525 = tpu.dynamic_gather %parallel_loop3A_517[%parallel_loop3A_524] in [0] : vector<16xf32>, vector<16xi32> -> vector<16xf32>
          %parallel_loop3A_526 = arith.index_cast %select_n3A_392 : i32 to index
          %parallel_loop3A_527 = arith.index_cast %parallel_loop3A_521 : i32 to index
          %parallel_loop3A_528 = arith.constant 0 : index
          %parallel_loop3A_529 = tpu.vector_load %arg11[%parallel_loop3A_526, %parallel_loop3A_527, %parallel_loop3A_528] {strides = array<i32>} : memref<3x256x32xbf16, #tpu.memory_space<vmem>>, vector<32xbf16>,
          %parallel_loop3A_530 = tpu.unpack_subelements %parallel_loop3A_529, 0 {pack_format = #tpu.pack_format<interleaved>} : vector<32xbf16> -> vector<16xf32>
          %parallel_loop3A_531 = tpu.unpack_subelements %parallel_loop3A_529, 1 {pack_format = #tpu.pack_format<interleaved>} : vector<32xbf16> -> vector<16xf32>
          %parallel_loop3A_532 = arith.mulf %parallel_loop3A_530, %parallel_loop3A_525 : vector<16xf32>
          %parallel_loop3A_533 = arith.index_cast %select_n3A_408 : i32 to index
          %parallel_loop3A_534 = arith.index_cast %parallel_loop3A_521 : i32 to index
          %parallel_loop3A_535 = arith.constant 0 : index
          %parallel_loop3A_536 = tpu.vector_load %arg12[%parallel_loop3A_533, %parallel_loop3A_534, %parallel_loop3A_535] {strides = array<i32>} : memref<2x256x32xf32, #tpu.memory_space<vmem>>, vector<16xf32>,
          tpu.vector_store %arg12[%parallel_loop3A_533, %parallel_loop3A_534, %parallel_loop3A_535], %parallel_loop3A_532 {strides = array<i32>} : memref<2x256x32xf32, #tpu.memory_space<vmem>>, vector<16xf32>,
          %parallel_loop3A_537 = arith.mulf %parallel_loop3A_531, %parallel_loop3A_525 : vector<16xf32>
          %parallel_loop3A_538 = arith.index_cast %select_n3A_408 : i32 to index
          %parallel_loop3A_539 = arith.index_cast %parallel_loop3A_521 : i32 to index
          %parallel_loop3A_540 = arith.constant 16 : index
          %parallel_loop3A_541 = tpu.vector_load %arg12[%parallel_loop3A_538, %parallel_loop3A_539, %parallel_loop3A_540] {strides = array<i32>} : memref<2x256x32xf32, #tpu.memory_space<vmem>>, vector<16xf32>,
          tpu.vector_store %arg12[%parallel_loop3A_538, %parallel_loop3A_539, %parallel_loop3A_540], %parallel_loop3A_537 {strides = array<i32>} : memref<2x256x32xf32, #tpu.memory_space<vmem>>, vector<16xf32>,
          %parallel_loop3A_542 = arith.constant 16 : i32
          %parallel_loop3A_543 = arith.muli %parallel_loop3A_496, %parallel_loop3A_542 : i32
          %parallel_loop3A_544 = arith.constant 1 : i32
          %parallel_loop3A_545 = arith.addi %parallel_loop3A_543, %parallel_loop3A_544 : i32
          %parallel_loop3A_546 = arith.constant 1 : i32
          %parallel_loop3A_547 = vector.broadcast %parallel_loop3A_546 : i32 to vector<16x1xi32>
          %parallel_loop3A_548 = vector.shape_cast %parallel_loop3A_547 : vector<16x1xi32> to vector<16xi32>
          %parallel_loop3A_549 = tpu.dynamic_gather %parallel_loop3A_517[%parallel_loop3A_548] in [0] : vector<16xf32>, vector<16xi32> -> vector<16xf32>
          %parallel_loop3A_550 = arith.index_cast %select_n3A_392 : i32 to index
          %parallel_loop3A_551 = arith.index_cast %parallel_loop3A_545 : i32 to index
          %parallel_loop3A_552 = arith.constant 0 : index
          %parallel_loop3A_553 = tpu.vector_load %arg11[%parallel_loop3A_550, %parallel_loop3A_551, %parallel_loop3A_552] {strides = array<i32>} : memref<3x256x32xbf16, #tpu.memory_space<vmem>>, vector<32xbf16>,
          %parallel_loop3A_554 = tpu.unpack_subelements %parallel_loop3A_553, 0 {pack_format = #tpu.pack_format<interleaved>} : vector<32xbf16> -> vector<16xf32>
          %parallel_loop3A_555 = tpu.unpack_subelements %parallel_loop3A_553, 1 {pack_format = #tpu.pack_format<interleaved>} : vector<32xbf16> -> vector<16xf32>
          %parallel_loop3A_556 = arith.mulf %parallel_loop3A_554, %parallel_loop3A_549 : vector<16xf32>
          %parallel_loop3A_557 = arith.index_cast %select_n3A_408 : i32 to index
          %parallel_loop3A_558 = arith.index_cast %parallel_loop3A_545 : i32 to index
          %parallel_loop3A_559 = arith.constant 0 : index
          %parallel_loop3A_560 = tpu.vector_load %arg12[%parallel_loop3A_557, %parallel_loop3A_558, %parallel_loop3A_559] {strides = array<i32>} : memref<2x256x32xf32, #tpu.memory_space<vmem>>, vector<16xf32>,
          tpu.vector_store %arg12[%parallel_loop3A_557, %parallel_loop3A_558, %parallel_loop3A_559], %parallel_loop3A_556 {strides = array<i32>} : memref<2x256x32xf32, #tpu.memory_space<vmem>>, vector<16xf32>,
          %parallel_loop3A_561 = arith.mulf %parallel_loop3A_555, %parallel_loop3A_549 : vector<16xf32>
          %parallel_loop3A_562 = arith.index_cast %select_n3A_408 : i32 to index
          %parallel_loop3A_563 = arith.index_cast %parallel_loop3A_545 : i32 to index
          %parallel_loop3A_564 = arith.constant 16 : index
          %parallel_loop3A_565 = tpu.vector_load %arg12[%parallel_loop3A_562, %parallel_loop3A_563, %parallel_loop3A_564] {strides = array<i32>} : memref<2x256x32xf32, #tpu.memory_space<vmem>>, vector<16xf32>,
          tpu.vector_store %arg12[%parallel_loop3A_562, %parallel_loop3A_563, %parallel_loop3A_564], %parallel_loop3A_561 {strides = array<i32>} : memref<2x256x32xf32, #tpu.memory_space<vmem>>, vector<16xf32>,
          %parallel_loop3A_566 = arith.constant 16 : i32
          %parallel_loop3A_567 = arith.muli %parallel_loop3A_496, %parallel_loop3A_566 : i32
          %parallel_loop3A_568 = arith.constant 2 : i32
          %parallel_loop3A_569 = arith.addi %parallel_loop3A_567, %parallel_loop3A_568 : i32
          %parallel_loop3A_570 = arith.constant 2 : i32
          %parallel_loop3A_571 = vector.broadcast %parallel_loop3A_570 : i32 to vector<16x1xi32>
          %parallel_loop3A_572 = vector.shape_cast %parallel_loop3A_571 : vector<16x1xi32> to vector<16xi32>
          %parallel_loop3A_573 = tpu.dynamic_gather %parallel_loop3A_517[%parallel_loop3A_572] in [0] : vector<16xf32>, vector<16xi32> -> vector<16xf32>
          %parallel_loop3A_574 = arith.index_cast %select_n3A_392 : i32 to index
          %parallel_loop3A_575 = arith.index_cast %parallel_loop3A_569 : i32 to index
          %parallel_loop3A_576 = arith.constant 0 : index
          %parallel_loop3A_577 = tpu.vector_load %arg11[%parallel_loop3A_574, %parallel_loop3A_575, %parallel_loop3A_576] {strides = array<i32>} : memref<3x256x32xbf16, #tpu.memory_space<vmem>>, vector<32xbf16>,
          %parallel_loop3A_578 = tpu.unpack_subelements %parallel_loop3A_577, 0 {pack_format = #tpu.pack_format<interleaved>} : vector<32xbf16> -> vector<16xf32>
          %parallel_loop3A_579 = tpu.unpack_subelements %parallel_loop3A_577, 1 {pack_format = #tpu.pack_format<interleaved>} : vector<32xbf16> -> vector<16xf32>
          %parallel_loop3A_580 = arith.mulf %parallel_loop3A_578, %parallel_loop3A_573 : vector<16xf32>
          %parallel_loop3A_581 = arith.index_cast %select_n3A_408 : i32 to index
          %parallel_loop3A_582 = arith.index_cast %parallel_loop3A_569 : i32 to index
          %parallel_loop3A_583 = arith.constant 0 : index
          %parallel_loop3A_584 = tpu.vector_load %arg12[%parallel_loop3A_581, %parallel_loop3A_582, %parallel_loop3A_583] {strides = array<i32>} : memref<2x256x32xf32, #tpu.memory_space<vmem>>, vector<16xf32>,
          tpu.vector_store %arg12[%parallel_loop3A_581, %parallel_loop3A_582, %parallel_loop3A_583], %parallel_loop3A_580 {strides = array<i32>} : memref<2x256x32xf32, #tpu.memory_space<vmem>>, vector<16xf32>,
          %parallel_loop3A_585 = arith.mulf %parallel_loop3A_579, %parallel_loop3A_573 : vector<16xf32>
          %parallel_loop3A_586 = arith.index_cast %select_n3A_408 : i32 to index
          %parallel_loop3A_587 = arith.index_cast %parallel_loop3A_569 : i32 to index
          %parallel_loop3A_588 = arith.constant 16 : index
          %parallel_loop3A_589 = tpu.vector_load %arg12[%parallel_loop3A_586, %parallel_loop3A_587, %parallel_loop3A_588] {strides = array<i32>} : memref<2x256x32xf32, #tpu.memory_space<vmem>>, vector<16xf32>,
          tpu.vector_store %arg12[%parallel_loop3A_586, %parallel_loop3A_587, %parallel_loop3A_588], %parallel_loop3A_585 {strides = array<i32>} : memref<2x256x32xf32, #tpu.memory_space<vmem>>, vector<16xf32>,
          %parallel_loop3A_590 = arith.constant 16 : i32
          %parallel_loop3A_591 = arith.muli %parallel_loop3A_496, %parallel_loop3A_590 : i32
          %parallel_loop3A_592 = arith.constant 3 : i32
          %parallel_loop3A_593 = arith.addi %parallel_loop3A_591, %parallel_loop3A_592 : i32
          %parallel_loop3A_594 = arith.constant 3 : i32
          %parallel_loop3A_595 = vector.broadcast %parallel_loop3A_594 : i32 to vector<16x1xi32>
          %parallel_loop3A_596 = vector.shape_cast %parallel_loop3A_595 : vector<16x1xi32> to vector<16xi32>
          %parallel_loop3A_597 = tpu.dynamic_gather %parallel_loop3A_517[%parallel_loop3A_596] in [0] : vector<16xf32>, vector<16xi32> -> vector<16xf32>
          %parallel_loop3A_598 = arith.index_cast %select_n3A_392 : i32 to index
          %parallel_loop3A_599 = arith.index_cast %parallel_loop3A_593 : i32 to index
          %parallel_loop3A_600 = arith.constant 0 : index
          %parallel_loop3A_601 = tpu.vector_load %arg11[%parallel_loop3A_598, %parallel_loop3A_599, %parallel_loop3A_600] {strides = array<i32>} : memref<3x256x32xbf16, #tpu.memory_space<vmem>>, vector<32xbf16>,
          %parallel_loop3A_602 = tpu.unpack_subelements %parallel_loop3A_601, 0 {pack_format = #tpu.pack_format<interleaved>} : vector<32xbf16> -> vector<16xf32>
          %parallel_loop3A_603 = tpu.unpack_subelements %parallel_loop3A_601, 1 {pack_format = #tpu.pack_format<interleaved>} : vector<32xbf16> -> vector<16xf32>
          %parallel_loop3A_604 = arith.mulf %parallel_loop3A_602, %parallel_loop3A_597 : vector<16xf32>
          %parallel_loop3A_605 = arith.index_cast %select_n3A_408 : i32 to index
          %parallel_loop3A_606 = arith.index_cast %parallel_loop3A_593 : i32 to index
          %parallel_loop3A_607 = arith.constant 0 : index
          %parallel_loop3A_608 = tpu.vector_load %arg12[%parallel_loop3A_605, %parallel_loop3A_606, %parallel_loop3A_607] {strides = array<i32>} : memref<2x256x32xf32, #tpu.memory_space<vmem>>, vector<16xf32>,
          tpu.vector_store %arg12[%parallel_loop3A_605, %parallel_loop3A_606, %parallel_loop3A_607], %parallel_loop3A_604 {strides = array<i32>} : memref<2x256x32xf32, #tpu.memory_space<vmem>>, vector<16xf32>,
          %parallel_loop3A_609 = arith.mulf %parallel_loop3A_603, %parallel_loop3A_597 : vector<16xf32>
          %parallel_loop3A_610 = arith.index_cast %select_n3A_408 : i32 to index
          %parallel_loop3A_611 = arith.index_cast %parallel_loop3A_593 : i32 to index
          %parallel_loop3A_612 = arith.constant 16 : index
          %parallel_loop3A_613 = tpu.vector_load %arg12[%parallel_loop3A_610, %parallel_loop3A_611, %parallel_loop3A_612] {strides = array<i32>} : memref<2x256x32xf32, #tpu.memory_space<vmem>>, vector<16xf32>,
          tpu.vector_store %arg12[%parallel_loop3A_610, %parallel_loop3A_611, %parallel_loop3A_612], %parallel_loop3A_609 {strides = array<i32>} : memref<2x256x32xf32, #tpu.memory_space<vmem>>, vector<16xf32>,
          %parallel_loop3A_614 = arith.constant 16 : i32
          %parallel_loop3A_615 = arith.muli %parallel_loop3A_496, %parallel_loop3A_614 : i32
          %parallel_loop3A_616 = arith.constant 4 : i32
          %parallel_loop3A_617 = arith.addi %parallel_loop3A_615, %parallel_loop3A_616 : i32
          %parallel_loop3A_618 = arith.constant 4 : i32
          %parallel_loop3A_619 = vector.broadcast %parallel_loop3A_618 : i32 to vector<16x1xi32>
          %parallel_loop3A_620 = vector.shape_cast %parallel_loop3A_619 : vector<16x1xi32> to vector<16xi32>
          %parallel_loop3A_621 = tpu.dynamic_gather %parallel_loop3A_517[%parallel_loop3A_620] in [0] : vector<16xf32>, vector<16xi32> -> vector<16xf32>
          %parallel_loop3A_622 = arith.index_cast %select_n3A_392 : i32 to index
          %parallel_loop3A_623 = arith.index_cast %parallel_loop3A_617 : i32 to index
          %parallel_loop3A_624 = arith.constant 0 : index
          %parallel_loop3A_625 = tpu.vector_load %arg11[%parallel_loop3A_622, %parallel_loop3A_623, %parallel_loop3A_624] {strides = array<i32>} : memref<3x256x32xbf16, #tpu.memory_space<vmem>>, vector<32xbf16>,
          %parallel_loop3A_626 = tpu.unpack_subelements %parallel_loop3A_625, 0 {pack_format = #tpu.pack_format<interleaved>} : vector<32xbf16> -> vector<16xf32>
          %parallel_loop3A_627 = tpu.unpack_subelements %parallel_loop3A_625, 1 {pack_format = #tpu.pack_format<interleaved>} : vector<32xbf16> -> vector<16xf32>
          %parallel_loop3A_628 = arith.mulf %parallel_loop3A_626, %parallel_loop3A_621 : vector<16xf32>
          %parallel_loop3A_629 = arith.index_cast %select_n3A_408 : i32 to index
          %parallel_loop3A_630 = arith.index_cast %parallel_loop3A_617 : i32 to index
          %parallel_loop3A_631 = arith.constant 0 : index
          %parallel_loop3A_632 = tpu.vector_load %arg12[%parallel_loop3A_629, %parallel_loop3A_630, %parallel_loop3A_631] {strides = array<i32>} : memref<2x256x32xf32, #tpu.memory_space<vmem>>, vector<16xf32>,
          tpu.vector_store %arg12[%parallel_loop3A_629, %parallel_loop3A_630, %parallel_loop3A_631], %parallel_loop3A_628 {strides = array<i32>} : memref<2x256x32xf32, #tpu.memory_space<vmem>>, vector<16xf32>,
          %parallel_loop3A_633 = arith.mulf %parallel_loop3A_627, %parallel_loop3A_621 : vector<16xf32>
          %parallel_loop3A_634 = arith.index_cast %select_n3A_408 : i32 to index
          %parallel_loop3A_635 = arith.index_cast %parallel_loop3A_617 : i32 to index
          %parallel_loop3A_636 = arith.constant 16 : index
          %parallel_loop3A_637 = tpu.vector_load %arg12[%parallel_loop3A_634, %parallel_loop3A_635, %parallel_loop3A_636] {strides = array<i32>} : memref<2x256x32xf32, #tpu.memory_space<vmem>>, vector<16xf32>,
          tpu.vector_store %arg12[%parallel_loop3A_634, %parallel_loop3A_635, %parallel_loop3A_636], %parallel_loop3A_633 {strides = array<i32>} : memref<2x256x32xf32, #tpu.memory_space<vmem>>, vector<16xf32>,
          %parallel_loop3A_638 = arith.constant 16 : i32
          %parallel_loop3A_639 = arith.muli %parallel_loop3A_496, %parallel_loop3A_638 : i32
          %parallel_loop3A_640 = arith.constant 5 : i32
          %parallel_loop3A_641 = arith.addi %parallel_loop3A_639, %parallel_loop3A_640 : i32
          %parallel_loop3A_642 = arith.constant 5 : i32
          %parallel_loop3A_643 = vector.broadcast %parallel_loop3A_642 : i32 to vector<16x1xi32>
          %parallel_loop3A_644 = vector.shape_cast %parallel_loop3A_643 : vector<16x1xi32> to vector<16xi32>
          %parallel_loop3A_645 = tpu.dynamic_gather %parallel_loop3A_517[%parallel_loop3A_644] in [0] : vector<16xf32>, vector<16xi32> -> vector<16xf32>
          %parallel_loop3A_646 = arith.index_cast %select_n3A_392 : i32 to index
          %parallel_loop3A_647 = arith.index_cast %parallel_loop3A_641 : i32 to index
          %parallel_loop3A_648 = arith.constant 0 : index
          %parallel_loop3A_649 = tpu.vector_load %arg11[%parallel_loop3A_646, %parallel_loop3A_647, %parallel_loop3A_648] {strides = array<i32>} : memref<3x256x32xbf16, #tpu.memory_space<vmem>>, vector<32xbf16>,
          %parallel_loop3A_650 = tpu.unpack_subelements %parallel_loop3A_649, 0 {pack_format = #tpu.pack_format<interleaved>} : vector<32xbf16> -> vector<16xf32>
          %parallel_loop3A_651 = tpu.unpack_subelements %parallel_loop3A_649, 1 {pack_format = #tpu.pack_format<interleaved>} : vector<32xbf16> -> vector<16xf32>
          %parallel_loop3A_652 = arith.mulf %parallel_loop3A_650, %parallel_loop3A_645 : vector<16xf32>
          %parallel_loop3A_653 = arith.index_cast %select_n3A_408 : i32 to index
          %parallel_loop3A_654 = arith.index_cast %parallel_loop3A_641 : i32 to index
          %parallel_loop3A_655 = arith.constant 0 : index
          %parallel_loop3A_656 = tpu.vector_load %arg12[%parallel_loop3A_653, %parallel_loop3A_654, %parallel_loop3A_655] {strides = array<i32>} : memref<2x256x32xf32, #tpu.memory_space<vmem>>, vector<16xf32>,
          tpu.vector_store %arg12[%parallel_loop3A_653, %parallel_loop3A_654, %parallel_loop3A_655], %parallel_loop3A_652 {strides = array<i32>} : memref<2x256x32xf32, #tpu.memory_space<vmem>>, vector<16xf32>,
          %parallel_loop3A_657 = arith.mulf %parallel_loop3A_651, %parallel_loop3A_645 : vector<16xf32>
          %parallel_loop3A_658 = arith.index_cast %select_n3A_408 : i32 to index
          %parallel_loop3A_659 = arith.index_cast %parallel_loop3A_641 : i32 to index
          %parallel_loop3A_660 = arith.constant 16 : index
          %parallel_loop3A_661 = tpu.vector_load %arg12[%parallel_loop3A_658, %parallel_loop3A_659, %parallel_loop3A_660] {strides = array<i32>} : memref<2x256x32xf32, #tpu.memory_space<vmem>>, vector<16xf32>,
          tpu.vector_store %arg12[%parallel_loop3A_658, %parallel_loop3A_659, %parallel_loop3A_660], %parallel_loop3A_657 {strides = array<i32>} : memref<2x256x32xf32, #tpu.memory_space<vmem>>, vector<16xf32>,
          %parallel_loop3A_662 = arith.constant 16 : i32
          %parallel_loop3A_663 = arith.muli %parallel_loop3A_496, %parallel_loop3A_662 : i32
          %parallel_loop3A_664 = arith.constant 6 : i32
          %parallel_loop3A_665 = arith.addi %parallel_loop3A_663, %parallel_loop3A_664 : i32
          %parallel_loop3A_666 = arith.constant 6 : i32
          %parallel_loop3A_667 = vector.broadcast %parallel_loop3A_666 : i32 to vector<16x1xi32>
          %parallel_loop3A_668 = vector.shape_cast %parallel_loop3A_667 : vector<16x1xi32> to vector<16xi32>
          %parallel_loop3A_669 = tpu.dynamic_gather %parallel_loop3A_517[%parallel_loop3A_668] in [0] : vector<16xf32>, vector<16xi32> -> vector<16xf32>
          %parallel_loop3A_670 = arith.index_cast %select_n3A_392 : i32 to index
          %parallel_loop3A_671 = arith.index_cast %parallel_loop3A_665 : i32 to index
          %parallel_loop3A_672 = arith.constant 0 : index
          %parallel_loop3A_673 = tpu.vector_load %arg11[%parallel_loop3A_670, %parallel_loop3A_671, %parallel_loop3A_672] {strides = array<i32>} : memref<3x256x32xbf16, #tpu.memory_space<vmem>>, vector<32xbf16>,
          %parallel_loop3A_674 = tpu.unpack_subelements %parallel_loop3A_673, 0 {pack_format = #tpu.pack_format<interleaved>} : vector<32xbf16> -> vector<16xf32>
          %parallel_loop3A_675 = tpu.unpack_subelements %parallel_loop3A_673, 1 {pack_format = #tpu.pack_format<interleaved>} : vector<32xbf16> -> vector<16xf32>
          %parallel_loop3A_676 = arith.mulf %parallel_loop3A_674, %parallel_loop3A_669 : vector<16xf32>
          %parallel_loop3A_677 = arith.index_cast %select_n3A_408 : i32 to index
          %parallel_loop3A_678 = arith.index_cast %parallel_loop3A_665 : i32 to index
          %parallel_loop3A_679 = arith.constant 0 : index
          %parallel_loop3A_680 = tpu.vector_load %arg12[%parallel_loop3A_677, %parallel_loop3A_678, %parallel_loop3A_679] {strides = array<i32>} : memref<2x256x32xf32, #tpu.memory_space<vmem>>, vector<16xf32>,
          tpu.vector_store %arg12[%parallel_loop3A_677, %parallel_loop3A_678, %parallel_loop3A_679], %parallel_loop3A_676 {strides = array<i32>} : memref<2x256x32xf32, #tpu.memory_space<vmem>>, vector<16xf32>,
          %parallel_loop3A_681 = arith.mulf %parallel_loop3A_675, %parallel_loop3A_669 : vector<16xf32>
          %parallel_loop3A_682 = arith.index_cast %select_n3A_408 : i32 to index
          %parallel_loop3A_683 = arith.index_cast %parallel_loop3A_665 : i32 to index
          %parallel_loop3A_684 = arith.constant 16 : index
          %parallel_loop3A_685 = tpu.vector_load %arg12[%parallel_loop3A_682, %parallel_loop3A_683, %parallel_loop3A_684] {strides = array<i32>} : memref<2x256x32xf32, #tpu.memory_space<vmem>>, vector<16xf32>,
          tpu.vector_store %arg12[%parallel_loop3A_682, %parallel_loop3A_683, %parallel_loop3A_684], %parallel_loop3A_681 {strides = array<i32>} : memref<2x256x32xf32, #tpu.memory_space<vmem>>, vector<16xf32>,
          %parallel_loop3A_686 = arith.constant 16 : i32
          %parallel_loop3A_687 = arith.muli %parallel_loop3A_496, %parallel_loop3A_686 : i32
          %parallel_loop3A_688 = arith.constant 7 : i32
          %parallel_loop3A_689 = arith.addi %parallel_loop3A_687, %parallel_loop3A_688 : i32
          %parallel_loop3A_690 = arith.constant 7 : i32
          %parallel_loop3A_691 = vector.broadcast %parallel_loop3A_690 : i32 to vector<16x1xi32>
          %parallel_loop3A_692 = vector.shape_cast %parallel_loop3A_691 : vector<16x1xi32> to vector<16xi32>
          %parallel_loop3A_693 = tpu.dynamic_gather %parallel_loop3A_517[%parallel_loop3A_692] in [0] : vector<16xf32>, vector<16xi32> -> vector<16xf32>
          %parallel_loop3A_694 = arith.index_cast %select_n3A_392 : i32 to index
          %parallel_loop3A_695 = arith.index_cast %parallel_loop3A_689 : i32 to index
          %parallel_loop3A_696 = arith.constant 0 : index
          %parallel_loop3A_697 = tpu.vector_load %arg11[%parallel_loop3A_694, %parallel_loop3A_695, %parallel_loop3A_696] {strides = array<i32>} : memref<3x256x32xbf16, #tpu.memory_space<vmem>>, vector<32xbf16>,
          %parallel_loop3A_698 = tpu.unpack_subelements %parallel_loop3A_697, 0 {pack_format = #tpu.pack_format<interleaved>} : vector<32xbf16> -> vector<16xf32>
          %parallel_loop3A_699 = tpu.unpack_subelements %parallel_loop3A_697, 1 {pack_format = #tpu.pack_format<interleaved>} : vector<32xbf16> -> vector<16xf32>
          %parallel_loop3A_700 = arith.mulf %parallel_loop3A_698, %parallel_loop3A_693 : vector<16xf32>
          %parallel_loop3A_701 = arith.index_cast %select_n3A_408 : i32 to index
          %parallel_loop3A_702 = arith.index_cast %parallel_loop3A_689 : i32 to index
          %parallel_loop3A_703 = arith.constant 0 : index
          %parallel_loop3A_704 = tpu.vector_load %arg12[%parallel_loop3A_701, %parallel_loop3A_702, %parallel_loop3A_703] {strides = array<i32>} : memref<2x256x32xf32, #tpu.memory_space<vmem>>, vector<16xf32>,
          tpu.vector_store %arg12[%parallel_loop3A_701, %parallel_loop3A_702, %parallel_loop3A_703], %parallel_loop3A_700 {strides = array<i32>} : memref<2x256x32xf32, #tpu.memory_space<vmem>>, vector<16xf32>,
          %parallel_loop3A_705 = arith.mulf %parallel_loop3A_699, %parallel_loop3A_693 : vector<16xf32>
          %parallel_loop3A_706 = arith.index_cast %select_n3A_408 : i32 to index
          %parallel_loop3A_707 = arith.index_cast %parallel_loop3A_689 : i32 to index
          %parallel_loop3A_708 = arith.constant 16 : index
          %parallel_loop3A_709 = tpu.vector_load %arg12[%parallel_loop3A_706, %parallel_loop3A_707, %parallel_loop3A_708] {strides = array<i32>} : memref<2x256x32xf32, #tpu.memory_space<vmem>>, vector<16xf32>,
          tpu.vector_store %arg12[%parallel_loop3A_706, %parallel_loop3A_707, %parallel_loop3A_708], %parallel_loop3A_705 {strides = array<i32>} : memref<2x256x32xf32, #tpu.memory_space<vmem>>, vector<16xf32>,
          %parallel_loop3A_710 = arith.constant 16 : i32
          %parallel_loop3A_711 = arith.muli %parallel_loop3A_496, %parallel_loop3A_710 : i32
          %parallel_loop3A_712 = arith.constant 8 : i32
          %parallel_loop3A_713 = arith.addi %parallel_loop3A_711, %parallel_loop3A_712 : i32
          %parallel_loop3A_714 = arith.constant 8 : i32
          %parallel_loop3A_715 = vector.broadcast %parallel_loop3A_714 : i32 to vector<16x1xi32>
          %parallel_loop3A_716 = vector.shape_cast %parallel_loop3A_715 : vector<16x1xi32> to vector<16xi32>
          %parallel_loop3A_717 = tpu.dynamic_gather %parallel_loop3A_517[%parallel_loop3A_716] in [0] : vector<16xf32>, vector<16xi32> -> vector<16xf32>
          %parallel_loop3A_718 = arith.index_cast %select_n3A_392 : i32 to index
          %parallel_loop3A_719 = arith.index_cast %parallel_loop3A_713 : i32 to index
          %parallel_loop3A_720 = arith.constant 0 : index
          %parallel_loop3A_721 = tpu.vector_load %arg11[%parallel_loop3A_718, %parallel_loop3A_719, %parallel_loop3A_720] {strides = array<i32>} : memref<3x256x32xbf16, #tpu.memory_space<vmem>>, vector<32xbf16>,
          %parallel_loop3A_722 = tpu.unpack_subelements %parallel_loop3A_721, 0 {pack_format = #tpu.pack_format<interleaved>} : vector<32xbf16> -> vector<16xf32>
          %parallel_loop3A_723 = tpu.unpack_subelements %parallel_loop3A_721, 1 {pack_format = #tpu.pack_format<interleaved>} : vector<32xbf16> -> vector<16xf32>
          %parallel_loop3A_724 = arith.mulf %parallel_loop3A_722, %parallel_loop3A_717 : vector<16xf32>
          %parallel_loop3A_725 = arith.index_cast %select_n3A_408 : i32 to index
          %parallel_loop3A_726 = arith.index_cast %parallel_loop3A_713 : i32 to index
          %parallel_loop3A_727 = arith.constant 0 : index
          %parallel_loop3A_728 = tpu.vector_load %arg12[%parallel_loop3A_725, %parallel_loop3A_726, %parallel_loop3A_727] {strides = array<i32>} : memref<2x256x32xf32, #tpu.memory_space<vmem>>, vector<16xf32>,
          tpu.vector_store %arg12[%parallel_loop3A_725, %parallel_loop3A_726, %parallel_loop3A_727], %parallel_loop3A_724 {strides = array<i32>} : memref<2x256x32xf32, #tpu.memory_space<vmem>>, vector<16xf32>,
          %parallel_loop3A_729 = arith.mulf %parallel_loop3A_723, %parallel_loop3A_717 : vector<16xf32>
          %parallel_loop3A_730 = arith.index_cast %select_n3A_408 : i32 to index
          %parallel_loop3A_731 = arith.index_cast %parallel_loop3A_713 : i32 to index
          %parallel_loop3A_732 = arith.constant 16 : index
          %parallel_loop3A_733 = tpu.vector_load %arg12[%parallel_loop3A_730, %parallel_loop3A_731, %parallel_loop3A_732] {strides = array<i32>} : memref<2x256x32xf32, #tpu.memory_space<vmem>>, vector<16xf32>,
          tpu.vector_store %arg12[%parallel_loop3A_730, %parallel_loop3A_731, %parallel_loop3A_732], %parallel_loop3A_729 {strides = array<i32>} : memref<2x256x32xf32, #tpu.memory_space<vmem>>, vector<16xf32>,
          %parallel_loop3A_734 = arith.constant 16 : i32
          %parallel_loop3A_735 = arith.muli %parallel_loop3A_496, %parallel_loop3A_734 : i32
          %parallel_loop3A_736 = arith.constant 9 : i32
          %parallel_loop3A_737 = arith.addi %parallel_loop3A_735, %parallel_loop3A_736 : i32
          %parallel_loop3A_738 = arith.constant 9 : i32
          %parallel_loop3A_739 = vector.broadcast %parallel_loop3A_738 : i32 to vector<16x1xi32>
          %parallel_loop3A_740 = vector.shape_cast %parallel_loop3A_739 : vector<16x1xi32> to vector<16xi32>
          %parallel_loop3A_741 = tpu.dynamic_gather %parallel_loop3A_517[%parallel_loop3A_740] in [0] : vector<16xf32>, vector<16xi32> -> vector<16xf32>
          %parallel_loop3A_742 = arith.index_cast %select_n3A_392 : i32 to index
          %parallel_loop3A_743 = arith.index_cast %parallel_loop3A_737 : i32 to index
          %parallel_loop3A_744 = arith.constant 0 : index
          %parallel_loop3A_745 = tpu.vector_load %arg11[%parallel_loop3A_742, %parallel_loop3A_743, %parallel_loop3A_744] {strides = array<i32>} : memref<3x256x32xbf16, #tpu.memory_space<vmem>>, vector<32xbf16>,
          %parallel_loop3A_746 = tpu.unpack_subelements %parallel_loop3A_745, 0 {pack_format = #tpu.pack_format<interleaved>} : vector<32xbf16> -> vector<16xf32>
          %parallel_loop3A_747 = tpu.unpack_subelements %parallel_loop3A_745, 1 {pack_format = #tpu.pack_format<interleaved>} : vector<32xbf16> -> vector<16xf32>
          %parallel_loop3A_748 = arith.mulf %parallel_loop3A_746, %parallel_loop3A_741 : vector<16xf32>
          %parallel_loop3A_749 = arith.index_cast %select_n3A_408 : i32 to index
          %parallel_loop3A_750 = arith.index_cast %parallel_loop3A_737 : i32 to index
          %parallel_loop3A_751 = arith.constant 0 : index
          %parallel_loop3A_752 = tpu.vector_load %arg12[%parallel_loop3A_749, %parallel_loop3A_750, %parallel_loop3A_751] {strides = array<i32>} : memref<2x256x32xf32, #tpu.memory_space<vmem>>, vector<16xf32>,
          tpu.vector_store %arg12[%parallel_loop3A_749, %parallel_loop3A_750, %parallel_loop3A_751], %parallel_loop3A_748 {strides = array<i32>} : memref<2x256x32xf32, #tpu.memory_space<vmem>>, vector<16xf32>,
          %parallel_loop3A_753 = arith.mulf %parallel_loop3A_747, %parallel_loop3A_741 : vector<16xf32>
          %parallel_loop3A_754 = arith.index_cast %select_n3A_408 : i32 to index
          %parallel_loop3A_755 = arith.index_cast %parallel_loop3A_737 : i32 to index
          %parallel_loop3A_756 = arith.constant 16 : index
          %parallel_loop3A_757 = tpu.vector_load %arg12[%parallel_loop3A_754, %parallel_loop3A_755, %parallel_loop3A_756] {strides = array<i32>} : memref<2x256x32xf32, #tpu.memory_space<vmem>>, vector<16xf32>,
          tpu.vector_store %arg12[%parallel_loop3A_754, %parallel_loop3A_755, %parallel_loop3A_756], %parallel_loop3A_753 {strides = array<i32>} : memref<2x256x32xf32, #tpu.memory_space<vmem>>, vector<16xf32>,
          %parallel_loop3A_758 = arith.constant 16 : i32
          %parallel_loop3A_759 = arith.muli %parallel_loop3A_496, %parallel_loop3A_758 : i32
          %parallel_loop3A_760 = arith.constant 10 : i32
          %parallel_loop3A_761 = arith.addi %parallel_loop3A_759, %parallel_loop3A_760 : i32
          %parallel_loop3A_762 = arith.constant 10 : i32
          %parallel_loop3A_763 = vector.broadcast %parallel_loop3A_762 : i32 to vector<16x1xi32>
          %parallel_loop3A_764 = vector.shape_cast %parallel_loop3A_763 : vector<16x1xi32> to vector<16xi32>
          %parallel_loop3A_765 = tpu.dynamic_gather %parallel_loop3A_517[%parallel_loop3A_764] in [0] : vector<16xf32>, vector<16xi32> -> vector<16xf32>
          %parallel_loop3A_766 = arith.index_cast %select_n3A_392 : i32 to index
          %parallel_loop3A_767 = arith.index_cast %parallel_loop3A_761 : i32 to index
          %parallel_loop3A_768 = arith.constant 0 : index
          %parallel_loop3A_769 = tpu.vector_load %arg11[%parallel_loop3A_766, %parallel_loop3A_767, %parallel_loop3A_768] {strides = array<i32>} : memref<3x256x32xbf16, #tpu.memory_space<vmem>>, vector<32xbf16>,
          %parallel_loop3A_770 = tpu.unpack_subelements %parallel_loop3A_769, 0 {pack_format = #tpu.pack_format<interleaved>} : vector<32xbf16> -> vector<16xf32>
          %parallel_loop3A_771 = tpu.unpack_subelements %parallel_loop3A_769, 1 {pack_format = #tpu.pack_format<interleaved>} : vector<32xbf16> -> vector<16xf32>
          %parallel_loop3A_772 = arith.mulf %parallel_loop3A_770, %parallel_loop3A_765 : vector<16xf32>
          %parallel_loop3A_773 = arith.index_cast %select_n3A_408 : i32 to index
          %parallel_loop3A_774 = arith.index_cast %parallel_loop3A_761 : i32 to index
          %parallel_loop3A_775 = arith.constant 0 : index
          %parallel_loop3A_776 = tpu.vector_load %arg12[%parallel_loop3A_773, %parallel_loop3A_774, %parallel_loop3A_775] {strides = array<i32>} : memref<2x256x32xf32, #tpu.memory_space<vmem>>, vector<16xf32>,
          tpu.vector_store %arg12[%parallel_loop3A_773, %parallel_loop3A_774, %parallel_loop3A_775], %parallel_loop3A_772 {strides = array<i32>} : memref<2x256x32xf32, #tpu.memory_space<vmem>>, vector<16xf32>,
          %parallel_loop3A_777 = arith.mulf %parallel_loop3A_771, %parallel_loop3A_765 : vector<16xf32>
          %parallel_loop3A_778 = arith.index_cast %select_n3A_408 : i32 to index
          %parallel_loop3A_779 = arith.index_cast %parallel_loop3A_761 : i32 to index
          %parallel_loop3A_780 = arith.constant 16 : index
          %parallel_loop3A_781 = tpu.vector_load %arg12[%parallel_loop3A_778, %parallel_loop3A_779, %parallel_loop3A_780] {strides = array<i32>} : memref<2x256x32xf32, #tpu.memory_space<vmem>>, vector<16xf32>,
          tpu.vector_store %arg12[%parallel_loop3A_778, %parallel_loop3A_779, %parallel_loop3A_780], %parallel_loop3A_777 {strides = array<i32>} : memref<2x256x32xf32, #tpu.memory_space<vmem>>, vector<16xf32>,
          %parallel_loop3A_782 = arith.constant 16 : i32
          %parallel_loop3A_783 = arith.muli %parallel_loop3A_496, %parallel_loop3A_782 : i32
          %parallel_loop3A_784 = arith.constant 11 : i32
          %parallel_loop3A_785 = arith.addi %parallel_loop3A_783, %parallel_loop3A_784 : i32
          %parallel_loop3A_786 = arith.constant 11 : i32
          %parallel_loop3A_787 = vector.broadcast %parallel_loop3A_786 : i32 to vector<16x1xi32>
          %parallel_loop3A_788 = vector.shape_cast %parallel_loop3A_787 : vector<16x1xi32> to vector<16xi32>
          %parallel_loop3A_789 = tpu.dynamic_gather %parallel_loop3A_517[%parallel_loop3A_788] in [0] : vector<16xf32>, vector<16xi32> -> vector<16xf32>
          %parallel_loop3A_790 = arith.index_cast %select_n3A_392 : i32 to index
          %parallel_loop3A_791 = arith.index_cast %parallel_loop3A_785 : i32 to index
          %parallel_loop3A_792 = arith.constant 0 : index
          %parallel_loop3A_793 = tpu.vector_load %arg11[%parallel_loop3A_790, %parallel_loop3A_791, %parallel_loop3A_792] {strides = array<i32>} : memref<3x256x32xbf16, #tpu.memory_space<vmem>>, vector<32xbf16>,
          %parallel_loop3A_794 = tpu.unpack_subelements %parallel_loop3A_793, 0 {pack_format = #tpu.pack_format<interleaved>} : vector<32xbf16> -> vector<16xf32>
          %parallel_loop3A_795 = tpu.unpack_subelements %parallel_loop3A_793, 1 {pack_format = #tpu.pack_format<interleaved>} : vector<32xbf16> -> vector<16xf32>
          %parallel_loop3A_796 = arith.mulf %parallel_loop3A_794, %parallel_loop3A_789 : vector<16xf32>
          %parallel_loop3A_797 = arith.index_cast %select_n3A_408 : i32 to index
          %parallel_loop3A_798 = arith.index_cast %parallel_loop3A_785 : i32 to index
          %parallel_loop3A_799 = arith.constant 0 : index
          %parallel_loop3A_800 = tpu.vector_load %arg12[%parallel_loop3A_797, %parallel_loop3A_798, %parallel_loop3A_799] {strides = array<i32>} : memref<2x256x32xf32, #tpu.memory_space<vmem>>, vector<16xf32>,
          tpu.vector_store %arg12[%parallel_loop3A_797, %parallel_loop3A_798, %parallel_loop3A_799], %parallel_loop3A_796 {strides = array<i32>} : memref<2x256x32xf32, #tpu.memory_space<vmem>>, vector<16xf32>,
          %parallel_loop3A_801 = arith.mulf %parallel_loop3A_795, %parallel_loop3A_789 : vector<16xf32>
          %parallel_loop3A_802 = arith.index_cast %select_n3A_408 : i32 to index
          %parallel_loop3A_803 = arith.index_cast %parallel_loop3A_785 : i32 to index
          %parallel_loop3A_804 = arith.constant 16 : index
          %parallel_loop3A_805 = tpu.vector_load %arg12[%parallel_loop3A_802, %parallel_loop3A_803, %parallel_loop3A_804] {strides = array<i32>} : memref<2x256x32xf32, #tpu.memory_space<vmem>>, vector<16xf32>,
          tpu.vector_store %arg12[%parallel_loop3A_802, %parallel_loop3A_803, %parallel_loop3A_804], %parallel_loop3A_801 {strides = array<i32>} : memref<2x256x32xf32, #tpu.memory_space<vmem>>, vector<16xf32>,
          %parallel_loop3A_806 = arith.constant 16 : i32
          %parallel_loop3A_807 = arith.muli %parallel_loop3A_496, %parallel_loop3A_806 : i32
          %parallel_loop3A_808 = arith.constant 12 : i32
          %parallel_loop3A_809 = arith.addi %parallel_loop3A_807, %parallel_loop3A_808 : i32
          %parallel_loop3A_810 = arith.constant 12 : i32
          %parallel_loop3A_811 = vector.broadcast %parallel_loop3A_810 : i32 to vector<16x1xi32>
          %parallel_loop3A_812 = vector.shape_cast %parallel_loop3A_811 : vector<16x1xi32> to vector<16xi32>
          %parallel_loop3A_813 = tpu.dynamic_gather %parallel_loop3A_517[%parallel_loop3A_812] in [0] : vector<16xf32>, vector<16xi32> -> vector<16xf32>
          %parallel_loop3A_814 = arith.index_cast %select_n3A_392 : i32 to index
          %parallel_loop3A_815 = arith.index_cast %parallel_loop3A_809 : i32 to index
          %parallel_loop3A_816 = arith.constant 0 : index
          %parallel_loop3A_817 = tpu.vector_load %arg11[%parallel_loop3A_814, %parallel_loop3A_815, %parallel_loop3A_816] {strides = array<i32>} : memref<3x256x32xbf16, #tpu.memory_space<vmem>>, vector<32xbf16>,
          %parallel_loop3A_818 = tpu.unpack_subelements %parallel_loop3A_817, 0 {pack_format = #tpu.pack_format<interleaved>} : vector<32xbf16> -> vector<16xf32>
          %parallel_loop3A_819 = tpu.unpack_subelements %parallel_loop3A_817, 1 {pack_format = #tpu.pack_format<interleaved>} : vector<32xbf16> -> vector<16xf32>
          %parallel_loop3A_820 = arith.mulf %parallel_loop3A_818, %parallel_loop3A_813 : vector<16xf32>
          %parallel_loop3A_821 = arith.index_cast %select_n3A_408 : i32 to index
          %parallel_loop3A_822 = arith.index_cast %parallel_loop3A_809 : i32 to index
          %parallel_loop3A_823 = arith.constant 0 : index
          %parallel_loop3A_824 = tpu.vector_load %arg12[%parallel_loop3A_821, %parallel_loop3A_822, %parallel_loop3A_823] {strides = array<i32>} : memref<2x256x32xf32, #tpu.memory_space<vmem>>, vector<16xf32>,
          tpu.vector_store %arg12[%parallel_loop3A_821, %parallel_loop3A_822, %parallel_loop3A_823], %parallel_loop3A_820 {strides = array<i32>} : memref<2x256x32xf32, #tpu.memory_space<vmem>>, vector<16xf32>,
          %parallel_loop3A_825 = arith.mulf %parallel_loop3A_819, %parallel_loop3A_813 : vector<16xf32>
          %parallel_loop3A_826 = arith.index_cast %select_n3A_408 : i32 to index
          %parallel_loop3A_827 = arith.index_cast %parallel_loop3A_809 : i32 to index
          %parallel_loop3A_828 = arith.constant 16 : index
          %parallel_loop3A_829 = tpu.vector_load %arg12[%parallel_loop3A_826, %parallel_loop3A_827, %parallel_loop3A_828] {strides = array<i32>} : memref<2x256x32xf32, #tpu.memory_space<vmem>>, vector<16xf32>,
          tpu.vector_store %arg12[%parallel_loop3A_826, %parallel_loop3A_827, %parallel_loop3A_828], %parallel_loop3A_825 {strides = array<i32>} : memref<2x256x32xf32, #tpu.memory_space<vmem>>, vector<16xf32>,
          %parallel_loop3A_830 = arith.constant 16 : i32
          %parallel_loop3A_831 = arith.muli %parallel_loop3A_496, %parallel_loop3A_830 : i32
          %parallel_loop3A_832 = arith.constant 13 : i32
          %parallel_loop3A_833 = arith.addi %parallel_loop3A_831, %parallel_loop3A_832 : i32
          %parallel_loop3A_834 = arith.constant 13 : i32
          %parallel_loop3A_835 = vector.broadcast %parallel_loop3A_834 : i32 to vector<16x1xi32>
          %parallel_loop3A_836 = vector.shape_cast %parallel_loop3A_835 : vector<16x1xi32> to vector<16xi32>
          %parallel_loop3A_837 = tpu.dynamic_gather %parallel_loop3A_517[%parallel_loop3A_836] in [0] : vector<16xf32>, vector<16xi32> -> vector<16xf32>
          %parallel_loop3A_838 = arith.index_cast %select_n3A_392 : i32 to index
          %parallel_loop3A_839 = arith.index_cast %parallel_loop3A_833 : i32 to index
          %parallel_loop3A_840 = arith.constant 0 : index
          %parallel_loop3A_841 = tpu.vector_load %arg11[%parallel_loop3A_838, %parallel_loop3A_839, %parallel_loop3A_840] {strides = array<i32>} : memref<3x256x32xbf16, #tpu.memory_space<vmem>>, vector<32xbf16>,
          %parallel_loop3A_842 = tpu.unpack_subelements %parallel_loop3A_841, 0 {pack_format = #tpu.pack_format<interleaved>} : vector<32xbf16> -> vector<16xf32>
          %parallel_loop3A_843 = tpu.unpack_subelements %parallel_loop3A_841, 1 {pack_format = #tpu.pack_format<interleaved>} : vector<32xbf16> -> vector<16xf32>
          %parallel_loop3A_844 = arith.mulf %parallel_loop3A_842, %parallel_loop3A_837 : vector<16xf32>
          %parallel_loop3A_845 = arith.index_cast %select_n3A_408 : i32 to index
          %parallel_loop3A_846 = arith.index_cast %parallel_loop3A_833 : i32 to index
          %parallel_loop3A_847 = arith.constant 0 : index
          %parallel_loop3A_848 = tpu.vector_load %arg12[%parallel_loop3A_845, %parallel_loop3A_846, %parallel_loop3A_847] {strides = array<i32>} : memref<2x256x32xf32, #tpu.memory_space<vmem>>, vector<16xf32>,
          tpu.vector_store %arg12[%parallel_loop3A_845, %parallel_loop3A_846, %parallel_loop3A_847], %parallel_loop3A_844 {strides = array<i32>} : memref<2x256x32xf32, #tpu.memory_space<vmem>>, vector<16xf32>,
          %parallel_loop3A_849 = arith.mulf %parallel_loop3A_843, %parallel_loop3A_837 : vector<16xf32>
          %parallel_loop3A_850 = arith.index_cast %select_n3A_408 : i32 to index
          %parallel_loop3A_851 = arith.index_cast %parallel_loop3A_833 : i32 to index
          %parallel_loop3A_852 = arith.constant 16 : index
          %parallel_loop3A_853 = tpu.vector_load %arg12[%parallel_loop3A_850, %parallel_loop3A_851, %parallel_loop3A_852] {strides = array<i32>} : memref<2x256x32xf32, #tpu.memory_space<vmem>>, vector<16xf32>,
          tpu.vector_store %arg12[%parallel_loop3A_850, %parallel_loop3A_851, %parallel_loop3A_852], %parallel_loop3A_849 {strides = array<i32>} : memref<2x256x32xf32, #tpu.memory_space<vmem>>, vector<16xf32>,
          %parallel_loop3A_854 = arith.constant 16 : i32
          %parallel_loop3A_855 = arith.muli %parallel_loop3A_496, %parallel_loop3A_854 : i32
          %parallel_loop3A_856 = arith.constant 14 : i32
          %parallel_loop3A_857 = arith.addi %parallel_loop3A_855, %parallel_loop3A_856 : i32
          %parallel_loop3A_858 = arith.constant 14 : i32
          %parallel_loop3A_859 = vector.broadcast %parallel_loop3A_858 : i32 to vector<16x1xi32>
          %parallel_loop3A_860 = vector.shape_cast %parallel_loop3A_859 : vector<16x1xi32> to vector<16xi32>
          %parallel_loop3A_861 = tpu.dynamic_gather %parallel_loop3A_517[%parallel_loop3A_860] in [0] : vector<16xf32>, vector<16xi32> -> vector<16xf32>
          %parallel_loop3A_862 = arith.index_cast %select_n3A_392 : i32 to index
          %parallel_loop3A_863 = arith.index_cast %parallel_loop3A_857 : i32 to index
          %parallel_loop3A_864 = arith.constant 0 : index
          %parallel_loop3A_865 = tpu.vector_load %arg11[%parallel_loop3A_862, %parallel_loop3A_863, %parallel_loop3A_864] {strides = array<i32>} : memref<3x256x32xbf16, #tpu.memory_space<vmem>>, vector<32xbf16>,
          %parallel_loop3A_866 = tpu.unpack_subelements %parallel_loop3A_865, 0 {pack_format = #tpu.pack_format<interleaved>} : vector<32xbf16> -> vector<16xf32>
          %parallel_loop3A_867 = tpu.unpack_subelements %parallel_loop3A_865, 1 {pack_format = #tpu.pack_format<interleaved>} : vector<32xbf16> -> vector<16xf32>
          %parallel_loop3A_868 = arith.mulf %parallel_loop3A_866, %parallel_loop3A_861 : vector<16xf32>
          %parallel_loop3A_869 = arith.index_cast %select_n3A_408 : i32 to index
          %parallel_loop3A_870 = arith.index_cast %parallel_loop3A_857 : i32 to index
          %parallel_loop3A_871 = arith.constant 0 : index
          %parallel_loop3A_872 = tpu.vector_load %arg12[%parallel_loop3A_869, %parallel_loop3A_870, %parallel_loop3A_871] {strides = array<i32>} : memref<2x256x32xf32, #tpu.memory_space<vmem>>, vector<16xf32>,
          tpu.vector_store %arg12[%parallel_loop3A_869, %parallel_loop3A_870, %parallel_loop3A_871], %parallel_loop3A_868 {strides = array<i32>} : memref<2x256x32xf32, #tpu.memory_space<vmem>>, vector<16xf32>,
          %parallel_loop3A_873 = arith.mulf %parallel_loop3A_867, %parallel_loop3A_861 : vector<16xf32>
          %parallel_loop3A_874 = arith.index_cast %select_n3A_408 : i32 to index
          %parallel_loop3A_875 = arith.index_cast %parallel_loop3A_857 : i32 to index
          %parallel_loop3A_876 = arith.constant 16 : index
          %parallel_loop3A_877 = tpu.vector_load %arg12[%parallel_loop3A_874, %parallel_loop3A_875, %parallel_loop3A_876] {strides = array<i32>} : memref<2x256x32xf32, #tpu.memory_space<vmem>>, vector<16xf32>,
          tpu.vector_store %arg12[%parallel_loop3A_874, %parallel_loop3A_875, %parallel_loop3A_876], %parallel_loop3A_873 {strides = array<i32>} : memref<2x256x32xf32, #tpu.memory_space<vmem>>, vector<16xf32>,
          %parallel_loop3A_878 = arith.constant 16 : i32
          %parallel_loop3A_879 = arith.muli %parallel_loop3A_496, %parallel_loop3A_878 : i32
          %parallel_loop3A_880 = arith.constant 15 : i32
          %parallel_loop3A_881 = arith.addi %parallel_loop3A_879, %parallel_loop3A_880 : i32
          %parallel_loop3A_882 = arith.constant 15 : i32
          %parallel_loop3A_883 = vector.broadcast %parallel_loop3A_882 : i32 to vector<16x1xi32>
          %parallel_loop3A_884 = vector.shape_cast %parallel_loop3A_883 : vector<16x1xi32> to vector<16xi32>
          %parallel_loop3A_885 = tpu.dynamic_gather %parallel_loop3A_517[%parallel_loop3A_884] in [0] : vector<16xf32>, vector<16xi32> -> vector<16xf32>
          %parallel_loop3A_886 = arith.index_cast %select_n3A_392 : i32 to index
          %parallel_loop3A_887 = arith.index_cast %parallel_loop3A_881 : i32 to index
          %parallel_loop3A_888 = arith.constant 0 : index
          %parallel_loop3A_889 = tpu.vector_load %arg11[%parallel_loop3A_886, %parallel_loop3A_887, %parallel_loop3A_888] {strides = array<i32>} : memref<3x256x32xbf16, #tpu.memory_space<vmem>>, vector<32xbf16>,
          %parallel_loop3A_890 = tpu.unpack_subelements %parallel_loop3A_889, 0 {pack_format = #tpu.pack_format<interleaved>} : vector<32xbf16> -> vector<16xf32>
          %parallel_loop3A_891 = tpu.unpack_subelements %parallel_loop3A_889, 1 {pack_format = #tpu.pack_format<interleaved>} : vector<32xbf16> -> vector<16xf32>
          %parallel_loop3A_892 = arith.mulf %parallel_loop3A_890, %parallel_loop3A_885 : vector<16xf32>
          %parallel_loop3A_893 = arith.index_cast %select_n3A_408 : i32 to index
          %parallel_loop3A_894 = arith.index_cast %parallel_loop3A_881 : i32 to index
          %parallel_loop3A_895 = arith.constant 0 : index
          %parallel_loop3A_896 = tpu.vector_load %arg12[%parallel_loop3A_893, %parallel_loop3A_894, %parallel_loop3A_895] {strides = array<i32>} : memref<2x256x32xf32, #tpu.memory_space<vmem>>, vector<16xf32>,
          tpu.vector_store %arg12[%parallel_loop3A_893, %parallel_loop3A_894, %parallel_loop3A_895], %parallel_loop3A_892 {strides = array<i32>} : memref<2x256x32xf32, #tpu.memory_space<vmem>>, vector<16xf32>,
          %parallel_loop3A_897 = arith.mulf %parallel_loop3A_891, %parallel_loop3A_885 : vector<16xf32>
          %parallel_loop3A_898 = arith.index_cast %select_n3A_408 : i32 to index
          %parallel_loop3A_899 = arith.index_cast %parallel_loop3A_881 : i32 to index
          %parallel_loop3A_900 = arith.constant 16 : index
          %parallel_loop3A_901 = tpu.vector_load %arg12[%parallel_loop3A_898, %parallel_loop3A_899, %parallel_loop3A_900] {strides = array<i32>} : memref<2x256x32xf32, #tpu.memory_space<vmem>>, vector<16xf32>,
          tpu.vector_store %arg12[%parallel_loop3A_898, %parallel_loop3A_899, %parallel_loop3A_900], %parallel_loop3A_897 {strides = array<i32>} : memref<2x256x32xf32, #tpu.memory_space<vmem>>, vector<16xf32>,
        } {sc.loop_unroll_factor = 2 : i64, sc.parallel_access}
        %jit3A_411 = arith.constant 2 : i32
        %eq3A_412 = arith.constant 0 : i32
        %eq3A_413 = arith.cmpi eq, %jit3A_411, %eq3A_412 : i32
        %jit3A_414 = arith.constant 1 : i32
        %select_n3A_415 = arith.select %eq3A_413, %jit3A_414, %jit3A_411 : i32
        %rem3A_416 = arith.remsi %scan3A_222, %select_n3A_415 : i32
        %ne3A_417 = arith.constant 0 : i32
        %ne3A_418 = arith.cmpi ne, %rem3A_416, %ne3A_417 : i32
        %lt3A_419 = arith.constant 0 : i32
        %lt3A_420 = arith.cmpi slt, %rem3A_416, %lt3A_419 : i32
        %lt3A_421 = arith.constant 0 : i32
        %lt3A_422 = arith.cmpi slt, %select_n3A_415, %lt3A_421 : i32
        %ne3A_423 = arith.xori %lt3A_420, %lt3A_422 : i1
        %and3A_424 = arith.andi %ne3A_423, %ne3A_418 : i1
        %add3A_425 = arith.addi %rem3A_416, %select_n3A_415 : i32
        %select_n3A_426 = arith.select %and3A_424, %add3A_425, %rem3A_416 : i32
        %jit3A_427 = arith.constant 3 : i32
        %eq3A_428 = arith.constant 0 : i32
        %eq3A_429 = arith.cmpi eq, %jit3A_427, %eq3A_428 : i32
        %jit3A_430 = arith.constant 1 : i32
        %select_n3A_431 = arith.select %eq3A_429, %jit3A_430, %jit3A_427 : i32
        %rem3A_432 = arith.remsi %scan3A_222, %select_n3A_431 : i32
        %ne3A_433 = arith.constant 0 : i32
        %ne3A_434 = arith.cmpi ne, %rem3A_432, %ne3A_433 : i32
        %lt3A_435 = arith.constant 0 : i32
        %lt3A_436 = arith.cmpi slt, %rem3A_432, %lt3A_435 : i32
        %lt3A_437 = arith.constant 0 : i32
        %lt3A_438 = arith.cmpi slt, %select_n3A_431, %lt3A_437 : i32
        %ne3A_439 = arith.xori %lt3A_436, %lt3A_438 : i1
        %and3A_440 = arith.andi %ne3A_439, %ne3A_434 : i1
        %add3A_441 = arith.addi %rem3A_432, %select_n3A_431 : i32
        %select_n3A_442 = arith.select %and3A_440, %add3A_441, %rem3A_432 : i32
        %dma_start3A_443 = arith.constant 0 : i32
        %dma_start3A_444 = arith.constant 0 : i32
        %dma_start3A_445 = tpu.memref_slice %arg12[%select_n3A_426, %dma_start3A_443, %dma_start3A_444] : memref<2x256x32xf32, #tpu.memory_space<vmem>> -> memref<1x128x32xf32, #tpu.memory_space<vmem>>
        %dma_start3A_446 = tpu.memref_squeeze %dma_start3A_445 : memref<1x128x32xf32, #tpu.memory_space<vmem>> -> memref<128x32xf32, #tpu.memory_space<vmem>>
        %dma_start3A_447 = arith.constant 0 : i32
        %dma_start3A_448 = tpu.memref_slice %arg9[%select_n3A_442, %dma_start3A_447] : memref<3x256xi32, #tpu.memory_space<vmem>> -> memref<1x128xi32, #tpu.memory_space<vmem>>
        %dma_start3A_449 = tpu.memref_squeeze %dma_start3A_448 : memref<1x128xi32, #tpu.memory_space<vmem>> -> memref<128xi32, #tpu.memory_space<vmem>>
        %dma_start3A_450 = arith.constant 0 : i32
        %dma_start3A_451 = arith.constant 0 : i32
        %dma_start3A_452 = tpu.memref_slice %arg13[%dma_start3A_450, %dma_start3A_451] : memref<50048x32xf32, #tpu.memory_space<vmem_shared>> -> memref<50048x32xf32, #tpu.memory_space<vmem_shared>>
        tpu.enqueue_indirect_dma source(%dma_start3A_446 : memref<128x32xf32, #tpu.memory_space<vmem>>) target(%dma_start3A_452 : memref<50048x32xf32, #tpu.memory_space<vmem_shared>>) offsets(%dma_start3A_449 : memref<128xi32, #tpu.memory_space<vmem>>) semaphore(%arg15 : memref<!tpu.dma_semaphore, #tpu.memory_space<semaphore_mem>>) {add = true}
        %jit3A_453 = arith.constant 2 : i32
        %eq3A_454 = arith.constant 0 : i32
        %eq3A_455 = arith.cmpi eq, %jit3A_453, %eq3A_454 : i32
        %jit3A_456 = arith.constant 1 : i32
        %select_n3A_457 = arith.select %eq3A_455, %jit3A_456, %jit3A_453 : i32
        %rem3A_458 = arith.remsi %scan3A_222, %select_n3A_457 : i32
        %ne3A_459 = arith.constant 0 : i32
        %ne3A_460 = arith.cmpi ne, %rem3A_458, %ne3A_459 : i32
        %lt3A_461 = arith.constant 0 : i32
        %lt3A_462 = arith.cmpi slt, %rem3A_458, %lt3A_461 : i32
        %lt3A_463 = arith.constant 0 : i32
        %lt3A_464 = arith.cmpi slt, %select_n3A_457, %lt3A_463 : i32
        %ne3A_465 = arith.xori %lt3A_462, %lt3A_464 : i1
        %and3A_466 = arith.andi %ne3A_465, %ne3A_460 : i1
        %add3A_467 = arith.addi %rem3A_458, %select_n3A_457 : i32
        %select_n3A_468 = arith.select %and3A_466, %add3A_467, %rem3A_458 : i32
        %jit3A_469 = arith.constant 3 : i32
        %eq3A_470 = arith.constant 0 : i32
        %eq3A_471 = arith.cmpi eq, %jit3A_469, %eq3A_470 : i32
        %jit3A_472 = arith.constant 1 : i32
        %select_n3A_473 = arith.select %eq3A_471, %jit3A_472, %jit3A_469 : i32
        %rem3A_474 = arith.remsi %scan3A_222, %select_n3A_473 : i32
        %ne3A_475 = arith.constant 0 : i32
        %ne3A_476 = arith.cmpi ne, %rem3A_474, %ne3A_475 : i32
        %lt3A_477 = arith.constant 0 : i32
        %lt3A_478 = arith.cmpi slt, %rem3A_474, %lt3A_477 : i32
        %lt3A_479 = arith.constant 0 : i32
        %lt3A_480 = arith.cmpi slt, %select_n3A_473, %lt3A_479 : i32
        %ne3A_481 = arith.xori %lt3A_478, %lt3A_480 : i1
        %and3A_482 = arith.andi %ne3A_481, %ne3A_476 : i1
        %add3A_483 = arith.addi %rem3A_474, %select_n3A_473 : i32
        %select_n3A_484 = arith.select %and3A_482, %add3A_483, %rem3A_474 : i32
        %dma_start3A_485 = arith.constant 128 : i32
        %dma_start3A_486 = arith.constant 0 : i32
        %dma_start3A_487 = tpu.memref_slice %arg12[%select_n3A_468, %dma_start3A_485, %dma_start3A_486] : memref<2x256x32xf32, #tpu.memory_space<vmem>> -> memref<1x128x32xf32, #tpu.memory_space<vmem>>
        %dma_start3A_488 = tpu.memref_squeeze %dma_start3A_487 : memref<1x128x32xf32, #tpu.memory_space<vmem>> -> memref<128x32xf32, #tpu.memory_space<vmem>>
        %dma_start3A_489 = arith.constant 128 : i32
        %dma_start3A_490 = tpu.memref_slice %arg9[%select_n3A_484, %dma_start3A_489] : memref<3x256xi32, #tpu.memory_space<vmem>> -> memref<1x128xi32, #tpu.memory_space<vmem>>
        %dma_start3A_491 = tpu.memref_squeeze %dma_start3A_490 : memref<1x128xi32, #tpu.memory_space<vmem>> -> memref<128xi32, #tpu.memory_space<vmem>>
        %dma_start3A_492 = arith.constant 0 : i32
        %dma_start3A_493 = arith.constant 0 : i32
        %dma_start3A_494 = tpu.memref_slice %arg13[%dma_start3A_492, %dma_start3A_493] : memref<50048x32xf32, #tpu.memory_space<vmem_shared>> -> memref<50048x32xf32, #tpu.memory_space<vmem_shared>>
        tpu.enqueue_indirect_dma source(%dma_start3A_488 : memref<128x32xf32, #tpu.memory_space<vmem>>) target(%dma_start3A_494 : memref<50048x32xf32, #tpu.memory_space<vmem_shared>>) offsets(%dma_start3A_491 : memref<128xi32, #tpu.memory_space<vmem>>) semaphore(%arg15 : memref<!tpu.dma_semaphore, #tpu.memory_space<semaphore_mem>>) {add = true}
        %scan3A_495 = arith.constant 0 : i32
        scf.yield %scan3A_495 : i32
      }
      %scan3A_169 = arith.constant 200 : i32
      %dma_wait3A_170 = arith.constant 0 : i32
      %dma_wait3A_171 = arith.constant 0 : i32
      %dma_wait3A_172 = arith.constant 0 : i32
      %dma_wait3A_173 = arith.constant 0 : i32
      %dma_wait3A_174 = tpu.memref_slice %arg12[%dma_wait3A_170, %dma_wait3A_172, %dma_wait3A_173] : memref<2x256x32xf32, #tpu.memory_space<vmem>> -> memref<1x128x32xf32, #tpu.memory_space<vmem>>
      %dma_wait3A_175 = tpu.memref_squeeze %dma_wait3A_174 : memref<1x128x32xf32, #tpu.memory_space<vmem>> -> memref<128x32xf32, #tpu.memory_space<vmem>>
      %dma_wait3A_176 = arith.constant 0 : i32
      %dma_wait3A_177 = tpu.memref_slice %arg9[%dma_wait3A_171, %dma_wait3A_176] : memref<3x256xi32, #tpu.memory_space<vmem>> -> memref<1x128xi32, #tpu.memory_space<vmem>>
      %dma_wait3A_178 = tpu.memref_squeeze %dma_wait3A_177 : memref<1x128xi32, #tpu.memory_space<vmem>> -> memref<128xi32, #tpu.memory_space<vmem>>
      %dma_wait3A_179 = arith.constant 0 : i32
      %dma_wait3A_180 = arith.constant 0 : i32
      %dma_wait3A_181 = tpu.memref_slice %arg13[%dma_wait3A_179, %dma_wait3A_180] : memref<50048x32xf32, #tpu.memory_space<vmem_shared>> -> memref<50048x32xf32, #tpu.memory_space<vmem_shared>>
      tpu.wait_indirect_dma semaphore(%arg15 : memref<!tpu.dma_semaphore, #tpu.memory_space<semaphore_mem>>) src(%dma_wait3A_175 : memref<128x32xf32, #tpu.memory_space<vmem>>) dst(%dma_wait3A_181 : memref<50048x32xf32, #tpu.memory_space<vmem_shared>>)
      %dma_wait3A_182 = arith.constant 0 : i32
      %dma_wait3A_183 = arith.constant 0 : i32
      %dma_wait3A_184 = arith.constant 128 : i32
      %dma_wait3A_185 = arith.constant 0 : i32
      %dma_wait3A_186 = tpu.memref_slice %arg12[%dma_wait3A_182, %dma_wait3A_184, %dma_wait3A_185] : memref<2x256x32xf32, #tpu.memory_space<vmem>> -> memref<1x128x32xf32, #tpu.memory_space<vmem>>
      %dma_wait3A_187 = tpu.memref_squeeze %dma_wait3A_186 : memref<1x128x32xf32, #tpu.memory_space<vmem>> -> memref<128x32xf32, #tpu.memory_space<vmem>>
      %dma_wait3A_188 = arith.constant 128 : i32
      %dma_wait3A_189 = tpu.memref_slice %arg9[%dma_wait3A_183, %dma_wait3A_188] : memref<3x256xi32, #tpu.memory_space<vmem>> -> memref<1x128xi32, #tpu.memory_space<vmem>>
      %dma_wait3A_190 = tpu.memref_squeeze %dma_wait3A_189 : memref<1x128xi32, #tpu.memory_space<vmem>> -> memref<128xi32, #tpu.memory_space<vmem>>
      %dma_wait3A_191 = arith.constant 0 : i32
      %dma_wait3A_192 = arith.constant 0 : i32
      %dma_wait3A_193 = tpu.memref_slice %arg13[%dma_wait3A_191, %dma_wait3A_192] : memref<50048x32xf32, #tpu.memory_space<vmem_shared>> -> memref<50048x32xf32, #tpu.memory_space<vmem_shared>>
      tpu.wait_indirect_dma semaphore(%arg15 : memref<!tpu.dma_semaphore, #tpu.memory_space<semaphore_mem>>) src(%dma_wait3A_187 : memref<128x32xf32, #tpu.memory_space<vmem>>) dst(%dma_wait3A_193 : memref<50048x32xf32, #tpu.memory_space<vmem_shared>>)
      %dma_wait3A_194 = arith.constant 1 : i32
      %dma_wait3A_195 = arith.constant 1 : i32
      %dma_wait3A_196 = arith.constant 0 : i32
      %dma_wait3A_197 = arith.constant 0 : i32
      %dma_wait3A_198 = tpu.memref_slice %arg12[%dma_wait3A_194, %dma_wait3A_196, %dma_wait3A_197] : memref<2x256x32xf32, #tpu.memory_space<vmem>> -> memref<1x128x32xf32, #tpu.memory_space<vmem>>
      %dma_wait3A_199 = tpu.memref_squeeze %dma_wait3A_198 : memref<1x128x32xf32, #tpu.memory_space<vmem>> -> memref<128x32xf32, #tpu.memory_space<vmem>>
      %dma_wait3A_200 = arith.constant 0 : i32
      %dma_wait3A_201 = tpu.memref_slice %arg9[%dma_wait3A_195, %dma_wait3A_200] : memref<3x256xi32, #tpu.memory_space<vmem>> -> memref<1x128xi32, #tpu.memory_space<vmem>>
      %dma_wait3A_202 = tpu.memref_squeeze %dma_wait3A_201 : memref<1x128xi32, #tpu.memory_space<vmem>> -> memref<128xi32, #tpu.memory_space<vmem>>
      %dma_wait3A_203 = arith.constant 0 : i32
      %dma_wait3A_204 = arith.constant 0 : i32
      %dma_wait3A_205 = tpu.memref_slice %arg13[%dma_wait3A_203, %dma_wait3A_204] : memref<50048x32xf32, #tpu.memory_space<vmem_shared>> -> memref<50048x32xf32, #tpu.memory_space<vmem_shared>>
      tpu.wait_indirect_dma semaphore(%arg15 : memref<!tpu.dma_semaphore, #tpu.memory_space<semaphore_mem>>) src(%dma_wait3A_199 : memref<128x32xf32, #tpu.memory_space<vmem>>) dst(%dma_wait3A_205 : memref<50048x32xf32, #tpu.memory_space<vmem_shared>>)
      %dma_wait3A_206 = arith.constant 1 : i32
      %dma_wait3A_207 = arith.constant 1 : i32
      %dma_wait3A_208 = arith.constant 128 : i32
      %dma_wait3A_209 = arith.constant 0 : i32
      %dma_wait3A_210 = tpu.memref_slice %arg12[%dma_wait3A_206, %dma_wait3A_208, %dma_wait3A_209] : memref<2x256x32xf32, #tpu.memory_space<vmem>> -> memref<1x128x32xf32, #tpu.memory_space<vmem>>
      %dma_wait3A_211 = tpu.memref_squeeze %dma_wait3A_210 : memref<1x128x32xf32, #tpu.memory_space<vmem>> -> memref<128x32xf32, #tpu.memory_space<vmem>>
      %dma_wait3A_212 = arith.constant 128 : i32
      %dma_wait3A_213 = tpu.memref_slice %arg9[%dma_wait3A_207, %dma_wait3A_212] : memref<3x256xi32, #tpu.memory_space<vmem>> -> memref<1x128xi32, #tpu.memory_space<vmem>>
      %dma_wait3A_214 = tpu.memref_squeeze %dma_wait3A_213 : memref<1x128xi32, #tpu.memory_space<vmem>> -> memref<128xi32, #tpu.memory_space<vmem>>
      %dma_wait3A_215 = arith.constant 0 : i32
      %dma_wait3A_216 = arith.constant 0 : i32
      %dma_wait3A_217 = tpu.memref_slice %arg13[%dma_wait3A_215, %dma_wait3A_216] : memref<50048x32xf32, #tpu.memory_space<vmem_shared>> -> memref<50048x32xf32, #tpu.memory_space<vmem_shared>>
      tpu.wait_indirect_dma semaphore(%arg15 : memref<!tpu.dma_semaphore, #tpu.memory_space<semaphore_mem>>) src(%dma_wait3A_211 : memref<128x32xf32, #tpu.memory_space<vmem>>) dst(%dma_wait3A_217 : memref<50048x32xf32, #tpu.memory_space<vmem_shared>>)
      %barrier3A_218 = arith.constant 0 : index
      tpu.barrier barrier_id(%barrier3A_218)
      %add3A_219 = arith.addi %mul3A_14, %mul3A_2 : i32
      "tpu.region"() ({
        %run_scoped3A = tpu.sem_alloc : memref<!tpu.dma_semaphore, #tpu.memory_space<semaphore_mem>>
        %dma_start3A_222 = arith.constant 0 : i32
        %dma_start3A_223 = tpu.memref_slice %arg7[%add3A_219, %dma_start3A_222] : memref<200192x32xf32, #tpu.memory_space<hbm>> -> memref<3128x32xf32, #tpu.memory_space<hbm>>
        %dma_start3A_224 = arith.constant 0 : i32
        %dma_start3A_225 = tpu.memref_slice %arg13[%mul3A_2, %dma_start3A_224] : memref<50048x32xf32, #tpu.memory_space<vmem_shared>> -> memref<3128x32xf32, #tpu.memory_space<vmem_shared>>
        tpu.enqueue_dma source(%dma_start3A_225 : memref<3128x32xf32, #tpu.memory_space<vmem_shared>>) target(%dma_start3A_223 : memref<3128x32xf32, #tpu.memory_space<hbm>>) target_semaphore(%run_scoped3A : memref<!tpu.dma_semaphore, #tpu.memory_space<semaphore_mem>>)
        %dma_wait3A_226 = arith.constant 0 : i32
        %dma_wait3A_227 = tpu.memref_slice %arg7[%add3A_219, %dma_wait3A_226] : memref<200192x32xf32, #tpu.memory_space<hbm>> -> memref<3128x32xf32, #tpu.memory_space<hbm>>
        %dma_wait3A_228 = arith.constant 0 : i32
        %dma_wait3A_229 = tpu.memref_slice %arg13[%mul3A_2, %dma_wait3A_228] : memref<50048x32xf32, #tpu.memory_space<vmem_shared>> -> memref<3128x32xf32, #tpu.memory_space<vmem_shared>>
        tpu.wait_dma2 semaphore(%run_scoped3A : memref<!tpu.dma_semaphore, #tpu.memory_space<semaphore_mem>>) src(%dma_wait3A_229 : memref<3128x32xf32, #tpu.memory_space<vmem_shared>>) dst(%dma_wait3A_227 : memref<3128x32xf32, #tpu.memory_space<hbm>>)
        tpu.yield
      }) : () -> ()
      %barrier3A_220 = arith.constant 0 : index
      tpu.barrier barrier_id(%barrier3A_220)
      %scan3A_221 = arith.constant 0 : i32
      scf.yield %scan3A_221 : i32
    }
    %scan3A_8 = arith.constant 2 : i32
    return
  }
}

#map = affine_map<(d0, d1) -> (0, 0)>
#map1 = affine_map<(d0, d1) -> (0)>
module attributes {stable_mosaic.version = 14 : i64} {
  func.func @_prop_body(%arg0: i32, %arg1: i32, %arg2: memref<200192x32xbf16, #tpu.memory_space<hbm>>, %arg3: memref<50048x32xf32, #tpu.memory_space<hbm>>, %arg4: memref<3276800xi32, #tpu.memory_space<hbm>>, %arg5: memref<819200xi32, #tpu.memory_space<hbm>>, %arg6: memref<819200xf32, #tpu.memory_space<hbm>>, %arg7: memref<200192x32xf32, #tpu.memory_space<hbm>>, %arg8: memref<3x256xi32, #tpu.memory_space<vmem>>, %arg9: memref<3x256xi32, #tpu.memory_space<vmem>>, %arg10: memref<2x256xf32, #tpu.memory_space<vmem>>, %arg11: memref<3x256x32xbf16, #tpu.memory_space<vmem>>, %arg12: memref<2x256x32xf32, #tpu.memory_space<vmem>>, %arg13: memref<50048x32xf32, #tpu.memory_space<vmem_shared>>, %arg14: memref<!tpu.dma_semaphore, #tpu.memory_space<semaphore_mem>>, %arg15: memref<!tpu.dma_semaphore, #tpu.memory_space<semaphore_mem>>, %arg16: memref<!tpu.dma_semaphore, #tpu.memory_space<semaphore_mem>>, %arg17: memref<!tpu.dma_semaphore, #tpu.memory_space<semaphore_mem>>) attributes {dimension_semantics = [#tpu.dimension_semantics<core_parallel>, #tpu.dimension_semantics<subcore_parallel>], iteration_bounds = array<i64: 2, 16>, scalar_prefetch = 0 : i64, scratch_operands = 10 : i64, tpu.core_type = #tpu.core_type<sc_vector_subcore>, window_params = [{transform_indices = #map}, {transform_indices = #map}, {transform_indices = #map1}, {transform_indices = #map1}, {transform_indices = #map1}, {transform_indices = #map}]} {
    %mul3A = arith.constant 400 : i32
    %mul3A_0 = arith.muli %arg1, %mul3A : i32
    %mul3A_1 = arith.constant 3128 : i32
    %mul3A_2 = arith.muli %arg1, %mul3A_1 : i32
    %scan3A = arith.constant 0 : i32
    %scan3A_3 = arith.constant 0 : i32
    %scan3A_4 = arith.constant 2 : i32
    %scan3A_5 = arith.addi %scan3A_3, %scan3A_4 : i32
    %scan3A_6 = arith.constant 1 : i32
    %scan3A_7 = scf.for %scan3A_9 = %scan3A_3 to %scan3A_5 step %scan3A_6 iter_args(%scan3A_10 = %scan3A) -> (i32)  : i32 {
      %mul3A_11 = arith.constant 2 : i32
      %mul3A_12 = arith.muli %arg0, %mul3A_11 : i32
      %add3A = arith.addi %mul3A_12, %scan3A_9 : i32
      %mul3A_13 = arith.constant 50048 : i32
      %mul3A_14 = arith.muli %add3A, %mul3A_13 : i32
      "tpu.region"() ({
        %run_scoped3A = tpu.sem_alloc : memref<!tpu.dma_semaphore, #tpu.memory_space<semaphore_mem>>
        %dma_start3A_222 = arith.constant 0 : i32
        %dma_start3A_223 = tpu.memref_slice %arg13[%mul3A_2, %dma_start3A_222] : memref<50048x32xf32, #tpu.memory_space<vmem_shared>> -> memref<3128x32xf32, #tpu.memory_space<vmem_shared>>
        %dma_start3A_224 = arith.constant 0 : i32
        %dma_start3A_225 = tpu.memref_slice %arg3[%mul3A_2, %dma_start3A_224] : memref<50048x32xf32, #tpu.memory_space<hbm>> -> memref<3128x32xf32, #tpu.memory_space<hbm>>
        tpu.enqueue_dma source(%dma_start3A_225 : memref<3128x32xf32, #tpu.memory_space<hbm>>) target(%dma_start3A_223 : memref<3128x32xf32, #tpu.memory_space<vmem_shared>>) target_semaphore(%run_scoped3A : memref<!tpu.dma_semaphore, #tpu.memory_space<semaphore_mem>>)
        %dma_wait3A_226 = arith.constant 0 : i32
        %dma_wait3A_227 = tpu.memref_slice %arg13[%mul3A_2, %dma_wait3A_226] : memref<50048x32xf32, #tpu.memory_space<vmem_shared>> -> memref<3128x32xf32, #tpu.memory_space<vmem_shared>>
        %dma_wait3A_228 = arith.constant 0 : i32
        %dma_wait3A_229 = tpu.memref_slice %arg3[%mul3A_2, %dma_wait3A_228] : memref<50048x32xf32, #tpu.memory_space<hbm>> -> memref<3128x32xf32, #tpu.memory_space<hbm>>
        tpu.wait_dma2 semaphore(%run_scoped3A : memref<!tpu.dma_semaphore, #tpu.memory_space<semaphore_mem>>) src(%dma_wait3A_229 : memref<3128x32xf32, #tpu.memory_space<hbm>>) dst(%dma_wait3A_227 : memref<3128x32xf32, #tpu.memory_space<vmem_shared>>)
        tpu.yield
      }) : () -> ()
      %barrier3A = arith.constant 0 : index
      tpu.barrier barrier_id(%barrier3A)
      %add3A_15 = arith.constant 0 : i32
      %add3A_16 = arith.addi %mul3A_0, %add3A_15 : i32
      %mul3A_17 = arith.constant 128 : i32
      %mul3A_18 = arith.muli %add3A_16, %mul3A_17 : i32
      %mul3A_19 = arith.constant 819200 : i32
      %mul3A_20 = arith.muli %add3A, %mul3A_19 : i32
      %add3A_21 = arith.addi %mul3A_20, %mul3A_18 : i32
      %dma_start3A = arith.constant 0 : i32
      %dma_start3A_22 = arith.constant 0 : i32
      %dma_start3A_23 = tpu.memref_slice %arg8[%dma_start3A, %dma_start3A_22] : memref<3x256xi32, #tpu.memory_space<vmem>> -> memref<1x256xi32, #tpu.memory_space<vmem>>
      %dma_start3A_24 = tpu.memref_squeeze %dma_start3A_23 : memref<1x256xi32, #tpu.memory_space<vmem>> -> memref<256xi32, #tpu.memory_space<vmem>>
      %dma_start3A_25 = tpu.memref_slice %arg4[%add3A_21] : memref<3276800xi32, #tpu.memory_space<hbm>> -> memref<256xi32, #tpu.memory_space<hbm>>
      %dma_start3A_26 = arith.constant 0 : i32
      %dma_start3A_27 = tpu.memref_slice %arg8[%dma_start3A, %dma_start3A_26] : memref<3x256xi32, #tpu.memory_space<vmem>> -> memref<1x256xi32, #tpu.memory_space<vmem>>
      %dma_start3A_28 = tpu.memref_squeeze %dma_start3A_27 : memref<1x256xi32, #tpu.memory_space<vmem>> -> memref<256xi32, #tpu.memory_space<vmem>>
      %dma_start3A_29 = tpu.memref_slice %arg4[%add3A_21] : memref<3276800xi32, #tpu.memory_space<hbm>> -> memref<256xi32, #tpu.memory_space<hbm>>
      tpu.enqueue_dma source(%dma_start3A_29 : memref<256xi32, #tpu.memory_space<hbm>>) target(%dma_start3A_28 : memref<256xi32, #tpu.memory_space<vmem>>) target_semaphore(%arg16 : memref<!tpu.dma_semaphore, #tpu.memory_space<semaphore_mem>>)
      %add3A_30 = arith.constant 2 : i32
      %add3A_31 = arith.addi %mul3A_0, %add3A_30 : i32
      %mul3A_32 = arith.constant 128 : i32
      %mul3A_33 = arith.muli %add3A_31, %mul3A_32 : i32
      %mul3A_34 = arith.constant 819200 : i32
      %mul3A_35 = arith.muli %add3A, %mul3A_34 : i32
      %add3A_36 = arith.addi %mul3A_35, %mul3A_33 : i32
      %dma_start3A_37 = arith.constant 1 : i32
      %dma_start3A_38 = arith.constant 0 : i32
      %dma_start3A_39 = tpu.memref_slice %arg8[%dma_start3A_37, %dma_start3A_38] : memref<3x256xi32, #tpu.memory_space<vmem>> -> memref<1x256xi32, #tpu.memory_space<vmem>>
      %dma_start3A_40 = tpu.memref_squeeze %dma_start3A_39 : memref<1x256xi32, #tpu.memory_space<vmem>> -> memref<256xi32, #tpu.memory_space<vmem>>
      %dma_start3A_41 = tpu.memref_slice %arg4[%add3A_36] : memref<3276800xi32, #tpu.memory_space<hbm>> -> memref<256xi32, #tpu.memory_space<hbm>>
      %dma_start3A_42 = arith.constant 0 : i32
      %dma_start3A_43 = tpu.memref_slice %arg8[%dma_start3A_37, %dma_start3A_42] : memref<3x256xi32, #tpu.memory_space<vmem>> -> memref<1x256xi32, #tpu.memory_space<vmem>>
      %dma_start3A_44 = tpu.memref_squeeze %dma_start3A_43 : memref<1x256xi32, #tpu.memory_space<vmem>> -> memref<256xi32, #tpu.memory_space<vmem>>
      %dma_start3A_45 = tpu.memref_slice %arg4[%add3A_36] : memref<3276800xi32, #tpu.memory_space<hbm>> -> memref<256xi32, #tpu.memory_space<hbm>>
      tpu.enqueue_dma source(%dma_start3A_45 : memref<256xi32, #tpu.memory_space<hbm>>) target(%dma_start3A_44 : memref<256xi32, #tpu.memory_space<vmem>>) target_semaphore(%arg16 : memref<!tpu.dma_semaphore, #tpu.memory_space<semaphore_mem>>)
      %add3A_46 = arith.constant 4 : i32
      %add3A_47 = arith.addi %mul3A_0, %add3A_46 : i32
      %mul3A_48 = arith.constant 128 : i32
      %mul3A_49 = arith.muli %add3A_47, %mul3A_48 : i32
      %mul3A_50 = arith.constant 819200 : i32
      %mul3A_51 = arith.muli %add3A, %mul3A_50 : i32
      %add3A_52 = arith.addi %mul3A_51, %mul3A_49 : i32
      %dma_start3A_53 = arith.constant 2 : i32
      %dma_start3A_54 = arith.constant 0 : i32
      %dma_start3A_55 = tpu.memref_slice %arg8[%dma_start3A_53, %dma_start3A_54] : memref<3x256xi32, #tpu.memory_space<vmem>> -> memref<1x256xi32, #tpu.memory_space<vmem>>
      %dma_start3A_56 = tpu.memref_squeeze %dma_start3A_55 : memref<1x256xi32, #tpu.memory_space<vmem>> -> memref<256xi32, #tpu.memory_space<vmem>>
      %dma_start3A_57 = tpu.memref_slice %arg4[%add3A_52] : memref<3276800xi32, #tpu.memory_space<hbm>> -> memref<256xi32, #tpu.memory_space<hbm>>
      %dma_start3A_58 = arith.constant 0 : i32
      %dma_start3A_59 = tpu.memref_slice %arg8[%dma_start3A_53, %dma_start3A_58] : memref<3x256xi32, #tpu.memory_space<vmem>> -> memref<1x256xi32, #tpu.memory_space<vmem>>
      %dma_start3A_60 = tpu.memref_squeeze %dma_start3A_59 : memref<1x256xi32, #tpu.memory_space<vmem>> -> memref<256xi32, #tpu.memory_space<vmem>>
      %dma_start3A_61 = tpu.memref_slice %arg4[%add3A_52] : memref<3276800xi32, #tpu.memory_space<hbm>> -> memref<256xi32, #tpu.memory_space<hbm>>
      tpu.enqueue_dma source(%dma_start3A_61 : memref<256xi32, #tpu.memory_space<hbm>>) target(%dma_start3A_60 : memref<256xi32, #tpu.memory_space<vmem>>) target_semaphore(%arg16 : memref<!tpu.dma_semaphore, #tpu.memory_space<semaphore_mem>>)
      %add3A_62 = arith.constant 0 : i32
      %add3A_63 = arith.addi %mul3A_0, %add3A_62 : i32
      %mul3A_64 = arith.constant 128 : i32
      %mul3A_65 = arith.muli %add3A_63, %mul3A_64 : i32
      %mul3A_66 = arith.constant 819200 : i32
      %mul3A_67 = arith.muli %add3A, %mul3A_66 : i32
      %add3A_68 = arith.addi %mul3A_67, %mul3A_65 : i32
      %dma_wait3A = arith.constant 0 : i32
      %dma_wait3A_69 = arith.constant 0 : i32
      %dma_wait3A_70 = tpu.memref_slice %arg8[%dma_wait3A, %dma_wait3A_69] : memref<3x256xi32, #tpu.memory_space<vmem>> -> memref<1x256xi32, #tpu.memory_space<vmem>>
      %dma_wait3A_71 = tpu.memref_squeeze %dma_wait3A_70 : memref<1x256xi32, #tpu.memory_space<vmem>> -> memref<256xi32, #tpu.memory_space<vmem>>
      %dma_wait3A_72 = tpu.memref_slice %arg4[%add3A_68] : memref<3276800xi32, #tpu.memory_space<hbm>> -> memref<256xi32, #tpu.memory_space<hbm>>
      %dma_wait3A_73 = arith.constant 0 : i32
      %dma_wait3A_74 = tpu.memref_slice %arg8[%dma_wait3A, %dma_wait3A_73] : memref<3x256xi32, #tpu.memory_space<vmem>> -> memref<1x256xi32, #tpu.memory_space<vmem>>
      %dma_wait3A_75 = tpu.memref_squeeze %dma_wait3A_74 : memref<1x256xi32, #tpu.memory_space<vmem>> -> memref<256xi32, #tpu.memory_space<vmem>>
      %dma_wait3A_76 = tpu.memref_slice %arg4[%add3A_68] : memref<3276800xi32, #tpu.memory_space<hbm>> -> memref<256xi32, #tpu.memory_space<hbm>>
      tpu.wait_dma2 semaphore(%arg16 : memref<!tpu.dma_semaphore, #tpu.memory_space<semaphore_mem>>) src(%dma_wait3A_76 : memref<256xi32, #tpu.memory_space<hbm>>) dst(%dma_wait3A_75 : memref<256xi32, #tpu.memory_space<vmem>>)
      %dma_start3A_77 = arith.constant 0 : i32
      %dma_start3A_78 = arith.constant 0 : i32
      %dma_start3A_79 = arith.constant 0 : i32
      %dma_start3A_80 = arith.constant 0 : i32
      %dma_start3A_81 = tpu.memref_slice %arg11[%dma_start3A_78, %dma_start3A_79, %dma_start3A_80] : memref<3x256x32xbf16, #tpu.memory_space<vmem>> -> memref<1x128x32xbf16, #tpu.memory_space<vmem>>
      %dma_start3A_82 = tpu.memref_squeeze %dma_start3A_81 : memref<1x128x32xbf16, #tpu.memory_space<vmem>> -> memref<128x32xbf16, #tpu.memory_space<vmem>>
      %dma_start3A_83 = arith.constant 0 : i32
      %dma_start3A_84 = tpu.memref_slice %arg8[%dma_start3A_77, %dma_start3A_83] : memref<3x256xi32, #tpu.memory_space<vmem>> -> memref<1x128xi32, #tpu.memory_space<vmem>>
      %dma_start3A_85 = tpu.memref_squeeze %dma_start3A_84 : memref<1x128xi32, #tpu.memory_space<vmem>> -> memref<128xi32, #tpu.memory_space<vmem>>
      %dma_start3A_86 = arith.constant 0 : i32
      %dma_start3A_87 = arith.constant 0 : i32
      %dma_start3A_88 = tpu.memref_slice %arg2[%dma_start3A_86, %dma_start3A_87] : memref<200192x32xbf16, #tpu.memory_space<hbm>> -> memref<200192x32xbf16, #tpu.memory_space<hbm>>
      tpu.enqueue_indirect_dma source(%dma_start3A_88 : memref<200192x32xbf16, #tpu.memory_space<hbm>>) target(%dma_start3A_82 : memref<128x32xbf16, #tpu.memory_space<vmem>>) offsets(%dma_start3A_85 : memref<128xi32, #tpu.memory_space<vmem>>) semaphore(%arg14 : memref<!tpu.dma_semaphore, #tpu.memory_space<semaphore_mem>>)
      %dma_start3A_89 = arith.constant 0 : i32
      %dma_start3A_90 = arith.constant 0 : i32
      %dma_start3A_91 = arith.constant 128 : i32
      %dma_start3A_92 = arith.constant 0 : i32
      %dma_start3A_93 = tpu.memref_slice %arg11[%dma_start3A_90, %dma_start3A_91, %dma_start3A_92] : memref<3x256x32xbf16, #tpu.memory_space<vmem>> -> memref<1x128x32xbf16, #tpu.memory_space<vmem>>
      %dma_start3A_94 = tpu.memref_squeeze %dma_start3A_93 : memref<1x128x32xbf16, #tpu.memory_space<vmem>> -> memref<128x32xbf16, #tpu.memory_space<vmem>>
      %dma_start3A_95 = arith.constant 128 : i32
      %dma_start3A_96 = tpu.memref_slice %arg8[%dma_start3A_89, %dma_start3A_95] : memref<3x256xi32, #tpu.memory_space<vmem>> -> memref<1x128xi32, #tpu.memory_space<vmem>>
      %dma_start3A_97 = tpu.memref_squeeze %dma_start3A_96 : memref<1x128xi32, #tpu.memory_space<vmem>> -> memref<128xi32, #tpu.memory_space<vmem>>
      %dma_start3A_98 = arith.constant 0 : i32
      %dma_start3A_99 = arith.constant 0 : i32
      %dma_start3A_100 = tpu.memref_slice %arg2[%dma_start3A_98, %dma_start3A_99] : memref<200192x32xbf16, #tpu.memory_space<hbm>> -> memref<200192x32xbf16, #tpu.memory_space<hbm>>
      tpu.enqueue_indirect_dma source(%dma_start3A_100 : memref<200192x32xbf16, #tpu.memory_space<hbm>>) target(%dma_start3A_94 : memref<128x32xbf16, #tpu.memory_space<vmem>>) offsets(%dma_start3A_97 : memref<128xi32, #tpu.memory_space<vmem>>) semaphore(%arg14 : memref<!tpu.dma_semaphore, #tpu.memory_space<semaphore_mem>>)
      %add3A_101 = arith.constant 2 : i32
      %add3A_102 = arith.addi %mul3A_0, %add3A_101 : i32
      %mul3A_103 = arith.constant 128 : i32
      %mul3A_104 = arith.muli %add3A_102, %mul3A_103 : i32
      %mul3A_105 = arith.constant 819200 : i32
      %mul3A_106 = arith.muli %add3A, %mul3A_105 : i32
      %add3A_107 = arith.addi %mul3A_106, %mul3A_104 : i32
      %dma_wait3A_108 = arith.constant 1 : i32
      %dma_wait3A_109 = arith.constant 0 : i32
      %dma_wait3A_110 = tpu.memref_slice %arg8[%dma_wait3A_108, %dma_wait3A_109] : memref<3x256xi32, #tpu.memory_space<vmem>> -> memref<1x256xi32, #tpu.memory_space<vmem>>
      %dma_wait3A_111 = tpu.memref_squeeze %dma_wait3A_110 : memref<1x256xi32, #tpu.memory_space<vmem>> -> memref<256xi32, #tpu.memory_space<vmem>>
      %dma_wait3A_112 = tpu.memref_slice %arg4[%add3A_107] : memref<3276800xi32, #tpu.memory_space<hbm>> -> memref<256xi32, #tpu.memory_space<hbm>>
      %dma_wait3A_113 = arith.constant 0 : i32
      %dma_wait3A_114 = tpu.memref_slice %arg8[%dma_wait3A_108, %dma_wait3A_113] : memref<3x256xi32, #tpu.memory_space<vmem>> -> memref<1x256xi32, #tpu.memory_space<vmem>>
      %dma_wait3A_115 = tpu.memref_squeeze %dma_wait3A_114 : memref<1x256xi32, #tpu.memory_space<vmem>> -> memref<256xi32, #tpu.memory_space<vmem>>
      %dma_wait3A_116 = tpu.memref_slice %arg4[%add3A_107] : memref<3276800xi32, #tpu.memory_space<hbm>> -> memref<256xi32, #tpu.memory_space<hbm>>
      tpu.wait_dma2 semaphore(%arg16 : memref<!tpu.dma_semaphore, #tpu.memory_space<semaphore_mem>>) src(%dma_wait3A_116 : memref<256xi32, #tpu.memory_space<hbm>>) dst(%dma_wait3A_115 : memref<256xi32, #tpu.memory_space<vmem>>)
      %dma_start3A_117 = arith.constant 1 : i32
      %dma_start3A_118 = arith.constant 1 : i32
      %dma_start3A_119 = arith.constant 0 : i32
      %dma_start3A_120 = arith.constant 0 : i32
      %dma_start3A_121 = tpu.memref_slice %arg11[%dma_start3A_118, %dma_start3A_119, %dma_start3A_120] : memref<3x256x32xbf16, #tpu.memory_space<vmem>> -> memref<1x128x32xbf16, #tpu.memory_space<vmem>>
      %dma_start3A_122 = tpu.memref_squeeze %dma_start3A_121 : memref<1x128x32xbf16, #tpu.memory_space<vmem>> -> memref<128x32xbf16, #tpu.memory_space<vmem>>
      %dma_start3A_123 = arith.constant 0 : i32
      %dma_start3A_124 = tpu.memref_slice %arg8[%dma_start3A_117, %dma_start3A_123] : memref<3x256xi32, #tpu.memory_space<vmem>> -> memref<1x128xi32, #tpu.memory_space<vmem>>
      %dma_start3A_125 = tpu.memref_squeeze %dma_start3A_124 : memref<1x128xi32, #tpu.memory_space<vmem>> -> memref<128xi32, #tpu.memory_space<vmem>>
      %dma_start3A_126 = arith.constant 0 : i32
      %dma_start3A_127 = arith.constant 0 : i32
      %dma_start3A_128 = tpu.memref_slice %arg2[%dma_start3A_126, %dma_start3A_127] : memref<200192x32xbf16, #tpu.memory_space<hbm>> -> memref<200192x32xbf16, #tpu.memory_space<hbm>>
      tpu.enqueue_indirect_dma source(%dma_start3A_128 : memref<200192x32xbf16, #tpu.memory_space<hbm>>) target(%dma_start3A_122 : memref<128x32xbf16, #tpu.memory_space<vmem>>) offsets(%dma_start3A_125 : memref<128xi32, #tpu.memory_space<vmem>>) semaphore(%arg14 : memref<!tpu.dma_semaphore, #tpu.memory_space<semaphore_mem>>)
      %dma_start3A_129 = arith.constant 1 : i32
      %dma_start3A_130 = arith.constant 1 : i32
      %dma_start3A_131 = arith.constant 128 : i32
      %dma_start3A_132 = arith.constant 0 : i32
      %dma_start3A_133 = tpu.memref_slice %arg11[%dma_start3A_130, %dma_start3A_131, %dma_start3A_132] : memref<3x256x32xbf16, #tpu.memory_space<vmem>> -> memref<1x128x32xbf16, #tpu.memory_space<vmem>>
      %dma_start3A_134 = tpu.memref_squeeze %dma_start3A_133 : memref<1x128x32xbf16, #tpu.memory_space<vmem>> -> memref<128x32xbf16, #tpu.memory_space<vmem>>
      %dma_start3A_135 = arith.constant 128 : i32
      %dma_start3A_136 = tpu.memref_slice %arg8[%dma_start3A_129, %dma_start3A_135] : memref<3x256xi32, #tpu.memory_space<vmem>> -> memref<1x128xi32, #tpu.memory_space<vmem>>
      %dma_start3A_137 = tpu.memref_squeeze %dma_start3A_136 : memref<1x128xi32, #tpu.memory_space<vmem>> -> memref<128xi32, #tpu.memory_space<vmem>>
      %dma_start3A_138 = arith.constant 0 : i32
      %dma_start3A_139 = arith.constant 0 : i32
      %dma_start3A_140 = tpu.memref_slice %arg2[%dma_start3A_138, %dma_start3A_139] : memref<200192x32xbf16, #tpu.memory_space<hbm>> -> memref<200192x32xbf16, #tpu.memory_space<hbm>>
      tpu.enqueue_indirect_dma source(%dma_start3A_140 : memref<200192x32xbf16, #tpu.memory_space<hbm>>) target(%dma_start3A_134 : memref<128x32xbf16, #tpu.memory_space<vmem>>) offsets(%dma_start3A_137 : memref<128xi32, #tpu.memory_space<vmem>>) semaphore(%arg14 : memref<!tpu.dma_semaphore, #tpu.memory_space<semaphore_mem>>)
      %add3A_141 = arith.constant 0 : i32
      %add3A_142 = arith.addi %mul3A_0, %add3A_141 : i32
      %mul3A_143 = arith.constant 128 : i32
      %mul3A_144 = arith.muli %add3A_142, %mul3A_143 : i32
      %dma_start3A_145 = arith.constant 0 : i32
      %dma_start3A_146 = arith.constant 0 : i32
      %dma_start3A_147 = tpu.memref_slice %arg9[%dma_start3A_145, %dma_start3A_146] : memref<3x256xi32, #tpu.memory_space<vmem>> -> memref<1x256xi32, #tpu.memory_space<vmem>>
      %dma_start3A_148 = tpu.memref_squeeze %dma_start3A_147 : memref<1x256xi32, #tpu.memory_space<vmem>> -> memref<256xi32, #tpu.memory_space<vmem>>
      %dma_start3A_149 = tpu.memref_slice %arg5[%mul3A_144] : memref<819200xi32, #tpu.memory_space<hbm>> -> memref<256xi32, #tpu.memory_space<hbm>>
      %dma_start3A_150 = arith.constant 0 : i32
      %dma_start3A_151 = tpu.memref_slice %arg9[%dma_start3A_145, %dma_start3A_150] : memref<3x256xi32, #tpu.memory_space<vmem>> -> memref<1x256xi32, #tpu.memory_space<vmem>>
      %dma_start3A_152 = tpu.memref_squeeze %dma_start3A_151 : memref<1x256xi32, #tpu.memory_space<vmem>> -> memref<256xi32, #tpu.memory_space<vmem>>
      %dma_start3A_153 = tpu.memref_slice %arg5[%mul3A_144] : memref<819200xi32, #tpu.memory_space<hbm>> -> memref<256xi32, #tpu.memory_space<hbm>>
      tpu.enqueue_dma source(%dma_start3A_153 : memref<256xi32, #tpu.memory_space<hbm>>) target(%dma_start3A_152 : memref<256xi32, #tpu.memory_space<vmem>>) target_semaphore(%arg17 : memref<!tpu.dma_semaphore, #tpu.memory_space<semaphore_mem>>)
      %dma_start3A_154 = arith.constant 0 : i32
      %dma_start3A_155 = arith.constant 0 : i32
      %dma_start3A_156 = tpu.memref_slice %arg10[%dma_start3A_154, %dma_start3A_155] : memref<2x256xf32, #tpu.memory_space<vmem>> -> memref<1x256xf32, #tpu.memory_space<vmem>>
      %dma_start3A_157 = tpu.memref_squeeze %dma_start3A_156 : memref<1x256xf32, #tpu.memory_space<vmem>> -> memref<256xf32, #tpu.memory_space<vmem>>
      %dma_start3A_158 = tpu.memref_slice %arg6[%mul3A_144] : memref<819200xf32, #tpu.memory_space<hbm>> -> memref<256xf32, #tpu.memory_space<hbm>>
      %dma_start3A_159 = arith.constant 0 : i32
      %dma_start3A_160 = tpu.memref_slice %arg10[%dma_start3A_154, %dma_start3A_159] : memref<2x256xf32, #tpu.memory_space<vmem>> -> memref<1x256xf32, #tpu.memory_space<vmem>>
      %dma_start3A_161 = tpu.memref_squeeze %dma_start3A_160 : memref<1x256xf32, #tpu.memory_space<vmem>> -> memref<256xf32, #tpu.memory_space<vmem>>
      %dma_start3A_162 = tpu.memref_slice %arg6[%mul3A_144] : memref<819200xf32, #tpu.memory_space<hbm>> -> memref<256xf32, #tpu.memory_space<hbm>>
      tpu.enqueue_dma source(%dma_start3A_162 : memref<256xf32, #tpu.memory_space<hbm>>) target(%dma_start3A_161 : memref<256xf32, #tpu.memory_space<vmem>>) target_semaphore(%arg17 : memref<!tpu.dma_semaphore, #tpu.memory_space<semaphore_mem>>)
      %scan3A_163 = arith.constant 0 : i32
      %scan3A_164 = arith.constant 0 : i32
      %scan3A_165 = arith.constant 200 : i32
      %scan3A_166 = arith.addi %scan3A_164, %scan3A_165 : i32
      %scan3A_167 = arith.constant 1 : i32
      %scan3A_168 = scf.for %scan3A_222 = %scan3A_164 to %scan3A_166 step %scan3A_167 iter_args(%scan3A_223 = %scan3A_163) -> (i32)  : i32 {
        %jit3A = arith.constant 3 : i32
        %eq3A = arith.constant 0 : i32
        %eq3A_224 = arith.cmpi eq, %jit3A, %eq3A : i32
        %jit3A_225 = arith.constant 1 : i32
        %select_n3A = arith.select %eq3A_224, %jit3A_225, %jit3A : i32
        %rem3A = arith.remsi %scan3A_222, %select_n3A : i32
        %ne3A = arith.constant 0 : i32
        %ne3A_226 = arith.cmpi ne, %rem3A, %ne3A : i32
        %lt3A = arith.constant 0 : i32
        %lt3A_227 = arith.cmpi slt, %rem3A, %lt3A : i32
        %lt3A_228 = arith.constant 0 : i32
        %lt3A_229 = arith.cmpi slt, %select_n3A, %lt3A_228 : i32
        %ne3A_230 = arith.xori %lt3A_227, %lt3A_229 : i1
        %and3A = arith.andi %ne3A_230, %ne3A_226 : i1
        %add3A_231 = arith.addi %rem3A, %select_n3A : i32
        %select_n3A_232 = arith.select %and3A, %add3A_231, %rem3A : i32
        %jit3A_233 = arith.constant 3 : i32
        %eq3A_234 = arith.constant 0 : i32
        %eq3A_235 = arith.cmpi eq, %jit3A_233, %eq3A_234 : i32
        %jit3A_236 = arith.constant 1 : i32
        %select_n3A_237 = arith.select %eq3A_235, %jit3A_236, %jit3A_233 : i32
        %rem3A_238 = arith.remsi %scan3A_222, %select_n3A_237 : i32
        %ne3A_239 = arith.constant 0 : i32
        %ne3A_240 = arith.cmpi ne, %rem3A_238, %ne3A_239 : i32
        %lt3A_241 = arith.constant 0 : i32
        %lt3A_242 = arith.cmpi slt, %rem3A_238, %lt3A_241 : i32
        %lt3A_243 = arith.constant 0 : i32
        %lt3A_244 = arith.cmpi slt, %select_n3A_237, %lt3A_243 : i32
        %ne3A_245 = arith.xori %lt3A_242, %lt3A_244 : i1
        %and3A_246 = arith.andi %ne3A_245, %ne3A_240 : i1
        %add3A_247 = arith.addi %rem3A_238, %select_n3A_237 : i32
        %select_n3A_248 = arith.select %and3A_246, %add3A_247, %rem3A_238 : i32
        %dma_wait3A_249 = arith.constant 0 : i32
        %dma_wait3A_250 = arith.constant 0 : i32
        %dma_wait3A_251 = tpu.memref_slice %arg11[%select_n3A_248, %dma_wait3A_249, %dma_wait3A_250] : memref<3x256x32xbf16, #tpu.memory_space<vmem>> -> memref<1x128x32xbf16, #tpu.memory_space<vmem>>
        %dma_wait3A_252 = tpu.memref_squeeze %dma_wait3A_251 : memref<1x128x32xbf16, #tpu.memory_space<vmem>> -> memref<128x32xbf16, #tpu.memory_space<vmem>>
        %dma_wait3A_253 = arith.constant 0 : i32
        %dma_wait3A_254 = tpu.memref_slice %arg8[%select_n3A_232, %dma_wait3A_253] : memref<3x256xi32, #tpu.memory_space<vmem>> -> memref<1x128xi32, #tpu.memory_space<vmem>>
        %dma_wait3A_255 = tpu.memref_squeeze %dma_wait3A_254 : memref<1x128xi32, #tpu.memory_space<vmem>> -> memref<128xi32, #tpu.memory_space<vmem>>
        %dma_wait3A_256 = arith.constant 0 : i32
        %dma_wait3A_257 = arith.constant 0 : i32
        %dma_wait3A_258 = tpu.memref_slice %arg2[%dma_wait3A_256, %dma_wait3A_257] : memref<200192x32xbf16, #tpu.memory_space<hbm>> -> memref<200192x32xbf16, #tpu.memory_space<hbm>>
        tpu.wait_indirect_dma semaphore(%arg14 : memref<!tpu.dma_semaphore, #tpu.memory_space<semaphore_mem>>) src(%dma_wait3A_258 : memref<200192x32xbf16, #tpu.memory_space<hbm>>) dst(%dma_wait3A_252 : memref<128x32xbf16, #tpu.memory_space<vmem>>)
        %jit3A_259 = arith.constant 3 : i32
        %eq3A_260 = arith.constant 0 : i32
        %eq3A_261 = arith.cmpi eq, %jit3A_259, %eq3A_260 : i32
        %jit3A_262 = arith.constant 1 : i32
        %select_n3A_263 = arith.select %eq3A_261, %jit3A_262, %jit3A_259 : i32
        %rem3A_264 = arith.remsi %scan3A_222, %select_n3A_263 : i32
        %ne3A_265 = arith.constant 0 : i32
        %ne3A_266 = arith.cmpi ne, %rem3A_264, %ne3A_265 : i32
        %lt3A_267 = arith.constant 0 : i32
        %lt3A_268 = arith.cmpi slt, %rem3A_264, %lt3A_267 : i32
        %lt3A_269 = arith.constant 0 : i32
        %lt3A_270 = arith.cmpi slt, %select_n3A_263, %lt3A_269 : i32
        %ne3A_271 = arith.xori %lt3A_268, %lt3A_270 : i1
        %and3A_272 = arith.andi %ne3A_271, %ne3A_266 : i1
        %add3A_273 = arith.addi %rem3A_264, %select_n3A_263 : i32
        %select_n3A_274 = arith.select %and3A_272, %add3A_273, %rem3A_264 : i32
        %jit3A_275 = arith.constant 3 : i32
        %eq3A_276 = arith.constant 0 : i32
        %eq3A_277 = arith.cmpi eq, %jit3A_275, %eq3A_276 : i32
        %jit3A_278 = arith.constant 1 : i32
        %select_n3A_279 = arith.select %eq3A_277, %jit3A_278, %jit3A_275 : i32
        %rem3A_280 = arith.remsi %scan3A_222, %select_n3A_279 : i32
        %ne3A_281 = arith.constant 0 : i32
        %ne3A_282 = arith.cmpi ne, %rem3A_280, %ne3A_281 : i32
        %lt3A_283 = arith.constant 0 : i32
        %lt3A_284 = arith.cmpi slt, %rem3A_280, %lt3A_283 : i32
        %lt3A_285 = arith.constant 0 : i32
        %lt3A_286 = arith.cmpi slt, %select_n3A_279, %lt3A_285 : i32
        %ne3A_287 = arith.xori %lt3A_284, %lt3A_286 : i1
        %and3A_288 = arith.andi %ne3A_287, %ne3A_282 : i1
        %add3A_289 = arith.addi %rem3A_280, %select_n3A_279 : i32
        %select_n3A_290 = arith.select %and3A_288, %add3A_289, %rem3A_280 : i32
        %dma_wait3A_291 = arith.constant 128 : i32
        %dma_wait3A_292 = arith.constant 0 : i32
        %dma_wait3A_293 = tpu.memref_slice %arg11[%select_n3A_290, %dma_wait3A_291, %dma_wait3A_292] : memref<3x256x32xbf16, #tpu.memory_space<vmem>> -> memref<1x128x32xbf16, #tpu.memory_space<vmem>>
        %dma_wait3A_294 = tpu.memref_squeeze %dma_wait3A_293 : memref<1x128x32xbf16, #tpu.memory_space<vmem>> -> memref<128x32xbf16, #tpu.memory_space<vmem>>
        %dma_wait3A_295 = arith.constant 128 : i32
        %dma_wait3A_296 = tpu.memref_slice %arg8[%select_n3A_274, %dma_wait3A_295] : memref<3x256xi32, #tpu.memory_space<vmem>> -> memref<1x128xi32, #tpu.memory_space<vmem>>
        %dma_wait3A_297 = tpu.memref_squeeze %dma_wait3A_296 : memref<1x128xi32, #tpu.memory_space<vmem>> -> memref<128xi32, #tpu.memory_space<vmem>>
        %dma_wait3A_298 = arith.constant 0 : i32
        %dma_wait3A_299 = arith.constant 0 : i32
        %dma_wait3A_300 = tpu.memref_slice %arg2[%dma_wait3A_298, %dma_wait3A_299] : memref<200192x32xbf16, #tpu.memory_space<hbm>> -> memref<200192x32xbf16, #tpu.memory_space<hbm>>
        tpu.wait_indirect_dma semaphore(%arg14 : memref<!tpu.dma_semaphore, #tpu.memory_space<semaphore_mem>>) src(%dma_wait3A_300 : memref<200192x32xbf16, #tpu.memory_space<hbm>>) dst(%dma_wait3A_294 : memref<128x32xbf16, #tpu.memory_space<vmem>>)
        %ge3A = arith.constant 2 : i32
        %ge3A_301 = arith.cmpi sge, %scan3A_222, %ge3A : i32
        %convert_element_type3A = arith.extui %ge3A_301 : i1 to i32
        %cond3A = arith.constant 0 : i32
        %cond3A_302 = arith.cmpi ne, %convert_element_type3A, %cond3A : i32
        scf.if %cond3A_302 {
          %sub3A = arith.constant 2 : i32
          %sub3A_496 = arith.subi %scan3A_222, %sub3A : i32
          %jit3A_497 = arith.constant 2 : i32
          %eq3A_498 = arith.constant 0 : i32
          %eq3A_499 = arith.cmpi eq, %jit3A_497, %eq3A_498 : i32
          %jit3A_500 = arith.constant 1 : i32
          %select_n3A_501 = arith.select %eq3A_499, %jit3A_500, %jit3A_497 : i32
          %rem3A_502 = arith.remsi %sub3A_496, %select_n3A_501 : i32
          %ne3A_503 = arith.constant 0 : i32
          %ne3A_504 = arith.cmpi ne, %rem3A_502, %ne3A_503 : i32
          %lt3A_505 = arith.constant 0 : i32
          %lt3A_506 = arith.cmpi slt, %rem3A_502, %lt3A_505 : i32
          %lt3A_507 = arith.constant 0 : i32
          %lt3A_508 = arith.cmpi slt, %select_n3A_501, %lt3A_507 : i32
          %ne3A_509 = arith.xori %lt3A_506, %lt3A_508 : i1
          %and3A_510 = arith.andi %ne3A_509, %ne3A_504 : i1
          %add3A_511 = arith.addi %rem3A_502, %select_n3A_501 : i32
          %select_n3A_512 = arith.select %and3A_510, %add3A_511, %rem3A_502 : i32
          %jit3A_513 = arith.constant 3 : i32
          %eq3A_514 = arith.constant 0 : i32
          %eq3A_515 = arith.cmpi eq, %jit3A_513, %eq3A_514 : i32
          %jit3A_516 = arith.constant 1 : i32
          %select_n3A_517 = arith.select %eq3A_515, %jit3A_516, %jit3A_513 : i32
          %rem3A_518 = arith.remsi %sub3A_496, %select_n3A_517 : i32
          %ne3A_519 = arith.constant 0 : i32
          %ne3A_520 = arith.cmpi ne, %rem3A_518, %ne3A_519 : i32
          %lt3A_521 = arith.constant 0 : i32
          %lt3A_522 = arith.cmpi slt, %rem3A_518, %lt3A_521 : i32
          %lt3A_523 = arith.constant 0 : i32
          %lt3A_524 = arith.cmpi slt, %select_n3A_517, %lt3A_523 : i32
          %ne3A_525 = arith.xori %lt3A_522, %lt3A_524 : i1
          %and3A_526 = arith.andi %ne3A_525, %ne3A_520 : i1
          %add3A_527 = arith.addi %rem3A_518, %select_n3A_517 : i32
          %select_n3A_528 = arith.select %and3A_526, %add3A_527, %rem3A_518 : i32
          %dma_wait3A_529 = arith.constant 0 : i32
          %dma_wait3A_530 = arith.constant 0 : i32
          %dma_wait3A_531 = tpu.memref_slice %arg12[%select_n3A_512, %dma_wait3A_529, %dma_wait3A_530] : memref<2x256x32xf32, #tpu.memory_space<vmem>> -> memref<1x128x32xf32, #tpu.memory_space<vmem>>
          %dma_wait3A_532 = tpu.memref_squeeze %dma_wait3A_531 : memref<1x128x32xf32, #tpu.memory_space<vmem>> -> memref<128x32xf32, #tpu.memory_space<vmem>>
          %dma_wait3A_533 = arith.constant 0 : i32
          %dma_wait3A_534 = tpu.memref_slice %arg9[%select_n3A_528, %dma_wait3A_533] : memref<3x256xi32, #tpu.memory_space<vmem>> -> memref<1x128xi32, #tpu.memory_space<vmem>>
          %dma_wait3A_535 = tpu.memref_squeeze %dma_wait3A_534 : memref<1x128xi32, #tpu.memory_space<vmem>> -> memref<128xi32, #tpu.memory_space<vmem>>
          %dma_wait3A_536 = arith.constant 0 : i32
          %dma_wait3A_537 = arith.constant 0 : i32
          %dma_wait3A_538 = tpu.memref_slice %arg13[%dma_wait3A_536, %dma_wait3A_537] : memref<50048x32xf32, #tpu.memory_space<vmem_shared>> -> memref<50048x32xf32, #tpu.memory_space<vmem_shared>>
          tpu.wait_indirect_dma semaphore(%arg15 : memref<!tpu.dma_semaphore, #tpu.memory_space<semaphore_mem>>) src(%dma_wait3A_532 : memref<128x32xf32, #tpu.memory_space<vmem>>) dst(%dma_wait3A_538 : memref<50048x32xf32, #tpu.memory_space<vmem_shared>>)
          %jit3A_539 = arith.constant 2 : i32
          %eq3A_540 = arith.constant 0 : i32
          %eq3A_541 = arith.cmpi eq, %jit3A_539, %eq3A_540 : i32
          %jit3A_542 = arith.constant 1 : i32
          %select_n3A_543 = arith.select %eq3A_541, %jit3A_542, %jit3A_539 : i32
          %rem3A_544 = arith.remsi %sub3A_496, %select_n3A_543 : i32
          %ne3A_545 = arith.constant 0 : i32
          %ne3A_546 = arith.cmpi ne, %rem3A_544, %ne3A_545 : i32
          %lt3A_547 = arith.constant 0 : i32
          %lt3A_548 = arith.cmpi slt, %rem3A_544, %lt3A_547 : i32
          %lt3A_549 = arith.constant 0 : i32
          %lt3A_550 = arith.cmpi slt, %select_n3A_543, %lt3A_549 : i32
          %ne3A_551 = arith.xori %lt3A_548, %lt3A_550 : i1
          %and3A_552 = arith.andi %ne3A_551, %ne3A_546 : i1
          %add3A_553 = arith.addi %rem3A_544, %select_n3A_543 : i32
          %select_n3A_554 = arith.select %and3A_552, %add3A_553, %rem3A_544 : i32
          %jit3A_555 = arith.constant 3 : i32
          %eq3A_556 = arith.constant 0 : i32
          %eq3A_557 = arith.cmpi eq, %jit3A_555, %eq3A_556 : i32
          %jit3A_558 = arith.constant 1 : i32
          %select_n3A_559 = arith.select %eq3A_557, %jit3A_558, %jit3A_555 : i32
          %rem3A_560 = arith.remsi %sub3A_496, %select_n3A_559 : i32
          %ne3A_561 = arith.constant 0 : i32
          %ne3A_562 = arith.cmpi ne, %rem3A_560, %ne3A_561 : i32
          %lt3A_563 = arith.constant 0 : i32
          %lt3A_564 = arith.cmpi slt, %rem3A_560, %lt3A_563 : i32
          %lt3A_565 = arith.constant 0 : i32
          %lt3A_566 = arith.cmpi slt, %select_n3A_559, %lt3A_565 : i32
          %ne3A_567 = arith.xori %lt3A_564, %lt3A_566 : i1
          %and3A_568 = arith.andi %ne3A_567, %ne3A_562 : i1
          %add3A_569 = arith.addi %rem3A_560, %select_n3A_559 : i32
          %select_n3A_570 = arith.select %and3A_568, %add3A_569, %rem3A_560 : i32
          %dma_wait3A_571 = arith.constant 128 : i32
          %dma_wait3A_572 = arith.constant 0 : i32
          %dma_wait3A_573 = tpu.memref_slice %arg12[%select_n3A_554, %dma_wait3A_571, %dma_wait3A_572] : memref<2x256x32xf32, #tpu.memory_space<vmem>> -> memref<1x128x32xf32, #tpu.memory_space<vmem>>
          %dma_wait3A_574 = tpu.memref_squeeze %dma_wait3A_573 : memref<1x128x32xf32, #tpu.memory_space<vmem>> -> memref<128x32xf32, #tpu.memory_space<vmem>>
          %dma_wait3A_575 = arith.constant 128 : i32
          %dma_wait3A_576 = tpu.memref_slice %arg9[%select_n3A_570, %dma_wait3A_575] : memref<3x256xi32, #tpu.memory_space<vmem>> -> memref<1x128xi32, #tpu.memory_space<vmem>>
          %dma_wait3A_577 = tpu.memref_squeeze %dma_wait3A_576 : memref<1x128xi32, #tpu.memory_space<vmem>> -> memref<128xi32, #tpu.memory_space<vmem>>
          %dma_wait3A_578 = arith.constant 0 : i32
          %dma_wait3A_579 = arith.constant 0 : i32
          %dma_wait3A_580 = tpu.memref_slice %arg13[%dma_wait3A_578, %dma_wait3A_579] : memref<50048x32xf32, #tpu.memory_space<vmem_shared>> -> memref<50048x32xf32, #tpu.memory_space<vmem_shared>>
          tpu.wait_indirect_dma semaphore(%arg15 : memref<!tpu.dma_semaphore, #tpu.memory_space<semaphore_mem>>) src(%dma_wait3A_574 : memref<128x32xf32, #tpu.memory_space<vmem>>) dst(%dma_wait3A_580 : memref<50048x32xf32, #tpu.memory_space<vmem_shared>>)
        } else {
        }
        %add3A_303 = arith.constant 3 : i32
        %add3A_304 = arith.addi %scan3A_222, %add3A_303 : i32
        %lt3A_305 = arith.constant 200 : i32
        %lt3A_306 = arith.cmpi slt, %add3A_304, %lt3A_305 : i32
        %convert_element_type3A_307 = arith.extui %lt3A_306 : i1 to i32
        %cond3A_308 = arith.constant 0 : i32
        %cond3A_309 = arith.cmpi ne, %convert_element_type3A_307, %cond3A_308 : i32
        scf.if %cond3A_309 {
          %add3A_496 = arith.constant 3 : i32
          %add3A_497 = arith.addi %scan3A_222, %add3A_496 : i32
          %mul3A_498 = arith.constant 2 : i32
          %mul3A_499 = arith.muli %add3A_497, %mul3A_498 : i32
          %add3A_500 = arith.addi %mul3A_0, %mul3A_499 : i32
          %mul3A_501 = arith.constant 128 : i32
          %mul3A_502 = arith.muli %add3A_500, %mul3A_501 : i32
          %mul3A_503 = arith.constant 819200 : i32
          %mul3A_504 = arith.muli %add3A, %mul3A_503 : i32
          %add3A_505 = arith.addi %mul3A_504, %mul3A_502 : i32
          %jit3A_506 = arith.constant 3 : i32
          %eq3A_507 = arith.constant 0 : i32
          %eq3A_508 = arith.cmpi eq, %jit3A_506, %eq3A_507 : i32
          %jit3A_509 = arith.constant 1 : i32
          %select_n3A_510 = arith.select %eq3A_508, %jit3A_509, %jit3A_506 : i32
          %rem3A_511 = arith.remsi %add3A_497, %select_n3A_510 : i32
          %ne3A_512 = arith.constant 0 : i32
          %ne3A_513 = arith.cmpi ne, %rem3A_511, %ne3A_512 : i32
          %lt3A_514 = arith.constant 0 : i32
          %lt3A_515 = arith.cmpi slt, %rem3A_511, %lt3A_514 : i32
          %lt3A_516 = arith.constant 0 : i32
          %lt3A_517 = arith.cmpi slt, %select_n3A_510, %lt3A_516 : i32
          %ne3A_518 = arith.xori %lt3A_515, %lt3A_517 : i1
          %and3A_519 = arith.andi %ne3A_518, %ne3A_513 : i1
          %add3A_520 = arith.addi %rem3A_511, %select_n3A_510 : i32
          %select_n3A_521 = arith.select %and3A_519, %add3A_520, %rem3A_511 : i32
          %dma_start3A_522 = arith.constant 0 : i32
          %dma_start3A_523 = tpu.memref_slice %arg8[%select_n3A_521, %dma_start3A_522] : memref<3x256xi32, #tpu.memory_space<vmem>> -> memref<1x256xi32, #tpu.memory_space<vmem>>
          %dma_start3A_524 = tpu.memref_squeeze %dma_start3A_523 : memref<1x256xi32, #tpu.memory_space<vmem>> -> memref<256xi32, #tpu.memory_space<vmem>>
          %dma_start3A_525 = tpu.memref_slice %arg4[%add3A_505] : memref<3276800xi32, #tpu.memory_space<hbm>> -> memref<256xi32, #tpu.memory_space<hbm>>
          %dma_start3A_526 = arith.constant 0 : i32
          %dma_start3A_527 = tpu.memref_slice %arg8[%select_n3A_521, %dma_start3A_526] : memref<3x256xi32, #tpu.memory_space<vmem>> -> memref<1x256xi32, #tpu.memory_space<vmem>>
          %dma_start3A_528 = tpu.memref_squeeze %dma_start3A_527 : memref<1x256xi32, #tpu.memory_space<vmem>> -> memref<256xi32, #tpu.memory_space<vmem>>
          %dma_start3A_529 = tpu.memref_slice %arg4[%add3A_505] : memref<3276800xi32, #tpu.memory_space<hbm>> -> memref<256xi32, #tpu.memory_space<hbm>>
          tpu.enqueue_dma source(%dma_start3A_529 : memref<256xi32, #tpu.memory_space<hbm>>) target(%dma_start3A_528 : memref<256xi32, #tpu.memory_space<vmem>>) target_semaphore(%arg16 : memref<!tpu.dma_semaphore, #tpu.memory_space<semaphore_mem>>)
        } else {
        }
        %add3A_310 = arith.constant 1 : i32
        %add3A_311 = arith.addi %scan3A_222, %add3A_310 : i32
        %lt3A_312 = arith.constant 200 : i32
        %lt3A_313 = arith.cmpi slt, %add3A_311, %lt3A_312 : i32
        %convert_element_type3A_314 = arith.extui %lt3A_313 : i1 to i32
        %cond3A_315 = arith.constant 0 : i32
        %cond3A_316 = arith.cmpi ne, %convert_element_type3A_314, %cond3A_315 : i32
        scf.if %cond3A_316 {
          %add3A_496 = arith.constant 1 : i32
          %add3A_497 = arith.addi %scan3A_222, %add3A_496 : i32
          %mul3A_498 = arith.constant 2 : i32
          %mul3A_499 = arith.muli %add3A_497, %mul3A_498 : i32
          %add3A_500 = arith.addi %mul3A_0, %mul3A_499 : i32
          %mul3A_501 = arith.constant 128 : i32
          %mul3A_502 = arith.muli %add3A_500, %mul3A_501 : i32
          %jit3A_503 = arith.constant 3 : i32
          %eq3A_504 = arith.constant 0 : i32
          %eq3A_505 = arith.cmpi eq, %jit3A_503, %eq3A_504 : i32
          %jit3A_506 = arith.constant 1 : i32
          %select_n3A_507 = arith.select %eq3A_505, %jit3A_506, %jit3A_503 : i32
          %rem3A_508 = arith.remsi %add3A_497, %select_n3A_507 : i32
          %ne3A_509 = arith.constant 0 : i32
          %ne3A_510 = arith.cmpi ne, %rem3A_508, %ne3A_509 : i32
          %lt3A_511 = arith.constant 0 : i32
          %lt3A_512 = arith.cmpi slt, %rem3A_508, %lt3A_511 : i32
          %lt3A_513 = arith.constant 0 : i32
          %lt3A_514 = arith.cmpi slt, %select_n3A_507, %lt3A_513 : i32
          %ne3A_515 = arith.xori %lt3A_512, %lt3A_514 : i1
          %and3A_516 = arith.andi %ne3A_515, %ne3A_510 : i1
          %add3A_517 = arith.addi %rem3A_508, %select_n3A_507 : i32
          %select_n3A_518 = arith.select %and3A_516, %add3A_517, %rem3A_508 : i32
          %dma_start3A_519 = arith.constant 0 : i32
          %dma_start3A_520 = tpu.memref_slice %arg9[%select_n3A_518, %dma_start3A_519] : memref<3x256xi32, #tpu.memory_space<vmem>> -> memref<1x256xi32, #tpu.memory_space<vmem>>
          %dma_start3A_521 = tpu.memref_squeeze %dma_start3A_520 : memref<1x256xi32, #tpu.memory_space<vmem>> -> memref<256xi32, #tpu.memory_space<vmem>>
          %dma_start3A_522 = tpu.memref_slice %arg5[%mul3A_502] : memref<819200xi32, #tpu.memory_space<hbm>> -> memref<256xi32, #tpu.memory_space<hbm>>
          %dma_start3A_523 = arith.constant 0 : i32
          %dma_start3A_524 = tpu.memref_slice %arg9[%select_n3A_518, %dma_start3A_523] : memref<3x256xi32, #tpu.memory_space<vmem>> -> memref<1x256xi32, #tpu.memory_space<vmem>>
          %dma_start3A_525 = tpu.memref_squeeze %dma_start3A_524 : memref<1x256xi32, #tpu.memory_space<vmem>> -> memref<256xi32, #tpu.memory_space<vmem>>
          %dma_start3A_526 = tpu.memref_slice %arg5[%mul3A_502] : memref<819200xi32, #tpu.memory_space<hbm>> -> memref<256xi32, #tpu.memory_space<hbm>>
          tpu.enqueue_dma source(%dma_start3A_526 : memref<256xi32, #tpu.memory_space<hbm>>) target(%dma_start3A_525 : memref<256xi32, #tpu.memory_space<vmem>>) target_semaphore(%arg17 : memref<!tpu.dma_semaphore, #tpu.memory_space<semaphore_mem>>)
          %jit3A_527 = arith.constant 2 : i32
          %eq3A_528 = arith.constant 0 : i32
          %eq3A_529 = arith.cmpi eq, %jit3A_527, %eq3A_528 : i32
          %jit3A_530 = arith.constant 1 : i32
          %select_n3A_531 = arith.select %eq3A_529, %jit3A_530, %jit3A_527 : i32
          %rem3A_532 = arith.remsi %add3A_497, %select_n3A_531 : i32
          %ne3A_533 = arith.constant 0 : i32
          %ne3A_534 = arith.cmpi ne, %rem3A_532, %ne3A_533 : i32
          %lt3A_535 = arith.constant 0 : i32
          %lt3A_536 = arith.cmpi slt, %rem3A_532, %lt3A_535 : i32
          %lt3A_537 = arith.constant 0 : i32
          %lt3A_538 = arith.cmpi slt, %select_n3A_531, %lt3A_537 : i32
          %ne3A_539 = arith.xori %lt3A_536, %lt3A_538 : i1
          %and3A_540 = arith.andi %ne3A_539, %ne3A_534 : i1
          %add3A_541 = arith.addi %rem3A_532, %select_n3A_531 : i32
          %select_n3A_542 = arith.select %and3A_540, %add3A_541, %rem3A_532 : i32
          %dma_start3A_543 = arith.constant 0 : i32
          %dma_start3A_544 = tpu.memref_slice %arg10[%select_n3A_542, %dma_start3A_543] : memref<2x256xf32, #tpu.memory_space<vmem>> -> memref<1x256xf32, #tpu.memory_space<vmem>>
          %dma_start3A_545 = tpu.memref_squeeze %dma_start3A_544 : memref<1x256xf32, #tpu.memory_space<vmem>> -> memref<256xf32, #tpu.memory_space<vmem>>
          %dma_start3A_546 = tpu.memref_slice %arg6[%mul3A_502] : memref<819200xf32, #tpu.memory_space<hbm>> -> memref<256xf32, #tpu.memory_space<hbm>>
          %dma_start3A_547 = arith.constant 0 : i32
          %dma_start3A_548 = tpu.memref_slice %arg10[%select_n3A_542, %dma_start3A_547] : memref<2x256xf32, #tpu.memory_space<vmem>> -> memref<1x256xf32, #tpu.memory_space<vmem>>
          %dma_start3A_549 = tpu.memref_squeeze %dma_start3A_548 : memref<1x256xf32, #tpu.memory_space<vmem>> -> memref<256xf32, #tpu.memory_space<vmem>>
          %dma_start3A_550 = tpu.memref_slice %arg6[%mul3A_502] : memref<819200xf32, #tpu.memory_space<hbm>> -> memref<256xf32, #tpu.memory_space<hbm>>
          tpu.enqueue_dma source(%dma_start3A_550 : memref<256xf32, #tpu.memory_space<hbm>>) target(%dma_start3A_549 : memref<256xf32, #tpu.memory_space<vmem>>) target_semaphore(%arg17 : memref<!tpu.dma_semaphore, #tpu.memory_space<semaphore_mem>>)
        } else {
        }
        %add3A_317 = arith.constant 2 : i32
        %add3A_318 = arith.addi %scan3A_222, %add3A_317 : i32
        %lt3A_319 = arith.constant 200 : i32
        %lt3A_320 = arith.cmpi slt, %add3A_318, %lt3A_319 : i32
        %convert_element_type3A_321 = arith.extui %lt3A_320 : i1 to i32
        %cond3A_322 = arith.constant 0 : i32
        %cond3A_323 = arith.cmpi ne, %convert_element_type3A_321, %cond3A_322 : i32
        scf.if %cond3A_323 {
          %add3A_496 = arith.constant 2 : i32
          %add3A_497 = arith.addi %scan3A_222, %add3A_496 : i32
          %mul3A_498 = arith.constant 2 : i32
          %mul3A_499 = arith.muli %add3A_497, %mul3A_498 : i32
          %add3A_500 = arith.addi %mul3A_0, %mul3A_499 : i32
          %mul3A_501 = arith.constant 128 : i32
          %mul3A_502 = arith.muli %add3A_500, %mul3A_501 : i32
          %mul3A_503 = arith.constant 819200 : i32
          %mul3A_504 = arith.muli %add3A, %mul3A_503 : i32
          %add3A_505 = arith.addi %mul3A_504, %mul3A_502 : i32
          %jit3A_506 = arith.constant 3 : i32
          %eq3A_507 = arith.constant 0 : i32
          %eq3A_508 = arith.cmpi eq, %jit3A_506, %eq3A_507 : i32
          %jit3A_509 = arith.constant 1 : i32
          %select_n3A_510 = arith.select %eq3A_508, %jit3A_509, %jit3A_506 : i32
          %rem3A_511 = arith.remsi %add3A_497, %select_n3A_510 : i32
          %ne3A_512 = arith.constant 0 : i32
          %ne3A_513 = arith.cmpi ne, %rem3A_511, %ne3A_512 : i32
          %lt3A_514 = arith.constant 0 : i32
          %lt3A_515 = arith.cmpi slt, %rem3A_511, %lt3A_514 : i32
          %lt3A_516 = arith.constant 0 : i32
          %lt3A_517 = arith.cmpi slt, %select_n3A_510, %lt3A_516 : i32
          %ne3A_518 = arith.xori %lt3A_515, %lt3A_517 : i1
          %and3A_519 = arith.andi %ne3A_518, %ne3A_513 : i1
          %add3A_520 = arith.addi %rem3A_511, %select_n3A_510 : i32
          %select_n3A_521 = arith.select %and3A_519, %add3A_520, %rem3A_511 : i32
          %dma_wait3A_522 = arith.constant 0 : i32
          %dma_wait3A_523 = tpu.memref_slice %arg8[%select_n3A_521, %dma_wait3A_522] : memref<3x256xi32, #tpu.memory_space<vmem>> -> memref<1x256xi32, #tpu.memory_space<vmem>>
          %dma_wait3A_524 = tpu.memref_squeeze %dma_wait3A_523 : memref<1x256xi32, #tpu.memory_space<vmem>> -> memref<256xi32, #tpu.memory_space<vmem>>
          %dma_wait3A_525 = tpu.memref_slice %arg4[%add3A_505] : memref<3276800xi32, #tpu.memory_space<hbm>> -> memref<256xi32, #tpu.memory_space<hbm>>
          %dma_wait3A_526 = arith.constant 0 : i32
          %dma_wait3A_527 = tpu.memref_slice %arg8[%select_n3A_521, %dma_wait3A_526] : memref<3x256xi32, #tpu.memory_space<vmem>> -> memref<1x256xi32, #tpu.memory_space<vmem>>
          %dma_wait3A_528 = tpu.memref_squeeze %dma_wait3A_527 : memref<1x256xi32, #tpu.memory_space<vmem>> -> memref<256xi32, #tpu.memory_space<vmem>>
          %dma_wait3A_529 = tpu.memref_slice %arg4[%add3A_505] : memref<3276800xi32, #tpu.memory_space<hbm>> -> memref<256xi32, #tpu.memory_space<hbm>>
          tpu.wait_dma2 semaphore(%arg16 : memref<!tpu.dma_semaphore, #tpu.memory_space<semaphore_mem>>) src(%dma_wait3A_529 : memref<256xi32, #tpu.memory_space<hbm>>) dst(%dma_wait3A_528 : memref<256xi32, #tpu.memory_space<vmem>>)
          %add3A_530 = arith.constant 2 : i32
          %add3A_531 = arith.addi %scan3A_222, %add3A_530 : i32
          %jit3A_532 = arith.constant 3 : i32
          %eq3A_533 = arith.constant 0 : i32
          %eq3A_534 = arith.cmpi eq, %jit3A_532, %eq3A_533 : i32
          %jit3A_535 = arith.constant 1 : i32
          %select_n3A_536 = arith.select %eq3A_534, %jit3A_535, %jit3A_532 : i32
          %rem3A_537 = arith.remsi %add3A_531, %select_n3A_536 : i32
          %ne3A_538 = arith.constant 0 : i32
          %ne3A_539 = arith.cmpi ne, %rem3A_537, %ne3A_538 : i32
          %lt3A_540 = arith.constant 0 : i32
          %lt3A_541 = arith.cmpi slt, %rem3A_537, %lt3A_540 : i32
          %lt3A_542 = arith.constant 0 : i32
          %lt3A_543 = arith.cmpi slt, %select_n3A_536, %lt3A_542 : i32
          %ne3A_544 = arith.xori %lt3A_541, %lt3A_543 : i1
          %and3A_545 = arith.andi %ne3A_544, %ne3A_539 : i1
          %add3A_546 = arith.addi %rem3A_537, %select_n3A_536 : i32
          %select_n3A_547 = arith.select %and3A_545, %add3A_546, %rem3A_537 : i32
          %jit3A_548 = arith.constant 3 : i32
          %eq3A_549 = arith.constant 0 : i32
          %eq3A_550 = arith.cmpi eq, %jit3A_548, %eq3A_549 : i32
          %jit3A_551 = arith.constant 1 : i32
          %select_n3A_552 = arith.select %eq3A_550, %jit3A_551, %jit3A_548 : i32
          %rem3A_553 = arith.remsi %add3A_531, %select_n3A_552 : i32
          %ne3A_554 = arith.constant 0 : i32
          %ne3A_555 = arith.cmpi ne, %rem3A_553, %ne3A_554 : i32
          %lt3A_556 = arith.constant 0 : i32
          %lt3A_557 = arith.cmpi slt, %rem3A_553, %lt3A_556 : i32
          %lt3A_558 = arith.constant 0 : i32
          %lt3A_559 = arith.cmpi slt, %select_n3A_552, %lt3A_558 : i32
          %ne3A_560 = arith.xori %lt3A_557, %lt3A_559 : i1
          %and3A_561 = arith.andi %ne3A_560, %ne3A_555 : i1
          %add3A_562 = arith.addi %rem3A_553, %select_n3A_552 : i32
          %select_n3A_563 = arith.select %and3A_561, %add3A_562, %rem3A_553 : i32
          %dma_start3A_564 = arith.constant 0 : i32
          %dma_start3A_565 = arith.constant 0 : i32
          %dma_start3A_566 = tpu.memref_slice %arg11[%select_n3A_563, %dma_start3A_564, %dma_start3A_565] : memref<3x256x32xbf16, #tpu.memory_space<vmem>> -> memref<1x128x32xbf16, #tpu.memory_space<vmem>>
          %dma_start3A_567 = tpu.memref_squeeze %dma_start3A_566 : memref<1x128x32xbf16, #tpu.memory_space<vmem>> -> memref<128x32xbf16, #tpu.memory_space<vmem>>
          %dma_start3A_568 = arith.constant 0 : i32
          %dma_start3A_569 = tpu.memref_slice %arg8[%select_n3A_547, %dma_start3A_568] : memref<3x256xi32, #tpu.memory_space<vmem>> -> memref<1x128xi32, #tpu.memory_space<vmem>>
          %dma_start3A_570 = tpu.memref_squeeze %dma_start3A_569 : memref<1x128xi32, #tpu.memory_space<vmem>> -> memref<128xi32, #tpu.memory_space<vmem>>
          %dma_start3A_571 = arith.constant 0 : i32
          %dma_start3A_572 = arith.constant 0 : i32
          %dma_start3A_573 = tpu.memref_slice %arg2[%dma_start3A_571, %dma_start3A_572] : memref<200192x32xbf16, #tpu.memory_space<hbm>> -> memref<200192x32xbf16, #tpu.memory_space<hbm>>
          tpu.enqueue_indirect_dma source(%dma_start3A_573 : memref<200192x32xbf16, #tpu.memory_space<hbm>>) target(%dma_start3A_567 : memref<128x32xbf16, #tpu.memory_space<vmem>>) offsets(%dma_start3A_570 : memref<128xi32, #tpu.memory_space<vmem>>) semaphore(%arg14 : memref<!tpu.dma_semaphore, #tpu.memory_space<semaphore_mem>>)
          %jit3A_574 = arith.constant 3 : i32
          %eq3A_575 = arith.constant 0 : i32
          %eq3A_576 = arith.cmpi eq, %jit3A_574, %eq3A_575 : i32
          %jit3A_577 = arith.constant 1 : i32
          %select_n3A_578 = arith.select %eq3A_576, %jit3A_577, %jit3A_574 : i32
          %rem3A_579 = arith.remsi %add3A_531, %select_n3A_578 : i32
          %ne3A_580 = arith.constant 0 : i32
          %ne3A_581 = arith.cmpi ne, %rem3A_579, %ne3A_580 : i32
          %lt3A_582 = arith.constant 0 : i32
          %lt3A_583 = arith.cmpi slt, %rem3A_579, %lt3A_582 : i32
          %lt3A_584 = arith.constant 0 : i32
          %lt3A_585 = arith.cmpi slt, %select_n3A_578, %lt3A_584 : i32
          %ne3A_586 = arith.xori %lt3A_583, %lt3A_585 : i1
          %and3A_587 = arith.andi %ne3A_586, %ne3A_581 : i1
          %add3A_588 = arith.addi %rem3A_579, %select_n3A_578 : i32
          %select_n3A_589 = arith.select %and3A_587, %add3A_588, %rem3A_579 : i32
          %jit3A_590 = arith.constant 3 : i32
          %eq3A_591 = arith.constant 0 : i32
          %eq3A_592 = arith.cmpi eq, %jit3A_590, %eq3A_591 : i32
          %jit3A_593 = arith.constant 1 : i32
          %select_n3A_594 = arith.select %eq3A_592, %jit3A_593, %jit3A_590 : i32
          %rem3A_595 = arith.remsi %add3A_531, %select_n3A_594 : i32
          %ne3A_596 = arith.constant 0 : i32
          %ne3A_597 = arith.cmpi ne, %rem3A_595, %ne3A_596 : i32
          %lt3A_598 = arith.constant 0 : i32
          %lt3A_599 = arith.cmpi slt, %rem3A_595, %lt3A_598 : i32
          %lt3A_600 = arith.constant 0 : i32
          %lt3A_601 = arith.cmpi slt, %select_n3A_594, %lt3A_600 : i32
          %ne3A_602 = arith.xori %lt3A_599, %lt3A_601 : i1
          %and3A_603 = arith.andi %ne3A_602, %ne3A_597 : i1
          %add3A_604 = arith.addi %rem3A_595, %select_n3A_594 : i32
          %select_n3A_605 = arith.select %and3A_603, %add3A_604, %rem3A_595 : i32
          %dma_start3A_606 = arith.constant 128 : i32
          %dma_start3A_607 = arith.constant 0 : i32
          %dma_start3A_608 = tpu.memref_slice %arg11[%select_n3A_605, %dma_start3A_606, %dma_start3A_607] : memref<3x256x32xbf16, #tpu.memory_space<vmem>> -> memref<1x128x32xbf16, #tpu.memory_space<vmem>>
          %dma_start3A_609 = tpu.memref_squeeze %dma_start3A_608 : memref<1x128x32xbf16, #tpu.memory_space<vmem>> -> memref<128x32xbf16, #tpu.memory_space<vmem>>
          %dma_start3A_610 = arith.constant 128 : i32
          %dma_start3A_611 = tpu.memref_slice %arg8[%select_n3A_589, %dma_start3A_610] : memref<3x256xi32, #tpu.memory_space<vmem>> -> memref<1x128xi32, #tpu.memory_space<vmem>>
          %dma_start3A_612 = tpu.memref_squeeze %dma_start3A_611 : memref<1x128xi32, #tpu.memory_space<vmem>> -> memref<128xi32, #tpu.memory_space<vmem>>
          %dma_start3A_613 = arith.constant 0 : i32
          %dma_start3A_614 = arith.constant 0 : i32
          %dma_start3A_615 = tpu.memref_slice %arg2[%dma_start3A_613, %dma_start3A_614] : memref<200192x32xbf16, #tpu.memory_space<hbm>> -> memref<200192x32xbf16, #tpu.memory_space<hbm>>
          tpu.enqueue_indirect_dma source(%dma_start3A_615 : memref<200192x32xbf16, #tpu.memory_space<hbm>>) target(%dma_start3A_609 : memref<128x32xbf16, #tpu.memory_space<vmem>>) offsets(%dma_start3A_612 : memref<128xi32, #tpu.memory_space<vmem>>) semaphore(%arg14 : memref<!tpu.dma_semaphore, #tpu.memory_space<semaphore_mem>>)
        } else {
        }
        %mul3A_324 = arith.constant 2 : i32
        %mul3A_325 = arith.muli %scan3A_222, %mul3A_324 : i32
        %add3A_326 = arith.addi %mul3A_0, %mul3A_325 : i32
        %mul3A_327 = arith.constant 128 : i32
        %mul3A_328 = arith.muli %add3A_326, %mul3A_327 : i32
        %jit3A_329 = arith.constant 3 : i32
        %eq3A_330 = arith.constant 0 : i32
        %eq3A_331 = arith.cmpi eq, %jit3A_329, %eq3A_330 : i32
        %jit3A_332 = arith.constant 1 : i32
        %select_n3A_333 = arith.select %eq3A_331, %jit3A_332, %jit3A_329 : i32
        %rem3A_334 = arith.remsi %scan3A_222, %select_n3A_333 : i32
        %ne3A_335 = arith.constant 0 : i32
        %ne3A_336 = arith.cmpi ne, %rem3A_334, %ne3A_335 : i32
        %lt3A_337 = arith.constant 0 : i32
        %lt3A_338 = arith.cmpi slt, %rem3A_334, %lt3A_337 : i32
        %lt3A_339 = arith.constant 0 : i32
        %lt3A_340 = arith.cmpi slt, %select_n3A_333, %lt3A_339 : i32
        %ne3A_341 = arith.xori %lt3A_338, %lt3A_340 : i1
        %and3A_342 = arith.andi %ne3A_341, %ne3A_336 : i1
        %add3A_343 = arith.addi %rem3A_334, %select_n3A_333 : i32
        %select_n3A_344 = arith.select %and3A_342, %add3A_343, %rem3A_334 : i32
        %dma_wait3A_345 = arith.constant 0 : i32
        %dma_wait3A_346 = tpu.memref_slice %arg9[%select_n3A_344, %dma_wait3A_345] : memref<3x256xi32, #tpu.memory_space<vmem>> -> memref<1x256xi32, #tpu.memory_space<vmem>>
        %dma_wait3A_347 = tpu.memref_squeeze %dma_wait3A_346 : memref<1x256xi32, #tpu.memory_space<vmem>> -> memref<256xi32, #tpu.memory_space<vmem>>
        %dma_wait3A_348 = tpu.memref_slice %arg5[%mul3A_328] : memref<819200xi32, #tpu.memory_space<hbm>> -> memref<256xi32, #tpu.memory_space<hbm>>
        %dma_wait3A_349 = arith.constant 0 : i32
        %dma_wait3A_350 = tpu.memref_slice %arg9[%select_n3A_344, %dma_wait3A_349] : memref<3x256xi32, #tpu.memory_space<vmem>> -> memref<1x256xi32, #tpu.memory_space<vmem>>
        %dma_wait3A_351 = tpu.memref_squeeze %dma_wait3A_350 : memref<1x256xi32, #tpu.memory_space<vmem>> -> memref<256xi32, #tpu.memory_space<vmem>>
        %dma_wait3A_352 = tpu.memref_slice %arg5[%mul3A_328] : memref<819200xi32, #tpu.memory_space<hbm>> -> memref<256xi32, #tpu.memory_space<hbm>>
        tpu.wait_dma2 semaphore(%arg17 : memref<!tpu.dma_semaphore, #tpu.memory_space<semaphore_mem>>) src(%dma_wait3A_352 : memref<256xi32, #tpu.memory_space<hbm>>) dst(%dma_wait3A_351 : memref<256xi32, #tpu.memory_space<vmem>>)
        %jit3A_353 = arith.constant 2 : i32
        %eq3A_354 = arith.constant 0 : i32
        %eq3A_355 = arith.cmpi eq, %jit3A_353, %eq3A_354 : i32
        %jit3A_356 = arith.constant 1 : i32
        %select_n3A_357 = arith.select %eq3A_355, %jit3A_356, %jit3A_353 : i32
        %rem3A_358 = arith.remsi %scan3A_222, %select_n3A_357 : i32
        %ne3A_359 = arith.constant 0 : i32
        %ne3A_360 = arith.cmpi ne, %rem3A_358, %ne3A_359 : i32
        %lt3A_361 = arith.constant 0 : i32
        %lt3A_362 = arith.cmpi slt, %rem3A_358, %lt3A_361 : i32
        %lt3A_363 = arith.constant 0 : i32
        %lt3A_364 = arith.cmpi slt, %select_n3A_357, %lt3A_363 : i32
        %ne3A_365 = arith.xori %lt3A_362, %lt3A_364 : i1
        %and3A_366 = arith.andi %ne3A_365, %ne3A_360 : i1
        %add3A_367 = arith.addi %rem3A_358, %select_n3A_357 : i32
        %select_n3A_368 = arith.select %and3A_366, %add3A_367, %rem3A_358 : i32
        %dma_wait3A_369 = arith.constant 0 : i32
        %dma_wait3A_370 = tpu.memref_slice %arg10[%select_n3A_368, %dma_wait3A_369] : memref<2x256xf32, #tpu.memory_space<vmem>> -> memref<1x256xf32, #tpu.memory_space<vmem>>
        %dma_wait3A_371 = tpu.memref_squeeze %dma_wait3A_370 : memref<1x256xf32, #tpu.memory_space<vmem>> -> memref<256xf32, #tpu.memory_space<vmem>>
        %dma_wait3A_372 = tpu.memref_slice %arg6[%mul3A_328] : memref<819200xf32, #tpu.memory_space<hbm>> -> memref<256xf32, #tpu.memory_space<hbm>>
        %dma_wait3A_373 = arith.constant 0 : i32
        %dma_wait3A_374 = tpu.memref_slice %arg10[%select_n3A_368, %dma_wait3A_373] : memref<2x256xf32, #tpu.memory_space<vmem>> -> memref<1x256xf32, #tpu.memory_space<vmem>>
        %dma_wait3A_375 = tpu.memref_squeeze %dma_wait3A_374 : memref<1x256xf32, #tpu.memory_space<vmem>> -> memref<256xf32, #tpu.memory_space<vmem>>
        %dma_wait3A_376 = tpu.memref_slice %arg6[%mul3A_328] : memref<819200xf32, #tpu.memory_space<hbm>> -> memref<256xf32, #tpu.memory_space<hbm>>
        tpu.wait_dma2 semaphore(%arg17 : memref<!tpu.dma_semaphore, #tpu.memory_space<semaphore_mem>>) src(%dma_wait3A_376 : memref<256xf32, #tpu.memory_space<hbm>>) dst(%dma_wait3A_375 : memref<256xf32, #tpu.memory_space<vmem>>)
        %jit3A_377 = arith.constant 3 : i32
        %eq3A_378 = arith.constant 0 : i32
        %eq3A_379 = arith.cmpi eq, %jit3A_377, %eq3A_378 : i32
        %jit3A_380 = arith.constant 1 : i32
        %select_n3A_381 = arith.select %eq3A_379, %jit3A_380, %jit3A_377 : i32
        %rem3A_382 = arith.remsi %scan3A_222, %select_n3A_381 : i32
        %ne3A_383 = arith.constant 0 : i32
        %ne3A_384 = arith.cmpi ne, %rem3A_382, %ne3A_383 : i32
        %lt3A_385 = arith.constant 0 : i32
        %lt3A_386 = arith.cmpi slt, %rem3A_382, %lt3A_385 : i32
        %lt3A_387 = arith.constant 0 : i32
        %lt3A_388 = arith.cmpi slt, %select_n3A_381, %lt3A_387 : i32
        %ne3A_389 = arith.xori %lt3A_386, %lt3A_388 : i1
        %and3A_390 = arith.andi %ne3A_389, %ne3A_384 : i1
        %add3A_391 = arith.addi %rem3A_382, %select_n3A_381 : i32
        %select_n3A_392 = arith.select %and3A_390, %add3A_391, %rem3A_382 : i32
        %jit3A_393 = arith.constant 2 : i32
        %eq3A_394 = arith.constant 0 : i32
        %eq3A_395 = arith.cmpi eq, %jit3A_393, %eq3A_394 : i32
        %jit3A_396 = arith.constant 1 : i32
        %select_n3A_397 = arith.select %eq3A_395, %jit3A_396, %jit3A_393 : i32
        %rem3A_398 = arith.remsi %scan3A_222, %select_n3A_397 : i32
        %ne3A_399 = arith.constant 0 : i32
        %ne3A_400 = arith.cmpi ne, %rem3A_398, %ne3A_399 : i32
        %lt3A_401 = arith.constant 0 : i32
        %lt3A_402 = arith.cmpi slt, %rem3A_398, %lt3A_401 : i32
        %lt3A_403 = arith.constant 0 : i32
        %lt3A_404 = arith.cmpi slt, %select_n3A_397, %lt3A_403 : i32
        %ne3A_405 = arith.xori %lt3A_402, %lt3A_404 : i1
        %and3A_406 = arith.andi %ne3A_405, %ne3A_400 : i1
        %add3A_407 = arith.addi %rem3A_398, %select_n3A_397 : i32
        %select_n3A_408 = arith.select %and3A_406, %add3A_407, %rem3A_398 : i32
        %parallel_loop3A = arith.constant 0 : i32
        %parallel_loop3A_409 = arith.constant 16 : i32
        %parallel_loop3A_410 = arith.constant 1 : i32
        scf.for %parallel_loop3A_496 = %parallel_loop3A to %parallel_loop3A_409 step %parallel_loop3A_410  : i32 {
          %parallel_loop3A_497 = arith.constant 2 : i32
          %parallel_loop3A_498 = arith.constant 0 : i32
          %parallel_loop3A_499 = arith.cmpi eq, %parallel_loop3A_497, %parallel_loop3A_498 : i32
          %parallel_loop3A_500 = arith.constant 1 : i32
          %parallel_loop3A_501 = arith.select %parallel_loop3A_499, %parallel_loop3A_500, %parallel_loop3A_497 : i32
          %parallel_loop3A_502 = arith.remsi %scan3A_222, %parallel_loop3A_501 : i32
          %parallel_loop3A_503 = arith.constant 0 : i32
          %parallel_loop3A_504 = arith.cmpi ne, %parallel_loop3A_502, %parallel_loop3A_503 : i32
          %parallel_loop3A_505 = arith.constant 0 : i32
          %parallel_loop3A_506 = arith.cmpi slt, %parallel_loop3A_502, %parallel_loop3A_505 : i32
          %parallel_loop3A_507 = arith.constant 0 : i32
          %parallel_loop3A_508 = arith.cmpi slt, %parallel_loop3A_501, %parallel_loop3A_507 : i32
          %parallel_loop3A_509 = arith.xori %parallel_loop3A_506, %parallel_loop3A_508 : i1
          %parallel_loop3A_510 = arith.andi %parallel_loop3A_509, %parallel_loop3A_504 : i1
          %parallel_loop3A_511 = arith.addi %parallel_loop3A_502, %parallel_loop3A_501 : i32
          %parallel_loop3A_512 = arith.select %parallel_loop3A_510, %parallel_loop3A_511, %parallel_loop3A_502 : i32
          %parallel_loop3A_513 = arith.constant 16 : i32
          %parallel_loop3A_514 = arith.muli %parallel_loop3A_496, %parallel_loop3A_513 : i32
          %parallel_loop3A_515 = arith.index_cast %parallel_loop3A_512 : i32 to index
          %parallel_loop3A_516 = arith.index_cast %parallel_loop3A_514 : i32 to index
          %parallel_loop3A_517 = tpu.vector_load %arg10[%parallel_loop3A_515, %parallel_loop3A_516] {strides = array<i32>} : memref<2x256xf32, #tpu.memory_space<vmem>>, vector<16xf32>,
          %parallel_loop3A_518 = arith.constant 16 : i32
          %parallel_loop3A_519 = arith.muli %parallel_loop3A_496, %parallel_loop3A_518 : i32
          %parallel_loop3A_520 = arith.constant 0 : i32
          %parallel_loop3A_521 = arith.addi %parallel_loop3A_519, %parallel_loop3A_520 : i32
          %parallel_loop3A_522 = arith.constant 0 : i32
          %parallel_loop3A_523 = vector.broadcast %parallel_loop3A_522 : i32 to vector<16x1xi32>
          %parallel_loop3A_524 = vector.shape_cast %parallel_loop3A_523 : vector<16x1xi32> to vector<16xi32>
          %parallel_loop3A_525 = tpu.dynamic_gather %parallel_loop3A_517[%parallel_loop3A_524] in [0] : vector<16xf32>, vector<16xi32> -> vector<16xf32>
          %parallel_loop3A_526 = arith.index_cast %select_n3A_392 : i32 to index
          %parallel_loop3A_527 = arith.index_cast %parallel_loop3A_521 : i32 to index
          %parallel_loop3A_528 = arith.constant 0 : index
          %parallel_loop3A_529 = tpu.vector_load %arg11[%parallel_loop3A_526, %parallel_loop3A_527, %parallel_loop3A_528] {strides = array<i32>} : memref<3x256x32xbf16, #tpu.memory_space<vmem>>, vector<32xbf16>,
          %parallel_loop3A_530 = tpu.unpack_subelements %parallel_loop3A_529, 0 {pack_format = #tpu.pack_format<interleaved>} : vector<32xbf16> -> vector<16xf32>
          %parallel_loop3A_531 = tpu.unpack_subelements %parallel_loop3A_529, 1 {pack_format = #tpu.pack_format<interleaved>} : vector<32xbf16> -> vector<16xf32>
          %parallel_loop3A_532 = arith.mulf %parallel_loop3A_530, %parallel_loop3A_525 : vector<16xf32>
          %parallel_loop3A_533 = arith.index_cast %select_n3A_408 : i32 to index
          %parallel_loop3A_534 = arith.index_cast %parallel_loop3A_521 : i32 to index
          %parallel_loop3A_535 = arith.constant 0 : index
          %parallel_loop3A_536 = tpu.vector_load %arg12[%parallel_loop3A_533, %parallel_loop3A_534, %parallel_loop3A_535] {strides = array<i32>} : memref<2x256x32xf32, #tpu.memory_space<vmem>>, vector<16xf32>,
          tpu.vector_store %arg12[%parallel_loop3A_533, %parallel_loop3A_534, %parallel_loop3A_535], %parallel_loop3A_532 {strides = array<i32>} : memref<2x256x32xf32, #tpu.memory_space<vmem>>, vector<16xf32>,
          %parallel_loop3A_537 = arith.mulf %parallel_loop3A_531, %parallel_loop3A_525 : vector<16xf32>
          %parallel_loop3A_538 = arith.index_cast %select_n3A_408 : i32 to index
          %parallel_loop3A_539 = arith.index_cast %parallel_loop3A_521 : i32 to index
          %parallel_loop3A_540 = arith.constant 16 : index
          %parallel_loop3A_541 = tpu.vector_load %arg12[%parallel_loop3A_538, %parallel_loop3A_539, %parallel_loop3A_540] {strides = array<i32>} : memref<2x256x32xf32, #tpu.memory_space<vmem>>, vector<16xf32>,
          tpu.vector_store %arg12[%parallel_loop3A_538, %parallel_loop3A_539, %parallel_loop3A_540], %parallel_loop3A_537 {strides = array<i32>} : memref<2x256x32xf32, #tpu.memory_space<vmem>>, vector<16xf32>,
          %parallel_loop3A_542 = arith.constant 16 : i32
          %parallel_loop3A_543 = arith.muli %parallel_loop3A_496, %parallel_loop3A_542 : i32
          %parallel_loop3A_544 = arith.constant 1 : i32
          %parallel_loop3A_545 = arith.addi %parallel_loop3A_543, %parallel_loop3A_544 : i32
          %parallel_loop3A_546 = arith.constant 1 : i32
          %parallel_loop3A_547 = vector.broadcast %parallel_loop3A_546 : i32 to vector<16x1xi32>
          %parallel_loop3A_548 = vector.shape_cast %parallel_loop3A_547 : vector<16x1xi32> to vector<16xi32>
          %parallel_loop3A_549 = tpu.dynamic_gather %parallel_loop3A_517[%parallel_loop3A_548] in [0] : vector<16xf32>, vector<16xi32> -> vector<16xf32>
          %parallel_loop3A_550 = arith.index_cast %select_n3A_392 : i32 to index
          %parallel_loop3A_551 = arith.index_cast %parallel_loop3A_545 : i32 to index
          %parallel_loop3A_552 = arith.constant 0 : index
          %parallel_loop3A_553 = tpu.vector_load %arg11[%parallel_loop3A_550, %parallel_loop3A_551, %parallel_loop3A_552] {strides = array<i32>} : memref<3x256x32xbf16, #tpu.memory_space<vmem>>, vector<32xbf16>,
          %parallel_loop3A_554 = tpu.unpack_subelements %parallel_loop3A_553, 0 {pack_format = #tpu.pack_format<interleaved>} : vector<32xbf16> -> vector<16xf32>
          %parallel_loop3A_555 = tpu.unpack_subelements %parallel_loop3A_553, 1 {pack_format = #tpu.pack_format<interleaved>} : vector<32xbf16> -> vector<16xf32>
          %parallel_loop3A_556 = arith.mulf %parallel_loop3A_554, %parallel_loop3A_549 : vector<16xf32>
          %parallel_loop3A_557 = arith.index_cast %select_n3A_408 : i32 to index
          %parallel_loop3A_558 = arith.index_cast %parallel_loop3A_545 : i32 to index
          %parallel_loop3A_559 = arith.constant 0 : index
          %parallel_loop3A_560 = tpu.vector_load %arg12[%parallel_loop3A_557, %parallel_loop3A_558, %parallel_loop3A_559] {strides = array<i32>} : memref<2x256x32xf32, #tpu.memory_space<vmem>>, vector<16xf32>,
          tpu.vector_store %arg12[%parallel_loop3A_557, %parallel_loop3A_558, %parallel_loop3A_559], %parallel_loop3A_556 {strides = array<i32>} : memref<2x256x32xf32, #tpu.memory_space<vmem>>, vector<16xf32>,
          %parallel_loop3A_561 = arith.mulf %parallel_loop3A_555, %parallel_loop3A_549 : vector<16xf32>
          %parallel_loop3A_562 = arith.index_cast %select_n3A_408 : i32 to index
          %parallel_loop3A_563 = arith.index_cast %parallel_loop3A_545 : i32 to index
          %parallel_loop3A_564 = arith.constant 16 : index
          %parallel_loop3A_565 = tpu.vector_load %arg12[%parallel_loop3A_562, %parallel_loop3A_563, %parallel_loop3A_564] {strides = array<i32>} : memref<2x256x32xf32, #tpu.memory_space<vmem>>, vector<16xf32>,
          tpu.vector_store %arg12[%parallel_loop3A_562, %parallel_loop3A_563, %parallel_loop3A_564], %parallel_loop3A_561 {strides = array<i32>} : memref<2x256x32xf32, #tpu.memory_space<vmem>>, vector<16xf32>,
          %parallel_loop3A_566 = arith.constant 16 : i32
          %parallel_loop3A_567 = arith.muli %parallel_loop3A_496, %parallel_loop3A_566 : i32
          %parallel_loop3A_568 = arith.constant 2 : i32
          %parallel_loop3A_569 = arith.addi %parallel_loop3A_567, %parallel_loop3A_568 : i32
          %parallel_loop3A_570 = arith.constant 2 : i32
          %parallel_loop3A_571 = vector.broadcast %parallel_loop3A_570 : i32 to vector<16x1xi32>
          %parallel_loop3A_572 = vector.shape_cast %parallel_loop3A_571 : vector<16x1xi32> to vector<16xi32>
          %parallel_loop3A_573 = tpu.dynamic_gather %parallel_loop3A_517[%parallel_loop3A_572] in [0] : vector<16xf32>, vector<16xi32> -> vector<16xf32>
          %parallel_loop3A_574 = arith.index_cast %select_n3A_392 : i32 to index
          %parallel_loop3A_575 = arith.index_cast %parallel_loop3A_569 : i32 to index
          %parallel_loop3A_576 = arith.constant 0 : index
          %parallel_loop3A_577 = tpu.vector_load %arg11[%parallel_loop3A_574, %parallel_loop3A_575, %parallel_loop3A_576] {strides = array<i32>} : memref<3x256x32xbf16, #tpu.memory_space<vmem>>, vector<32xbf16>,
          %parallel_loop3A_578 = tpu.unpack_subelements %parallel_loop3A_577, 0 {pack_format = #tpu.pack_format<interleaved>} : vector<32xbf16> -> vector<16xf32>
          %parallel_loop3A_579 = tpu.unpack_subelements %parallel_loop3A_577, 1 {pack_format = #tpu.pack_format<interleaved>} : vector<32xbf16> -> vector<16xf32>
          %parallel_loop3A_580 = arith.mulf %parallel_loop3A_578, %parallel_loop3A_573 : vector<16xf32>
          %parallel_loop3A_581 = arith.index_cast %select_n3A_408 : i32 to index
          %parallel_loop3A_582 = arith.index_cast %parallel_loop3A_569 : i32 to index
          %parallel_loop3A_583 = arith.constant 0 : index
          %parallel_loop3A_584 = tpu.vector_load %arg12[%parallel_loop3A_581, %parallel_loop3A_582, %parallel_loop3A_583] {strides = array<i32>} : memref<2x256x32xf32, #tpu.memory_space<vmem>>, vector<16xf32>,
          tpu.vector_store %arg12[%parallel_loop3A_581, %parallel_loop3A_582, %parallel_loop3A_583], %parallel_loop3A_580 {strides = array<i32>} : memref<2x256x32xf32, #tpu.memory_space<vmem>>, vector<16xf32>,
          %parallel_loop3A_585 = arith.mulf %parallel_loop3A_579, %parallel_loop3A_573 : vector<16xf32>
          %parallel_loop3A_586 = arith.index_cast %select_n3A_408 : i32 to index
          %parallel_loop3A_587 = arith.index_cast %parallel_loop3A_569 : i32 to index
          %parallel_loop3A_588 = arith.constant 16 : index
          %parallel_loop3A_589 = tpu.vector_load %arg12[%parallel_loop3A_586, %parallel_loop3A_587, %parallel_loop3A_588] {strides = array<i32>} : memref<2x256x32xf32, #tpu.memory_space<vmem>>, vector<16xf32>,
          tpu.vector_store %arg12[%parallel_loop3A_586, %parallel_loop3A_587, %parallel_loop3A_588], %parallel_loop3A_585 {strides = array<i32>} : memref<2x256x32xf32, #tpu.memory_space<vmem>>, vector<16xf32>,
          %parallel_loop3A_590 = arith.constant 16 : i32
          %parallel_loop3A_591 = arith.muli %parallel_loop3A_496, %parallel_loop3A_590 : i32
          %parallel_loop3A_592 = arith.constant 3 : i32
          %parallel_loop3A_593 = arith.addi %parallel_loop3A_591, %parallel_loop3A_592 : i32
          %parallel_loop3A_594 = arith.constant 3 : i32
          %parallel_loop3A_595 = vector.broadcast %parallel_loop3A_594 : i32 to vector<16x1xi32>
          %parallel_loop3A_596 = vector.shape_cast %parallel_loop3A_595 : vector<16x1xi32> to vector<16xi32>
          %parallel_loop3A_597 = tpu.dynamic_gather %parallel_loop3A_517[%parallel_loop3A_596] in [0] : vector<16xf32>, vector<16xi32> -> vector<16xf32>
          %parallel_loop3A_598 = arith.index_cast %select_n3A_392 : i32 to index
          %parallel_loop3A_599 = arith.index_cast %parallel_loop3A_593 : i32 to index
          %parallel_loop3A_600 = arith.constant 0 : index
          %parallel_loop3A_601 = tpu.vector_load %arg11[%parallel_loop3A_598, %parallel_loop3A_599, %parallel_loop3A_600] {strides = array<i32>} : memref<3x256x32xbf16, #tpu.memory_space<vmem>>, vector<32xbf16>,
          %parallel_loop3A_602 = tpu.unpack_subelements %parallel_loop3A_601, 0 {pack_format = #tpu.pack_format<interleaved>} : vector<32xbf16> -> vector<16xf32>
          %parallel_loop3A_603 = tpu.unpack_subelements %parallel_loop3A_601, 1 {pack_format = #tpu.pack_format<interleaved>} : vector<32xbf16> -> vector<16xf32>
          %parallel_loop3A_604 = arith.mulf %parallel_loop3A_602, %parallel_loop3A_597 : vector<16xf32>
          %parallel_loop3A_605 = arith.index_cast %select_n3A_408 : i32 to index
          %parallel_loop3A_606 = arith.index_cast %parallel_loop3A_593 : i32 to index
          %parallel_loop3A_607 = arith.constant 0 : index
          %parallel_loop3A_608 = tpu.vector_load %arg12[%parallel_loop3A_605, %parallel_loop3A_606, %parallel_loop3A_607] {strides = array<i32>} : memref<2x256x32xf32, #tpu.memory_space<vmem>>, vector<16xf32>,
          tpu.vector_store %arg12[%parallel_loop3A_605, %parallel_loop3A_606, %parallel_loop3A_607], %parallel_loop3A_604 {strides = array<i32>} : memref<2x256x32xf32, #tpu.memory_space<vmem>>, vector<16xf32>,
          %parallel_loop3A_609 = arith.mulf %parallel_loop3A_603, %parallel_loop3A_597 : vector<16xf32>
          %parallel_loop3A_610 = arith.index_cast %select_n3A_408 : i32 to index
          %parallel_loop3A_611 = arith.index_cast %parallel_loop3A_593 : i32 to index
          %parallel_loop3A_612 = arith.constant 16 : index
          %parallel_loop3A_613 = tpu.vector_load %arg12[%parallel_loop3A_610, %parallel_loop3A_611, %parallel_loop3A_612] {strides = array<i32>} : memref<2x256x32xf32, #tpu.memory_space<vmem>>, vector<16xf32>,
          tpu.vector_store %arg12[%parallel_loop3A_610, %parallel_loop3A_611, %parallel_loop3A_612], %parallel_loop3A_609 {strides = array<i32>} : memref<2x256x32xf32, #tpu.memory_space<vmem>>, vector<16xf32>,
          %parallel_loop3A_614 = arith.constant 16 : i32
          %parallel_loop3A_615 = arith.muli %parallel_loop3A_496, %parallel_loop3A_614 : i32
          %parallel_loop3A_616 = arith.constant 4 : i32
          %parallel_loop3A_617 = arith.addi %parallel_loop3A_615, %parallel_loop3A_616 : i32
          %parallel_loop3A_618 = arith.constant 4 : i32
          %parallel_loop3A_619 = vector.broadcast %parallel_loop3A_618 : i32 to vector<16x1xi32>
          %parallel_loop3A_620 = vector.shape_cast %parallel_loop3A_619 : vector<16x1xi32> to vector<16xi32>
          %parallel_loop3A_621 = tpu.dynamic_gather %parallel_loop3A_517[%parallel_loop3A_620] in [0] : vector<16xf32>, vector<16xi32> -> vector<16xf32>
          %parallel_loop3A_622 = arith.index_cast %select_n3A_392 : i32 to index
          %parallel_loop3A_623 = arith.index_cast %parallel_loop3A_617 : i32 to index
          %parallel_loop3A_624 = arith.constant 0 : index
          %parallel_loop3A_625 = tpu.vector_load %arg11[%parallel_loop3A_622, %parallel_loop3A_623, %parallel_loop3A_624] {strides = array<i32>} : memref<3x256x32xbf16, #tpu.memory_space<vmem>>, vector<32xbf16>,
          %parallel_loop3A_626 = tpu.unpack_subelements %parallel_loop3A_625, 0 {pack_format = #tpu.pack_format<interleaved>} : vector<32xbf16> -> vector<16xf32>
          %parallel_loop3A_627 = tpu.unpack_subelements %parallel_loop3A_625, 1 {pack_format = #tpu.pack_format<interleaved>} : vector<32xbf16> -> vector<16xf32>
          %parallel_loop3A_628 = arith.mulf %parallel_loop3A_626, %parallel_loop3A_621 : vector<16xf32>
          %parallel_loop3A_629 = arith.index_cast %select_n3A_408 : i32 to index
          %parallel_loop3A_630 = arith.index_cast %parallel_loop3A_617 : i32 to index
          %parallel_loop3A_631 = arith.constant 0 : index
          %parallel_loop3A_632 = tpu.vector_load %arg12[%parallel_loop3A_629, %parallel_loop3A_630, %parallel_loop3A_631] {strides = array<i32>} : memref<2x256x32xf32, #tpu.memory_space<vmem>>, vector<16xf32>,
          tpu.vector_store %arg12[%parallel_loop3A_629, %parallel_loop3A_630, %parallel_loop3A_631], %parallel_loop3A_628 {strides = array<i32>} : memref<2x256x32xf32, #tpu.memory_space<vmem>>, vector<16xf32>,
          %parallel_loop3A_633 = arith.mulf %parallel_loop3A_627, %parallel_loop3A_621 : vector<16xf32>
          %parallel_loop3A_634 = arith.index_cast %select_n3A_408 : i32 to index
          %parallel_loop3A_635 = arith.index_cast %parallel_loop3A_617 : i32 to index
          %parallel_loop3A_636 = arith.constant 16 : index
          %parallel_loop3A_637 = tpu.vector_load %arg12[%parallel_loop3A_634, %parallel_loop3A_635, %parallel_loop3A_636] {strides = array<i32>} : memref<2x256x32xf32, #tpu.memory_space<vmem>>, vector<16xf32>,
          tpu.vector_store %arg12[%parallel_loop3A_634, %parallel_loop3A_635, %parallel_loop3A_636], %parallel_loop3A_633 {strides = array<i32>} : memref<2x256x32xf32, #tpu.memory_space<vmem>>, vector<16xf32>,
          %parallel_loop3A_638 = arith.constant 16 : i32
          %parallel_loop3A_639 = arith.muli %parallel_loop3A_496, %parallel_loop3A_638 : i32
          %parallel_loop3A_640 = arith.constant 5 : i32
          %parallel_loop3A_641 = arith.addi %parallel_loop3A_639, %parallel_loop3A_640 : i32
          %parallel_loop3A_642 = arith.constant 5 : i32
          %parallel_loop3A_643 = vector.broadcast %parallel_loop3A_642 : i32 to vector<16x1xi32>
          %parallel_loop3A_644 = vector.shape_cast %parallel_loop3A_643 : vector<16x1xi32> to vector<16xi32>
          %parallel_loop3A_645 = tpu.dynamic_gather %parallel_loop3A_517[%parallel_loop3A_644] in [0] : vector<16xf32>, vector<16xi32> -> vector<16xf32>
          %parallel_loop3A_646 = arith.index_cast %select_n3A_392 : i32 to index
          %parallel_loop3A_647 = arith.index_cast %parallel_loop3A_641 : i32 to index
          %parallel_loop3A_648 = arith.constant 0 : index
          %parallel_loop3A_649 = tpu.vector_load %arg11[%parallel_loop3A_646, %parallel_loop3A_647, %parallel_loop3A_648] {strides = array<i32>} : memref<3x256x32xbf16, #tpu.memory_space<vmem>>, vector<32xbf16>,
          %parallel_loop3A_650 = tpu.unpack_subelements %parallel_loop3A_649, 0 {pack_format = #tpu.pack_format<interleaved>} : vector<32xbf16> -> vector<16xf32>
          %parallel_loop3A_651 = tpu.unpack_subelements %parallel_loop3A_649, 1 {pack_format = #tpu.pack_format<interleaved>} : vector<32xbf16> -> vector<16xf32>
          %parallel_loop3A_652 = arith.mulf %parallel_loop3A_650, %parallel_loop3A_645 : vector<16xf32>
          %parallel_loop3A_653 = arith.index_cast %select_n3A_408 : i32 to index
          %parallel_loop3A_654 = arith.index_cast %parallel_loop3A_641 : i32 to index
          %parallel_loop3A_655 = arith.constant 0 : index
          %parallel_loop3A_656 = tpu.vector_load %arg12[%parallel_loop3A_653, %parallel_loop3A_654, %parallel_loop3A_655] {strides = array<i32>} : memref<2x256x32xf32, #tpu.memory_space<vmem>>, vector<16xf32>,
          tpu.vector_store %arg12[%parallel_loop3A_653, %parallel_loop3A_654, %parallel_loop3A_655], %parallel_loop3A_652 {strides = array<i32>} : memref<2x256x32xf32, #tpu.memory_space<vmem>>, vector<16xf32>,
          %parallel_loop3A_657 = arith.mulf %parallel_loop3A_651, %parallel_loop3A_645 : vector<16xf32>
          %parallel_loop3A_658 = arith.index_cast %select_n3A_408 : i32 to index
          %parallel_loop3A_659 = arith.index_cast %parallel_loop3A_641 : i32 to index
          %parallel_loop3A_660 = arith.constant 16 : index
          %parallel_loop3A_661 = tpu.vector_load %arg12[%parallel_loop3A_658, %parallel_loop3A_659, %parallel_loop3A_660] {strides = array<i32>} : memref<2x256x32xf32, #tpu.memory_space<vmem>>, vector<16xf32>,
          tpu.vector_store %arg12[%parallel_loop3A_658, %parallel_loop3A_659, %parallel_loop3A_660], %parallel_loop3A_657 {strides = array<i32>} : memref<2x256x32xf32, #tpu.memory_space<vmem>>, vector<16xf32>,
          %parallel_loop3A_662 = arith.constant 16 : i32
          %parallel_loop3A_663 = arith.muli %parallel_loop3A_496, %parallel_loop3A_662 : i32
          %parallel_loop3A_664 = arith.constant 6 : i32
          %parallel_loop3A_665 = arith.addi %parallel_loop3A_663, %parallel_loop3A_664 : i32
          %parallel_loop3A_666 = arith.constant 6 : i32
          %parallel_loop3A_667 = vector.broadcast %parallel_loop3A_666 : i32 to vector<16x1xi32>
          %parallel_loop3A_668 = vector.shape_cast %parallel_loop3A_667 : vector<16x1xi32> to vector<16xi32>
          %parallel_loop3A_669 = tpu.dynamic_gather %parallel_loop3A_517[%parallel_loop3A_668] in [0] : vector<16xf32>, vector<16xi32> -> vector<16xf32>
          %parallel_loop3A_670 = arith.index_cast %select_n3A_392 : i32 to index
          %parallel_loop3A_671 = arith.index_cast %parallel_loop3A_665 : i32 to index
          %parallel_loop3A_672 = arith.constant 0 : index
          %parallel_loop3A_673 = tpu.vector_load %arg11[%parallel_loop3A_670, %parallel_loop3A_671, %parallel_loop3A_672] {strides = array<i32>} : memref<3x256x32xbf16, #tpu.memory_space<vmem>>, vector<32xbf16>,
          %parallel_loop3A_674 = tpu.unpack_subelements %parallel_loop3A_673, 0 {pack_format = #tpu.pack_format<interleaved>} : vector<32xbf16> -> vector<16xf32>
          %parallel_loop3A_675 = tpu.unpack_subelements %parallel_loop3A_673, 1 {pack_format = #tpu.pack_format<interleaved>} : vector<32xbf16> -> vector<16xf32>
          %parallel_loop3A_676 = arith.mulf %parallel_loop3A_674, %parallel_loop3A_669 : vector<16xf32>
          %parallel_loop3A_677 = arith.index_cast %select_n3A_408 : i32 to index
          %parallel_loop3A_678 = arith.index_cast %parallel_loop3A_665 : i32 to index
          %parallel_loop3A_679 = arith.constant 0 : index
          %parallel_loop3A_680 = tpu.vector_load %arg12[%parallel_loop3A_677, %parallel_loop3A_678, %parallel_loop3A_679] {strides = array<i32>} : memref<2x256x32xf32, #tpu.memory_space<vmem>>, vector<16xf32>,
          tpu.vector_store %arg12[%parallel_loop3A_677, %parallel_loop3A_678, %parallel_loop3A_679], %parallel_loop3A_676 {strides = array<i32>} : memref<2x256x32xf32, #tpu.memory_space<vmem>>, vector<16xf32>,
          %parallel_loop3A_681 = arith.mulf %parallel_loop3A_675, %parallel_loop3A_669 : vector<16xf32>
          %parallel_loop3A_682 = arith.index_cast %select_n3A_408 : i32 to index
          %parallel_loop3A_683 = arith.index_cast %parallel_loop3A_665 : i32 to index
          %parallel_loop3A_684 = arith.constant 16 : index
          %parallel_loop3A_685 = tpu.vector_load %arg12[%parallel_loop3A_682, %parallel_loop3A_683, %parallel_loop3A_684] {strides = array<i32>} : memref<2x256x32xf32, #tpu.memory_space<vmem>>, vector<16xf32>,
          tpu.vector_store %arg12[%parallel_loop3A_682, %parallel_loop3A_683, %parallel_loop3A_684], %parallel_loop3A_681 {strides = array<i32>} : memref<2x256x32xf32, #tpu.memory_space<vmem>>, vector<16xf32>,
          %parallel_loop3A_686 = arith.constant 16 : i32
          %parallel_loop3A_687 = arith.muli %parallel_loop3A_496, %parallel_loop3A_686 : i32
          %parallel_loop3A_688 = arith.constant 7 : i32
          %parallel_loop3A_689 = arith.addi %parallel_loop3A_687, %parallel_loop3A_688 : i32
          %parallel_loop3A_690 = arith.constant 7 : i32
          %parallel_loop3A_691 = vector.broadcast %parallel_loop3A_690 : i32 to vector<16x1xi32>
          %parallel_loop3A_692 = vector.shape_cast %parallel_loop3A_691 : vector<16x1xi32> to vector<16xi32>
          %parallel_loop3A_693 = tpu.dynamic_gather %parallel_loop3A_517[%parallel_loop3A_692] in [0] : vector<16xf32>, vector<16xi32> -> vector<16xf32>
          %parallel_loop3A_694 = arith.index_cast %select_n3A_392 : i32 to index
          %parallel_loop3A_695 = arith.index_cast %parallel_loop3A_689 : i32 to index
          %parallel_loop3A_696 = arith.constant 0 : index
          %parallel_loop3A_697 = tpu.vector_load %arg11[%parallel_loop3A_694, %parallel_loop3A_695, %parallel_loop3A_696] {strides = array<i32>} : memref<3x256x32xbf16, #tpu.memory_space<vmem>>, vector<32xbf16>,
          %parallel_loop3A_698 = tpu.unpack_subelements %parallel_loop3A_697, 0 {pack_format = #tpu.pack_format<interleaved>} : vector<32xbf16> -> vector<16xf32>
          %parallel_loop3A_699 = tpu.unpack_subelements %parallel_loop3A_697, 1 {pack_format = #tpu.pack_format<interleaved>} : vector<32xbf16> -> vector<16xf32>
          %parallel_loop3A_700 = arith.mulf %parallel_loop3A_698, %parallel_loop3A_693 : vector<16xf32>
          %parallel_loop3A_701 = arith.index_cast %select_n3A_408 : i32 to index
          %parallel_loop3A_702 = arith.index_cast %parallel_loop3A_689 : i32 to index
          %parallel_loop3A_703 = arith.constant 0 : index
          %parallel_loop3A_704 = tpu.vector_load %arg12[%parallel_loop3A_701, %parallel_loop3A_702, %parallel_loop3A_703] {strides = array<i32>} : memref<2x256x32xf32, #tpu.memory_space<vmem>>, vector<16xf32>,
          tpu.vector_store %arg12[%parallel_loop3A_701, %parallel_loop3A_702, %parallel_loop3A_703], %parallel_loop3A_700 {strides = array<i32>} : memref<2x256x32xf32, #tpu.memory_space<vmem>>, vector<16xf32>,
          %parallel_loop3A_705 = arith.mulf %parallel_loop3A_699, %parallel_loop3A_693 : vector<16xf32>
          %parallel_loop3A_706 = arith.index_cast %select_n3A_408 : i32 to index
          %parallel_loop3A_707 = arith.index_cast %parallel_loop3A_689 : i32 to index
          %parallel_loop3A_708 = arith.constant 16 : index
          %parallel_loop3A_709 = tpu.vector_load %arg12[%parallel_loop3A_706, %parallel_loop3A_707, %parallel_loop3A_708] {strides = array<i32>} : memref<2x256x32xf32, #tpu.memory_space<vmem>>, vector<16xf32>,
          tpu.vector_store %arg12[%parallel_loop3A_706, %parallel_loop3A_707, %parallel_loop3A_708], %parallel_loop3A_705 {strides = array<i32>} : memref<2x256x32xf32, #tpu.memory_space<vmem>>, vector<16xf32>,
          %parallel_loop3A_710 = arith.constant 16 : i32
          %parallel_loop3A_711 = arith.muli %parallel_loop3A_496, %parallel_loop3A_710 : i32
          %parallel_loop3A_712 = arith.constant 8 : i32
          %parallel_loop3A_713 = arith.addi %parallel_loop3A_711, %parallel_loop3A_712 : i32
          %parallel_loop3A_714 = arith.constant 8 : i32
          %parallel_loop3A_715 = vector.broadcast %parallel_loop3A_714 : i32 to vector<16x1xi32>
          %parallel_loop3A_716 = vector.shape_cast %parallel_loop3A_715 : vector<16x1xi32> to vector<16xi32>
          %parallel_loop3A_717 = tpu.dynamic_gather %parallel_loop3A_517[%parallel_loop3A_716] in [0] : vector<16xf32>, vector<16xi32> -> vector<16xf32>
          %parallel_loop3A_718 = arith.index_cast %select_n3A_392 : i32 to index
          %parallel_loop3A_719 = arith.index_cast %parallel_loop3A_713 : i32 to index
          %parallel_loop3A_720 = arith.constant 0 : index
          %parallel_loop3A_721 = tpu.vector_load %arg11[%parallel_loop3A_718, %parallel_loop3A_719, %parallel_loop3A_720] {strides = array<i32>} : memref<3x256x32xbf16, #tpu.memory_space<vmem>>, vector<32xbf16>,
          %parallel_loop3A_722 = tpu.unpack_subelements %parallel_loop3A_721, 0 {pack_format = #tpu.pack_format<interleaved>} : vector<32xbf16> -> vector<16xf32>
          %parallel_loop3A_723 = tpu.unpack_subelements %parallel_loop3A_721, 1 {pack_format = #tpu.pack_format<interleaved>} : vector<32xbf16> -> vector<16xf32>
          %parallel_loop3A_724 = arith.mulf %parallel_loop3A_722, %parallel_loop3A_717 : vector<16xf32>
          %parallel_loop3A_725 = arith.index_cast %select_n3A_408 : i32 to index
          %parallel_loop3A_726 = arith.index_cast %parallel_loop3A_713 : i32 to index
          %parallel_loop3A_727 = arith.constant 0 : index
          %parallel_loop3A_728 = tpu.vector_load %arg12[%parallel_loop3A_725, %parallel_loop3A_726, %parallel_loop3A_727] {strides = array<i32>} : memref<2x256x32xf32, #tpu.memory_space<vmem>>, vector<16xf32>,
          tpu.vector_store %arg12[%parallel_loop3A_725, %parallel_loop3A_726, %parallel_loop3A_727], %parallel_loop3A_724 {strides = array<i32>} : memref<2x256x32xf32, #tpu.memory_space<vmem>>, vector<16xf32>,
          %parallel_loop3A_729 = arith.mulf %parallel_loop3A_723, %parallel_loop3A_717 : vector<16xf32>
          %parallel_loop3A_730 = arith.index_cast %select_n3A_408 : i32 to index
          %parallel_loop3A_731 = arith.index_cast %parallel_loop3A_713 : i32 to index
          %parallel_loop3A_732 = arith.constant 16 : index
          %parallel_loop3A_733 = tpu.vector_load %arg12[%parallel_loop3A_730, %parallel_loop3A_731, %parallel_loop3A_732] {strides = array<i32>} : memref<2x256x32xf32, #tpu.memory_space<vmem>>, vector<16xf32>,
          tpu.vector_store %arg12[%parallel_loop3A_730, %parallel_loop3A_731, %parallel_loop3A_732], %parallel_loop3A_729 {strides = array<i32>} : memref<2x256x32xf32, #tpu.memory_space<vmem>>, vector<16xf32>,
          %parallel_loop3A_734 = arith.constant 16 : i32
          %parallel_loop3A_735 = arith.muli %parallel_loop3A_496, %parallel_loop3A_734 : i32
          %parallel_loop3A_736 = arith.constant 9 : i32
          %parallel_loop3A_737 = arith.addi %parallel_loop3A_735, %parallel_loop3A_736 : i32
          %parallel_loop3A_738 = arith.constant 9 : i32
          %parallel_loop3A_739 = vector.broadcast %parallel_loop3A_738 : i32 to vector<16x1xi32>
          %parallel_loop3A_740 = vector.shape_cast %parallel_loop3A_739 : vector<16x1xi32> to vector<16xi32>
          %parallel_loop3A_741 = tpu.dynamic_gather %parallel_loop3A_517[%parallel_loop3A_740] in [0] : vector<16xf32>, vector<16xi32> -> vector<16xf32>
          %parallel_loop3A_742 = arith.index_cast %select_n3A_392 : i32 to index
          %parallel_loop3A_743 = arith.index_cast %parallel_loop3A_737 : i32 to index
          %parallel_loop3A_744 = arith.constant 0 : index
          %parallel_loop3A_745 = tpu.vector_load %arg11[%parallel_loop3A_742, %parallel_loop3A_743, %parallel_loop3A_744] {strides = array<i32>} : memref<3x256x32xbf16, #tpu.memory_space<vmem>>, vector<32xbf16>,
          %parallel_loop3A_746 = tpu.unpack_subelements %parallel_loop3A_745, 0 {pack_format = #tpu.pack_format<interleaved>} : vector<32xbf16> -> vector<16xf32>
          %parallel_loop3A_747 = tpu.unpack_subelements %parallel_loop3A_745, 1 {pack_format = #tpu.pack_format<interleaved>} : vector<32xbf16> -> vector<16xf32>
          %parallel_loop3A_748 = arith.mulf %parallel_loop3A_746, %parallel_loop3A_741 : vector<16xf32>
          %parallel_loop3A_749 = arith.index_cast %select_n3A_408 : i32 to index
          %parallel_loop3A_750 = arith.index_cast %parallel_loop3A_737 : i32 to index
          %parallel_loop3A_751 = arith.constant 0 : index
          %parallel_loop3A_752 = tpu.vector_load %arg12[%parallel_loop3A_749, %parallel_loop3A_750, %parallel_loop3A_751] {strides = array<i32>} : memref<2x256x32xf32, #tpu.memory_space<vmem>>, vector<16xf32>,
          tpu.vector_store %arg12[%parallel_loop3A_749, %parallel_loop3A_750, %parallel_loop3A_751], %parallel_loop3A_748 {strides = array<i32>} : memref<2x256x32xf32, #tpu.memory_space<vmem>>, vector<16xf32>,
          %parallel_loop3A_753 = arith.mulf %parallel_loop3A_747, %parallel_loop3A_741 : vector<16xf32>
          %parallel_loop3A_754 = arith.index_cast %select_n3A_408 : i32 to index
          %parallel_loop3A_755 = arith.index_cast %parallel_loop3A_737 : i32 to index
          %parallel_loop3A_756 = arith.constant 16 : index
          %parallel_loop3A_757 = tpu.vector_load %arg12[%parallel_loop3A_754, %parallel_loop3A_755, %parallel_loop3A_756] {strides = array<i32>} : memref<2x256x32xf32, #tpu.memory_space<vmem>>, vector<16xf32>,
          tpu.vector_store %arg12[%parallel_loop3A_754, %parallel_loop3A_755, %parallel_loop3A_756], %parallel_loop3A_753 {strides = array<i32>} : memref<2x256x32xf32, #tpu.memory_space<vmem>>, vector<16xf32>,
          %parallel_loop3A_758 = arith.constant 16 : i32
          %parallel_loop3A_759 = arith.muli %parallel_loop3A_496, %parallel_loop3A_758 : i32
          %parallel_loop3A_760 = arith.constant 10 : i32
          %parallel_loop3A_761 = arith.addi %parallel_loop3A_759, %parallel_loop3A_760 : i32
          %parallel_loop3A_762 = arith.constant 10 : i32
          %parallel_loop3A_763 = vector.broadcast %parallel_loop3A_762 : i32 to vector<16x1xi32>
          %parallel_loop3A_764 = vector.shape_cast %parallel_loop3A_763 : vector<16x1xi32> to vector<16xi32>
          %parallel_loop3A_765 = tpu.dynamic_gather %parallel_loop3A_517[%parallel_loop3A_764] in [0] : vector<16xf32>, vector<16xi32> -> vector<16xf32>
          %parallel_loop3A_766 = arith.index_cast %select_n3A_392 : i32 to index
          %parallel_loop3A_767 = arith.index_cast %parallel_loop3A_761 : i32 to index
          %parallel_loop3A_768 = arith.constant 0 : index
          %parallel_loop3A_769 = tpu.vector_load %arg11[%parallel_loop3A_766, %parallel_loop3A_767, %parallel_loop3A_768] {strides = array<i32>} : memref<3x256x32xbf16, #tpu.memory_space<vmem>>, vector<32xbf16>,
          %parallel_loop3A_770 = tpu.unpack_subelements %parallel_loop3A_769, 0 {pack_format = #tpu.pack_format<interleaved>} : vector<32xbf16> -> vector<16xf32>
          %parallel_loop3A_771 = tpu.unpack_subelements %parallel_loop3A_769, 1 {pack_format = #tpu.pack_format<interleaved>} : vector<32xbf16> -> vector<16xf32>
          %parallel_loop3A_772 = arith.mulf %parallel_loop3A_770, %parallel_loop3A_765 : vector<16xf32>
          %parallel_loop3A_773 = arith.index_cast %select_n3A_408 : i32 to index
          %parallel_loop3A_774 = arith.index_cast %parallel_loop3A_761 : i32 to index
          %parallel_loop3A_775 = arith.constant 0 : index
          %parallel_loop3A_776 = tpu.vector_load %arg12[%parallel_loop3A_773, %parallel_loop3A_774, %parallel_loop3A_775] {strides = array<i32>} : memref<2x256x32xf32, #tpu.memory_space<vmem>>, vector<16xf32>,
          tpu.vector_store %arg12[%parallel_loop3A_773, %parallel_loop3A_774, %parallel_loop3A_775], %parallel_loop3A_772 {strides = array<i32>} : memref<2x256x32xf32, #tpu.memory_space<vmem>>, vector<16xf32>,
          %parallel_loop3A_777 = arith.mulf %parallel_loop3A_771, %parallel_loop3A_765 : vector<16xf32>
          %parallel_loop3A_778 = arith.index_cast %select_n3A_408 : i32 to index
          %parallel_loop3A_779 = arith.index_cast %parallel_loop3A_761 : i32 to index
          %parallel_loop3A_780 = arith.constant 16 : index
          %parallel_loop3A_781 = tpu.vector_load %arg12[%parallel_loop3A_778, %parallel_loop3A_779, %parallel_loop3A_780] {strides = array<i32>} : memref<2x256x32xf32, #tpu.memory_space<vmem>>, vector<16xf32>,
          tpu.vector_store %arg12[%parallel_loop3A_778, %parallel_loop3A_779, %parallel_loop3A_780], %parallel_loop3A_777 {strides = array<i32>} : memref<2x256x32xf32, #tpu.memory_space<vmem>>, vector<16xf32>,
          %parallel_loop3A_782 = arith.constant 16 : i32
          %parallel_loop3A_783 = arith.muli %parallel_loop3A_496, %parallel_loop3A_782 : i32
          %parallel_loop3A_784 = arith.constant 11 : i32
          %parallel_loop3A_785 = arith.addi %parallel_loop3A_783, %parallel_loop3A_784 : i32
          %parallel_loop3A_786 = arith.constant 11 : i32
          %parallel_loop3A_787 = vector.broadcast %parallel_loop3A_786 : i32 to vector<16x1xi32>
          %parallel_loop3A_788 = vector.shape_cast %parallel_loop3A_787 : vector<16x1xi32> to vector<16xi32>
          %parallel_loop3A_789 = tpu.dynamic_gather %parallel_loop3A_517[%parallel_loop3A_788] in [0] : vector<16xf32>, vector<16xi32> -> vector<16xf32>
          %parallel_loop3A_790 = arith.index_cast %select_n3A_392 : i32 to index
          %parallel_loop3A_791 = arith.index_cast %parallel_loop3A_785 : i32 to index
          %parallel_loop3A_792 = arith.constant 0 : index
          %parallel_loop3A_793 = tpu.vector_load %arg11[%parallel_loop3A_790, %parallel_loop3A_791, %parallel_loop3A_792] {strides = array<i32>} : memref<3x256x32xbf16, #tpu.memory_space<vmem>>, vector<32xbf16>,
          %parallel_loop3A_794 = tpu.unpack_subelements %parallel_loop3A_793, 0 {pack_format = #tpu.pack_format<interleaved>} : vector<32xbf16> -> vector<16xf32>
          %parallel_loop3A_795 = tpu.unpack_subelements %parallel_loop3A_793, 1 {pack_format = #tpu.pack_format<interleaved>} : vector<32xbf16> -> vector<16xf32>
          %parallel_loop3A_796 = arith.mulf %parallel_loop3A_794, %parallel_loop3A_789 : vector<16xf32>
          %parallel_loop3A_797 = arith.index_cast %select_n3A_408 : i32 to index
          %parallel_loop3A_798 = arith.index_cast %parallel_loop3A_785 : i32 to index
          %parallel_loop3A_799 = arith.constant 0 : index
          %parallel_loop3A_800 = tpu.vector_load %arg12[%parallel_loop3A_797, %parallel_loop3A_798, %parallel_loop3A_799] {strides = array<i32>} : memref<2x256x32xf32, #tpu.memory_space<vmem>>, vector<16xf32>,
          tpu.vector_store %arg12[%parallel_loop3A_797, %parallel_loop3A_798, %parallel_loop3A_799], %parallel_loop3A_796 {strides = array<i32>} : memref<2x256x32xf32, #tpu.memory_space<vmem>>, vector<16xf32>,
          %parallel_loop3A_801 = arith.mulf %parallel_loop3A_795, %parallel_loop3A_789 : vector<16xf32>
          %parallel_loop3A_802 = arith.index_cast %select_n3A_408 : i32 to index
          %parallel_loop3A_803 = arith.index_cast %parallel_loop3A_785 : i32 to index
          %parallel_loop3A_804 = arith.constant 16 : index
          %parallel_loop3A_805 = tpu.vector_load %arg12[%parallel_loop3A_802, %parallel_loop3A_803, %parallel_loop3A_804] {strides = array<i32>} : memref<2x256x32xf32, #tpu.memory_space<vmem>>, vector<16xf32>,
          tpu.vector_store %arg12[%parallel_loop3A_802, %parallel_loop3A_803, %parallel_loop3A_804], %parallel_loop3A_801 {strides = array<i32>} : memref<2x256x32xf32, #tpu.memory_space<vmem>>, vector<16xf32>,
          %parallel_loop3A_806 = arith.constant 16 : i32
          %parallel_loop3A_807 = arith.muli %parallel_loop3A_496, %parallel_loop3A_806 : i32
          %parallel_loop3A_808 = arith.constant 12 : i32
          %parallel_loop3A_809 = arith.addi %parallel_loop3A_807, %parallel_loop3A_808 : i32
          %parallel_loop3A_810 = arith.constant 12 : i32
          %parallel_loop3A_811 = vector.broadcast %parallel_loop3A_810 : i32 to vector<16x1xi32>
          %parallel_loop3A_812 = vector.shape_cast %parallel_loop3A_811 : vector<16x1xi32> to vector<16xi32>
          %parallel_loop3A_813 = tpu.dynamic_gather %parallel_loop3A_517[%parallel_loop3A_812] in [0] : vector<16xf32>, vector<16xi32> -> vector<16xf32>
          %parallel_loop3A_814 = arith.index_cast %select_n3A_392 : i32 to index
          %parallel_loop3A_815 = arith.index_cast %parallel_loop3A_809 : i32 to index
          %parallel_loop3A_816 = arith.constant 0 : index
          %parallel_loop3A_817 = tpu.vector_load %arg11[%parallel_loop3A_814, %parallel_loop3A_815, %parallel_loop3A_816] {strides = array<i32>} : memref<3x256x32xbf16, #tpu.memory_space<vmem>>, vector<32xbf16>,
          %parallel_loop3A_818 = tpu.unpack_subelements %parallel_loop3A_817, 0 {pack_format = #tpu.pack_format<interleaved>} : vector<32xbf16> -> vector<16xf32>
          %parallel_loop3A_819 = tpu.unpack_subelements %parallel_loop3A_817, 1 {pack_format = #tpu.pack_format<interleaved>} : vector<32xbf16> -> vector<16xf32>
          %parallel_loop3A_820 = arith.mulf %parallel_loop3A_818, %parallel_loop3A_813 : vector<16xf32>
          %parallel_loop3A_821 = arith.index_cast %select_n3A_408 : i32 to index
          %parallel_loop3A_822 = arith.index_cast %parallel_loop3A_809 : i32 to index
          %parallel_loop3A_823 = arith.constant 0 : index
          %parallel_loop3A_824 = tpu.vector_load %arg12[%parallel_loop3A_821, %parallel_loop3A_822, %parallel_loop3A_823] {strides = array<i32>} : memref<2x256x32xf32, #tpu.memory_space<vmem>>, vector<16xf32>,
          tpu.vector_store %arg12[%parallel_loop3A_821, %parallel_loop3A_822, %parallel_loop3A_823], %parallel_loop3A_820 {strides = array<i32>} : memref<2x256x32xf32, #tpu.memory_space<vmem>>, vector<16xf32>,
          %parallel_loop3A_825 = arith.mulf %parallel_loop3A_819, %parallel_loop3A_813 : vector<16xf32>
          %parallel_loop3A_826 = arith.index_cast %select_n3A_408 : i32 to index
          %parallel_loop3A_827 = arith.index_cast %parallel_loop3A_809 : i32 to index
          %parallel_loop3A_828 = arith.constant 16 : index
          %parallel_loop3A_829 = tpu.vector_load %arg12[%parallel_loop3A_826, %parallel_loop3A_827, %parallel_loop3A_828] {strides = array<i32>} : memref<2x256x32xf32, #tpu.memory_space<vmem>>, vector<16xf32>,
          tpu.vector_store %arg12[%parallel_loop3A_826, %parallel_loop3A_827, %parallel_loop3A_828], %parallel_loop3A_825 {strides = array<i32>} : memref<2x256x32xf32, #tpu.memory_space<vmem>>, vector<16xf32>,
          %parallel_loop3A_830 = arith.constant 16 : i32
          %parallel_loop3A_831 = arith.muli %parallel_loop3A_496, %parallel_loop3A_830 : i32
          %parallel_loop3A_832 = arith.constant 13 : i32
          %parallel_loop3A_833 = arith.addi %parallel_loop3A_831, %parallel_loop3A_832 : i32
          %parallel_loop3A_834 = arith.constant 13 : i32
          %parallel_loop3A_835 = vector.broadcast %parallel_loop3A_834 : i32 to vector<16x1xi32>
          %parallel_loop3A_836 = vector.shape_cast %parallel_loop3A_835 : vector<16x1xi32> to vector<16xi32>
          %parallel_loop3A_837 = tpu.dynamic_gather %parallel_loop3A_517[%parallel_loop3A_836] in [0] : vector<16xf32>, vector<16xi32> -> vector<16xf32>
          %parallel_loop3A_838 = arith.index_cast %select_n3A_392 : i32 to index
          %parallel_loop3A_839 = arith.index_cast %parallel_loop3A_833 : i32 to index
          %parallel_loop3A_840 = arith.constant 0 : index
          %parallel_loop3A_841 = tpu.vector_load %arg11[%parallel_loop3A_838, %parallel_loop3A_839, %parallel_loop3A_840] {strides = array<i32>} : memref<3x256x32xbf16, #tpu.memory_space<vmem>>, vector<32xbf16>,
          %parallel_loop3A_842 = tpu.unpack_subelements %parallel_loop3A_841, 0 {pack_format = #tpu.pack_format<interleaved>} : vector<32xbf16> -> vector<16xf32>
          %parallel_loop3A_843 = tpu.unpack_subelements %parallel_loop3A_841, 1 {pack_format = #tpu.pack_format<interleaved>} : vector<32xbf16> -> vector<16xf32>
          %parallel_loop3A_844 = arith.mulf %parallel_loop3A_842, %parallel_loop3A_837 : vector<16xf32>
          %parallel_loop3A_845 = arith.index_cast %select_n3A_408 : i32 to index
          %parallel_loop3A_846 = arith.index_cast %parallel_loop3A_833 : i32 to index
          %parallel_loop3A_847 = arith.constant 0 : index
          %parallel_loop3A_848 = tpu.vector_load %arg12[%parallel_loop3A_845, %parallel_loop3A_846, %parallel_loop3A_847] {strides = array<i32>} : memref<2x256x32xf32, #tpu.memory_space<vmem>>, vector<16xf32>,
          tpu.vector_store %arg12[%parallel_loop3A_845, %parallel_loop3A_846, %parallel_loop3A_847], %parallel_loop3A_844 {strides = array<i32>} : memref<2x256x32xf32, #tpu.memory_space<vmem>>, vector<16xf32>,
          %parallel_loop3A_849 = arith.mulf %parallel_loop3A_843, %parallel_loop3A_837 : vector<16xf32>
          %parallel_loop3A_850 = arith.index_cast %select_n3A_408 : i32 to index
          %parallel_loop3A_851 = arith.index_cast %parallel_loop3A_833 : i32 to index
          %parallel_loop3A_852 = arith.constant 16 : index
          %parallel_loop3A_853 = tpu.vector_load %arg12[%parallel_loop3A_850, %parallel_loop3A_851, %parallel_loop3A_852] {strides = array<i32>} : memref<2x256x32xf32, #tpu.memory_space<vmem>>, vector<16xf32>,
          tpu.vector_store %arg12[%parallel_loop3A_850, %parallel_loop3A_851, %parallel_loop3A_852], %parallel_loop3A_849 {strides = array<i32>} : memref<2x256x32xf32, #tpu.memory_space<vmem>>, vector<16xf32>,
          %parallel_loop3A_854 = arith.constant 16 : i32
          %parallel_loop3A_855 = arith.muli %parallel_loop3A_496, %parallel_loop3A_854 : i32
          %parallel_loop3A_856 = arith.constant 14 : i32
          %parallel_loop3A_857 = arith.addi %parallel_loop3A_855, %parallel_loop3A_856 : i32
          %parallel_loop3A_858 = arith.constant 14 : i32
          %parallel_loop3A_859 = vector.broadcast %parallel_loop3A_858 : i32 to vector<16x1xi32>
          %parallel_loop3A_860 = vector.shape_cast %parallel_loop3A_859 : vector<16x1xi32> to vector<16xi32>
          %parallel_loop3A_861 = tpu.dynamic_gather %parallel_loop3A_517[%parallel_loop3A_860] in [0] : vector<16xf32>, vector<16xi32> -> vector<16xf32>
          %parallel_loop3A_862 = arith.index_cast %select_n3A_392 : i32 to index
          %parallel_loop3A_863 = arith.index_cast %parallel_loop3A_857 : i32 to index
          %parallel_loop3A_864 = arith.constant 0 : index
          %parallel_loop3A_865 = tpu.vector_load %arg11[%parallel_loop3A_862, %parallel_loop3A_863, %parallel_loop3A_864] {strides = array<i32>} : memref<3x256x32xbf16, #tpu.memory_space<vmem>>, vector<32xbf16>,
          %parallel_loop3A_866 = tpu.unpack_subelements %parallel_loop3A_865, 0 {pack_format = #tpu.pack_format<interleaved>} : vector<32xbf16> -> vector<16xf32>
          %parallel_loop3A_867 = tpu.unpack_subelements %parallel_loop3A_865, 1 {pack_format = #tpu.pack_format<interleaved>} : vector<32xbf16> -> vector<16xf32>
          %parallel_loop3A_868 = arith.mulf %parallel_loop3A_866, %parallel_loop3A_861 : vector<16xf32>
          %parallel_loop3A_869 = arith.index_cast %select_n3A_408 : i32 to index
          %parallel_loop3A_870 = arith.index_cast %parallel_loop3A_857 : i32 to index
          %parallel_loop3A_871 = arith.constant 0 : index
          %parallel_loop3A_872 = tpu.vector_load %arg12[%parallel_loop3A_869, %parallel_loop3A_870, %parallel_loop3A_871] {strides = array<i32>} : memref<2x256x32xf32, #tpu.memory_space<vmem>>, vector<16xf32>,
          tpu.vector_store %arg12[%parallel_loop3A_869, %parallel_loop3A_870, %parallel_loop3A_871], %parallel_loop3A_868 {strides = array<i32>} : memref<2x256x32xf32, #tpu.memory_space<vmem>>, vector<16xf32>,
          %parallel_loop3A_873 = arith.mulf %parallel_loop3A_867, %parallel_loop3A_861 : vector<16xf32>
          %parallel_loop3A_874 = arith.index_cast %select_n3A_408 : i32 to index
          %parallel_loop3A_875 = arith.index_cast %parallel_loop3A_857 : i32 to index
          %parallel_loop3A_876 = arith.constant 16 : index
          %parallel_loop3A_877 = tpu.vector_load %arg12[%parallel_loop3A_874, %parallel_loop3A_875, %parallel_loop3A_876] {strides = array<i32>} : memref<2x256x32xf32, #tpu.memory_space<vmem>>, vector<16xf32>,
          tpu.vector_store %arg12[%parallel_loop3A_874, %parallel_loop3A_875, %parallel_loop3A_876], %parallel_loop3A_873 {strides = array<i32>} : memref<2x256x32xf32, #tpu.memory_space<vmem>>, vector<16xf32>,
          %parallel_loop3A_878 = arith.constant 16 : i32
          %parallel_loop3A_879 = arith.muli %parallel_loop3A_496, %parallel_loop3A_878 : i32
          %parallel_loop3A_880 = arith.constant 15 : i32
          %parallel_loop3A_881 = arith.addi %parallel_loop3A_879, %parallel_loop3A_880 : i32
          %parallel_loop3A_882 = arith.constant 15 : i32
          %parallel_loop3A_883 = vector.broadcast %parallel_loop3A_882 : i32 to vector<16x1xi32>
          %parallel_loop3A_884 = vector.shape_cast %parallel_loop3A_883 : vector<16x1xi32> to vector<16xi32>
          %parallel_loop3A_885 = tpu.dynamic_gather %parallel_loop3A_517[%parallel_loop3A_884] in [0] : vector<16xf32>, vector<16xi32> -> vector<16xf32>
          %parallel_loop3A_886 = arith.index_cast %select_n3A_392 : i32 to index
          %parallel_loop3A_887 = arith.index_cast %parallel_loop3A_881 : i32 to index
          %parallel_loop3A_888 = arith.constant 0 : index
          %parallel_loop3A_889 = tpu.vector_load %arg11[%parallel_loop3A_886, %parallel_loop3A_887, %parallel_loop3A_888] {strides = array<i32>} : memref<3x256x32xbf16, #tpu.memory_space<vmem>>, vector<32xbf16>,
          %parallel_loop3A_890 = tpu.unpack_subelements %parallel_loop3A_889, 0 {pack_format = #tpu.pack_format<interleaved>} : vector<32xbf16> -> vector<16xf32>
          %parallel_loop3A_891 = tpu.unpack_subelements %parallel_loop3A_889, 1 {pack_format = #tpu.pack_format<interleaved>} : vector<32xbf16> -> vector<16xf32>
          %parallel_loop3A_892 = arith.mulf %parallel_loop3A_890, %parallel_loop3A_885 : vector<16xf32>
          %parallel_loop3A_893 = arith.index_cast %select_n3A_408 : i32 to index
          %parallel_loop3A_894 = arith.index_cast %parallel_loop3A_881 : i32 to index
          %parallel_loop3A_895 = arith.constant 0 : index
          %parallel_loop3A_896 = tpu.vector_load %arg12[%parallel_loop3A_893, %parallel_loop3A_894, %parallel_loop3A_895] {strides = array<i32>} : memref<2x256x32xf32, #tpu.memory_space<vmem>>, vector<16xf32>,
          tpu.vector_store %arg12[%parallel_loop3A_893, %parallel_loop3A_894, %parallel_loop3A_895], %parallel_loop3A_892 {strides = array<i32>} : memref<2x256x32xf32, #tpu.memory_space<vmem>>, vector<16xf32>,
          %parallel_loop3A_897 = arith.mulf %parallel_loop3A_891, %parallel_loop3A_885 : vector<16xf32>
          %parallel_loop3A_898 = arith.index_cast %select_n3A_408 : i32 to index
          %parallel_loop3A_899 = arith.index_cast %parallel_loop3A_881 : i32 to index
          %parallel_loop3A_900 = arith.constant 16 : index
          %parallel_loop3A_901 = tpu.vector_load %arg12[%parallel_loop3A_898, %parallel_loop3A_899, %parallel_loop3A_900] {strides = array<i32>} : memref<2x256x32xf32, #tpu.memory_space<vmem>>, vector<16xf32>,
          tpu.vector_store %arg12[%parallel_loop3A_898, %parallel_loop3A_899, %parallel_loop3A_900], %parallel_loop3A_897 {strides = array<i32>} : memref<2x256x32xf32, #tpu.memory_space<vmem>>, vector<16xf32>,
        } {sc.loop_unroll_factor = 2 : i64, sc.parallel_access}
        %jit3A_411 = arith.constant 2 : i32
        %eq3A_412 = arith.constant 0 : i32
        %eq3A_413 = arith.cmpi eq, %jit3A_411, %eq3A_412 : i32
        %jit3A_414 = arith.constant 1 : i32
        %select_n3A_415 = arith.select %eq3A_413, %jit3A_414, %jit3A_411 : i32
        %rem3A_416 = arith.remsi %scan3A_222, %select_n3A_415 : i32
        %ne3A_417 = arith.constant 0 : i32
        %ne3A_418 = arith.cmpi ne, %rem3A_416, %ne3A_417 : i32
        %lt3A_419 = arith.constant 0 : i32
        %lt3A_420 = arith.cmpi slt, %rem3A_416, %lt3A_419 : i32
        %lt3A_421 = arith.constant 0 : i32
        %lt3A_422 = arith.cmpi slt, %select_n3A_415, %lt3A_421 : i32
        %ne3A_423 = arith.xori %lt3A_420, %lt3A_422 : i1
        %and3A_424 = arith.andi %ne3A_423, %ne3A_418 : i1
        %add3A_425 = arith.addi %rem3A_416, %select_n3A_415 : i32
        %select_n3A_426 = arith.select %and3A_424, %add3A_425, %rem3A_416 : i32
        %jit3A_427 = arith.constant 3 : i32
        %eq3A_428 = arith.constant 0 : i32
        %eq3A_429 = arith.cmpi eq, %jit3A_427, %eq3A_428 : i32
        %jit3A_430 = arith.constant 1 : i32
        %select_n3A_431 = arith.select %eq3A_429, %jit3A_430, %jit3A_427 : i32
        %rem3A_432 = arith.remsi %scan3A_222, %select_n3A_431 : i32
        %ne3A_433 = arith.constant 0 : i32
        %ne3A_434 = arith.cmpi ne, %rem3A_432, %ne3A_433 : i32
        %lt3A_435 = arith.constant 0 : i32
        %lt3A_436 = arith.cmpi slt, %rem3A_432, %lt3A_435 : i32
        %lt3A_437 = arith.constant 0 : i32
        %lt3A_438 = arith.cmpi slt, %select_n3A_431, %lt3A_437 : i32
        %ne3A_439 = arith.xori %lt3A_436, %lt3A_438 : i1
        %and3A_440 = arith.andi %ne3A_439, %ne3A_434 : i1
        %add3A_441 = arith.addi %rem3A_432, %select_n3A_431 : i32
        %select_n3A_442 = arith.select %and3A_440, %add3A_441, %rem3A_432 : i32
        %dma_start3A_443 = arith.constant 0 : i32
        %dma_start3A_444 = arith.constant 0 : i32
        %dma_start3A_445 = tpu.memref_slice %arg12[%select_n3A_426, %dma_start3A_443, %dma_start3A_444] : memref<2x256x32xf32, #tpu.memory_space<vmem>> -> memref<1x128x32xf32, #tpu.memory_space<vmem>>
        %dma_start3A_446 = tpu.memref_squeeze %dma_start3A_445 : memref<1x128x32xf32, #tpu.memory_space<vmem>> -> memref<128x32xf32, #tpu.memory_space<vmem>>
        %dma_start3A_447 = arith.constant 0 : i32
        %dma_start3A_448 = tpu.memref_slice %arg9[%select_n3A_442, %dma_start3A_447] : memref<3x256xi32, #tpu.memory_space<vmem>> -> memref<1x128xi32, #tpu.memory_space<vmem>>
        %dma_start3A_449 = tpu.memref_squeeze %dma_start3A_448 : memref<1x128xi32, #tpu.memory_space<vmem>> -> memref<128xi32, #tpu.memory_space<vmem>>
        %dma_start3A_450 = arith.constant 0 : i32
        %dma_start3A_451 = arith.constant 0 : i32
        %dma_start3A_452 = tpu.memref_slice %arg13[%dma_start3A_450, %dma_start3A_451] : memref<50048x32xf32, #tpu.memory_space<vmem_shared>> -> memref<50048x32xf32, #tpu.memory_space<vmem_shared>>
        tpu.enqueue_indirect_dma source(%dma_start3A_446 : memref<128x32xf32, #tpu.memory_space<vmem>>) target(%dma_start3A_452 : memref<50048x32xf32, #tpu.memory_space<vmem_shared>>) offsets(%dma_start3A_449 : memref<128xi32, #tpu.memory_space<vmem>>) semaphore(%arg15 : memref<!tpu.dma_semaphore, #tpu.memory_space<semaphore_mem>>) {add = true}
        %jit3A_453 = arith.constant 2 : i32
        %eq3A_454 = arith.constant 0 : i32
        %eq3A_455 = arith.cmpi eq, %jit3A_453, %eq3A_454 : i32
        %jit3A_456 = arith.constant 1 : i32
        %select_n3A_457 = arith.select %eq3A_455, %jit3A_456, %jit3A_453 : i32
        %rem3A_458 = arith.remsi %scan3A_222, %select_n3A_457 : i32
        %ne3A_459 = arith.constant 0 : i32
        %ne3A_460 = arith.cmpi ne, %rem3A_458, %ne3A_459 : i32
        %lt3A_461 = arith.constant 0 : i32
        %lt3A_462 = arith.cmpi slt, %rem3A_458, %lt3A_461 : i32
        %lt3A_463 = arith.constant 0 : i32
        %lt3A_464 = arith.cmpi slt, %select_n3A_457, %lt3A_463 : i32
        %ne3A_465 = arith.xori %lt3A_462, %lt3A_464 : i1
        %and3A_466 = arith.andi %ne3A_465, %ne3A_460 : i1
        %add3A_467 = arith.addi %rem3A_458, %select_n3A_457 : i32
        %select_n3A_468 = arith.select %and3A_466, %add3A_467, %rem3A_458 : i32
        %jit3A_469 = arith.constant 3 : i32
        %eq3A_470 = arith.constant 0 : i32
        %eq3A_471 = arith.cmpi eq, %jit3A_469, %eq3A_470 : i32
        %jit3A_472 = arith.constant 1 : i32
        %select_n3A_473 = arith.select %eq3A_471, %jit3A_472, %jit3A_469 : i32
        %rem3A_474 = arith.remsi %scan3A_222, %select_n3A_473 : i32
        %ne3A_475 = arith.constant 0 : i32
        %ne3A_476 = arith.cmpi ne, %rem3A_474, %ne3A_475 : i32
        %lt3A_477 = arith.constant 0 : i32
        %lt3A_478 = arith.cmpi slt, %rem3A_474, %lt3A_477 : i32
        %lt3A_479 = arith.constant 0 : i32
        %lt3A_480 = arith.cmpi slt, %select_n3A_473, %lt3A_479 : i32
        %ne3A_481 = arith.xori %lt3A_478, %lt3A_480 : i1
        %and3A_482 = arith.andi %ne3A_481, %ne3A_476 : i1
        %add3A_483 = arith.addi %rem3A_474, %select_n3A_473 : i32
        %select_n3A_484 = arith.select %and3A_482, %add3A_483, %rem3A_474 : i32
        %dma_start3A_485 = arith.constant 128 : i32
        %dma_start3A_486 = arith.constant 0 : i32
        %dma_start3A_487 = tpu.memref_slice %arg12[%select_n3A_468, %dma_start3A_485, %dma_start3A_486] : memref<2x256x32xf32, #tpu.memory_space<vmem>> -> memref<1x128x32xf32, #tpu.memory_space<vmem>>
        %dma_start3A_488 = tpu.memref_squeeze %dma_start3A_487 : memref<1x128x32xf32, #tpu.memory_space<vmem>> -> memref<128x32xf32, #tpu.memory_space<vmem>>
        %dma_start3A_489 = arith.constant 128 : i32
        %dma_start3A_490 = tpu.memref_slice %arg9[%select_n3A_484, %dma_start3A_489] : memref<3x256xi32, #tpu.memory_space<vmem>> -> memref<1x128xi32, #tpu.memory_space<vmem>>
        %dma_start3A_491 = tpu.memref_squeeze %dma_start3A_490 : memref<1x128xi32, #tpu.memory_space<vmem>> -> memref<128xi32, #tpu.memory_space<vmem>>
        %dma_start3A_492 = arith.constant 0 : i32
        %dma_start3A_493 = arith.constant 0 : i32
        %dma_start3A_494 = tpu.memref_slice %arg13[%dma_start3A_492, %dma_start3A_493] : memref<50048x32xf32, #tpu.memory_space<vmem_shared>> -> memref<50048x32xf32, #tpu.memory_space<vmem_shared>>
        tpu.enqueue_indirect_dma source(%dma_start3A_488 : memref<128x32xf32, #tpu.memory_space<vmem>>) target(%dma_start3A_494 : memref<50048x32xf32, #tpu.memory_space<vmem_shared>>) offsets(%dma_start3A_491 : memref<128xi32, #tpu.memory_space<vmem>>) semaphore(%arg15 : memref<!tpu.dma_semaphore, #tpu.memory_space<semaphore_mem>>) {add = true}
        %scan3A_495 = arith.constant 0 : i32
        scf.yield %scan3A_495 : i32
      }
      %scan3A_169 = arith.constant 200 : i32
      %dma_wait3A_170 = arith.constant 0 : i32
      %dma_wait3A_171 = arith.constant 0 : i32
      %dma_wait3A_172 = arith.constant 0 : i32
      %dma_wait3A_173 = arith.constant 0 : i32
      %dma_wait3A_174 = tpu.memref_slice %arg12[%dma_wait3A_170, %dma_wait3A_172, %dma_wait3A_173] : memref<2x256x32xf32, #tpu.memory_space<vmem>> -> memref<1x128x32xf32, #tpu.memory_space<vmem>>
      %dma_wait3A_175 = tpu.memref_squeeze %dma_wait3A_174 : memref<1x128x32xf32, #tpu.memory_space<vmem>> -> memref<128x32xf32, #tpu.memory_space<vmem>>
      %dma_wait3A_176 = arith.constant 0 : i32
      %dma_wait3A_177 = tpu.memref_slice %arg9[%dma_wait3A_171, %dma_wait3A_176] : memref<3x256xi32, #tpu.memory_space<vmem>> -> memref<1x128xi32, #tpu.memory_space<vmem>>
      %dma_wait3A_178 = tpu.memref_squeeze %dma_wait3A_177 : memref<1x128xi32, #tpu.memory_space<vmem>> -> memref<128xi32, #tpu.memory_space<vmem>>
      %dma_wait3A_179 = arith.constant 0 : i32
      %dma_wait3A_180 = arith.constant 0 : i32
      %dma_wait3A_181 = tpu.memref_slice %arg13[%dma_wait3A_179, %dma_wait3A_180] : memref<50048x32xf32, #tpu.memory_space<vmem_shared>> -> memref<50048x32xf32, #tpu.memory_space<vmem_shared>>
      tpu.wait_indirect_dma semaphore(%arg15 : memref<!tpu.dma_semaphore, #tpu.memory_space<semaphore_mem>>) src(%dma_wait3A_175 : memref<128x32xf32, #tpu.memory_space<vmem>>) dst(%dma_wait3A_181 : memref<50048x32xf32, #tpu.memory_space<vmem_shared>>)
      %dma_wait3A_182 = arith.constant 0 : i32
      %dma_wait3A_183 = arith.constant 0 : i32
      %dma_wait3A_184 = arith.constant 128 : i32
      %dma_wait3A_185 = arith.constant 0 : i32
      %dma_wait3A_186 = tpu.memref_slice %arg12[%dma_wait3A_182, %dma_wait3A_184, %dma_wait3A_185] : memref<2x256x32xf32, #tpu.memory_space<vmem>> -> memref<1x128x32xf32, #tpu.memory_space<vmem>>
      %dma_wait3A_187 = tpu.memref_squeeze %dma_wait3A_186 : memref<1x128x32xf32, #tpu.memory_space<vmem>> -> memref<128x32xf32, #tpu.memory_space<vmem>>
      %dma_wait3A_188 = arith.constant 128 : i32
      %dma_wait3A_189 = tpu.memref_slice %arg9[%dma_wait3A_183, %dma_wait3A_188] : memref<3x256xi32, #tpu.memory_space<vmem>> -> memref<1x128xi32, #tpu.memory_space<vmem>>
      %dma_wait3A_190 = tpu.memref_squeeze %dma_wait3A_189 : memref<1x128xi32, #tpu.memory_space<vmem>> -> memref<128xi32, #tpu.memory_space<vmem>>
      %dma_wait3A_191 = arith.constant 0 : i32
      %dma_wait3A_192 = arith.constant 0 : i32
      %dma_wait3A_193 = tpu.memref_slice %arg13[%dma_wait3A_191, %dma_wait3A_192] : memref<50048x32xf32, #tpu.memory_space<vmem_shared>> -> memref<50048x32xf32, #tpu.memory_space<vmem_shared>>
      tpu.wait_indirect_dma semaphore(%arg15 : memref<!tpu.dma_semaphore, #tpu.memory_space<semaphore_mem>>) src(%dma_wait3A_187 : memref<128x32xf32, #tpu.memory_space<vmem>>) dst(%dma_wait3A_193 : memref<50048x32xf32, #tpu.memory_space<vmem_shared>>)
      %dma_wait3A_194 = arith.constant 1 : i32
      %dma_wait3A_195 = arith.constant 1 : i32
      %dma_wait3A_196 = arith.constant 0 : i32
      %dma_wait3A_197 = arith.constant 0 : i32
      %dma_wait3A_198 = tpu.memref_slice %arg12[%dma_wait3A_194, %dma_wait3A_196, %dma_wait3A_197] : memref<2x256x32xf32, #tpu.memory_space<vmem>> -> memref<1x128x32xf32, #tpu.memory_space<vmem>>
      %dma_wait3A_199 = tpu.memref_squeeze %dma_wait3A_198 : memref<1x128x32xf32, #tpu.memory_space<vmem>> -> memref<128x32xf32, #tpu.memory_space<vmem>>
      %dma_wait3A_200 = arith.constant 0 : i32
      %dma_wait3A_201 = tpu.memref_slice %arg9[%dma_wait3A_195, %dma_wait3A_200] : memref<3x256xi32, #tpu.memory_space<vmem>> -> memref<1x128xi32, #tpu.memory_space<vmem>>
      %dma_wait3A_202 = tpu.memref_squeeze %dma_wait3A_201 : memref<1x128xi32, #tpu.memory_space<vmem>> -> memref<128xi32, #tpu.memory_space<vmem>>
      %dma_wait3A_203 = arith.constant 0 : i32
      %dma_wait3A_204 = arith.constant 0 : i32
      %dma_wait3A_205 = tpu.memref_slice %arg13[%dma_wait3A_203, %dma_wait3A_204] : memref<50048x32xf32, #tpu.memory_space<vmem_shared>> -> memref<50048x32xf32, #tpu.memory_space<vmem_shared>>
      tpu.wait_indirect_dma semaphore(%arg15 : memref<!tpu.dma_semaphore, #tpu.memory_space<semaphore_mem>>) src(%dma_wait3A_199 : memref<128x32xf32, #tpu.memory_space<vmem>>) dst(%dma_wait3A_205 : memref<50048x32xf32, #tpu.memory_space<vmem_shared>>)
      %dma_wait3A_206 = arith.constant 1 : i32
      %dma_wait3A_207 = arith.constant 1 : i32
      %dma_wait3A_208 = arith.constant 128 : i32
      %dma_wait3A_209 = arith.constant 0 : i32
      %dma_wait3A_210 = tpu.memref_slice %arg12[%dma_wait3A_206, %dma_wait3A_208, %dma_wait3A_209] : memref<2x256x32xf32, #tpu.memory_space<vmem>> -> memref<1x128x32xf32, #tpu.memory_space<vmem>>
      %dma_wait3A_211 = tpu.memref_squeeze %dma_wait3A_210 : memref<1x128x32xf32, #tpu.memory_space<vmem>> -> memref<128x32xf32, #tpu.memory_space<vmem>>
      %dma_wait3A_212 = arith.constant 128 : i32
      %dma_wait3A_213 = tpu.memref_slice %arg9[%dma_wait3A_207, %dma_wait3A_212] : memref<3x256xi32, #tpu.memory_space<vmem>> -> memref<1x128xi32, #tpu.memory_space<vmem>>
      %dma_wait3A_214 = tpu.memref_squeeze %dma_wait3A_213 : memref<1x128xi32, #tpu.memory_space<vmem>> -> memref<128xi32, #tpu.memory_space<vmem>>
      %dma_wait3A_215 = arith.constant 0 : i32
      %dma_wait3A_216 = arith.constant 0 : i32
      %dma_wait3A_217 = tpu.memref_slice %arg13[%dma_wait3A_215, %dma_wait3A_216] : memref<50048x32xf32, #tpu.memory_space<vmem_shared>> -> memref<50048x32xf32, #tpu.memory_space<vmem_shared>>
      tpu.wait_indirect_dma semaphore(%arg15 : memref<!tpu.dma_semaphore, #tpu.memory_space<semaphore_mem>>) src(%dma_wait3A_211 : memref<128x32xf32, #tpu.memory_space<vmem>>) dst(%dma_wait3A_217 : memref<50048x32xf32, #tpu.memory_space<vmem_shared>>)
      %barrier3A_218 = arith.constant 0 : index
      tpu.barrier barrier_id(%barrier3A_218)
      %add3A_219 = arith.addi %mul3A_14, %mul3A_2 : i32
      "tpu.region"() ({
        %run_scoped3A = tpu.sem_alloc : memref<!tpu.dma_semaphore, #tpu.memory_space<semaphore_mem>>
        %dma_start3A_222 = arith.constant 0 : i32
        %dma_start3A_223 = tpu.memref_slice %arg7[%add3A_219, %dma_start3A_222] : memref<200192x32xf32, #tpu.memory_space<hbm>> -> memref<3128x32xf32, #tpu.memory_space<hbm>>
        %dma_start3A_224 = arith.constant 0 : i32
        %dma_start3A_225 = tpu.memref_slice %arg13[%mul3A_2, %dma_start3A_224] : memref<50048x32xf32, #tpu.memory_space<vmem_shared>> -> memref<3128x32xf32, #tpu.memory_space<vmem_shared>>
        tpu.enqueue_dma source(%dma_start3A_225 : memref<3128x32xf32, #tpu.memory_space<vmem_shared>>) target(%dma_start3A_223 : memref<3128x32xf32, #tpu.memory_space<hbm>>) target_semaphore(%run_scoped3A : memref<!tpu.dma_semaphore, #tpu.memory_space<semaphore_mem>>)
        %dma_wait3A_226 = arith.constant 0 : i32
        %dma_wait3A_227 = tpu.memref_slice %arg7[%add3A_219, %dma_wait3A_226] : memref<200192x32xf32, #tpu.memory_space<hbm>> -> memref<3128x32xf32, #tpu.memory_space<hbm>>
        %dma_wait3A_228 = arith.constant 0 : i32
        %dma_wait3A_229 = tpu.memref_slice %arg13[%mul3A_2, %dma_wait3A_228] : memref<50048x32xf32, #tpu.memory_space<vmem_shared>> -> memref<3128x32xf32, #tpu.memory_space<vmem_shared>>
        tpu.wait_dma2 semaphore(%run_scoped3A : memref<!tpu.dma_semaphore, #tpu.memory_space<semaphore_mem>>) src(%dma_wait3A_229 : memref<3128x32xf32, #tpu.memory_space<vmem_shared>>) dst(%dma_wait3A_227 : memref<3128x32xf32, #tpu.memory_space<hbm>>)
        tpu.yield
      }) : () -> ()
      %barrier3A_220 = arith.constant 0 : index
      tpu.barrier barrier_id(%barrier3A_220)
      %scan3A_221 = arith.constant 0 : i32
      scf.yield %scan3A_221 : i32
    }
    %scan3A_8 = arith.constant 2 : i32
    return
  }
}

module attributes {stable_mosaic.version = 14 : i64} {
  func.func @_mm_body(%arg0: i32, %arg1: memref<2000x384xf32, #tpu.memory_space<vmem>>, %arg2: memref<384x64xf32, #tpu.memory_space<vmem>>, %arg3: memref<1x64xf32, #tpu.memory_space<vmem>>, %arg4: memref<2000x64xf32, #tpu.memory_space<vmem>>) attributes {dimension_semantics = [#tpu.dimension_semantics<arbitrary>], iteration_bounds = array<i64: 15>, scalar_prefetch = 0 : i64, scratch_operands = 0 : i64, tpu.core_type = #tpu.core_type<tc>, window_params = [{transform_indices = @transform_0, window_bounds = array<i64: 2000, 384>}, {pipeline_mode = #tpu.pipeline_mode<synchronous>, transform_indices = @transform_1, window_bounds = array<i64: 384, 64>}, {pipeline_mode = #tpu.pipeline_mode<synchronous>, transform_indices = @transform_2, window_bounds = array<i64: 1, 64>}, {transform_indices = @transform_3, window_bounds = array<i64: 2000, 64>}]} {
    %get3A = arith.constant 0 : index
    %get3A_0 = arith.constant 0 : index
    %get3A_1 = vector.load %arg1[%get3A, %get3A_0] : memref<2000x384xf32, #tpu.memory_space<vmem>>, vector<2000x384xf32>
    %get3A_2 = arith.constant 0 : index
    %get3A_3 = arith.constant 0 : index
    %get3A_4 = vector.load %arg2[%get3A_2, %get3A_3] : memref<384x64xf32, #tpu.memory_space<vmem>>, vector<384x64xf32>
    %dot_general3A = arith.constant dense<0.000000e+00> : vector<2000x64xf32>
    %dot_general3A_5 = tpu.matmul %get3A_1, %get3A_4, %dot_general3A {dimension_numbers = #tpu.dot_dimension_numbers<[1], [0], [0], [1], [0, 0, 1, 1], [], []>, transpose_lhs_hint = false} : vector<2000x384xf32>, vector<384x64xf32>, vector<2000x64xf32> -> vector<2000x64xf32>
    %get3A_6 = arith.constant 0 : index
    %get3A_7 = arith.constant 0 : index
    %get3A_8 = vector.load %arg3[%get3A_6, %get3A_7] : memref<1x64xf32, #tpu.memory_space<vmem>>, vector<1x64xf32>
    %add3A = vector.broadcast %get3A_8 : vector<1x64xf32> to vector<2000x64xf32>
    %add3A_9 = arith.addf %dot_general3A_5, %add3A : vector<2000x64xf32>
    %mul3A = arith.mulf %add3A_9, %add3A_9 : vector<2000x64xf32>
    %reduce_sum3A = arith.constant dense<0.000000e+00> : vector<2000xf32>
    %reduce_sum3A_10 = vector.multi_reduction <add>, %mul3A, %reduce_sum3A [1] : vector<2000x64xf32> to vector<2000xf32>
    %broadcast_in_dim3A = vector.shape_cast %reduce_sum3A_10 : vector<2000xf32> to vector<2000x1xf32>
    %max3A = arith.constant 1.000000e-24 : f32
    %max3A_11 = vector.broadcast %max3A : f32 to vector<2000x1xf32>
    %max3A_12 = arith.maximumf %broadcast_in_dim3A, %max3A_11 : vector<2000x1xf32>
    %rsqrt3A = math.rsqrt %max3A_12 : vector<2000x1xf32>
    %mul3A_13 = vector.broadcast %rsqrt3A : vector<2000x1xf32> to vector<2000x64xf32>
    %mul3A_14 = arith.mulf %add3A_9, %mul3A_13 : vector<2000x64xf32>
    %swap3A = arith.constant 0 : index
    %swap3A_15 = arith.constant 0 : index
    %swap3A_16 = vector.load %arg4[%swap3A, %swap3A_15] : memref<2000x64xf32, #tpu.memory_space<vmem>>, vector<2000x64xf32>
    tpu.vector_store %arg4[%swap3A, %swap3A_15], %mul3A_14 {strides = array<i32>} : memref<2000x64xf32, #tpu.memory_space<vmem>>, vector<2000x64xf32>,
    return
  }
  func.func @transform_0(%arg0: i32) -> (i32, i32) {
    %c0_i32 = arith.constant 0 : i32
    %c0_i32_0 = arith.constant 0 : i32
    return %arg0, %c0_i32 : i32, i32
  }
  func.func @transform_1(%arg0: i32) -> (i32, i32) {
    %c0_i32 = arith.constant 0 : i32
    %c0_i32_0 = arith.constant 0 : i32
    %c0_i32_1 = arith.constant 0 : i32
    return %c0_i32, %c0_i32_0 : i32, i32
  }
  func.func @transform_2(%arg0: i32) -> (i32, i32) {
    %c0_i32 = arith.constant 0 : i32
    %c0_i32_0 = arith.constant 0 : i32
    %c0_i32_1 = arith.constant 0 : i32
    return %c0_i32, %c0_i32_0 : i32, i32
  }
  func.func @transform_3(%arg0: i32) -> (i32, i32) {
    %c0_i32 = arith.constant 0 : i32
    %c0_i32_0 = arith.constant 0 : i32
    return %arg0, %c0_i32 : i32, i32
  }
}

module attributes {stable_mosaic.version = 14 : i64} {
  func.func @_mm_body(%arg0: i32, %arg1: memref<2000x512xf32, #tpu.memory_space<vmem>>, %arg2: memref<512x64xf32, #tpu.memory_space<vmem>>, %arg3: memref<1x64xf32, #tpu.memory_space<vmem>>, %arg4: memref<2000x64xf32, #tpu.memory_space<vmem>>) attributes {dimension_semantics = [#tpu.dimension_semantics<arbitrary>], iteration_bounds = array<i64: 15>, scalar_prefetch = 0 : i64, scratch_operands = 0 : i64, tpu.core_type = #tpu.core_type<tc>, window_params = [{transform_indices = @transform_0, window_bounds = array<i64: 2000, 512>}, {pipeline_mode = #tpu.pipeline_mode<synchronous>, transform_indices = @transform_1, window_bounds = array<i64: 512, 64>}, {pipeline_mode = #tpu.pipeline_mode<synchronous>, transform_indices = @transform_2, window_bounds = array<i64: 1, 64>}, {transform_indices = @transform_3, window_bounds = array<i64: 2000, 64>}]} {
    %get3A = arith.constant 0 : index
    %get3A_0 = arith.constant 0 : index
    %get3A_1 = vector.load %arg1[%get3A, %get3A_0] : memref<2000x512xf32, #tpu.memory_space<vmem>>, vector<2000x512xf32>
    %get3A_2 = arith.constant 0 : index
    %get3A_3 = arith.constant 0 : index
    %get3A_4 = vector.load %arg2[%get3A_2, %get3A_3] : memref<512x64xf32, #tpu.memory_space<vmem>>, vector<512x64xf32>
    %dot_general3A = arith.constant dense<0.000000e+00> : vector<2000x64xf32>
    %dot_general3A_5 = tpu.matmul %get3A_1, %get3A_4, %dot_general3A {dimension_numbers = #tpu.dot_dimension_numbers<[1], [0], [0], [1], [0, 0, 1, 1], [], []>, transpose_lhs_hint = false} : vector<2000x512xf32>, vector<512x64xf32>, vector<2000x64xf32> -> vector<2000x64xf32>
    %get3A_6 = arith.constant 0 : index
    %get3A_7 = arith.constant 0 : index
    %get3A_8 = vector.load %arg3[%get3A_6, %get3A_7] : memref<1x64xf32, #tpu.memory_space<vmem>>, vector<1x64xf32>
    %add3A = vector.broadcast %get3A_8 : vector<1x64xf32> to vector<2000x64xf32>
    %add3A_9 = arith.addf %dot_general3A_5, %add3A : vector<2000x64xf32>
    %mul3A = arith.mulf %add3A_9, %add3A_9 : vector<2000x64xf32>
    %reduce_sum3A = arith.constant dense<0.000000e+00> : vector<2000xf32>
    %reduce_sum3A_10 = vector.multi_reduction <add>, %mul3A, %reduce_sum3A [1] : vector<2000x64xf32> to vector<2000xf32>
    %broadcast_in_dim3A = vector.shape_cast %reduce_sum3A_10 : vector<2000xf32> to vector<2000x1xf32>
    %max3A = arith.constant 1.000000e-24 : f32
    %max3A_11 = vector.broadcast %max3A : f32 to vector<2000x1xf32>
    %max3A_12 = arith.maximumf %broadcast_in_dim3A, %max3A_11 : vector<2000x1xf32>
    %rsqrt3A = math.rsqrt %max3A_12 : vector<2000x1xf32>
    %mul3A_13 = vector.broadcast %rsqrt3A : vector<2000x1xf32> to vector<2000x64xf32>
    %mul3A_14 = arith.mulf %add3A_9, %mul3A_13 : vector<2000x64xf32>
    %swap3A = arith.constant 0 : index
    %swap3A_15 = arith.constant 0 : index
    %swap3A_16 = vector.load %arg4[%swap3A, %swap3A_15] : memref<2000x64xf32, #tpu.memory_space<vmem>>, vector<2000x64xf32>
    tpu.vector_store %arg4[%swap3A, %swap3A_15], %mul3A_14 {strides = array<i32>} : memref<2000x64xf32, #tpu.memory_space<vmem>>, vector<2000x64xf32>,
    return
  }
  func.func @transform_0(%arg0: i32) -> (i32, i32) {
    %c0_i32 = arith.constant 0 : i32
    %c0_i32_0 = arith.constant 0 : i32
    return %arg0, %c0_i32 : i32, i32
  }
  func.func @transform_1(%arg0: i32) -> (i32, i32) {
    %c0_i32 = arith.constant 0 : i32
    %c0_i32_0 = arith.constant 0 : i32
    %c0_i32_1 = arith.constant 0 : i32
    return %c0_i32, %c0_i32_0 : i32, i32
  }
  func.func @transform_2(%arg0: i32) -> (i32, i32) {
    %c0_i32 = arith.constant 0 : i32
    %c0_i32_0 = arith.constant 0 : i32
    %c0_i32_1 = arith.constant 0 : i32
    return %c0_i32, %c0_i32_0 : i32, i32
  }
  func.func @transform_3(%arg0: i32) -> (i32, i32) {
    %c0_i32 = arith.constant 0 : i32
    %c0_i32_0 = arith.constant 0 : i32
    return %arg0, %c0_i32 : i32, i32
  }
}

module attributes {stable_mosaic.version = 14 : i64} {
  func.func @_mm_body(%arg0: i32, %arg1: memref<2000x1024xf32, #tpu.memory_space<vmem>>, %arg2: memref<1024x64xf32, #tpu.memory_space<vmem>>, %arg3: memref<1x64xf32, #tpu.memory_space<vmem>>, %arg4: memref<2000x64xf32, #tpu.memory_space<vmem>>) attributes {dimension_semantics = [#tpu.dimension_semantics<arbitrary>], iteration_bounds = array<i64: 25>, scalar_prefetch = 0 : i64, scratch_operands = 0 : i64, tpu.core_type = #tpu.core_type<tc>, window_params = [{transform_indices = @transform_0, window_bounds = array<i64: 2000, 1024>}, {pipeline_mode = #tpu.pipeline_mode<synchronous>, transform_indices = @transform_1, window_bounds = array<i64: 1024, 64>}, {pipeline_mode = #tpu.pipeline_mode<synchronous>, transform_indices = @transform_2, window_bounds = array<i64: 1, 64>}, {transform_indices = @transform_3, window_bounds = array<i64: 2000, 64>}]} {
    %get3A = arith.constant 0 : index
    %get3A_0 = arith.constant 0 : index
    %get3A_1 = vector.load %arg1[%get3A, %get3A_0] : memref<2000x1024xf32, #tpu.memory_space<vmem>>, vector<2000x1024xf32>
    %get3A_2 = arith.constant 0 : index
    %get3A_3 = arith.constant 0 : index
    %get3A_4 = vector.load %arg2[%get3A_2, %get3A_3] : memref<1024x64xf32, #tpu.memory_space<vmem>>, vector<1024x64xf32>
    %dot_general3A = arith.constant dense<0.000000e+00> : vector<2000x64xf32>
    %dot_general3A_5 = tpu.matmul %get3A_1, %get3A_4, %dot_general3A {dimension_numbers = #tpu.dot_dimension_numbers<[1], [0], [0], [1], [0, 0, 1, 1], [], []>, transpose_lhs_hint = false} : vector<2000x1024xf32>, vector<1024x64xf32>, vector<2000x64xf32> -> vector<2000x64xf32>
    %get3A_6 = arith.constant 0 : index
    %get3A_7 = arith.constant 0 : index
    %get3A_8 = vector.load %arg3[%get3A_6, %get3A_7] : memref<1x64xf32, #tpu.memory_space<vmem>>, vector<1x64xf32>
    %add3A = vector.broadcast %get3A_8 : vector<1x64xf32> to vector<2000x64xf32>
    %add3A_9 = arith.addf %dot_general3A_5, %add3A : vector<2000x64xf32>
    %swap3A = arith.constant 0 : index
    %swap3A_10 = arith.constant 0 : index
    %swap3A_11 = vector.load %arg4[%swap3A, %swap3A_10] : memref<2000x64xf32, #tpu.memory_space<vmem>>, vector<2000x64xf32>
    tpu.vector_store %arg4[%swap3A, %swap3A_10], %add3A_9 {strides = array<i32>} : memref<2000x64xf32, #tpu.memory_space<vmem>>, vector<2000x64xf32>,
    return
  }
  func.func @transform_0(%arg0: i32) -> (i32, i32) {
    %c0_i32 = arith.constant 0 : i32
    %c0_i32_0 = arith.constant 0 : i32
    return %arg0, %c0_i32 : i32, i32
  }
  func.func @transform_1(%arg0: i32) -> (i32, i32) {
    %c0_i32 = arith.constant 0 : i32
    %c0_i32_0 = arith.constant 0 : i32
    %c0_i32_1 = arith.constant 0 : i32
    return %c0_i32, %c0_i32_0 : i32, i32
  }
  func.func @transform_2(%arg0: i32) -> (i32, i32) {
    %c0_i32 = arith.constant 0 : i32
    %c0_i32_0 = arith.constant 0 : i32
    %c0_i32_1 = arith.constant 0 : i32
    return %c0_i32, %c0_i32_0 : i32, i32
  }
  func.func @transform_3(%arg0: i32) -> (i32, i32) {
    %c0_i32 = arith.constant 0 : i32
    %c0_i32_0 = arith.constant 0 : i32
    return %arg0, %c0_i32 : i32, i32
  }
}

module attributes {stable_mosaic.version = 14 : i64} {
  func.func @_mm_body(%arg0: i32, %arg1: memref<2000x768xf32, #tpu.memory_space<vmem>>, %arg2: memref<768x64xf32, #tpu.memory_space<vmem>>, %arg3: memref<1x64xf32, #tpu.memory_space<vmem>>, %arg4: memref<2000x64xf32, #tpu.memory_space<vmem>>) attributes {dimension_semantics = [#tpu.dimension_semantics<arbitrary>], iteration_bounds = array<i64: 25>, scalar_prefetch = 0 : i64, scratch_operands = 0 : i64, tpu.core_type = #tpu.core_type<tc>, window_params = [{transform_indices = @transform_0, window_bounds = array<i64: 2000, 768>}, {pipeline_mode = #tpu.pipeline_mode<synchronous>, transform_indices = @transform_1, window_bounds = array<i64: 768, 64>}, {pipeline_mode = #tpu.pipeline_mode<synchronous>, transform_indices = @transform_2, window_bounds = array<i64: 1, 64>}, {transform_indices = @transform_3, window_bounds = array<i64: 2000, 64>}]} {
    %get3A = arith.constant 0 : index
    %get3A_0 = arith.constant 0 : index
    %get3A_1 = vector.load %arg1[%get3A, %get3A_0] : memref<2000x768xf32, #tpu.memory_space<vmem>>, vector<2000x768xf32>
    %get3A_2 = arith.constant 0 : index
    %get3A_3 = arith.constant 0 : index
    %get3A_4 = vector.load %arg2[%get3A_2, %get3A_3] : memref<768x64xf32, #tpu.memory_space<vmem>>, vector<768x64xf32>
    %dot_general3A = arith.constant dense<0.000000e+00> : vector<2000x64xf32>
    %dot_general3A_5 = tpu.matmul %get3A_1, %get3A_4, %dot_general3A {dimension_numbers = #tpu.dot_dimension_numbers<[1], [0], [0], [1], [0, 0, 1, 1], [], []>, transpose_lhs_hint = false} : vector<2000x768xf32>, vector<768x64xf32>, vector<2000x64xf32> -> vector<2000x64xf32>
    %get3A_6 = arith.constant 0 : index
    %get3A_7 = arith.constant 0 : index
    %get3A_8 = vector.load %arg3[%get3A_6, %get3A_7] : memref<1x64xf32, #tpu.memory_space<vmem>>, vector<1x64xf32>
    %add3A = vector.broadcast %get3A_8 : vector<1x64xf32> to vector<2000x64xf32>
    %add3A_9 = arith.addf %dot_general3A_5, %add3A : vector<2000x64xf32>
    %swap3A = arith.constant 0 : index
    %swap3A_10 = arith.constant 0 : index
    %swap3A_11 = vector.load %arg4[%swap3A, %swap3A_10] : memref<2000x64xf32, #tpu.memory_space<vmem>>, vector<2000x64xf32>
    tpu.vector_store %arg4[%swap3A, %swap3A_10], %add3A_9 {strides = array<i32>} : memref<2000x64xf32, #tpu.memory_space<vmem>>, vector<2000x64xf32>,
    return
  }
  func.func @transform_0(%arg0: i32) -> (i32, i32) {
    %c0_i32 = arith.constant 0 : i32
    %c0_i32_0 = arith.constant 0 : i32
    return %arg0, %c0_i32 : i32, i32
  }
  func.func @transform_1(%arg0: i32) -> (i32, i32) {
    %c0_i32 = arith.constant 0 : i32
    %c0_i32_0 = arith.constant 0 : i32
    %c0_i32_1 = arith.constant 0 : i32
    return %c0_i32, %c0_i32_0 : i32, i32
  }
  func.func @transform_2(%arg0: i32) -> (i32, i32) {
    %c0_i32 = arith.constant 0 : i32
    %c0_i32_0 = arith.constant 0 : i32
    %c0_i32_1 = arith.constant 0 : i32
    return %c0_i32, %c0_i32_0 : i32, i32
  }
  func.func @transform_3(%arg0: i32) -> (i32, i32) {
    %c0_i32 = arith.constant 0 : i32
    %c0_i32_0 = arith.constant 0 : i32
    return %arg0, %c0_i32 : i32, i32
  }
}

module attributes {stable_mosaic.version = 14 : i64} {
  func.func @_mm_body(%arg0: i32, %arg1: memref<2048x768xf32, #tpu.memory_space<vmem>>, %arg2: memref<768x64xf32, #tpu.memory_space<vmem>>, %arg3: memref<1x64xf32, #tpu.memory_space<vmem>>, %arg4: memref<2048x64xf32, #tpu.memory_space<vmem>>) attributes {dimension_semantics = [#tpu.dimension_semantics<arbitrary>], iteration_bounds = array<i64: 2>, scalar_prefetch = 0 : i64, scratch_operands = 0 : i64, tpu.core_type = #tpu.core_type<tc>, window_params = [{transform_indices = @transform_0, window_bounds = array<i64: 2048, 768>}, {pipeline_mode = #tpu.pipeline_mode<synchronous>, transform_indices = @transform_1, window_bounds = array<i64: 768, 64>}, {pipeline_mode = #tpu.pipeline_mode<synchronous>, transform_indices = @transform_2, window_bounds = array<i64: 1, 64>}, {transform_indices = @transform_3, window_bounds = array<i64: 2048, 64>}]} {
    %get3A = arith.constant 0 : index
    %get3A_0 = arith.constant 0 : index
    %get3A_1 = vector.load %arg1[%get3A, %get3A_0] : memref<2048x768xf32, #tpu.memory_space<vmem>>, vector<2048x768xf32>
    %get3A_2 = arith.constant 0 : index
    %get3A_3 = arith.constant 0 : index
    %get3A_4 = vector.load %arg2[%get3A_2, %get3A_3] : memref<768x64xf32, #tpu.memory_space<vmem>>, vector<768x64xf32>
    %dot_general3A = arith.constant dense<0.000000e+00> : vector<2048x64xf32>
    %dot_general3A_5 = tpu.matmul %get3A_1, %get3A_4, %dot_general3A {dimension_numbers = #tpu.dot_dimension_numbers<[1], [0], [0], [1], [0, 0, 1, 1], [], []>, transpose_lhs_hint = false} : vector<2048x768xf32>, vector<768x64xf32>, vector<2048x64xf32> -> vector<2048x64xf32>
    %get3A_6 = arith.constant 0 : index
    %get3A_7 = arith.constant 0 : index
    %get3A_8 = vector.load %arg3[%get3A_6, %get3A_7] : memref<1x64xf32, #tpu.memory_space<vmem>>, vector<1x64xf32>
    %add3A = vector.broadcast %get3A_8 : vector<1x64xf32> to vector<2048x64xf32>
    %add3A_9 = arith.addf %dot_general3A_5, %add3A : vector<2048x64xf32>
    %swap3A = arith.constant 0 : index
    %swap3A_10 = arith.constant 0 : index
    %swap3A_11 = vector.load %arg4[%swap3A, %swap3A_10] : memref<2048x64xf32, #tpu.memory_space<vmem>>, vector<2048x64xf32>
    tpu.vector_store %arg4[%swap3A, %swap3A_10], %add3A_9 {strides = array<i32>} : memref<2048x64xf32, #tpu.memory_space<vmem>>, vector<2048x64xf32>,
    return
  }
  func.func @transform_0(%arg0: i32) -> (i32, i32) {
    %c0_i32 = arith.constant 0 : i32
    %c0_i32_0 = arith.constant 0 : i32
    return %arg0, %c0_i32 : i32, i32
  }
  func.func @transform_1(%arg0: i32) -> (i32, i32) {
    %c0_i32 = arith.constant 0 : i32
    %c0_i32_0 = arith.constant 0 : i32
    %c0_i32_1 = arith.constant 0 : i32
    return %c0_i32, %c0_i32_0 : i32, i32
  }
  func.func @transform_2(%arg0: i32) -> (i32, i32) {
    %c0_i32 = arith.constant 0 : i32
    %c0_i32_0 = arith.constant 0 : i32
    %c0_i32_1 = arith.constant 0 : i32
    return %c0_i32, %c0_i32_0 : i32, i32
  }
  func.func @transform_3(%arg0: i32) -> (i32, i32) {
    %c0_i32 = arith.constant 0 : i32
    %c0_i32_0 = arith.constant 0 : i32
    return %arg0, %c0_i32 : i32, i32
  }
}

module attributes {stable_mosaic.version = 14 : i64} {
  func.func @_mm_body(%arg0: i32, %arg1: memref<2048x1024xf32, #tpu.memory_space<vmem>>, %arg2: memref<1024x64xf32, #tpu.memory_space<vmem>>, %arg3: memref<1x64xf32, #tpu.memory_space<vmem>>, %arg4: memref<2048x64xf32, #tpu.memory_space<vmem>>) attributes {dimension_semantics = [#tpu.dimension_semantics<arbitrary>], iteration_bounds = array<i64: 2>, scalar_prefetch = 0 : i64, scratch_operands = 0 : i64, tpu.core_type = #tpu.core_type<tc>, window_params = [{transform_indices = @transform_0, window_bounds = array<i64: 2048, 1024>}, {pipeline_mode = #tpu.pipeline_mode<synchronous>, transform_indices = @transform_1, window_bounds = array<i64: 1024, 64>}, {pipeline_mode = #tpu.pipeline_mode<synchronous>, transform_indices = @transform_2, window_bounds = array<i64: 1, 64>}, {transform_indices = @transform_3, window_bounds = array<i64: 2048, 64>}]} {
    %get3A = arith.constant 0 : index
    %get3A_0 = arith.constant 0 : index
    %get3A_1 = vector.load %arg1[%get3A, %get3A_0] : memref<2048x1024xf32, #tpu.memory_space<vmem>>, vector<2048x1024xf32>
    %get3A_2 = arith.constant 0 : index
    %get3A_3 = arith.constant 0 : index
    %get3A_4 = vector.load %arg2[%get3A_2, %get3A_3] : memref<1024x64xf32, #tpu.memory_space<vmem>>, vector<1024x64xf32>
    %dot_general3A = arith.constant dense<0.000000e+00> : vector<2048x64xf32>
    %dot_general3A_5 = tpu.matmul %get3A_1, %get3A_4, %dot_general3A {dimension_numbers = #tpu.dot_dimension_numbers<[1], [0], [0], [1], [0, 0, 1, 1], [], []>, transpose_lhs_hint = false} : vector<2048x1024xf32>, vector<1024x64xf32>, vector<2048x64xf32> -> vector<2048x64xf32>
    %get3A_6 = arith.constant 0 : index
    %get3A_7 = arith.constant 0 : index
    %get3A_8 = vector.load %arg3[%get3A_6, %get3A_7] : memref<1x64xf32, #tpu.memory_space<vmem>>, vector<1x64xf32>
    %add3A = vector.broadcast %get3A_8 : vector<1x64xf32> to vector<2048x64xf32>
    %add3A_9 = arith.addf %dot_general3A_5, %add3A : vector<2048x64xf32>
    %swap3A = arith.constant 0 : index
    %swap3A_10 = arith.constant 0 : index
    %swap3A_11 = vector.load %arg4[%swap3A, %swap3A_10] : memref<2048x64xf32, #tpu.memory_space<vmem>>, vector<2048x64xf32>
    tpu.vector_store %arg4[%swap3A, %swap3A_10], %add3A_9 {strides = array<i32>} : memref<2048x64xf32, #tpu.memory_space<vmem>>, vector<2048x64xf32>,
    return
  }
  func.func @transform_0(%arg0: i32) -> (i32, i32) {
    %c0_i32 = arith.constant 0 : i32
    %c0_i32_0 = arith.constant 0 : i32
    return %arg0, %c0_i32 : i32, i32
  }
  func.func @transform_1(%arg0: i32) -> (i32, i32) {
    %c0_i32 = arith.constant 0 : i32
    %c0_i32_0 = arith.constant 0 : i32
    %c0_i32_1 = arith.constant 0 : i32
    return %c0_i32, %c0_i32_0 : i32, i32
  }
  func.func @transform_2(%arg0: i32) -> (i32, i32) {
    %c0_i32 = arith.constant 0 : i32
    %c0_i32_0 = arith.constant 0 : i32
    %c0_i32_1 = arith.constant 0 : i32
    return %c0_i32, %c0_i32_0 : i32, i32
  }
  func.func @transform_3(%arg0: i32) -> (i32, i32) {
    %c0_i32 = arith.constant 0 : i32
    %c0_i32_0 = arith.constant 0 : i32
    return %arg0, %c0_i32 : i32, i32
  }
}

</mosaic_0001>

<sc_bundles>
// kernel: gather_offload_async_start.1
scs
__scs_entry_jumppad:
0x0: {  	(pc) =	sbr.rel $0x88, $3  }
0x1: {  	(tag) =	ssettag $0x0;
	lr =	simm.s32 $0x1  }
0x2: {  	[smem:$0x3F8D] =	sst lr;
	_ =	strace $0xD0000000  }
0x3: {  	_ = 	snop  }
0x4: {  	_ = 	snop  }
0x5: {  	_ = 	snop  }
0x6: {  	_ = 	snop  }
0x7: {  	_ = 	snop  }
__scs_overlays_trampoline_lowered:
0x8: {  	[smem:$0x3F9C] =	sst s0  }
0x9: {  	[smem:$0x3F9D] =	sst s1  }
0xa: {  	[smem:$0x3F9E] =	sst s2  }
0xb: {  	[smem:$0x3F9F] =	sst s3  }
0xc: {  	[smem:$0x3FA0] =	sst s4  }
0xd: {  	[smem:$0x3FA1] =	sst s5  }
0xe: {  	[smem:$0x3FA2] =	sst s6  }
0xf: {  	[smem:$0x3FA3] =	sst s7  }
0x10: {  	[smem:$0x3FA4] =	sst s8  }
0x11: {  	[smem:$0x3FA5] =	sst s9;
	s0 =	simm.s32 @!p0 $0x0  }
0x12: {  	s1 =	sld [smem:$0x3F8B];
	s0 =	simm.s32 @p0 $0x1  }
0x13: {  	[smem:$0x3FA6] =	sst s0;
	s0 =	simm.s32 @!p1 $0x0  }
0x14: {  	s2 =	sld [smem:$0x3F8A];
	s0 =	simm.s32 @p1 $0x1  }
0x15: {  	[smem:$0x3FA7] =	sst s0;
	s0 =	simm.s32 @!p2 $0x0  }
0x16: {  	s3 =	sld [smem:$0x3FDB];
	s0 =	simm.s32 @p2 $0x1  }
0x17: {  	s4 =	simm.s32 $0x1BF5;
	[smem:$0x3FA9] =	sst s0  }
0x18: {  	s0 =	sld [smem:$0x3F8C];
	_ =	swait.ge [sflag:s4], $0x0  }
0x19: {  	s7 =	sld [smem:$0x3F8D]  }
0x1a: {  	s8 =	sadd.s32 $0xFFFFE003, lr  }
0x1b: {  	s9 =	sadd.s32 $0xFFFFFEF7, lr;
	s5 =	simm.s32 $0xFFFFFFFF;
	p2 =	slt.u32 s8, $0xFFFFF086  }
0x1c: {  	p1 =	slt.u32 s9, $0xF7A;
	s5 =	simm.s32 @!p2 $0x0  }
0x1d: {  	s5 =	simm.s32 @p1 $0x1;
	p0 =	seq.s32 s7, s2  }
0x1e: {  	s7 =	smul.u32 @!p0 $0xF7A, s2;
	p2 =	seq.s32 @!p0 s5, $0x0  }
0x1f: {  	s9 =	smul.u32 $0xF7A, s1;
	s8 =	simm.s32 @!p0 $0x1BF5;
	p2 =	por !p2, p0  }
0x20: {  	[sflag:s8] =	ssyncset.s32 @!p0 $0xFFFFF086;
	s6 =	sadd.s32 @!p0 s3, s7;
	s7 =	simm.s32 @!p0 $0x108  }
0x21: {  	s3 =	sadd.s32 s3, s9;
	s6 =	sadd.s32 @!p0 $0x88, s6;
	s7 =	simm.s32 @p2 $0x1082  }
0x22: {  	[simem:s7], [sflag:s8] =	dma.local @!p0 [hbm:s6], $0xF7A  }
0x23: {  	s9 =	sor.u32 $0xD0000000, s2;
	s6 =	simm.s32 $0x108;
	_ =	swait.ge @!p0 [sflag:s8], $0x0  }
0x24: {  	s3 =	sadd.s32 $0x88, s3;
	s6 =	simm.s32 @!p1 $0x1082;
	[sflag:s4] =	ssyncset.s32 $0xFFFFF086  }
0x25: {  	[simem:s6], [sflag:s4] =	dma.local [hbm:s3], $0xF7A  }
0x26: {  	[smem:$0x3F8D] =	sst s1;
	(tag) =	ssettag s2;
	_ =	strace s9  }
0x27: {  	s1 =	sld [smem:$0x3F9D]  }
0x28: {  	s2 =	sld [smem:$0x3F9E]  }
0x29: {  	s4 =	sld [smem:$0x3FA0]  }
0x2a: {  	p0 =	seq.s32 s5, $0x0;
	s5 =	sld [smem:$0x3FA1]  }
0x2b: {  	s6 =	sld [smem:$0x3FA2]  }
0x2c: {  	s7 =	sld [smem:$0x3FA3]  }
0x2d: {  	s3 =	simm.s32 $0x108;
	s8 =	sld [smem:$0x3FA4]  }
0x2e: {  	s3 =	simm.s32 @!p0 $0x1082;
	s9 =	sld [smem:$0x3FA5]  }
0x2f: {  	lr =	sadd.s32 s0, s3;
	s0 =	sld [smem:$0x3F9C]  }
0x30: {  	s3 =	sld [smem:$0x3F9F]  }
0x31: {  	[smem:$0x3FA8] =	sst s10  }
0x32: {  	s10 =	sld [smem:$0x3FA6];
	_ =	sdelay $0x3  }
0x33: {  	p0 =	seq.s32 s10, $0x1;
	s10 =	sld [smem:$0x3FA8];
	_ =	sdelay $0x3  }
0x34: {  	[smem:$0x3FA8] =	sst s10  }
0x35: {  	s10 =	sld [smem:$0x3FA7];
	_ =	sdelay $0x3  }
0x36: {  	p1 =	seq.s32 s10, $0x1;
	s10 =	sld [smem:$0x3FA8];
	_ =	sdelay $0x3  }
0x37: {  	[smem:$0x3FA8] =	sst s10  }
0x38: {  	s10 =	sld [smem:$0x3FA9]  }
0x39: {  	_ = 	snop;
	(pc) =	sbr.ind lr, $3  }
0x3a: {  	_ = 	snop  }
0x3b: {  	_ = 	snop  }
0x3c: {  	p2 =	seq.s32 s10, $0x1;
	s10 =	sld [smem:$0x3FA8]  }
0x3d: {  	_ =	shalt  }
0x3e: {  	_ =	shalt  }
0x3f: {  	_ =	shalt  }
0x40: {  	_ =	shalt  }
0x41: {  	_ =	shalt  }
0x42: {  	_ =	shalt  }
0x43: {  	_ =	shalt  }
0x44: {  	_ =	shalt  }
0x45: {  	_ =	shalt  }
0x46: {  	_ =	shalt  }
0x47: {  	_ =	shalt  }
0x48: {  	_ =	shalt  }
0x49: {  	_ =	shalt  }
0x4a: {  	_ =	shalt  }
0x4b: {  	_ =	shalt  }
0x4c: {  	_ =	shalt  }
0x4d: {  	_ =	shalt  }
0x4e: {  	_ =	shalt  }
0x4f: {  	_ =	shalt  }
0x50: {  	_ =	shalt  }
0x51: {  	_ =	shalt  }
0x52: {  	_ =	shalt  }
0x53: {  	_ =	shalt  }
0x54: {  	_ =	shalt  }
0x55: {  	_ =	shalt  }
0x56: {  	_ =	shalt  }
0x57: {  	_ =	shalt  }
0x58: {  	_ =	shalt  }
0x59: {  	_ =	shalt  }
0x5a: {  	_ =	shalt  }
0x5b: {  	_ =	shalt  }
0x5c: {  	_ =	shalt  }
0x5d: {  	_ =	shalt  }
0x5e: {  	_ =	shalt  }
0x5f: {  	_ =	shalt  }
0x60: {  	_ =	shalt  }
0x61: {  	_ =	shalt  }
0x62: {  	_ =	shalt  }
0x63: {  	_ =	shalt  }
0x64: {  	_ =	shalt  }
0x65: {  	_ =	shalt  }
0x66: {  	_ =	shalt  }
0x67: {  	_ =	shalt  }
0x68: {  	_ =	shalt  }
0x69: {  	_ =	shalt  }
0x6a: {  	_ =	shalt  }
0x6b: {  	_ =	shalt  }
0x6c: {  	_ =	shalt  }
0x6d: {  	_ =	shalt  }
0x6e: {  	_ =	shalt  }
0x6f: {  	_ =	shalt  }
0x70: {  	_ =	shalt  }
0x71: {  	_ =	shalt  }
0x72: {  	_ =	shalt  }
0x73: {  	_ =	shalt  }
0x74: {  	_ =	shalt  }
0x75: {  	_ =	shalt  }
0x76: {  	_ =	shalt  }
0x77: {  	_ =	shalt  }
0x78: {  	_ =	shalt  }
0x79: {  	_ =	shalt  }
0x7a: {  	_ =	shalt  }
0x7b: {  	_ =	shalt  }
0x7c: {  	_ =	shalt  }
0x7d: {  	_ =	shalt  }
0x7e: {  	_ =	shalt  }
0x7f: {  	_ =	shalt  }
0x80: {  	_ =	shalt  }
0x81: {  	_ =	shalt  }
0x82: {  	_ =	shalt  }
0x83: {  	_ =	shalt  }
0x84: {  	_ =	shalt  }
0x85: {  	_ =	shalt  }
0x86: {  	_ =	shalt  }
0x87: {  	_ =	shalt  }
.Lfunc_end0:
.L_simem_size_0:
called_computation.1_lowered:
.L_overlay_start_0:
0x88: {  	s2 =	sld [smem:$0x3FD9]  }
0x89: {  	s3 =	sld [smem:$0x3FFE];
	_ =	sdelay $0x1  }
0x8a: {  	s1 =	srdreg.scid  }
0x8b: {  	s0 =	sand.u32 $0x1, s1  }
0x8c: {  	s16 =	sshll.u32 s0, $0xA;
	s2 =	sadd.s32 s3, s2  }
0x8d: {  	s2 =	sadd.s32 s2, s16  }
0x8e: {  	[smem:$0x3FB4] =	sst s2  }
0x8f: {  	_ = 	snop  }
0x90: {  	s4 =	sld [smem:$0x3FD0];
	_ =	sdelay $0x2  }
0x91: {  	s5 =	simm.s32 $0xE;
	s6 =	simm.s32 $0x10;
	s2 =	sld [smem:$0x3FC1]  }
0x92: {  	[smem:s6], [sflag:s5] =	dma.local [hbm:s4], $0x1  }
0x93: {  	_ =	swait.eq [sflag:s5], $0x1  }
0x94: {  	[sflag:s5] =	ssyncset.done $0x0  }
0x95: {  	[sflag:s5] =	ssyncadd.s32 $0xFFFFFFFF  }
0x96: {  	s4 =	sadd.s32 $0x1, s4;
	s17 =	sld [smem:$0x10]  }
0x97: {  	[smem:s6], [sflag:s5] =	dma.local [hbm:s4], $0x1  }
0x98: {  	_ =	swait.eq [sflag:s5], $0x1  }
0x99: {  	[sflag:s5] =	ssyncset.done $0x0  }
0x9a: {  	[sflag:s5] =	ssyncadd.s32 $0xFFFFFFFF  }
0x9b: {  	s18 =	sld [smem:$0x11];
	(tm) =	ssettm $0x1  }
0x9c: {  	s19 =	sld [smem:$0x3FFB];
	_ =	sdelay $0x3  }
0x9d: {  	_ =	strace s19  }
0x9e: {  	s4 =	sld [smem:$0x3FFC];
	_ =	sdelay $0x3  }
0x9f: {  	_ =	strace s4  }
0xa0: {  	s4 =	sld [smem:$0x3FFD];
	_ =	sdelay $0x3  }
0xa1: {  	_ =	strace s4  }
0xa2: {  	_ =	strace $0x8FFFFFFF  }
0xa3: {  	s20 =	sld [smem:$0x3FDB];
	_ =	sdelay $0x1  }
0xa4: {  	s21 =	simm.s32 $_scs_section_size  }
0xa5: {  	s7 =	simm.s32 $_size__tile_overlayer_lowered;
	s8 =	simm.s32 $_tile_overlayer_lowered  }
0xa6: {  	s9 =	simm.s32 $0x1BFF;
	s22 =	sshll.u32 s8, $0x1;
	s6 =	sadd.s32 s21, s20  }
0xa7: {  	s23 =	simm.s32 $0x0;
	s7 =	sshll.u32 s7, $0x1;
	s8 =	sadd.s32 s22, s6  }
0xa8: {  	[timem:s23], [sflag:s9] =	dma.local [hbm:s8], s7  }
0xa9: {  	_ =	swait.ge [sflag:s9], s7  }
0xaa: {  	s7 =	ssub.s32 $0x0, s7;
	[sflag:s9] =	ssyncset.done $0x0  }
0xab: {  	[sflag:s9] =	ssyncadd.s32 s7;
	_ =	sdelay $0x1  }
0xac: {  	s24 =	simm.s32 $0x1B8B  }
0xad: {  	_ =	swait.ge [sflag:s24], $0x1  }
0xae: {  	[sflag:s24] =	ssyncset.done $0x0  }
0xaf: {  	[sflag:s24] =	ssyncadd.s32 $0xFFFFFFFF  }
0xb0: {  	s7 =	sld [smem:$0x0]  }
0xb1: {  	s8 =	sand.u32 $0xFFFFFFFE, s1  }
0xb2: {  	p0 =	sne.s32 s1, s8  }
0xb3: {  	s8 =	sshll.u32 @p0 s8, $0xE  }
0xb4: {  	s8 =	sadd.s32 @p0 $0x11B8D, s8;
	s9 =	sshll.u32 @p0 s7, $0x11  }
0xb5: {  	s8 =	sor.u32 @p0 s9, s8  }
0xb6: {  	[sflag:s8] =	ssyncadd.remote.s32 @p0 $0x1;
	_ =	sdelay $0x1  }
0xb7: {  	s8 =	simm.s32 @p0 $0x1B8D  }
0xb8: {  	_ =	swait.eq @p0 [sflag:s8], $0x1  }
0xb9: {  	[sflag:s8] =	ssyncadd.s32 @p0 $0xFFFFFFFF  }
0xba: {  	s9 =	sshll.u32 @!p0 s1, $0xE  }
0xbb: {  	s9 =	sor.u32 @!p0 $0x4000, s9;
	s8 =	simm.s32 @!p0 $0x1B8D  }
0xbc: {  	s7 =	sshll.u32 @!p0 s7, $0x11;
	s9 =	sadd.s32 @!p0 $0x11B8D, s9;
	_ =	swait.eq @!p0 [sflag:s8], $0x1  }
0xbd: {  	s7 =	sor.u32 @!p0 s7, s9;
	[sflag:s8] =	ssyncadd.s32 @!p0 $0xFFFFFFFF  }
0xbe: {  	s25 =	simm.s32 $0x1B8E;
	[sflag:s7] =	ssyncadd.remote.s32 @!p0 $0x1  }
0xbf: {  	s26 =	simm.s32 $execute0_lowered;
	[smem:$0x3FD2] =	sst s25  }
0xc0: {  	s7 =	sshll.u32 s26, $0x1;
	_ =	strace $0x80000052;
	[dreg:$0x1] =	wrdreg $0xFFFFFFFF  }
0xc1: {  	s28 =	simm.s32 $_size_execute0_lowered;
	s6 =	sadd.s32 s6, s7;
	[dreg:$0x0] =	wrdreg $0x0  }
0xc2: {  	s7 =	sshll.u32 s28, $0x1;
	[dreg:$0x2] =	wrdreg s6  }
0xc3: {  	[dreg:$0x3] =	wrdreg s7  }
0xc4: {  	[dreg:$0x4] =	wrdreg $0xC0  }
0xc5: {  	_ =	task [dreg:s23], $0x5FFFF  }
0xc6: {  	[dreg:$0x1] =	wrdreg $0xFFFFFFFF  }
0xc7: {  	[dreg:$0x0] =	wrdreg $0x60  }
0xc8: {  	[dreg:$0x2] =	wrdreg s2  }
0xc9: {  	[dreg:$0x3] =	wrdreg s18  }
0xca: {  	[dreg:$0x4] =	wrdreg s17  }
0xcb: {  	[dreg:$0x5] =	wrdreg $0xC  }
0xcc: {  	_ =	task.clear_ibuf [dreg:s23], $0x6FFFF;
	_ =	strace $0x90000052  }
0xcd: {  	s29 =	simm.s32 $0xC;
	_ =	strace $0x80000054  }
0xce: {  	_ =	swait.ge [sflag:s29], $0x1  }
0xcf: {  	[sflag:s29] =	ssyncadd.s32 $0xFFFFFFFF  }
0xd0: {  	_ =	strace $0x90000054  }
0xd1: {  	_ =	sfence  }
0xd2: {  	s30 =	sld [smem:$0x0];
	_ =	sdelay $0x2  }
0xd3: {  	s31 =	sshll.u32 s1, $0xD;
	s1 =	sshrl.u32 s1, $0x2  }
0xd4: {  	s3 =	sand.u32 $0x4000, s31;
	s1 =	sadd.s32 s1, s30  }
0xd5: {  	s0 =	sor.u32 s3, s0;
	s1 =	sshll.u32 s1, $0x11  }
0xd6: {  	s0 =	sor.u32 s1, s0  }
0xd7: {  	s0 =	sadd.s32 $0x8F2B, s0  }
0xd8: {  	[sflag:s0] =	ssyncadd.remote.s32 $0x1  }
0xd9: {  	_ =	sfence.sel $0xFFFF  }
0xda: {  	[dreg:$0x0] =	wrdreg $0xFFFFFFFF;
	(pc) =	sbr.abs _section_cstart, $3  }
0xdb: {  	[dreg:$0x1] =	wrdreg $0xFFFFFFFF  }
0xdc: {  	_ =	task.clear_ibuf [dreg:s23], $0x2FFFF;
	_ =	strace $0x9FFFFFFF  }
0xdd: {  	(tm) =	ssettm $0x7FFFFFFF  }
tec
execute0_lowered:
.L_overlay_start_1:
0x0: {  	(tag) =	ssettag $0x1  }
0x1: {  	s2 =	rddreg [dreg:$0x0]  }
0x2: {  	s3 =	rddreg [dreg:$0x1]  }
0x3: {  	s4 =	rddreg [dreg:$0x2]  }
0x4: {  	s0 =	rddreg [dreg:$0x3];
	s1 =	srdreg.scid  }
0x5: {  	_ =	strace $0x80000053;
	s5 =	simm.s32 $0x1;
	s6 =	sshll.u32 s1, $0x4  }
.Ltmp0:
0x6: {  	s1 =	stileid.u32;
	s6 =	sand.u32 $0x10, s6;
	(pc) =	sbr.rel .LBB2_1-.Ltmp0, $4  }
0x7: {  	s9 =	simm.s32 $0x3;
	s11 =	simm.s32 $0x0;
	s7 =	sor.u32 s1, s6  }
0x8: {  	[sflag:s5] =	ssyncpa.u1 $0x0;
	s6 =	simm.s32 $0x2;
	s7 =	sshll.u32 s7, $0x7  }
0x9: {  	p0 =	por $0x0, $0x0;
	[sflag:s6] =	ssyncpa.u1 $0x0;
	s8 =	sadd.s32 $0x80, s7  }
0xa: {  	vm0 =	vmmov $0xff;
	vm1 =	vcmask $0x3F20;
	[sflag:s9] =	ssyncpa.u1 $0x0;
	s10 =	smov.u32 s7;
	s9 =	simm.s32 $0x0  }
.LBB2_9:
0xb: {  	p1 =	slt.u32 s9, $0x2;
	s11 =	sadd.s32 $0x40, s10  }
0xc: {  	s13 =	smov.u32 s7;
	s9 =	sadd.s32 $0x1, s9;
	p2 =	slt.s32 s11, s8  }
0xd: {  	s13 =	smov.u32 @p2 s11;
	p2 =	sne.s32 s9, $0x4  }
.Ltmp1:
0xe: {  	_ = 	snop;
	(pc) =	sbr.rel @!p2 .LBB2_10-.Ltmp1, $4  }
0xf: {  	s12 =	simm.s32 @!p1 $0x3  }
0x10: {  	_ =	swait.ge @!p1 [sflag:s12], $0x8000  }
0x11: {  	p0 =	por !p0, !p0;
	[sflag:s12] =	ssyncset.done @!p1 $0x0  }
0x12: {  	s11 =	smov.u32 s10;
	s10 =	smov.u32 s13;
	[sflag:s12] =	ssyncadd.s32 @!p1 $0xFFFF8000  }
.LBB2_1:
0x13: {  	p1 =	sgt.u32 s9, $0x1  }
0x14: {  	s12 =	sshll.u32 @!p1 s9, $0x6;
	s13 =	sshrl.u32 @!p1 s10, $0x3  }
0x15: {  	s14 =	sand.u32 @!p1 $0x7, s10;
	s12 =	sxor.u32 @!p1 $0x40, s12;
	s13 =	sadd.s32 @!p1 s3, s13  }
0x16: {  	[tilespmem:s12], [sflag:$0x2] =	stream.linear.gather @!p1 [hbm4b:s13+s14], $0x40, $0x38;
	[tilespmem:$0x10080] =	vst v63  }
0x17: {  	p1 =	seq.s32 s9, $0x0  }
0x18: {  	p2 =	seq.s32 @!p1 s9, $0x3  }
0x19: {  	p1 =	por p1, p2  }
.Ltmp2:
0x1a: {  	_ = 	snop;
	(pc) =	sbr.rel @p1 .LBB2_9-.Ltmp2, $1  }
0x1b: {  	_ =	sdelay $0x3  }
0x1c: {  	s12 =	simm.s32 $0x1  }
0x1d: {  	s12 =	simm.s32 @!p0 $0x0  }
0x1e: {  	_ =	swait.ge [sflag:s6], $0x40;
	s13 =	sand.u32 $0x1, s9;
	s12 =	sshll.u32 s12, $0xF  }
0x1f: {  	s14 =	simm.s32 $0x0;
	[sflag:s6] =	ssyncset.done $0x0;
	s12 =	sor.u32 $0x80, s12  }
0x20: {  	s13 =	sshll.u32 s13, $0x6;
	[sflag:s6] =	ssyncadd.s32 $0xFFFFFFC0;
	s15 =	smov.u32 s12  }
.LBB2_3:
0x21: {  	s16 =	sshll.u32 s14, $0x4  }
0x22: {  	s16 =	sand.u32 $0x3FFFFFF0, s16  }
0x23: {  	s16 =	sadd.s32 s16, s13  }
0x24: {  	v0 =	vld.msk [tilespmem:s16+$0x0 ss:$0x1], $0xffff;
	_ =	sdelay $0x4  }
0x25: {  	vm2 =	vgt.s32 v0, $0x0  }
0x26: {  	v0 =	vnsel vm2, $0x0, v0  }
0x27: {  	v0 =	vmin.u32 v0, $0x752F  }
0x28: {  	v1 =	vshll.u32 v0, $0x6;
	v0 =	vshll.u32 v0, $0x4  }
0x29: {  	v1 =	vand.u32 $0x1FFE00, v1;
	v0 =	vand.u32 $0x70, v0  }
0x2a: {  	v0 =	vor.u32 v0, v1;
	_ =	sdelay $0x3  }
0x2b: {  	s17 =	sadd.s32 $0x0, s15  }
0x2c: {  	[tilespmem:s17], [sflag:$0x1] =	stream.indirect_vreg.gather [hbm:s2], $0x80, v0, vm0, $0x38;
	[tilespmem:$0x10080] =	vst v63  }
0x2d: {  	s16 =	simm.s32 $0x1000;
	v1 =	vadd.s32 $0x80, v0;
	s17 =	sadd.s32 $0x1000, s17  }
.LBB2_4:
0x2e: {  	[tilespmem:s17], [sflag:$0x1] =	stream.indirect_vreg.gather [hbm:s2], $0x80, v0, vm1, $0x38;
	[tilespmem:$0x10080] =	vst v63  }
0x2f: {  	v0 =	vmov v1;
	s17 =	smov.u32 s16;
	p1 =	sne.s32 s16, $0x3000  }
.Ltmp3:
0x30: {  	s16 =	sadd.s32 $0x1000, s16;
	(pc) =	sbr.rel @p1 .LBB2_4-.Ltmp3, $4  }
0x31: {  	s17 =	sshra.s32 s17, $0x2  }
0x32: {  	s17 =	sadd.s32 s17, s15  }
0x33: {  	[tilespmem:s17], [sflag:$0x1] =	stream.indirect_vreg.gather [hbm:s2], $0x80, v1, vm0, $0x38;
	[tilespmem:$0x10080] =	vst v63  }
0x34: {  	s17 =	sadd.s32 $0x1000, s17;
	v1 =	vadd.s32 $0x80, v1  }
0x35: {  	s14 =	sadd.s32 $0x1, s14  }
0x36: {  	p1 =	sne.s32 s14, $0x4  }
.Ltmp4:
0x37: {  	_ = 	snop;
	(pc) =	sbr.rel @p1 .LBB2_3-.Ltmp4, $3  }
0x38: {  	_ =	sdelay $0x1  }
0x39: {  	[tilespmem:s17], [sflag:$0x1] =	stream.indirect_vreg.gather [hbm:s2], $0x80, v0, vm1, $0x38;
	[tilespmem:$0x10080] =	vst v63  }
0x3a: {  	s15 =	sadd.s32 $0x2000, s15  }
0x3b: {  	s13 =	sshll.u32 s11, $0x6  }
0x3c: {  	s31 =	sshll.u32 s11, $0x4;
	s13 =	sand.u32 $0xFFFFFE00, s13  }
0x3d: {  	_ =	swait.ge [sflag:s5], $0x8000;
	s11 =	sand.u32 $0x70, s31;
	s13 =	sadd.s32 s13, s4  }
0x3e: {  	s14 =	sadd.s32 $0x1000, s12;
	[sflag:s5] =	ssyncset.done $0x0;
	s11 =	sadd.s32 s11, s13  }
0x3f: {  	[sflag:s5] =	ssyncadd.s32 $0xFFFF8000;
	s13 =	simm.s32 $0x200;
	s15 =	sadd.s32 $0x0, s11  }
.LBB2_7:
0x40: {  	[hbm:s15] =	stream.linear.scatter [tilespmem:s12], [sflag:$0x3], $0x1000, $0x38;
	[tilespmem:$0x10080] =	vst v63  }
0x41: {  	s15 =	smov.u32 s13;
	s12 =	smov.u32 s14;
	p1 =	sne.s32 s13, $0xE00  }
.Ltmp5:
0x42: {  	s13 =	sadd.s32 $0x200, s13;
	(pc) =	sbr.rel @p1 .LBB2_7-.Ltmp5, $2  }
0x43: {  	_ =	sdelay $0x2  }
0x44: {  	s14 =	sadd.s32 $0x1000, s14;
	s15 =	sadd.s32 s15, s11  }
.Ltmp6:
0x45: {  	(pc) =	sbr.rel .LBB2_9-.Ltmp6, $2  }
0x46: {  	_ =	sdelay $0x2  }
0x47: {  	[hbm:s15] =	stream.linear.scatter [tilespmem:s12], [sflag:$0x3], $0x1000, $0x38;
	[tilespmem:$0x10080] =	vst v63  }
.LBB2_10:
0x48: {  	_ =	sfence.sel $0x180000  }
0x49: {  	s2 =	simm.s32 $0x2;
	[bflag:$0x0] =	sbarrier.arrive $0xFFFF  }
0x4a: {  	s30 =	simm.s32 $0x3;
	[sflag:s2] =	ssyncpa.u1 $0x1  }
0x4b: {  	s31 =	simm.s32 $0x1;
	[sflag:s30] =	ssyncpa.u1 $0x1  }
0x4c: {  	[sflag:s31] =	ssyncpa.u1 $0x1  }
0x4d: {  	p0 =	sne.s32 s1, $0x0;
	_ =	strace $0x90000053  }
0x4e: {  	s0 =	sadd.s32 @!p0 $0x100000, s0;
	[bflag:$0x2] =	sbarrier.arrive $0xFFFF  }
0x4f: {  	[sflag:s0] =	ssyncadd.tile.s32 @!p0 $0x1;
	_ =	shalt  }
.Lfunc_end2:
_tile_overlayer_lowered:
.L_overlay_start_2:
0x50: {  	(tag) =	ssettag $0x2  }
0x51: {  	s0 =	rddreg [dreg:$0x0];
	s2 =	stileid.u32  }
0x52: {  	s1 =	rddreg [dreg:$0x1];
	p0 =	sne.s32 s2, $0x0  }
0x53: {  	s3 =	rddreg [dreg:$0x2];
	[bflag:$0x3] =	sbarrier.arrive $0xFFFF;
	s2 =	simm.s32 @!p0 $0x1C01  }
0x54: {  	[timem:s3], [sflag:s2] =	dma.local @!p0 [hbm:s0], s1  }
0x55: {  	s0 =	simm.s32 @!p0 $0x1  }
0x56: {  	_ =	swait.ge @!p0 [sflag:s0], s1  }
0x57: {  	s1 =	ssub.s32 @!p0 $0x0, s1;
	[sflag:s0] =	ssyncset.done @!p0 $0x0  }
0x58: {  	[sflag:s0] =	ssyncadd.s32 @!p0 s1  }
0x59: {  	[bflag:$0x3] =	sbarrier.arrive $0xFFFF  }
0x5a: {  	_ =	shalt  }

// kernel: gather_offload_async_start.2
scs
__scs_entry_jumppad:
0x0: {  	(pc) =	sbr.rel $0x88, $3  }
0x1: {  	(tag) =	ssettag $0x0;
	lr =	simm.s32 $0x1  }
0x2: {  	[smem:$0x3F8D] =	sst lr;
	_ =	strace $0xD0000000  }
0x3: {  	_ = 	snop  }
0x4: {  	_ = 	snop  }
0x5: {  	_ = 	snop  }
0x6: {  	_ = 	snop  }
0x7: {  	_ = 	snop  }
__scs_overlays_trampoline_lowered:
0x8: {  	[smem:$0x3F9C] =	sst s0  }
0x9: {  	[smem:$0x3F9D] =	sst s1  }
0xa: {  	[smem:$0x3F9E] =	sst s2  }
0xb: {  	[smem:$0x3F9F] =	sst s3  }
0xc: {  	[smem:$0x3FA0] =	sst s4  }
0xd: {  	[smem:$0x3FA1] =	sst s5  }
0xe: {  	[smem:$0x3FA2] =	sst s6  }
0xf: {  	[smem:$0x3FA3] =	sst s7  }
0x10: {  	[smem:$0x3FA4] =	sst s8  }
0x11: {  	[smem:$0x3FA5] =	sst s9;
	s0 =	simm.s32 @!p0 $0x0  }
0x12: {  	s1 =	sld [smem:$0x3F8B];
	s0 =	simm.s32 @p0 $0x1  }
0x13: {  	[smem:$0x3FA6] =	sst s0;
	s0 =	simm.s32 @!p1 $0x0  }
0x14: {  	s2 =	sld [smem:$0x3F8A];
	s0 =	simm.s32 @p1 $0x1  }
0x15: {  	[smem:$0x3FA7] =	sst s0;
	s0 =	simm.s32 @!p2 $0x0  }
0x16: {  	s3 =	sld [smem:$0x3FDB];
	s0 =	simm.s32 @p2 $0x1  }
0x17: {  	s4 =	simm.s32 $0x1BF5;
	[smem:$0x3FA9] =	sst s0  }
0x18: {  	s0 =	sld [smem:$0x3F8C];
	_ =	swait.ge [sflag:s4], $0x0  }
0x19: {  	s7 =	sld [smem:$0x3F8D]  }
0x1a: {  	s8 =	sadd.s32 $0xFFFFE003, lr  }
0x1b: {  	s9 =	sadd.s32 $0xFFFFFEF7, lr;
	s5 =	simm.s32 $0xFFFFFFFF;
	p2 =	slt.u32 s8, $0xFFFFF086  }
0x1c: {  	p1 =	slt.u32 s9, $0xF7A;
	s5 =	simm.s32 @!p2 $0x0  }
0x1d: {  	s5 =	simm.s32 @p1 $0x1;
	p0 =	seq.s32 s7, s2  }
0x1e: {  	s7 =	smul.u32 @!p0 $0xF7A, s2;
	p2 =	seq.s32 @!p0 s5, $0x0  }
0x1f: {  	s9 =	smul.u32 $0xF7A, s1;
	s8 =	simm.s32 @!p0 $0x1BF5;
	p2 =	por !p2, p0  }
0x20: {  	[sflag:s8] =	ssyncset.s32 @!p0 $0xFFFFF086;
	s6 =	sadd.s32 @!p0 s3, s7;
	s7 =	simm.s32 @!p0 $0x108  }
0x21: {  	s3 =	sadd.s32 s3, s9;
	s6 =	sadd.s32 @!p0 $0x88, s6;
	s7 =	simm.s32 @p2 $0x1082  }
0x22: {  	[simem:s7], [sflag:s8] =	dma.local @!p0 [hbm:s6], $0xF7A  }
0x23: {  	s9 =	sor.u32 $0xD0000000, s2;
	s6 =	simm.s32 $0x108;
	_ =	swait.ge @!p0 [sflag:s8], $0x0  }
0x24: {  	s3 =	sadd.s32 $0x88, s3;
	s6 =	simm.s32 @!p1 $0x1082;
	[sflag:s4] =	ssyncset.s32 $0xFFFFF086  }
0x25: {  	[simem:s6], [sflag:s4] =	dma.local [hbm:s3], $0xF7A  }
0x26: {  	[smem:$0x3F8D] =	sst s1;
	(tag) =	ssettag s2;
	_ =	strace s9  }
0x27: {  	s1 =	sld [smem:$0x3F9D]  }
0x28: {  	s2 =	sld [smem:$0x3F9E]  }
0x29: {  	s4 =	sld [smem:$0x3FA0]  }
0x2a: {  	p0 =	seq.s32 s5, $0x0;
	s5 =	sld [smem:$0x3FA1]  }
0x2b: {  	s6 =	sld [smem:$0x3FA2]  }
0x2c: {  	s7 =	sld [smem:$0x3FA3]  }
0x2d: {  	s3 =	simm.s32 $0x108;
	s8 =	sld [smem:$0x3FA4]  }
0x2e: {  	s3 =	simm.s32 @!p0 $0x1082;
	s9 =	sld [smem:$0x3FA5]  }
0x2f: {  	lr =	sadd.s32 s0, s3;
	s0 =	sld [smem:$0x3F9C]  }
0x30: {  	s3 =	sld [smem:$0x3F9F]  }
0x31: {  	[smem:$0x3FA8] =	sst s10  }
0x32: {  	s10 =	sld [smem:$0x3FA6];
	_ =	sdelay $0x3  }
0x33: {  	p0 =	seq.s32 s10, $0x1;
	s10 =	sld [smem:$0x3FA8];
	_ =	sdelay $0x3  }
0x34: {  	[smem:$0x3FA8] =	sst s10  }
0x35: {  	s10 =	sld [smem:$0x3FA7];
	_ =	sdelay $0x3  }
0x36: {  	p1 =	seq.s32 s10, $0x1;
	s10 =	sld [smem:$0x3FA8];
	_ =	sdelay $0x3  }
0x37: {  	[smem:$0x3FA8] =	sst s10  }
0x38: {  	s10 =	sld [smem:$0x3FA9]  }
0x39: {  	_ = 	snop;
	(pc) =	sbr.ind lr, $3  }
0x3a: {  	_ = 	snop  }
0x3b: {  	_ = 	snop  }
0x3c: {  	p2 =	seq.s32 s10, $0x1;
	s10 =	sld [smem:$0x3FA8]  }
0x3d: {  	_ =	shalt  }
0x3e: {  	_ =	shalt  }
0x3f: {  	_ =	shalt  }
0x40: {  	_ =	shalt  }
0x41: {  	_ =	shalt  }
0x42: {  	_ =	shalt  }
0x43: {  	_ =	shalt  }
0x44: {  	_ =	shalt  }
0x45: {  	_ =	shalt  }
0x46: {  	_ =	shalt  }
0x47: {  	_ =	shalt  }
0x48: {  	_ =	shalt  }
0x49: {  	_ =	shalt  }
0x4a: {  	_ =	shalt  }
0x4b: {  	_ =	shalt  }
0x4c: {  	_ =	shalt  }
0x4d: {  	_ =	shalt  }
0x4e: {  	_ =	shalt  }
0x4f: {  	_ =	shalt  }
0x50: {  	_ =	shalt  }
0x51: {  	_ =	shalt  }
0x52: {  	_ =	shalt  }
0x53: {  	_ =	shalt  }
0x54: {  	_ =	shalt  }
0x55: {  	_ =	shalt  }
0x56: {  	_ =	shalt  }
0x57: {  	_ =	shalt  }
0x58: {  	_ =	shalt  }
0x59: {  	_ =	shalt  }
0x5a: {  	_ =	shalt  }
0x5b: {  	_ =	shalt  }
0x5c: {  	_ =	shalt  }
0x5d: {  	_ =	shalt  }
0x5e: {  	_ =	shalt  }
0x5f: {  	_ =	shalt  }
0x60: {  	_ =	shalt  }
0x61: {  	_ =	shalt  }
0x62: {  	_ =	shalt  }
0x63: {  	_ =	shalt  }
0x64: {  	_ =	shalt  }
0x65: {  	_ =	shalt  }
0x66: {  	_ =	shalt  }
0x67: {  	_ =	shalt  }
0x68: {  	_ =	shalt  }
0x69: {  	_ =	shalt  }
0x6a: {  	_ =	shalt  }
0x6b: {  	_ =	shalt  }
0x6c: {  	_ =	shalt  }
0x6d: {  	_ =	shalt  }
0x6e: {  	_ =	shalt  }
0x6f: {  	_ =	shalt  }
0x70: {  	_ =	shalt  }
0x71: {  	_ =	shalt  }
0x72: {  	_ =	shalt  }
0x73: {  	_ =	shalt  }
0x74: {  	_ =	shalt  }
0x75: {  	_ =	shalt  }
0x76: {  	_ =	shalt  }
0x77: {  	_ =	shalt  }
0x78: {  	_ =	shalt  }
0x79: {  	_ =	shalt  }
0x7a: {  	_ =	shalt  }
0x7b: {  	_ =	shalt  }
0x7c: {  	_ =	shalt  }
0x7d: {  	_ =	shalt  }
0x7e: {  	_ =	shalt  }
0x7f: {  	_ =	shalt  }
0x80: {  	_ =	shalt  }
0x81: {  	_ =	shalt  }
0x82: {  	_ =	shalt  }
0x83: {  	_ =	shalt  }
0x84: {  	_ =	shalt  }
0x85: {  	_ =	shalt  }
0x86: {  	_ =	shalt  }
0x87: {  	_ =	shalt  }
.Lfunc_end0:
.L_simem_size_0:
called_computation.2_lowered:
.L_overlay_start_0:
0x88: {  	s2 =	sld [smem:$0x3FD9]  }
0x89: {  	s3 =	sld [smem:$0x3FFE];
	_ =	sdelay $0x1  }
0x8a: {  	s1 =	srdreg.scid  }
0x8b: {  	s0 =	sand.u32 $0x1, s1  }
0x8c: {  	s15 =	sshll.u32 s0, $0xA;
	s2 =	sadd.s32 s3, s2  }
0x8d: {  	s2 =	sadd.s32 s2, s15  }
0x8e: {  	[smem:$0x3FB4] =	sst s2  }
0x8f: {  	_ = 	snop  }
0x90: {  	s16 =	sld [smem:$0x3FD0];
	_ =	sdelay $0x2  }
0x91: {  	s4 =	simm.s32 $0xE  }
0x92: {  	s5 =	simm.s32 $0x10;
	s2 =	sld [smem:$0x3FB6];
	s3 =	sadd.s32 $0x1, s16  }
0x93: {  	[smem:s5], [sflag:s4] =	dma.local [hbm:s3], $0x1  }
0x94: {  	_ =	swait.eq [sflag:s4], $0x1  }
0x95: {  	[sflag:s4] =	ssyncset.done $0x0  }
0x96: {  	[sflag:s4] =	ssyncadd.s32 $0xFFFFFFFF  }
0x97: {  	s17 =	sld [smem:$0x10];
	(tm) =	ssettm $0x1  }
0x98: {  	s18 =	sld [smem:$0x3FFB];
	_ =	sdelay $0x3  }
0x99: {  	_ =	strace s18  }
0x9a: {  	s3 =	sld [smem:$0x3FFC];
	_ =	sdelay $0x3  }
0x9b: {  	_ =	strace s3  }
0x9c: {  	s3 =	sld [smem:$0x3FFD];
	_ =	sdelay $0x3  }
0x9d: {  	_ =	strace s3  }
0x9e: {  	_ =	strace $0x8FFFFFFF  }
0x9f: {  	s19 =	sld [smem:$0x3FDB];
	_ =	sdelay $0x1  }
0xa0: {  	s20 =	simm.s32 $_scs_section_size  }
0xa1: {  	s6 =	simm.s32 $_size__tile_overlayer_lowered;
	s7 =	simm.s32 $_tile_overlayer_lowered  }
0xa2: {  	s8 =	simm.s32 $0x1BFF;
	s21 =	sshll.u32 s7, $0x1;
	s5 =	sadd.s32 s20, s19  }
0xa3: {  	s22 =	simm.s32 $0x0;
	s6 =	sshll.u32 s6, $0x1;
	s7 =	sadd.s32 s21, s5  }
0xa4: {  	[timem:s22], [sflag:s8] =	dma.local [hbm:s7], s6  }
0xa5: {  	_ =	swait.ge [sflag:s8], s6  }
0xa6: {  	s6 =	ssub.s32 $0x0, s6;
	[sflag:s8] =	ssyncset.done $0x0  }
0xa7: {  	[sflag:s8] =	ssyncadd.s32 s6;
	_ =	sdelay $0x1  }
0xa8: {  	s23 =	simm.s32 $0x1B8B  }
0xa9: {  	_ =	swait.ge [sflag:s23], $0x1  }
0xaa: {  	[sflag:s23] =	ssyncset.done $0x0  }
0xab: {  	[sflag:s23] =	ssyncadd.s32 $0xFFFFFFFF  }
0xac: {  	s6 =	sld [smem:$0x0]  }
0xad: {  	s7 =	sand.u32 $0xFFFFFFFE, s1  }
0xae: {  	p0 =	sne.s32 s1, s7  }
0xaf: {  	s7 =	sshll.u32 @p0 s7, $0xE  }
0xb0: {  	s7 =	sadd.s32 @p0 $0x11B8D, s7;
	s8 =	sshll.u32 @p0 s6, $0x11  }
0xb1: {  	s7 =	sor.u32 @p0 s8, s7  }
0xb2: {  	[sflag:s7] =	ssyncadd.remote.s32 @p0 $0x1;
	_ =	sdelay $0x1  }
0xb3: {  	s7 =	simm.s32 @p0 $0x1B8D  }
0xb4: {  	_ =	swait.eq @p0 [sflag:s7], $0x1  }
0xb5: {  	[sflag:s7] =	ssyncadd.s32 @p0 $0xFFFFFFFF  }
0xb6: {  	s8 =	sshll.u32 @!p0 s1, $0xE  }
0xb7: {  	s8 =	sor.u32 @!p0 $0x4000, s8;
	s7 =	simm.s32 @!p0 $0x1B8D  }
0xb8: {  	s6 =	sshll.u32 @!p0 s6, $0x11;
	s8 =	sadd.s32 @!p0 $0x11B8D, s8;
	_ =	swait.eq @!p0 [sflag:s7], $0x1  }
0xb9: {  	s6 =	sor.u32 @!p0 s6, s8;
	[sflag:s7] =	ssyncadd.s32 @!p0 $0xFFFFFFFF  }
0xba: {  	s25 =	simm.s32 $0x1B8E;
	s24 =	sld [smem:$0x3FFE];
	[sflag:s6] =	ssyncadd.remote.s32 @!p0 $0x1  }
0xbb: {  	s26 =	simm.s32 $execute0_lowered;
	[smem:$0x3FD2] =	sst s25  }
0xbc: {  	s7 =	sshll.u32 s26, $0x1;
	_ =	strace $0x80000049;
	[dreg:$0x1] =	wrdreg $0xFFFFFFFF  }
0xbd: {  	s28 =	simm.s32 $_size_execute0_lowered;
	s5 =	sadd.s32 s5, s7;
	[dreg:$0x0] =	wrdreg $0x0  }
0xbe: {  	s7 =	sshll.u32 s28, $0x1;
	[dreg:$0x2] =	wrdreg s5  }
0xbf: {  	[dreg:$0x3] =	wrdreg s7  }
0xc0: {  	[dreg:$0x4] =	wrdreg $0xC0  }
0xc1: {  	_ =	task [dreg:s22], $0x5FFFF  }
0xc2: {  	[dreg:$0x1] =	wrdreg $0xFFFFFFFF  }
0xc3: {  	[dreg:$0x0] =	wrdreg $0x60  }
0xc4: {  	[dreg:$0x2] =	wrdreg s2  }
0xc5: {  	[dreg:$0x3] =	wrdreg s17  }
0xc6: {  	[dreg:$0x4] =	wrdreg s24  }
0xc7: {  	[dreg:$0x5] =	wrdreg $0xA  }
0xc8: {  	_ =	task.clear_ibuf [dreg:s22], $0x6FFFF;
	_ =	strace $0x90000049  }
0xc9: {  	s29 =	simm.s32 $0xA;
	_ =	strace $0x8000004B  }
0xca: {  	_ =	swait.ge [sflag:s29], $0x1  }
0xcb: {  	[sflag:s29] =	ssyncadd.s32 $0xFFFFFFFF  }
0xcc: {  	_ =	strace $0x9000004B  }
0xcd: {  	_ =	sfence  }
0xce: {  	s30 =	sld [smem:$0x0];
	_ =	sdelay $0x2  }
0xcf: {  	s31 =	sshll.u32 s1, $0xD;
	s1 =	sshrl.u32 s1, $0x2  }
0xd0: {  	s4 =	sand.u32 $0x4000, s31;
	s1 =	sadd.s32 s1, s30  }
0xd1: {  	s0 =	sor.u32 s4, s0;
	s1 =	sshll.u32 s1, $0x11  }
0xd2: {  	s0 =	sor.u32 s1, s0  }
0xd3: {  	s0 =	sadd.s32 $0x8F2B, s0  }
0xd4: {  	[sflag:s0] =	ssyncadd.remote.s32 $0x1  }
0xd5: {  	_ =	sfence.sel $0xFFFF  }
0xd6: {  	[dreg:$0x0] =	wrdreg $0xFFFFFFFF;
	(pc) =	sbr.abs _section_cstart, $3  }
0xd7: {  	[dreg:$0x1] =	wrdreg $0xFFFFFFFF  }
0xd8: {  	_ =	task.clear_ibuf [dreg:s22], $0x2FFFF;
	_ =	strace $0x9FFFFFFF  }
0xd9: {  	(tm) =	ssettm $0x7FFFFFFF  }
tec
execute0_lowered:
.L_overlay_start_1:
0x0: {  	(tag) =	ssettag $0x1  }
0x1: {  	s2 =	rddreg [dreg:$0x0]  }
0x2: {  	s3 =	rddreg [dreg:$0x1]  }
0x3: {  	s7 =	rddreg [dreg:$0x2]  }
0x4: {  	s0 =	rddreg [dreg:$0x3];
	s1 =	srdreg.scid;
	_ =	strace $0x8000004A  }
0x5: {  	s4 =	simm.s32 $0x1;
	s9 =	simm.s32 $0x3;
	s5 =	sshll.u32 s1, $0x4  }
.Ltmp0:
0x6: {  	s1 =	stileid.u32;
	s5 =	sand.u32 $0x10, s5;
	(pc) =	sbr.rel .LBB2_1-.Ltmp0, $4  }
0x7: {  	s12 =	simm.s32 $0x0;
	s10 =	simm.s32 $0x0;
	s6 =	sor.u32 s1, s5  }
0x8: {  	[sflag:s4] =	ssyncpa.u1 $0x0;
	s5 =	simm.s32 $0x2;
	s6 =	sshll.u32 s6, $0x7  }
0x9: {  	s7 =	sadd.s32 $0x9B000, s7;
	[sflag:s5] =	ssyncpa.u1 $0x0;
	s8 =	sadd.s32 $0x80, s6  }
0xa: {  	vm0 =	vmmov $0xff;
	vm1 =	vcmask $0x3F20;
	[sflag:s9] =	ssyncpa.u1 $0x0;
	s9 =	simm.s32 $0x80;
	s11 =	smov.u32 s6  }
.LBB2_11:
0xb: {  	p0 =	seq.s32 s10, $0x2  }
.Ltmp1:
0xc: {  	_ = 	snop;
	(pc) =	sbr.rel @p0 .LBB2_13-.Ltmp1, $1  }
0xd: {  	_ =	sdelay $0x3  }
.LBB2_12:
0xe: {  	s12 =	sadd.s32 $0x80, s11  }
0xf: {  	s13 =	smov.u32 s6;
	p0 =	slt.s32 s12, s8  }
0x10: {  	s13 =	smov.u32 @p0 s12  }
0x11: {  	s10 =	sadd.s32 $0x1, s10;
	s12 =	smov.u32 s11;
	s11 =	smov.u32 s13  }
.LBB2_1:
0x12: {  	p0 =	sne.s32 s10, $0x0  }
.Ltmp2:
0x13: {  	_ = 	snop;
	(pc) =	sbr.rel @!p0 .LBB2_2-.Ltmp2, $1  }
0x14: {  	_ =	sdelay $0x3  }
0x15: {  	s13 =	sand.u32 $0x1, s10  }
0x16: {  	p0 =	seq.s32 s13, $0x0  }
.Ltmp3:
0x17: {  	_ = 	snop;
	(pc) =	sbr.rel @p0 .LBB2_11-.Ltmp3, $1  }
0x18: {  	_ =	sdelay $0x3  }
0x19: {  	_ =	swait.ge [sflag:s5], $0x80  }
0x1a: {  	[sflag:s5] =	ssyncset.done $0x0  }
0x1b: {  	s13 =	simm.s32 $0x0;
	s14 =	simm.s32 $0x100;
	[sflag:s5] =	ssyncadd.s32 $0xFFFFFF80  }
.LBB2_5:
0x1c: {  	s15 =	sshll.u32 s13, $0x4  }
0x1d: {  	s15 =	sand.u32 $0x3FFFFFF0, s15  }
0x1e: {  	v0 =	vld.msk [tilespmem:s15+$0x80 ss:$0x1], $0xffff;
	_ =	sdelay $0x4  }
0x1f: {  	vm2 =	vgt.s32 v0, $0x0  }
0x20: {  	v0 =	vnsel vm2, $0x0, v0  }
0x21: {  	v0 =	vmin.u32 v0, $0x4E1F  }
0x22: {  	v1 =	vshrl.u32 v0, $0x3  }
0x23: {  	v0 =	vshll.u32 v0, $0x7;
	v1 =	vmul.u32 $0xC00, v1  }
0x24: {  	v0 =	vand.u32 $0x380, v0  }
0x25: {  	v0 =	vor.u32 v0, v1  }
0x26: {  	v0 =	vshrl.u32 v0, $0x3;
	_ =	sdelay $0x2  }
0x27: {  	s16 =	sadd.s32 $0xFFFFF400, s14  }
0x28: {  	s31 =	sadd.s32 $0xCC00, s16;
	s16 =	sadd.s32 $0xD800, s16;
	s15 =	simm.s32 $0xFFFFE000  }
0x29: {  	v1 =	vadd.s32 $0x80, v0;
	[tilespmem:s31], [sflag:$0x1] =	stream.indirect_vreg.gather [hbm:s2], $0x80, v0, vm0, $0x38;
	[tilespmem:$0x18100] =	vst v63  }
.LBB2_6:
0x2a: {  	[tilespmem:s16], [sflag:$0x1] =	stream.indirect_vreg.gather [hbm:s2], $0x80, v0, vm1, $0x38;
	[tilespmem:$0x18100] =	vst v63  }
0x2b: {  	v0 =	vmov v1;
	p0 =	sne.s32 s15, $0xFFFFF000  }
.Ltmp4:
0x2c: {  	s16 =	sshra.s32 s15, $0x2;
	(pc) =	sbr.rel @p0 .LBB2_6-.Ltmp4, $4  }
0x2d: {  	s15 =	sadd.s32 $0x1000, s15;
	s16 =	sadd.s32 s16, s14  }
0x2e: {  	s17 =	sadd.s32 $0xCC00, s16  }
0x2f: {  	[tilespmem:s17], [sflag:$0x1] =	stream.indirect_vreg.gather [hbm:s2], $0x80, v1, vm0, $0x38;
	[tilespmem:$0x18100] =	vst v63  }
0x30: {  	s16 =	sadd.s32 $0xD800, s16;
	v1 =	vadd.s32 $0x80, v1  }
0x31: {  	s13 =	sadd.s32 $0x1, s13  }
0x32: {  	p0 =	sne.s32 s13, $0x8  }
.Ltmp5:
0x33: {  	_ = 	snop;
	(pc) =	sbr.rel @p0 .LBB2_5-.Ltmp5, $3  }
0x34: {  	_ =	sdelay $0x1  }
0x35: {  	[tilespmem:s16], [sflag:$0x1] =	stream.indirect_vreg.gather [hbm:s2], $0x80, v0, vm1, $0x38;
	[tilespmem:$0x18100] =	vst v63  }
0x36: {  	s14 =	sadd.s32 $0x1800, s14  }
0x37: {  	s13 =	sshrl.u32 s12, $0x3  }
0x38: {  	s13 =	smul.u32 $0x180, s13  }
0x39: {  	_ =	swait.ge [sflag:s4], $0xC000;
	s31 =	sshll.u32 s12, $0x4  }
0x3a: {  	s14 =	simm.s32 $0x180;
	s12 =	sand.u32 $0x70, s31;
	s13 =	sadd.s32 s13, s7  }
0x3b: {  	s15 =	simm.s32 $0xCD00;
	[sflag:s4] =	ssyncset.done $0x0;
	s12 =	sadd.s32 s12, s13  }
0x3c: {  	[sflag:s4] =	ssyncadd.s32 $0xFFFF4000;
	s13 =	simm.s32 $0xC100;
	s16 =	sadd.s32 $0x0, s12  }
.LBB2_9:
0x3d: {  	[hbm:s16] =	stream.linear.scatter [tilespmem:s13], [sflag:$0x3], $0xC00, $0x38;
	[tilespmem:$0x18100] =	vst v63  }
0x3e: {  	s16 =	smov.u32 s14;
	s13 =	smov.u32 s15;
	p0 =	sne.s32 s14, $0x1680  }
.Ltmp6:
0x3f: {  	s14 =	sadd.s32 $0x180, s14;
	(pc) =	sbr.rel @p0 .LBB2_9-.Ltmp6, $2  }
0x40: {  	_ =	sdelay $0x2  }
0x41: {  	s15 =	sadd.s32 $0xC00, s15;
	s16 =	sadd.s32 s16, s12  }
.Ltmp7:
0x42: {  	(pc) =	sbr.rel .LBB2_11-.Ltmp7, $2  }
0x43: {  	_ =	sdelay $0x2  }
0x44: {  	[hbm:s16] =	stream.linear.scatter [tilespmem:s13], [sflag:$0x3], $0xC00, $0x38;
	[tilespmem:$0x18100] =	vst v63  }
.LBB2_2:
.Ltmp8:
0x45: {  	(pc) =	sbr.rel .LBB2_12-.Ltmp8, $4  }
0x46: {  	_ = 	snop  }
0x47: {  	s12 =	sshrl.u32 s11, $0x3  }
0x48: {  	s13 =	sand.u32 $0x7, s11;
	s12 =	sadd.s32 s3, s12  }
0x49: {  	[tilespmem:s9], [sflag:$0x2] =	stream.linear.gather [hbm4b:s12+s13], $0x80, $0x38;
	[tilespmem:$0x18100] =	vst v63  }
.LBB2_13:
0x4a: {  	s2 =	simm.s32 $0x3  }
0x4b: {  	_ =	swait.ge [sflag:s2], $0xC000  }
0x4c: {  	[sflag:s2] =	ssyncset.done $0x0  }
0x4d: {  	[sflag:s2] =	ssyncadd.s32 $0xFFFF4000  }
0x4e: {  	_ =	sfence.sel $0x180000  }
0x4f: {  	s3 =	simm.s32 $0x2;
	[bflag:$0x0] =	sbarrier.arrive $0xFFFF  }
0x50: {  	[sflag:s3] =	ssyncpa.u1 $0x1  }
0x51: {  	s31 =	simm.s32 $0x1;
	[sflag:s2] =	ssyncpa.u1 $0x1  }
0x52: {  	[sflag:s31] =	ssyncpa.u1 $0x1  }
0x53: {  	p0 =	sne.s32 s1, $0x0;
	_ =	strace $0x9000004A  }
0x54: {  	s0 =	sadd.s32 @!p0 $0x100000, s0;
	[bflag:$0x2] =	sbarrier.arrive $0xFFFF  }
0x55: {  	[sflag:s0] =	ssyncadd.tile.s32 @!p0 $0x1;
	_ =	shalt  }
.Lfunc_end2:
_tile_overlayer_lowered:
.L_overlay_start_2:
0x56: {  	(tag) =	ssettag $0x2  }
0x57: {  	s0 =	rddreg [dreg:$0x0];
	s2 =	stileid.u32  }
0x58: {  	s1 =	rddreg [dreg:$0x1];
	p0 =	sne.s32 s2, $0x0  }
0x59: {  	s3 =	rddreg [dreg:$0x2];
	[bflag:$0x3] =	sbarrier.arrive $0xFFFF;
	s2 =	simm.s32 @!p0 $0x1C01  }
0x5a: {  	[timem:s3], [sflag:s2] =	dma.local @!p0 [hbm:s0], s1  }
0x5b: {  	s0 =	simm.s32 @!p0 $0x1  }
0x5c: {  	_ =	swait.ge @!p0 [sflag:s0], s1  }
0x5d: {  	s1 =	ssub.s32 @!p0 $0x0, s1;
	[sflag:s0] =	ssyncset.done @!p0 $0x0  }
0x5e: {  	[sflag:s0] =	ssyncadd.s32 @!p0 s1  }
0x5f: {  	[bflag:$0x3] =	sbarrier.arrive $0xFFFF  }
0x60: {  	_ =	shalt  }

// kernel: gather_offload_async_start.3
scs
__scs_entry_jumppad:
0x0: {  	(pc) =	sbr.rel $0x88, $3  }
0x1: {  	(tag) =	ssettag $0x0;
	lr =	simm.s32 $0x1  }
0x2: {  	[smem:$0x3F8D] =	sst lr;
	_ =	strace $0xD0000000  }
0x3: {  	_ = 	snop  }
0x4: {  	_ = 	snop  }
0x5: {  	_ = 	snop  }
0x6: {  	_ = 	snop  }
0x7: {  	_ = 	snop  }
__scs_overlays_trampoline_lowered:
0x8: {  	[smem:$0x3F9C] =	sst s0  }
0x9: {  	[smem:$0x3F9D] =	sst s1  }
0xa: {  	[smem:$0x3F9E] =	sst s2  }
0xb: {  	[smem:$0x3F9F] =	sst s3  }
0xc: {  	[smem:$0x3FA0] =	sst s4  }
0xd: {  	[smem:$0x3FA1] =	sst s5  }
0xe: {  	[smem:$0x3FA2] =	sst s6  }
0xf: {  	[smem:$0x3FA3] =	sst s7  }
0x10: {  	[smem:$0x3FA4] =	sst s8  }
0x11: {  	[smem:$0x3FA5] =	sst s9;
	s0 =	simm.s32 @!p0 $0x0  }
0x12: {  	s1 =	sld [smem:$0x3F8B];
	s0 =	simm.s32 @p0 $0x1  }
0x13: {  	[smem:$0x3FA6] =	sst s0;
	s0 =	simm.s32 @!p1 $0x0  }
0x14: {  	s2 =	sld [smem:$0x3F8A];
	s0 =	simm.s32 @p1 $0x1  }
0x15: {  	[smem:$0x3FA7] =	sst s0;
	s0 =	simm.s32 @!p2 $0x0  }
0x16: {  	s3 =	sld [smem:$0x3FDB];
	s0 =	simm.s32 @p2 $0x1  }
0x17: {  	s4 =	simm.s32 $0x1BF5;
	[smem:$0x3FA9] =	sst s0  }
0x18: {  	s0 =	sld [smem:$0x3F8C];
	_ =	swait.ge [sflag:s4], $0x0  }
0x19: {  	s7 =	sld [smem:$0x3F8D]  }
0x1a: {  	s8 =	sadd.s32 $0xFFFFE003, lr  }
0x1b: {  	s9 =	sadd.s32 $0xFFFFFEF7, lr;
	s5 =	simm.s32 $0xFFFFFFFF;
	p2 =	slt.u32 s8, $0xFFFFF086  }
0x1c: {  	p1 =	slt.u32 s9, $0xF7A;
	s5 =	simm.s32 @!p2 $0x0  }
0x1d: {  	s5 =	simm.s32 @p1 $0x1;
	p0 =	seq.s32 s7, s2  }
0x1e: {  	s7 =	smul.u32 @!p0 $0xF7A, s2;
	p2 =	seq.s32 @!p0 s5, $0x0  }
0x1f: {  	s9 =	smul.u32 $0xF7A, s1;
	s8 =	simm.s32 @!p0 $0x1BF5;
	p2 =	por !p2, p0  }
0x20: {  	[sflag:s8] =	ssyncset.s32 @!p0 $0xFFFFF086;
	s6 =	sadd.s32 @!p0 s3, s7;
	s7 =	simm.s32 @!p0 $0x108  }
0x21: {  	s3 =	sadd.s32 s3, s9;
	s6 =	sadd.s32 @!p0 $0x88, s6;
	s7 =	simm.s32 @p2 $0x1082  }
0x22: {  	[simem:s7], [sflag:s8] =	dma.local @!p0 [hbm:s6], $0xF7A  }
0x23: {  	s9 =	sor.u32 $0xD0000000, s2;
	s6 =	simm.s32 $0x108;
	_ =	swait.ge @!p0 [sflag:s8], $0x0  }
0x24: {  	s3 =	sadd.s32 $0x88, s3;
	s6 =	simm.s32 @!p1 $0x1082;
	[sflag:s4] =	ssyncset.s32 $0xFFFFF086  }
0x25: {  	[simem:s6], [sflag:s4] =	dma.local [hbm:s3], $0xF7A  }
0x26: {  	[smem:$0x3F8D] =	sst s1;
	(tag) =	ssettag s2;
	_ =	strace s9  }
0x27: {  	s1 =	sld [smem:$0x3F9D]  }
0x28: {  	s2 =	sld [smem:$0x3F9E]  }
0x29: {  	s4 =	sld [smem:$0x3FA0]  }
0x2a: {  	p0 =	seq.s32 s5, $0x0;
	s5 =	sld [smem:$0x3FA1]  }
0x2b: {  	s6 =	sld [smem:$0x3FA2]  }
0x2c: {  	s7 =	sld [smem:$0x3FA3]  }
0x2d: {  	s3 =	simm.s32 $0x108;
	s8 =	sld [smem:$0x3FA4]  }
0x2e: {  	s3 =	simm.s32 @!p0 $0x1082;
	s9 =	sld [smem:$0x3FA5]  }
0x2f: {  	lr =	sadd.s32 s0, s3;
	s0 =	sld [smem:$0x3F9C]  }
0x30: {  	s3 =	sld [smem:$0x3F9F]  }
0x31: {  	[smem:$0x3FA8] =	sst s10  }
0x32: {  	s10 =	sld [smem:$0x3FA6];
	_ =	sdelay $0x3  }
0x33: {  	p0 =	seq.s32 s10, $0x1;
	s10 =	sld [smem:$0x3FA8];
	_ =	sdelay $0x3  }
0x34: {  	[smem:$0x3FA8] =	sst s10  }
0x35: {  	s10 =	sld [smem:$0x3FA7];
	_ =	sdelay $0x3  }
0x36: {  	p1 =	seq.s32 s10, $0x1;
	s10 =	sld [smem:$0x3FA8];
	_ =	sdelay $0x3  }
0x37: {  	[smem:$0x3FA8] =	sst s10  }
0x38: {  	s10 =	sld [smem:$0x3FA9]  }
0x39: {  	_ = 	snop;
	(pc) =	sbr.ind lr, $3  }
0x3a: {  	_ = 	snop  }
0x3b: {  	_ = 	snop  }
0x3c: {  	p2 =	seq.s32 s10, $0x1;
	s10 =	sld [smem:$0x3FA8]  }
0x3d: {  	_ =	shalt  }
0x3e: {  	_ =	shalt  }
0x3f: {  	_ =	shalt  }
0x40: {  	_ =	shalt  }
0x41: {  	_ =	shalt  }
0x42: {  	_ =	shalt  }
0x43: {  	_ =	shalt  }
0x44: {  	_ =	shalt  }
0x45: {  	_ =	shalt  }
0x46: {  	_ =	shalt  }
0x47: {  	_ =	shalt  }
0x48: {  	_ =	shalt  }
0x49: {  	_ =	shalt  }
0x4a: {  	_ =	shalt  }
0x4b: {  	_ =	shalt  }
0x4c: {  	_ =	shalt  }
0x4d: {  	_ =	shalt  }
0x4e: {  	_ =	shalt  }
0x4f: {  	_ =	shalt  }
0x50: {  	_ =	shalt  }
0x51: {  	_ =	shalt  }
0x52: {  	_ =	shalt  }
0x53: {  	_ =	shalt  }
0x54: {  	_ =	shalt  }
0x55: {  	_ =	shalt  }
0x56: {  	_ =	shalt  }
0x57: {  	_ =	shalt  }
0x58: {  	_ =	shalt  }
0x59: {  	_ =	shalt  }
0x5a: {  	_ =	shalt  }
0x5b: {  	_ =	shalt  }
0x5c: {  	_ =	shalt  }
0x5d: {  	_ =	shalt  }
0x5e: {  	_ =	shalt  }
0x5f: {  	_ =	shalt  }
0x60: {  	_ =	shalt  }
0x61: {  	_ =	shalt  }
0x62: {  	_ =	shalt  }
0x63: {  	_ =	shalt  }
0x64: {  	_ =	shalt  }
0x65: {  	_ =	shalt  }
0x66: {  	_ =	shalt  }
0x67: {  	_ =	shalt  }
0x68: {  	_ =	shalt  }
0x69: {  	_ =	shalt  }
0x6a: {  	_ =	shalt  }
0x6b: {  	_ =	shalt  }
0x6c: {  	_ =	shalt  }
0x6d: {  	_ =	shalt  }
0x6e: {  	_ =	shalt  }
0x6f: {  	_ =	shalt  }
0x70: {  	_ =	shalt  }
0x71: {  	_ =	shalt  }
0x72: {  	_ =	shalt  }
0x73: {  	_ =	shalt  }
0x74: {  	_ =	shalt  }
0x75: {  	_ =	shalt  }
0x76: {  	_ =	shalt  }
0x77: {  	_ =	shalt  }
0x78: {  	_ =	shalt  }
0x79: {  	_ =	shalt  }
0x7a: {  	_ =	shalt  }
0x7b: {  	_ =	shalt  }
0x7c: {  	_ =	shalt  }
0x7d: {  	_ =	shalt  }
0x7e: {  	_ =	shalt  }
0x7f: {  	_ =	shalt  }
0x80: {  	_ =	shalt  }
0x81: {  	_ =	shalt  }
0x82: {  	_ =	shalt  }
0x83: {  	_ =	shalt  }
0x84: {  	_ =	shalt  }
0x85: {  	_ =	shalt  }
0x86: {  	_ =	shalt  }
0x87: {  	_ =	shalt  }
.Lfunc_end0:
.L_simem_size_0:
called_computation.3_lowered:
.L_overlay_start_0:
0x88: {  	s2 =	sld [smem:$0x3FD9]  }
0x89: {  	s3 =	sld [smem:$0x3FFE];
	_ =	sdelay $0x1  }
0x8a: {  	s1 =	srdreg.scid  }
0x8b: {  	s0 =	sand.u32 $0x1, s1  }
0x8c: {  	s15 =	sshll.u32 s0, $0xA;
	s2 =	sadd.s32 s3, s2  }
0x8d: {  	s2 =	sadd.s32 s2, s15  }
0x8e: {  	[smem:$0x3FB4] =	sst s2  }
0x8f: {  	_ = 	snop  }
0x90: {  	s16 =	sld [smem:$0x3FD0];
	_ =	sdelay $0x2  }
0x91: {  	s4 =	simm.s32 $0xE  }
0x92: {  	s5 =	simm.s32 $0x10;
	s2 =	sld [smem:$0x3FC0];
	s3 =	sadd.s32 $0x1, s16  }
0x93: {  	[smem:s5], [sflag:s4] =	dma.local [hbm:s3], $0x1  }
0x94: {  	_ =	swait.eq [sflag:s4], $0x1  }
0x95: {  	[sflag:s4] =	ssyncset.done $0x0  }
0x96: {  	[sflag:s4] =	ssyncadd.s32 $0xFFFFFFFF  }
0x97: {  	s17 =	sld [smem:$0x11];
	(tm) =	ssettm $0x1  }
0x98: {  	s18 =	sld [smem:$0x3FFB];
	_ =	sdelay $0x3  }
0x99: {  	_ =	strace s18  }
0x9a: {  	s3 =	sld [smem:$0x3FFC];
	_ =	sdelay $0x3  }
0x9b: {  	_ =	strace s3  }
0x9c: {  	s3 =	sld [smem:$0x3FFD];
	_ =	sdelay $0x3  }
0x9d: {  	_ =	strace s3  }
0x9e: {  	_ =	strace $0x8FFFFFFF  }
0x9f: {  	s19 =	sld [smem:$0x3FDB];
	_ =	sdelay $0x1  }
0xa0: {  	s20 =	simm.s32 $_scs_section_size  }
0xa1: {  	s6 =	simm.s32 $_size__tile_overlayer_lowered;
	s7 =	simm.s32 $_tile_overlayer_lowered  }
0xa2: {  	s8 =	simm.s32 $0x1BFF;
	s21 =	sshll.u32 s7, $0x1;
	s5 =	sadd.s32 s20, s19  }
0xa3: {  	s22 =	simm.s32 $0x0;
	s6 =	sshll.u32 s6, $0x1;
	s7 =	sadd.s32 s21, s5  }
0xa4: {  	[timem:s22], [sflag:s8] =	dma.local [hbm:s7], s6  }
0xa5: {  	_ =	swait.ge [sflag:s8], s6  }
0xa6: {  	s6 =	ssub.s32 $0x0, s6;
	[sflag:s8] =	ssyncset.done $0x0  }
0xa7: {  	[sflag:s8] =	ssyncadd.s32 s6;
	_ =	sdelay $0x1  }
0xa8: {  	s23 =	simm.s32 $0x1B8B  }
0xa9: {  	_ =	swait.ge [sflag:s23], $0x1  }
0xaa: {  	[sflag:s23] =	ssyncset.done $0x0  }
0xab: {  	[sflag:s23] =	ssyncadd.s32 $0xFFFFFFFF  }
0xac: {  	s6 =	sld [smem:$0x0]  }
0xad: {  	s7 =	sand.u32 $0xFFFFFFFE, s1  }
0xae: {  	p0 =	sne.s32 s1, s7  }
0xaf: {  	s7 =	sshll.u32 @p0 s7, $0xE  }
0xb0: {  	s7 =	sadd.s32 @p0 $0x11B8D, s7;
	s8 =	sshll.u32 @p0 s6, $0x11  }
0xb1: {  	s7 =	sor.u32 @p0 s8, s7  }
0xb2: {  	[sflag:s7] =	ssyncadd.remote.s32 @p0 $0x1;
	_ =	sdelay $0x1  }
0xb3: {  	s7 =	simm.s32 @p0 $0x1B8D  }
0xb4: {  	_ =	swait.eq @p0 [sflag:s7], $0x1  }
0xb5: {  	[sflag:s7] =	ssyncadd.s32 @p0 $0xFFFFFFFF  }
0xb6: {  	s8 =	sshll.u32 @!p0 s1, $0xE  }
0xb7: {  	s8 =	sor.u32 @!p0 $0x4000, s8;
	s7 =	simm.s32 @!p0 $0x1B8D  }
0xb8: {  	s6 =	sshll.u32 @!p0 s6, $0x11;
	s8 =	sadd.s32 @!p0 $0x11B8D, s8;
	_ =	swait.eq @!p0 [sflag:s7], $0x1  }
0xb9: {  	s6 =	sor.u32 @!p0 s6, s8;
	[sflag:s7] =	ssyncadd.s32 @!p0 $0xFFFFFFFF  }
0xba: {  	s25 =	simm.s32 $0x1B8E;
	s24 =	sld [smem:$0x3FFE];
	[sflag:s6] =	ssyncadd.remote.s32 @!p0 $0x1  }
0xbb: {  	s26 =	simm.s32 $execute0_lowered;
	[smem:$0x3FD2] =	sst s25  }
0xbc: {  	s7 =	sshll.u32 s26, $0x1;
	_ =	strace $0x8000004C;
	[dreg:$0x1] =	wrdreg $0xFFFFFFFF  }
0xbd: {  	s28 =	simm.s32 $_size_execute0_lowered;
	s5 =	sadd.s32 s5, s7;
	[dreg:$0x0] =	wrdreg $0x0  }
0xbe: {  	s7 =	sshll.u32 s28, $0x1;
	[dreg:$0x2] =	wrdreg s5  }
0xbf: {  	[dreg:$0x3] =	wrdreg s7  }
0xc0: {  	[dreg:$0x4] =	wrdreg $0xC0  }
0xc1: {  	_ =	task [dreg:s22], $0x5FFFF  }
0xc2: {  	[dreg:$0x1] =	wrdreg $0xFFFFFFFF  }
0xc3: {  	[dreg:$0x0] =	wrdreg $0x60  }
0xc4: {  	[dreg:$0x2] =	wrdreg s2  }
0xc5: {  	[dreg:$0x3] =	wrdreg s17  }
0xc6: {  	[dreg:$0x4] =	wrdreg s24  }
0xc7: {  	[dreg:$0x5] =	wrdreg $0xB  }
0xc8: {  	_ =	task.clear_ibuf [dreg:s22], $0x6FFFF;
	_ =	strace $0x9000004C  }
0xc9: {  	s29 =	simm.s32 $0xB;
	_ =	strace $0x8000004E  }
0xca: {  	_ =	swait.ge [sflag:s29], $0x1  }
0xcb: {  	[sflag:s29] =	ssyncadd.s32 $0xFFFFFFFF  }
0xcc: {  	_ =	strace $0x9000004E  }
0xcd: {  	_ =	sfence  }
0xce: {  	s30 =	sld [smem:$0x0];
	_ =	sdelay $0x2  }
0xcf: {  	s31 =	sshll.u32 s1, $0xD;
	s1 =	sshrl.u32 s1, $0x2  }
0xd0: {  	s4 =	sand.u32 $0x4000, s31;
	s1 =	sadd.s32 s1, s30  }
0xd1: {  	s0 =	sor.u32 s4, s0;
	s1 =	sshll.u32 s1, $0x11  }
0xd2: {  	s0 =	sor.u32 s1, s0  }
0xd3: {  	s0 =	sadd.s32 $0x8F2B, s0  }
0xd4: {  	[sflag:s0] =	ssyncadd.remote.s32 $0x1  }
0xd5: {  	_ =	sfence.sel $0xFFFF  }
0xd6: {  	[dreg:$0x0] =	wrdreg $0xFFFFFFFF;
	(pc) =	sbr.abs _section_cstart, $3  }
0xd7: {  	[dreg:$0x1] =	wrdreg $0xFFFFFFFF  }
0xd8: {  	_ =	task.clear_ibuf [dreg:s22], $0x2FFFF;
	_ =	strace $0x9FFFFFFF  }
0xd9: {  	(tm) =	ssettm $0x7FFFFFFF  }
tec
execute0_lowered:
.L_overlay_start_1:
0x0: {  	(tag) =	ssettag $0x1  }
0x1: {  	s2 =	rddreg [dreg:$0x0]  }
0x2: {  	s3 =	rddreg [dreg:$0x1]  }
0x3: {  	s7 =	rddreg [dreg:$0x2]  }
0x4: {  	s0 =	rddreg [dreg:$0x3];
	s1 =	srdreg.scid;
	_ =	strace $0x8000004D  }
0x5: {  	s4 =	simm.s32 $0x1;
	s9 =	simm.s32 $0x3;
	s5 =	sshll.u32 s1, $0x4  }
.Ltmp0:
0x6: {  	s1 =	stileid.u32;
	s5 =	sand.u32 $0x10, s5;
	(pc) =	sbr.rel .LBB2_1-.Ltmp0, $4  }
0x7: {  	s12 =	simm.s32 $0x0;
	s10 =	simm.s32 $0x0;
	s6 =	sor.u32 s1, s5  }
0x8: {  	[sflag:s4] =	ssyncpa.u1 $0x0;
	s5 =	simm.s32 $0x2;
	s6 =	sshll.u32 s6, $0x7  }
0x9: {  	s7 =	sadd.s32 $0xCB000, s7;
	[sflag:s5] =	ssyncpa.u1 $0x0;
	s8 =	sadd.s32 $0x80, s6  }
0xa: {  	vm0 =	vmmov $0xff;
	vm1 =	vcmask $0x3F20;
	[sflag:s9] =	ssyncpa.u1 $0x0;
	s9 =	simm.s32 $0x80;
	s11 =	smov.u32 s6  }
.LBB2_11:
0xb: {  	p0 =	seq.s32 s10, $0x2  }
.Ltmp1:
0xc: {  	_ = 	snop;
	(pc) =	sbr.rel @p0 .LBB2_13-.Ltmp1, $1  }
0xd: {  	_ =	sdelay $0x3  }
.LBB2_12:
0xe: {  	s12 =	sadd.s32 $0x80, s11  }
0xf: {  	s13 =	smov.u32 s6;
	p0 =	slt.s32 s12, s8  }
0x10: {  	s13 =	smov.u32 @p0 s12  }
0x11: {  	s10 =	sadd.s32 $0x1, s10;
	s12 =	smov.u32 s11;
	s11 =	smov.u32 s13  }
.LBB2_1:
0x12: {  	p0 =	sne.s32 s10, $0x0  }
.Ltmp2:
0x13: {  	_ = 	snop;
	(pc) =	sbr.rel @!p0 .LBB2_2-.Ltmp2, $1  }
0x14: {  	_ =	sdelay $0x3  }
0x15: {  	s13 =	sand.u32 $0x1, s10  }
0x16: {  	p0 =	seq.s32 s13, $0x0  }
.Ltmp3:
0x17: {  	_ = 	snop;
	(pc) =	sbr.rel @p0 .LBB2_11-.Ltmp3, $1  }
0x18: {  	_ =	sdelay $0x3  }
0x19: {  	_ =	swait.ge [sflag:s5], $0x80  }
0x1a: {  	[sflag:s5] =	ssyncset.done $0x0  }
0x1b: {  	s13 =	simm.s32 $0x0;
	s14 =	simm.s32 $0x100;
	[sflag:s5] =	ssyncadd.s32 $0xFFFFFF80  }
.LBB2_5:
0x1c: {  	s15 =	sshll.u32 s13, $0x4  }
0x1d: {  	s15 =	sand.u32 $0x3FFFFFF0, s15  }
0x1e: {  	v0 =	vld.msk [tilespmem:s15+$0x80 ss:$0x1], $0xffff;
	_ =	sdelay $0x4  }
0x1f: {  	vm2 =	vgt.s32 v0, $0x0  }
0x20: {  	v0 =	vnsel vm2, $0x0, v0  }
0x21: {  	v0 =	vmin.u32 v0, $0x752F  }
0x22: {  	v1 =	vshrl.u32 v0, $0x3  }
0x23: {  	v0 =	vshll.u32 v0, $0x7;
	v1 =	vmul.u32 $0xC00, v1  }
0x24: {  	v0 =	vand.u32 $0x380, v0  }
0x25: {  	v0 =	vor.u32 v0, v1  }
0x26: {  	v0 =	vshrl.u32 v0, $0x3;
	_ =	sdelay $0x2  }
0x27: {  	s16 =	sadd.s32 $0xFFFFF400, s14  }
0x28: {  	s31 =	sadd.s32 $0xCC00, s16;
	s16 =	sadd.s32 $0xD800, s16;
	s15 =	simm.s32 $0xFFFFE000  }
0x29: {  	v1 =	vadd.s32 $0x80, v0;
	[tilespmem:s31], [sflag:$0x1] =	stream.indirect_vreg.gather [hbm:s2], $0x80, v0, vm0, $0x38;
	[tilespmem:$0x18100] =	vst v63  }
.LBB2_6:
0x2a: {  	[tilespmem:s16], [sflag:$0x1] =	stream.indirect_vreg.gather [hbm:s2], $0x80, v0, vm1, $0x38;
	[tilespmem:$0x18100] =	vst v63  }
0x2b: {  	v0 =	vmov v1;
	p0 =	sne.s32 s15, $0xFFFFF000  }
.Ltmp4:
0x2c: {  	s16 =	sshra.s32 s15, $0x2;
	(pc) =	sbr.rel @p0 .LBB2_6-.Ltmp4, $4  }
0x2d: {  	s15 =	sadd.s32 $0x1000, s15;
	s16 =	sadd.s32 s16, s14  }
0x2e: {  	s17 =	sadd.s32 $0xCC00, s16  }
0x2f: {  	[tilespmem:s17], [sflag:$0x1] =	stream.indirect_vreg.gather [hbm:s2], $0x80, v1, vm0, $0x38;
	[tilespmem:$0x18100] =	vst v63  }
0x30: {  	s16 =	sadd.s32 $0xD800, s16;
	v1 =	vadd.s32 $0x80, v1  }
0x31: {  	s13 =	sadd.s32 $0x1, s13  }
0x32: {  	p0 =	sne.s32 s13, $0x8  }
.Ltmp5:
0x33: {  	_ = 	snop;
	(pc) =	sbr.rel @p0 .LBB2_5-.Ltmp5, $3  }
0x34: {  	_ =	sdelay $0x1  }
0x35: {  	[tilespmem:s16], [sflag:$0x1] =	stream.indirect_vreg.gather [hbm:s2], $0x80, v0, vm1, $0x38;
	[tilespmem:$0x18100] =	vst v63  }
0x36: {  	s14 =	sadd.s32 $0x1800, s14  }
0x37: {  	s13 =	sshrl.u32 s12, $0x3  }
0x38: {  	s13 =	smul.u32 $0x180, s13  }
0x39: {  	_ =	swait.ge [sflag:s4], $0xC000;
	s31 =	sshll.u32 s12, $0x4  }
0x3a: {  	s14 =	simm.s32 $0x180;
	s12 =	sand.u32 $0x70, s31;
	s13 =	sadd.s32 s13, s7  }
0x3b: {  	s15 =	simm.s32 $0xCD00;
	[sflag:s4] =	ssyncset.done $0x0;
	s12 =	sadd.s32 s12, s13  }
0x3c: {  	[sflag:s4] =	ssyncadd.s32 $0xFFFF4000;
	s13 =	simm.s32 $0xC100;
	s16 =	sadd.s32 $0x0, s12  }
.LBB2_9:
0x3d: {  	[hbm:s16] =	stream.linear.scatter [tilespmem:s13], [sflag:$0x3], $0xC00, $0x38;
	[tilespmem:$0x18100] =	vst v63  }
0x3e: {  	s16 =	smov.u32 s14;
	s13 =	smov.u32 s15;
	p0 =	sne.s32 s14, $0x1680  }
.Ltmp6:
0x3f: {  	s14 =	sadd.s32 $0x180, s14;
	(pc) =	sbr.rel @p0 .LBB2_9-.Ltmp6, $2  }
0x40: {  	_ =	sdelay $0x2  }
0x41: {  	s15 =	sadd.s32 $0xC00, s15;
	s16 =	sadd.s32 s16, s12  }
.Ltmp7:
0x42: {  	(pc) =	sbr.rel .LBB2_11-.Ltmp7, $2  }
0x43: {  	_ =	sdelay $0x2  }
0x44: {  	[hbm:s16] =	stream.linear.scatter [tilespmem:s13], [sflag:$0x3], $0xC00, $0x38;
	[tilespmem:$0x18100] =	vst v63  }
.LBB2_2:
.Ltmp8:
0x45: {  	(pc) =	sbr.rel .LBB2_12-.Ltmp8, $4  }
0x46: {  	_ = 	snop  }
0x47: {  	s12 =	sshrl.u32 s11, $0x3  }
0x48: {  	s13 =	sand.u32 $0x7, s11;
	s12 =	sadd.s32 s3, s12  }
0x49: {  	[tilespmem:s9], [sflag:$0x2] =	stream.linear.gather [hbm4b:s12+s13], $0x80, $0x38;
	[tilespmem:$0x18100] =	vst v63  }
.LBB2_13:
0x4a: {  	s2 =	simm.s32 $0x3  }
0x4b: {  	_ =	swait.ge [sflag:s2], $0xC000  }
0x4c: {  	[sflag:s2] =	ssyncset.done $0x0  }
0x4d: {  	[sflag:s2] =	ssyncadd.s32 $0xFFFF4000  }
0x4e: {  	_ =	sfence.sel $0x180000  }
0x4f: {  	s3 =	simm.s32 $0x2;
	[bflag:$0x0] =	sbarrier.arrive $0xFFFF  }
0x50: {  	[sflag:s3] =	ssyncpa.u1 $0x1  }
0x51: {  	s31 =	simm.s32 $0x1;
	[sflag:s2] =	ssyncpa.u1 $0x1  }
0x52: {  	[sflag:s31] =	ssyncpa.u1 $0x1  }
0x53: {  	p0 =	sne.s32 s1, $0x0;
	_ =	strace $0x9000004D  }
0x54: {  	s0 =	sadd.s32 @!p0 $0x100000, s0;
	[bflag:$0x2] =	sbarrier.arrive $0xFFFF  }
0x55: {  	[sflag:s0] =	ssyncadd.tile.s32 @!p0 $0x1;
	_ =	shalt  }
.Lfunc_end2:
_tile_overlayer_lowered:
.L_overlay_start_2:
0x56: {  	(tag) =	ssettag $0x2  }
0x57: {  	s0 =	rddreg [dreg:$0x0];
	s2 =	stileid.u32  }
0x58: {  	s1 =	rddreg [dreg:$0x1];
	p0 =	sne.s32 s2, $0x0  }
0x59: {  	s3 =	rddreg [dreg:$0x2];
	[bflag:$0x3] =	sbarrier.arrive $0xFFFF;
	s2 =	simm.s32 @!p0 $0x1C01  }
0x5a: {  	[timem:s3], [sflag:s2] =	dma.local @!p0 [hbm:s0], s1  }
0x5b: {  	s0 =	simm.s32 @!p0 $0x1  }
0x5c: {  	_ =	swait.ge @!p0 [sflag:s0], s1  }
0x5d: {  	s1 =	ssub.s32 @!p0 $0x0, s1;
	[sflag:s0] =	ssyncset.done @!p0 $0x0  }
0x5e: {  	[sflag:s0] =	ssyncadd.s32 @!p0 s1  }
0x5f: {  	[bflag:$0x3] =	sbarrier.arrive $0xFFFF  }
0x60: {  	_ =	shalt  }

// kernel: gather_offload_async_start
scs
__scs_entry_jumppad:
0x0: {  	(pc) =	sbr.rel $0x88, $3  }
0x1: {  	(tag) =	ssettag $0x0;
	lr =	simm.s32 $0x1  }
0x2: {  	[smem:$0x3F8D] =	sst lr;
	_ =	strace $0xD0000000  }
0x3: {  	_ = 	snop  }
0x4: {  	_ = 	snop  }
0x5: {  	_ = 	snop  }
0x6: {  	_ = 	snop  }
0x7: {  	_ = 	snop  }
__scs_overlays_trampoline_lowered:
0x8: {  	[smem:$0x3F9C] =	sst s0  }
0x9: {  	[smem:$0x3F9D] =	sst s1  }
0xa: {  	[smem:$0x3F9E] =	sst s2  }
0xb: {  	[smem:$0x3F9F] =	sst s3  }
0xc: {  	[smem:$0x3FA0] =	sst s4  }
0xd: {  	[smem:$0x3FA1] =	sst s5  }
0xe: {  	[smem:$0x3FA2] =	sst s6  }
0xf: {  	[smem:$0x3FA3] =	sst s7  }
0x10: {  	[smem:$0x3FA4] =	sst s8  }
0x11: {  	[smem:$0x3FA5] =	sst s9;
	s0 =	simm.s32 @!p0 $0x0  }
0x12: {  	s1 =	sld [smem:$0x3F8B];
	s0 =	simm.s32 @p0 $0x1  }
0x13: {  	[smem:$0x3FA6] =	sst s0;
	s0 =	simm.s32 @!p1 $0x0  }
0x14: {  	s2 =	sld [smem:$0x3F8A];
	s0 =	simm.s32 @p1 $0x1  }
0x15: {  	[smem:$0x3FA7] =	sst s0;
	s0 =	simm.s32 @!p2 $0x0  }
0x16: {  	s3 =	sld [smem:$0x3FDB];
	s0 =	simm.s32 @p2 $0x1  }
0x17: {  	s4 =	simm.s32 $0x1BF5;
	[smem:$0x3FA9] =	sst s0  }
0x18: {  	s0 =	sld [smem:$0x3F8C];
	_ =	swait.ge [sflag:s4], $0x0  }
0x19: {  	s7 =	sld [smem:$0x3F8D]  }
0x1a: {  	s8 =	sadd.s32 $0xFFFFE003, lr  }
0x1b: {  	s9 =	sadd.s32 $0xFFFFFEF7, lr;
	s5 =	simm.s32 $0xFFFFFFFF;
	p2 =	slt.u32 s8, $0xFFFFF086  }
0x1c: {  	p1 =	slt.u32 s9, $0xF7A;
	s5 =	simm.s32 @!p2 $0x0  }
0x1d: {  	s5 =	simm.s32 @p1 $0x1;
	p0 =	seq.s32 s7, s2  }
0x1e: {  	s7 =	smul.u32 @!p0 $0xF7A, s2;
	p2 =	seq.s32 @!p0 s5, $0x0  }
0x1f: {  	s9 =	smul.u32 $0xF7A, s1;
	s8 =	simm.s32 @!p0 $0x1BF5;
	p2 =	por !p2, p0  }
0x20: {  	[sflag:s8] =	ssyncset.s32 @!p0 $0xFFFFF086;
	s6 =	sadd.s32 @!p0 s3, s7;
	s7 =	simm.s32 @!p0 $0x108  }
0x21: {  	s3 =	sadd.s32 s3, s9;
	s6 =	sadd.s32 @!p0 $0x88, s6;
	s7 =	simm.s32 @p2 $0x1082  }
0x22: {  	[simem:s7], [sflag:s8] =	dma.local @!p0 [hbm:s6], $0xF7A  }
0x23: {  	s9 =	sor.u32 $0xD0000000, s2;
	s6 =	simm.s32 $0x108;
	_ =	swait.ge @!p0 [sflag:s8], $0x0  }
0x24: {  	s3 =	sadd.s32 $0x88, s3;
	s6 =	simm.s32 @!p1 $0x1082;
	[sflag:s4] =	ssyncset.s32 $0xFFFFF086  }
0x25: {  	[simem:s6], [sflag:s4] =	dma.local [hbm:s3], $0xF7A  }
0x26: {  	[smem:$0x3F8D] =	sst s1;
	(tag) =	ssettag s2;
	_ =	strace s9  }
0x27: {  	s1 =	sld [smem:$0x3F9D]  }
0x28: {  	s2 =	sld [smem:$0x3F9E]  }
0x29: {  	s4 =	sld [smem:$0x3FA0]  }
0x2a: {  	p0 =	seq.s32 s5, $0x0;
	s5 =	sld [smem:$0x3FA1]  }
0x2b: {  	s6 =	sld [smem:$0x3FA2]  }
0x2c: {  	s7 =	sld [smem:$0x3FA3]  }
0x2d: {  	s3 =	simm.s32 $0x108;
	s8 =	sld [smem:$0x3FA4]  }
0x2e: {  	s3 =	simm.s32 @!p0 $0x1082;
	s9 =	sld [smem:$0x3FA5]  }
0x2f: {  	lr =	sadd.s32 s0, s3;
	s0 =	sld [smem:$0x3F9C]  }
0x30: {  	s3 =	sld [smem:$0x3F9F]  }
0x31: {  	[smem:$0x3FA8] =	sst s10  }
0x32: {  	s10 =	sld [smem:$0x3FA6];
	_ =	sdelay $0x3  }
0x33: {  	p0 =	seq.s32 s10, $0x1;
	s10 =	sld [smem:$0x3FA8];
	_ =	sdelay $0x3  }
0x34: {  	[smem:$0x3FA8] =	sst s10  }
0x35: {  	s10 =	sld [smem:$0x3FA7];
	_ =	sdelay $0x3  }
0x36: {  	p1 =	seq.s32 s10, $0x1;
	s10 =	sld [smem:$0x3FA8];
	_ =	sdelay $0x3  }
0x37: {  	[smem:$0x3FA8] =	sst s10  }
0x38: {  	s10 =	sld [smem:$0x3FA9]  }
0x39: {  	_ = 	snop;
	(pc) =	sbr.ind lr, $3  }
0x3a: {  	_ = 	snop  }
0x3b: {  	_ = 	snop  }
0x3c: {  	p2 =	seq.s32 s10, $0x1;
	s10 =	sld [smem:$0x3FA8]  }
0x3d: {  	_ =	shalt  }
0x3e: {  	_ =	shalt  }
0x3f: {  	_ =	shalt  }
0x40: {  	_ =	shalt  }
0x41: {  	_ =	shalt  }
0x42: {  	_ =	shalt  }
0x43: {  	_ =	shalt  }
0x44: {  	_ =	shalt  }
0x45: {  	_ =	shalt  }
0x46: {  	_ =	shalt  }
0x47: {  	_ =	shalt  }
0x48: {  	_ =	shalt  }
0x49: {  	_ =	shalt  }
0x4a: {  	_ =	shalt  }
0x4b: {  	_ =	shalt  }
0x4c: {  	_ =	shalt  }
0x4d: {  	_ =	shalt  }
0x4e: {  	_ =	shalt  }
0x4f: {  	_ =	shalt  }
0x50: {  	_ =	shalt  }
0x51: {  	_ =	shalt  }
0x52: {  	_ =	shalt  }
0x53: {  	_ =	shalt  }
0x54: {  	_ =	shalt  }
0x55: {  	_ =	shalt  }
0x56: {  	_ =	shalt  }
0x57: {  	_ =	shalt  }
0x58: {  	_ =	shalt  }
0x59: {  	_ =	shalt  }
0x5a: {  	_ =	shalt  }
0x5b: {  	_ =	shalt  }
0x5c: {  	_ =	shalt  }
0x5d: {  	_ =	shalt  }
0x5e: {  	_ =	shalt  }
0x5f: {  	_ =	shalt  }
0x60: {  	_ =	shalt  }
0x61: {  	_ =	shalt  }
0x62: {  	_ =	shalt  }
0x63: {  	_ =	shalt  }
0x64: {  	_ =	shalt  }
0x65: {  	_ =	shalt  }
0x66: {  	_ =	shalt  }
0x67: {  	_ =	shalt  }
0x68: {  	_ =	shalt  }
0x69: {  	_ =	shalt  }
0x6a: {  	_ =	shalt  }
0x6b: {  	_ =	shalt  }
0x6c: {  	_ =	shalt  }
0x6d: {  	_ =	shalt  }
0x6e: {  	_ =	shalt  }
0x6f: {  	_ =	shalt  }
0x70: {  	_ =	shalt  }
0x71: {  	_ =	shalt  }
0x72: {  	_ =	shalt  }
0x73: {  	_ =	shalt  }
0x74: {  	_ =	shalt  }
0x75: {  	_ =	shalt  }
0x76: {  	_ =	shalt  }
0x77: {  	_ =	shalt  }
0x78: {  	_ =	shalt  }
0x79: {  	_ =	shalt  }
0x7a: {  	_ =	shalt  }
0x7b: {  	_ =	shalt  }
0x7c: {  	_ =	shalt  }
0x7d: {  	_ =	shalt  }
0x7e: {  	_ =	shalt  }
0x7f: {  	_ =	shalt  }
0x80: {  	_ =	shalt  }
0x81: {  	_ =	shalt  }
0x82: {  	_ =	shalt  }
0x83: {  	_ =	shalt  }
0x84: {  	_ =	shalt  }
0x85: {  	_ =	shalt  }
0x86: {  	_ =	shalt  }
0x87: {  	_ =	shalt  }
.Lfunc_end0:
.L_simem_size_0:
called_computation_lowered:
.L_overlay_start_0:
0x88: {  	s2 =	sld [smem:$0x3FD9]  }
0x89: {  	s3 =	sld [smem:$0x3FFE];
	_ =	sdelay $0x1  }
0x8a: {  	s1 =	srdreg.scid  }
0x8b: {  	s0 =	sand.u32 $0x1, s1  }
0x8c: {  	s15 =	sshll.u32 s0, $0xA;
	s2 =	sadd.s32 s3, s2  }
0x8d: {  	s2 =	sadd.s32 s2, s15  }
0x8e: {  	[smem:$0x3FB4] =	sst s2  }
0x8f: {  	_ = 	snop  }
0x90: {  	s16 =	sld [smem:$0x3FD0];
	_ =	sdelay $0x2  }
0x91: {  	s4 =	simm.s32 $0xE  }
0x92: {  	s5 =	simm.s32 $0x10;
	s2 =	sld [smem:$0x3FB7];
	s3 =	sadd.s32 $0x1, s16  }
0x93: {  	[smem:s5], [sflag:s4] =	dma.local [hbm:s3], $0x1  }
0x94: {  	_ =	swait.eq [sflag:s4], $0x1  }
0x95: {  	[sflag:s4] =	ssyncset.done $0x0  }
0x96: {  	[sflag:s4] =	ssyncadd.s32 $0xFFFFFFFF  }
0x97: {  	s17 =	sld [smem:$0x10];
	(tm) =	ssettm $0x1  }
0x98: {  	s18 =	sld [smem:$0x3FFB];
	_ =	sdelay $0x3  }
0x99: {  	_ =	strace s18  }
0x9a: {  	s3 =	sld [smem:$0x3FFC];
	_ =	sdelay $0x3  }
0x9b: {  	_ =	strace s3  }
0x9c: {  	s3 =	sld [smem:$0x3FFD];
	_ =	sdelay $0x3  }
0x9d: {  	_ =	strace s3  }
0x9e: {  	_ =	strace $0x8FFFFFFF  }
0x9f: {  	s19 =	sld [smem:$0x3FDB];
	_ =	sdelay $0x1  }
0xa0: {  	s20 =	simm.s32 $_scs_section_size  }
0xa1: {  	s6 =	simm.s32 $_size__tile_overlayer_lowered;
	s7 =	simm.s32 $_tile_overlayer_lowered  }
0xa2: {  	s8 =	simm.s32 $0x1BFF;
	s21 =	sshll.u32 s7, $0x1;
	s5 =	sadd.s32 s20, s19  }
0xa3: {  	s22 =	simm.s32 $0x0;
	s6 =	sshll.u32 s6, $0x1;
	s7 =	sadd.s32 s21, s5  }
0xa4: {  	[timem:s22], [sflag:s8] =	dma.local [hbm:s7], s6  }
0xa5: {  	_ =	swait.ge [sflag:s8], s6  }
0xa6: {  	s6 =	ssub.s32 $0x0, s6;
	[sflag:s8] =	ssyncset.done $0x0  }
0xa7: {  	[sflag:s8] =	ssyncadd.s32 s6;
	_ =	sdelay $0x1  }
0xa8: {  	s23 =	simm.s32 $0x1B8B  }
0xa9: {  	_ =	swait.ge [sflag:s23], $0x1  }
0xaa: {  	[sflag:s23] =	ssyncset.done $0x0  }
0xab: {  	[sflag:s23] =	ssyncadd.s32 $0xFFFFFFFF  }
0xac: {  	s6 =	sld [smem:$0x0]  }
0xad: {  	s7 =	sand.u32 $0xFFFFFFFE, s1  }
0xae: {  	p0 =	sne.s32 s1, s7  }
0xaf: {  	s7 =	sshll.u32 @p0 s7, $0xE  }
0xb0: {  	s7 =	sadd.s32 @p0 $0x11B8D, s7;
	s8 =	sshll.u32 @p0 s6, $0x11  }
0xb1: {  	s7 =	sor.u32 @p0 s8, s7  }
0xb2: {  	[sflag:s7] =	ssyncadd.remote.s32 @p0 $0x1;
	_ =	sdelay $0x1  }
0xb3: {  	s7 =	simm.s32 @p0 $0x1B8D  }
0xb4: {  	_ =	swait.eq @p0 [sflag:s7], $0x1  }
0xb5: {  	[sflag:s7] =	ssyncadd.s32 @p0 $0xFFFFFFFF  }
0xb6: {  	s8 =	sshll.u32 @!p0 s1, $0xE  }
0xb7: {  	s8 =	sor.u32 @!p0 $0x4000, s8;
	s7 =	simm.s32 @!p0 $0x1B8D  }
0xb8: {  	s6 =	sshll.u32 @!p0 s6, $0x11;
	s8 =	sadd.s32 @!p0 $0x11B8D, s8;
	_ =	swait.eq @!p0 [sflag:s7], $0x1  }
0xb9: {  	s6 =	sor.u32 @!p0 s6, s8;
	[sflag:s7] =	ssyncadd.s32 @!p0 $0xFFFFFFFF  }
0xba: {  	s25 =	simm.s32 $0x1B8E;
	s24 =	sld [smem:$0x3FFE];
	[sflag:s6] =	ssyncadd.remote.s32 @!p0 $0x1  }
0xbb: {  	s26 =	simm.s32 $execute0_lowered;
	[smem:$0x3FD2] =	sst s25  }
0xbc: {  	s7 =	sshll.u32 s26, $0x1;
	_ =	strace $0x8000004F;
	[dreg:$0x1] =	wrdreg $0xFFFFFFFF  }
0xbd: {  	s28 =	simm.s32 $_size_execute0_lowered;
	s5 =	sadd.s32 s5, s7;
	[dreg:$0x0] =	wrdreg $0x0  }
0xbe: {  	s7 =	sshll.u32 s28, $0x1;
	[dreg:$0x2] =	wrdreg s5  }
0xbf: {  	[dreg:$0x3] =	wrdreg s7  }
0xc0: {  	[dreg:$0x4] =	wrdreg $0xC0  }
0xc1: {  	_ =	task [dreg:s22], $0x5FFFF  }
0xc2: {  	[dreg:$0x1] =	wrdreg $0xFFFFFFFF  }
0xc3: {  	[dreg:$0x0] =	wrdreg $0x60  }
0xc4: {  	[dreg:$0x2] =	wrdreg s2  }
0xc5: {  	[dreg:$0x3] =	wrdreg s17  }
0xc6: {  	[dreg:$0x4] =	wrdreg s24  }
0xc7: {  	[dreg:$0x5] =	wrdreg $0x9  }
0xc8: {  	_ =	task.clear_ibuf [dreg:s22], $0x6FFFF;
	_ =	strace $0x9000004F  }
0xc9: {  	s29 =	simm.s32 $0x9;
	_ =	strace $0x80000051  }
0xca: {  	_ =	swait.ge [sflag:s29], $0x1  }
0xcb: {  	[sflag:s29] =	ssyncadd.s32 $0xFFFFFFFF  }
0xcc: {  	_ =	strace $0x90000051  }
0xcd: {  	_ =	sfence  }
0xce: {  	s30 =	sld [smem:$0x0];
	_ =	sdelay $0x2  }
0xcf: {  	s31 =	sshll.u32 s1, $0xD;
	s1 =	sshrl.u32 s1, $0x2  }
0xd0: {  	s4 =	sand.u32 $0x4000, s31;
	s1 =	sadd.s32 s1, s30  }
0xd1: {  	s0 =	sor.u32 s4, s0;
	s1 =	sshll.u32 s1, $0x11  }
0xd2: {  	s0 =	sor.u32 s1, s0  }
0xd3: {  	s0 =	sadd.s32 $0x8F2B, s0  }
0xd4: {  	[sflag:s0] =	ssyncadd.remote.s32 $0x1  }
0xd5: {  	_ =	sfence.sel $0xFFFF  }
0xd6: {  	[dreg:$0x0] =	wrdreg $0xFFFFFFFF;
	(pc) =	sbr.abs _section_cstart, $3  }
0xd7: {  	[dreg:$0x1] =	wrdreg $0xFFFFFFFF  }
0xd8: {  	_ =	task.clear_ibuf [dreg:s22], $0x2FFFF;
	_ =	strace $0x9FFFFFFF  }
0xd9: {  	(tm) =	ssettm $0x7FFFFFFF  }
tec
execute0_lowered:
.L_overlay_start_1:
0x0: {  	(tag) =	ssettag $0x1  }
0x1: {  	s2 =	rddreg [dreg:$0x0]  }
0x2: {  	s3 =	rddreg [dreg:$0x1]  }
0x3: {  	s7 =	rddreg [dreg:$0x2]  }
0x4: {  	s0 =	rddreg [dreg:$0x3];
	s1 =	srdreg.scid;
	_ =	strace $0x80000050  }
0x5: {  	s4 =	simm.s32 $0x1;
	s9 =	simm.s32 $0x3;
	s5 =	sshll.u32 s1, $0x4  }
.Ltmp0:
0x6: {  	s1 =	stileid.u32;
	s5 =	sand.u32 $0x10, s5;
	(pc) =	sbr.rel .LBB2_1-.Ltmp0, $4  }
0x7: {  	s11 =	simm.s32 $0x0;
	p0 =	por $0x0, $0x0;
	s6 =	sor.u32 s1, s5  }
0x8: {  	[sflag:s4] =	ssyncpa.u1 $0x0;
	s5 =	simm.s32 $0x2;
	s6 =	sshll.u32 s6, $0x7  }
0x9: {  	s7 =	sadd.s32 $0xFB000, s7;
	[sflag:s5] =	ssyncpa.u1 $0x0;
	s8 =	sadd.s32 $0x80, s6  }
0xa: {  	vm0 =	vmmov $0xff;
	vm1 =	vcmask $0x3F20;
	[sflag:s9] =	ssyncpa.u1 $0x0;
	s10 =	smov.u32 s6;
	s9 =	simm.s32 $0x0  }
.LBB2_9:
0xb: {  	p1 =	slt.u32 s9, $0x2;
	s11 =	sadd.s32 $0x40, s10  }
0xc: {  	s13 =	smov.u32 s6;
	s9 =	sadd.s32 $0x1, s9;
	p2 =	slt.s32 s11, s8  }
0xd: {  	s13 =	smov.u32 @p2 s11;
	p2 =	sne.s32 s9, $0x4  }
.Ltmp1:
0xe: {  	_ = 	snop;
	(pc) =	sbr.rel @!p2 .LBB2_10-.Ltmp1, $4  }
0xf: {  	s12 =	simm.s32 @!p1 $0x3  }
0x10: {  	_ =	swait.ge @!p1 [sflag:s12], $0x8000  }
0x11: {  	p0 =	por !p0, !p0;
	[sflag:s12] =	ssyncset.done @!p1 $0x0  }
0x12: {  	s11 =	smov.u32 s10;
	s10 =	smov.u32 s13;
	[sflag:s12] =	ssyncadd.s32 @!p1 $0xFFFF8000  }
.LBB2_1:
0x13: {  	p1 =	sgt.u32 s9, $0x1  }
0x14: {  	s12 =	sshll.u32 @!p1 s9, $0x6;
	s13 =	sshrl.u32 @!p1 s10, $0x3  }
0x15: {  	s14 =	sand.u32 @!p1 $0x7, s10;
	s12 =	sxor.u32 @!p1 $0x40, s12;
	s13 =	sadd.s32 @!p1 s3, s13  }
0x16: {  	[tilespmem:s12], [sflag:$0x2] =	stream.linear.gather @!p1 [hbm4b:s13+s14], $0x40, $0x38;
	[tilespmem:$0x10080] =	vst v63  }
0x17: {  	p1 =	seq.s32 s9, $0x0  }
0x18: {  	p2 =	seq.s32 @!p1 s9, $0x3  }
0x19: {  	p1 =	por p1, p2  }
.Ltmp2:
0x1a: {  	_ = 	snop;
	(pc) =	sbr.rel @p1 .LBB2_9-.Ltmp2, $1  }
0x1b: {  	_ =	sdelay $0x3  }
0x1c: {  	s12 =	simm.s32 $0x1  }
0x1d: {  	s12 =	simm.s32 @!p0 $0x0  }
0x1e: {  	_ =	swait.ge [sflag:s5], $0x40;
	s13 =	sand.u32 $0x1, s9;
	s12 =	sshll.u32 s12, $0xF  }
0x1f: {  	s14 =	simm.s32 $0x0;
	[sflag:s5] =	ssyncset.done $0x0;
	s12 =	sor.u32 $0x80, s12  }
0x20: {  	s13 =	sshll.u32 s13, $0x6;
	[sflag:s5] =	ssyncadd.s32 $0xFFFFFFC0;
	s15 =	smov.u32 s12  }
.LBB2_3:
0x21: {  	s16 =	sshll.u32 s14, $0x4  }
0x22: {  	s16 =	sand.u32 $0x3FFFFFF0, s16  }
0x23: {  	s16 =	sadd.s32 s16, s13  }
0x24: {  	v0 =	vld.msk [tilespmem:s16+$0x0 ss:$0x1], $0xffff;
	_ =	sdelay $0x4  }
0x25: {  	vm2 =	vgt.s32 v0, $0x0  }
0x26: {  	v0 =	vnsel vm2, $0x0, v0  }
0x27: {  	v0 =	vmin.u32 v0, $0x4E1F  }
0x28: {  	v1 =	vshll.u32 v0, $0x6;
	v0 =	vshll.u32 v0, $0x4  }
0x29: {  	v1 =	vand.u32 $0x1FFE00, v1;
	v0 =	vand.u32 $0x70, v0  }
0x2a: {  	v0 =	vor.u32 v0, v1;
	_ =	sdelay $0x3  }
0x2b: {  	s17 =	sadd.s32 $0x0, s15  }
0x2c: {  	[tilespmem:s17], [sflag:$0x1] =	stream.indirect_vreg.gather [hbm:s2], $0x80, v0, vm0, $0x38;
	[tilespmem:$0x10080] =	vst v63  }
0x2d: {  	s16 =	simm.s32 $0x1000;
	v1 =	vadd.s32 $0x80, v0;
	s17 =	sadd.s32 $0x1000, s17  }
.LBB2_4:
0x2e: {  	[tilespmem:s17], [sflag:$0x1] =	stream.indirect_vreg.gather [hbm:s2], $0x80, v0, vm1, $0x38;
	[tilespmem:$0x10080] =	vst v63  }
0x2f: {  	v0 =	vmov v1;
	s17 =	smov.u32 s16;
	p1 =	sne.s32 s16, $0x3000  }
.Ltmp3:
0x30: {  	s16 =	sadd.s32 $0x1000, s16;
	(pc) =	sbr.rel @p1 .LBB2_4-.Ltmp3, $4  }
0x31: {  	s17 =	sshra.s32 s17, $0x2  }
0x32: {  	s17 =	sadd.s32 s17, s15  }
0x33: {  	[tilespmem:s17], [sflag:$0x1] =	stream.indirect_vreg.gather [hbm:s2], $0x80, v1, vm0, $0x38;
	[tilespmem:$0x10080] =	vst v63  }
0x34: {  	s17 =	sadd.s32 $0x1000, s17;
	v1 =	vadd.s32 $0x80, v1  }
0x35: {  	s14 =	sadd.s32 $0x1, s14  }
0x36: {  	p1 =	sne.s32 s14, $0x4  }
.Ltmp4:
0x37: {  	_ = 	snop;
	(pc) =	sbr.rel @p1 .LBB2_3-.Ltmp4, $3  }
0x38: {  	_ =	sdelay $0x1  }
0x39: {  	[tilespmem:s17], [sflag:$0x1] =	stream.indirect_vreg.gather [hbm:s2], $0x80, v0, vm1, $0x38;
	[tilespmem:$0x10080] =	vst v63  }
0x3a: {  	s15 =	sadd.s32 $0x2000, s15  }
0x3b: {  	s13 =	sshll.u32 s11, $0x6  }
0x3c: {  	s31 =	sshll.u32 s11, $0x4;
	s13 =	sand.u32 $0xFFFFFE00, s13  }
0x3d: {  	_ =	swait.ge [sflag:s4], $0x8000;
	s11 =	sand.u32 $0x70, s31;
	s13 =	sadd.s32 s13, s7  }
0x3e: {  	s14 =	sadd.s32 $0x1000, s12;
	[sflag:s4] =	ssyncset.done $0x0;
	s11 =	sadd.s32 s11, s13  }
0x3f: {  	[sflag:s4] =	ssyncadd.s32 $0xFFFF8000;
	s13 =	simm.s32 $0x200;
	s15 =	sadd.s32 $0x0, s11  }
.LBB2_7:
0x40: {  	[hbm:s15] =	stream.linear.scatter [tilespmem:s12], [sflag:$0x3], $0x1000, $0x38;
	[tilespmem:$0x10080] =	vst v63  }
0x41: {  	s15 =	smov.u32 s13;
	s12 =	smov.u32 s14;
	p1 =	sne.s32 s13, $0xE00  }
.Ltmp5:
0x42: {  	s13 =	sadd.s32 $0x200, s13;
	(pc) =	sbr.rel @p1 .LBB2_7-.Ltmp5, $2  }
0x43: {  	_ =	sdelay $0x2  }
0x44: {  	s14 =	sadd.s32 $0x1000, s14;
	s15 =	sadd.s32 s15, s11  }
.Ltmp6:
0x45: {  	(pc) =	sbr.rel .LBB2_9-.Ltmp6, $2  }
0x46: {  	_ =	sdelay $0x2  }
0x47: {  	[hbm:s15] =	stream.linear.scatter [tilespmem:s12], [sflag:$0x3], $0x1000, $0x38;
	[tilespmem:$0x10080] =	vst v63  }
.LBB2_10:
0x48: {  	_ =	sfence.sel $0x180000  }
0x49: {  	s2 =	simm.s32 $0x2;
	[bflag:$0x0] =	sbarrier.arrive $0xFFFF  }
0x4a: {  	s30 =	simm.s32 $0x3;
	[sflag:s2] =	ssyncpa.u1 $0x1  }
0x4b: {  	s31 =	simm.s32 $0x1;
	[sflag:s30] =	ssyncpa.u1 $0x1  }
0x4c: {  	[sflag:s31] =	ssyncpa.u1 $0x1  }
0x4d: {  	p0 =	sne.s32 s1, $0x0;
	_ =	strace $0x90000050  }
0x4e: {  	s0 =	sadd.s32 @!p0 $0x100000, s0;
	[bflag:$0x2] =	sbarrier.arrive $0xFFFF  }
0x4f: {  	[sflag:s0] =	ssyncadd.tile.s32 @!p0 $0x1;
	_ =	shalt  }
.Lfunc_end2:
_tile_overlayer_lowered:
.L_overlay_start_2:
0x50: {  	(tag) =	ssettag $0x2  }
0x51: {  	s0 =	rddreg [dreg:$0x0];
	s2 =	stileid.u32  }
0x52: {  	s1 =	rddreg [dreg:$0x1];
	p0 =	sne.s32 s2, $0x0  }
0x53: {  	s3 =	rddreg [dreg:$0x2];
	[bflag:$0x3] =	sbarrier.arrive $0xFFFF;
	s2 =	simm.s32 @!p0 $0x1C01  }
0x54: {  	[timem:s3], [sflag:s2] =	dma.local @!p0 [hbm:s0], s1  }
0x55: {  	s0 =	simm.s32 @!p0 $0x1  }
0x56: {  	_ =	swait.ge @!p0 [sflag:s0], s1  }
0x57: {  	s1 =	ssub.s32 @!p0 $0x0, s1;
	[sflag:s0] =	ssyncset.done @!p0 $0x0  }
0x58: {  	[sflag:s0] =	ssyncadd.s32 @!p0 s1  }
0x59: {  	[bflag:$0x3] =	sbarrier.arrive $0xFFFF  }
0x5a: {  	_ =	shalt  }

// kernel: kernel.10.cloned.1.call-start
scs
__scs_entry_jumppad:
0x0: {  	(pc) =	sbr.rel $0x88, $3  }
0x1: {  	(tag) =	ssettag $0x0;
	lr =	simm.s32 $0x1  }
0x2: {  	[smem:$0x3F8D] =	sst lr;
	_ =	strace $0xD0000000  }
0x3: {  	_ = 	snop  }
0x4: {  	_ = 	snop  }
0x5: {  	_ = 	snop  }
0x6: {  	_ = 	snop  }
0x7: {  	_ = 	snop  }
__scs_overlays_trampoline_lowered:
0x8: {  	[smem:$0x3F9C] =	sst s0  }
0x9: {  	[smem:$0x3F9D] =	sst s1  }
0xa: {  	[smem:$0x3F9E] =	sst s2  }
0xb: {  	[smem:$0x3F9F] =	sst s3  }
0xc: {  	[smem:$0x3FA0] =	sst s4  }
0xd: {  	[smem:$0x3FA1] =	sst s5  }
0xe: {  	[smem:$0x3FA2] =	sst s6  }
0xf: {  	[smem:$0x3FA3] =	sst s7  }
0x10: {  	[smem:$0x3FA4] =	sst s8  }
0x11: {  	[smem:$0x3FA5] =	sst s9;
	s0 =	simm.s32 @!p0 $0x0  }
0x12: {  	s1 =	sld [smem:$0x3F8B];
	s0 =	simm.s32 @p0 $0x1  }
0x13: {  	[smem:$0x3FA6] =	sst s0;
	s0 =	simm.s32 @!p1 $0x0  }
0x14: {  	s2 =	sld [smem:$0x3F8A];
	s0 =	simm.s32 @p1 $0x1  }
0x15: {  	[smem:$0x3FA7] =	sst s0;
	s0 =	simm.s32 @!p2 $0x0  }
0x16: {  	s3 =	sld [smem:$0x3FDB];
	s0 =	simm.s32 @p2 $0x1  }
0x17: {  	s4 =	simm.s32 $0x1BF5;
	[smem:$0x3FA9] =	sst s0  }
0x18: {  	s0 =	sld [smem:$0x3F8C];
	_ =	swait.ge [sflag:s4], $0x0  }
0x19: {  	s7 =	sld [smem:$0x3F8D]  }
0x1a: {  	s8 =	sadd.s32 $0xFFFFE003, lr  }
0x1b: {  	s9 =	sadd.s32 $0xFFFFFEF7, lr;
	s5 =	simm.s32 $0xFFFFFFFF;
	p2 =	slt.u32 s8, $0xFFFFF086  }
0x1c: {  	p1 =	slt.u32 s9, $0xF7A;
	s5 =	simm.s32 @!p2 $0x0  }
0x1d: {  	s5 =	simm.s32 @p1 $0x1;
	p0 =	seq.s32 s7, s2  }
0x1e: {  	s7 =	smul.u32 @!p0 $0xF7A, s2;
	p2 =	seq.s32 @!p0 s5, $0x0  }
0x1f: {  	s9 =	smul.u32 $0xF7A, s1;
	s8 =	simm.s32 @!p0 $0x1BF5;
	p2 =	por !p2, p0  }
0x20: {  	[sflag:s8] =	ssyncset.s32 @!p0 $0xFFFFF086;
	s6 =	sadd.s32 @!p0 s3, s7;
	s7 =	simm.s32 @!p0 $0x108  }
0x21: {  	s3 =	sadd.s32 s3, s9;
	s6 =	sadd.s32 @!p0 $0x88, s6;
	s7 =	simm.s32 @p2 $0x1082  }
0x22: {  	[simem:s7], [sflag:s8] =	dma.local @!p0 [hbm:s6], $0xF7A  }
0x23: {  	s9 =	sor.u32 $0xD0000000, s2;
	s6 =	simm.s32 $0x108;
	_ =	swait.ge @!p0 [sflag:s8], $0x0  }
0x24: {  	s3 =	sadd.s32 $0x88, s3;
	s6 =	simm.s32 @!p1 $0x1082;
	[sflag:s4] =	ssyncset.s32 $0xFFFFF086  }
0x25: {  	[simem:s6], [sflag:s4] =	dma.local [hbm:s3], $0xF7A  }
0x26: {  	[smem:$0x3F8D] =	sst s1;
	(tag) =	ssettag s2;
	_ =	strace s9  }
0x27: {  	s1 =	sld [smem:$0x3F9D]  }
0x28: {  	s2 =	sld [smem:$0x3F9E]  }
0x29: {  	s4 =	sld [smem:$0x3FA0]  }
0x2a: {  	p0 =	seq.s32 s5, $0x0;
	s5 =	sld [smem:$0x3FA1]  }
0x2b: {  	s6 =	sld [smem:$0x3FA2]  }
0x2c: {  	s7 =	sld [smem:$0x3FA3]  }
0x2d: {  	s3 =	simm.s32 $0x108;
	s8 =	sld [smem:$0x3FA4]  }
0x2e: {  	s3 =	simm.s32 @!p0 $0x1082;
	s9 =	sld [smem:$0x3FA5]  }
0x2f: {  	lr =	sadd.s32 s0, s3;
	s0 =	sld [smem:$0x3F9C]  }
0x30: {  	s3 =	sld [smem:$0x3F9F]  }
0x31: {  	[smem:$0x3FA8] =	sst s10  }
0x32: {  	s10 =	sld [smem:$0x3FA6];
	_ =	sdelay $0x3  }
0x33: {  	p0 =	seq.s32 s10, $0x1;
	s10 =	sld [smem:$0x3FA8];
	_ =	sdelay $0x3  }
0x34: {  	[smem:$0x3FA8] =	sst s10  }
0x35: {  	s10 =	sld [smem:$0x3FA7];
	_ =	sdelay $0x3  }
0x36: {  	p1 =	seq.s32 s10, $0x1;
	s10 =	sld [smem:$0x3FA8];
	_ =	sdelay $0x3  }
0x37: {  	[smem:$0x3FA8] =	sst s10  }
0x38: {  	s10 =	sld [smem:$0x3FA9]  }
0x39: {  	_ = 	snop;
	(pc) =	sbr.ind lr, $3  }
0x3a: {  	_ = 	snop  }
0x3b: {  	_ = 	snop  }
0x3c: {  	p2 =	seq.s32 s10, $0x1;
	s10 =	sld [smem:$0x3FA8]  }
0x3d: {  	_ =	shalt  }
0x3e: {  	_ =	shalt  }
0x3f: {  	_ =	shalt  }
0x40: {  	_ =	shalt  }
0x41: {  	_ =	shalt  }
0x42: {  	_ =	shalt  }
0x43: {  	_ =	shalt  }
0x44: {  	_ =	shalt  }
0x45: {  	_ =	shalt  }
0x46: {  	_ =	shalt  }
0x47: {  	_ =	shalt  }
0x48: {  	_ =	shalt  }
0x49: {  	_ =	shalt  }
0x4a: {  	_ =	shalt  }
0x4b: {  	_ =	shalt  }
0x4c: {  	_ =	shalt  }
0x4d: {  	_ =	shalt  }
0x4e: {  	_ =	shalt  }
0x4f: {  	_ =	shalt  }
0x50: {  	_ =	shalt  }
0x51: {  	_ =	shalt  }
0x52: {  	_ =	shalt  }
0x53: {  	_ =	shalt  }
0x54: {  	_ =	shalt  }
0x55: {  	_ =	shalt  }
0x56: {  	_ =	shalt  }
0x57: {  	_ =	shalt  }
0x58: {  	_ =	shalt  }
0x59: {  	_ =	shalt  }
0x5a: {  	_ =	shalt  }
0x5b: {  	_ =	shalt  }
0x5c: {  	_ =	shalt  }
0x5d: {  	_ =	shalt  }
0x5e: {  	_ =	shalt  }
0x5f: {  	_ =	shalt  }
0x60: {  	_ =	shalt  }
0x61: {  	_ =	shalt  }
0x62: {  	_ =	shalt  }
0x63: {  	_ =	shalt  }
0x64: {  	_ =	shalt  }
0x65: {  	_ =	shalt  }
0x66: {  	_ =	shalt  }
0x67: {  	_ =	shalt  }
0x68: {  	_ =	shalt  }
0x69: {  	_ =	shalt  }
0x6a: {  	_ =	shalt  }
0x6b: {  	_ =	shalt  }
0x6c: {  	_ =	shalt  }
0x6d: {  	_ =	shalt  }
0x6e: {  	_ =	shalt  }
0x6f: {  	_ =	shalt  }
0x70: {  	_ =	shalt  }
0x71: {  	_ =	shalt  }
0x72: {  	_ =	shalt  }
0x73: {  	_ =	shalt  }
0x74: {  	_ =	shalt  }
0x75: {  	_ =	shalt  }
0x76: {  	_ =	shalt  }
0x77: {  	_ =	shalt  }
0x78: {  	_ =	shalt  }
0x79: {  	_ =	shalt  }
0x7a: {  	_ =	shalt  }
0x7b: {  	_ =	shalt  }
0x7c: {  	_ =	shalt  }
0x7d: {  	_ =	shalt  }
0x7e: {  	_ =	shalt  }
0x7f: {  	_ =	shalt  }
0x80: {  	_ =	shalt  }
0x81: {  	_ =	shalt  }
0x82: {  	_ =	shalt  }
0x83: {  	_ =	shalt  }
0x84: {  	_ =	shalt  }
0x85: {  	_ =	shalt  }
0x86: {  	_ =	shalt  }
0x87: {  	_ =	shalt  }
.Lfunc_end0:
.L_simem_size_0:
called_computation.4_lowered:
.L_overlay_start_0:
0x88: {  	s2 =	sld [smem:$0x3FD9]  }
0x89: {  	s3 =	sld [smem:$0x3FFE];
	_ =	sdelay $0x1  }
0x8a: {  	s1 =	srdreg.scid  }
0x8b: {  	s0 =	sand.u32 $0x1, s1  }
0x8c: {  	s13 =	sshll.u32 s0, $0xA;
	s2 =	sadd.s32 s3, s2  }
0x8d: {  	s2 =	sadd.s32 s2, s13  }
0x8e: {  	[smem:$0x3FB4] =	sst s2  }
0x8f: {  	_ = 	snop  }
0x90: {  	s2 =	sld [smem:$0x3FD0];
	_ =	sdelay $0x3  }
0x91: {  	s4 =	simm.s32 $0xE;
	s5 =	simm.s32 $0x10;
	s14 =	sadd.s32 $0x1, s2  }
0x92: {  	[smem:s5], [sflag:s4] =	dma.local [hbm:s14], $0x1  }
0x93: {  	_ =	swait.eq [sflag:s4], $0x1  }
0x94: {  	[sflag:s4] =	ssyncset.done $0x0  }
0x95: {  	[sflag:s4] =	ssyncadd.s32 $0xFFFFFFFF  }
0x96: {  	s15 =	sld [smem:$0x12]  }
0x97: {  	[smem:s5], [sflag:s4] =	dma.local [hbm:s2], $0x1  }
0x98: {  	_ =	swait.eq [sflag:s4], $0x1  }
0x99: {  	s16 =	sld [smem:$0x12];
	[sflag:s4] =	ssyncset.done $0x0  }
0x9a: {  	s17 =	sld [smem:$0x13];
	[sflag:s4] =	ssyncadd.s32 $0xFFFFFFFF  }
0x9b: {  	s18 =	sld [smem:$0x15];
	(tm) =	ssettm $0x1  }
0x9c: {  	s6 =	sld [smem:$0x3FFB];
	_ =	sdelay $0x3  }
0x9d: {  	_ =	strace s6  }
0x9e: {  	s6 =	sld [smem:$0x3FFC];
	_ =	sdelay $0x3  }
0x9f: {  	_ =	strace s6  }
0xa0: {  	s6 =	sld [smem:$0x3FFD];
	_ =	sdelay $0x3  }
0xa1: {  	_ =	strace s6  }
0xa2: {  	_ =	strace $0x8FFFFFFF  }
0xa3: {  	s19 =	sld [smem:$0x3FDB];
	_ =	sdelay $0x1  }
0xa4: {  	s7 =	simm.s32 $_scs_section_size  }
0xa5: {  	s8 =	simm.s32 $_size__tile_overlayer_lowered;
	s9 =	simm.s32 $_tile_overlayer_lowered  }
0xa6: {  	s22 =	simm.s32 $0x1BFF;
	s21 =	sshll.u32 s9, $0x1;
	s6 =	sadd.s32 s7, s19  }
0xa7: {  	s10 =	simm.s32 $0x0;
	s20 =	sshll.u32 s8, $0x1;
	s8 =	sadd.s32 s21, s6  }
0xa8: {  	[timem:s10], [sflag:s22] =	dma.local [hbm:s8], s20  }
0xa9: {  	_ =	swait.ge [sflag:s22], s20  }
0xaa: {  	s7 =	ssub.s32 $0x0, s20;
	[sflag:s22] =	ssyncset.done $0x0  }
0xab: {  	[sflag:s22] =	ssyncadd.s32 s7;
	_ =	sdelay $0x1  }
0xac: {  	s23 =	simm.s32 $0x1B8B  }
0xad: {  	_ =	swait.ge [sflag:s23], $0x1  }
0xae: {  	[sflag:s23] =	ssyncset.done $0x0  }
0xaf: {  	s25 =	simm.s32 $0x1B8E;
	s24 =	sld [smem:$0x3FFE];
	[sflag:s23] =	ssyncadd.s32 $0xFFFFFFFF  }
0xb0: {  	s26 =	simm.s32 $execute0_lowered;
	[smem:$0x3FD2] =	sst s25  }
0xb1: {  	s8 =	sshll.u32 s26, $0x1;
	_ =	strace $0x80000046;
	[dreg:$0x1] =	wrdreg $0xFFFFFFFF  }
0xb2: {  	s28 =	simm.s32 $_size_execute0_lowered;
	s6 =	sadd.s32 s6, s8;
	[dreg:$0x0] =	wrdreg $0x0  }
0xb3: {  	s8 =	sshll.u32 s28, $0x1;
	[dreg:$0x2] =	wrdreg s6  }
0xb4: {  	[dreg:$0x3] =	wrdreg s8  }
0xb5: {  	[dreg:$0x4] =	wrdreg $0xC0  }
0xb6: {  	_ =	task [dreg:s10], $0x5FFFF  }
0xb7: {  	[dreg:$0x1] =	wrdreg $0xFFFFFFFF  }
0xb8: {  	[dreg:$0x0] =	wrdreg $0x60  }
0xb9: {  	[dreg:$0x2] =	wrdreg s18  }
0xba: {  	[dreg:$0x3] =	wrdreg s24  }
0xbb: {  	[dreg:$0x4] =	wrdreg s17  }
0xbc: {  	[dreg:$0x5] =	wrdreg s16  }
0xbd: {  	[dreg:$0x6] =	wrdreg s15  }
0xbe: {  	[dreg:$0x7] =	wrdreg $0x78000  }
0xbf: {  	[dreg:$0x8] =	wrdreg $0xC  }
0xc0: {  	_ =	task.clear_ibuf [dreg:s10], $0x9FFFF;
	_ =	strace $0x90000046  }
0xc1: {  	s29 =	simm.s32 $0xC;
	_ =	strace $0x80000048  }
0xc2: {  	_ =	swait.ge [sflag:s29], $0x1  }
0xc3: {  	[sflag:s29] =	ssyncadd.s32 $0xFFFFFFFF  }
0xc4: {  	_ =	strace $0x90000048  }
0xc5: {  	_ =	sfence  }
0xc6: {  	s30 =	sld [smem:$0x0];
	_ =	sdelay $0x2  }
0xc7: {  	s31 =	sshll.u32 s1, $0xD;
	s1 =	sshrl.u32 s1, $0x2  }
0xc8: {  	s3 =	sand.u32 $0x4000, s31;
	s1 =	sadd.s32 s1, s30  }
0xc9: {  	s0 =	sor.u32 s3, s0;
	s1 =	sshll.u32 s1, $0x11  }
0xca: {  	s0 =	sor.u32 s1, s0  }
0xcb: {  	s0 =	sadd.s32 $0x8F2B, s0  }
0xcc: {  	[sflag:s0] =	ssyncadd.remote.s32 $0x1  }
0xcd: {  	_ =	sfence.sel $0xFFFF  }
0xce: {  	[dreg:$0x0] =	wrdreg $0xFFFFFFFF;
	(pc) =	sbr.abs _section_cstart, $3  }
0xcf: {  	[dreg:$0x1] =	wrdreg $0xFFFFFFFF  }
0xd0: {  	_ =	task.clear_ibuf [dreg:s10], $0x2FFFF;
	_ =	strace $0x9FFFFFFF  }
0xd1: {  	(tm) =	ssettm $0x7FFFFFFF  }
tec
execute0_lowered:
.L_overlay_start_1:
0x0: {  	(tag) =	ssettag $0x1  }
0x1: {  	s0 =	rddreg [dreg:$0x0]  }
0x2: {  	s1 =	rddreg [dreg:$0x1]  }
0x3: {  	s3 =	rddreg [dreg:$0x2]  }
0x4: {  	s4 =	rddreg [dreg:$0x3]  }
0x5: {  	s12 =	stileid.u32;
	s6 =	rddreg [dreg:$0x5]  }
0x6: {  	s7 =	simm.s32 $0x0;
	s5 =	srdreg.scid;
	s20 =	simm.s32 $0x5  }
0x7: {  	s21 =	simm.s32 $0x100;
	s23 =	simm.s32 $0x3;
	s18 =	simm.s32 $0x4  }
0x8: {  	s2 =	smul.u32 $0x18700, s12;
	[smem:$0x7FF] =	sst s7;
	s5 =	sand.u32 $0x1, s5  }
0x9: {  	s11 =	smul.u32 $0xC38, s12;
	s26 =	sshll.u32 s12, $0x6;
	_ =	strace $0x80000047  }
0xa: {  	s10 =	ssub.s32 $0x2, s5;
	s5 =	sshll.u32 s5, $0x1;
	s13 =	sor.u32 $0x1C05, s26  }
0xb: {  	s8 =	sshrl.u32 s2, $0x3;
	s24 =	sshrl.u32 s10, $0x1;
	[dreg:$0x7] =	wrdreg s11  }
0xc: {  	[dreg:$0x8] =	wrdreg s5;
	s11 =	smul.u32 $0xC800, s12;
	s9 =	sadd.s32 s8, s1  }
0xd: {  	s2 =	sadd.s32 s2, s6;
	s8 =	sadd.s32 $0x6200, s1;
	s25 =	sadd.s32 $0x6A200, s9  }
0xe: {  	v0 =	vimm.s32 $0x0;
	s1 =	ssub.s32 s10, s24;
	s28 =	sor.u32 $0x100, s11;
	[dreg:$0x9] =	wrdreg s25  }
0xf: {  	v1 =	vimm.s32 $0x1;
	v2 =	vimm.s32 $0x2;
	v3 =	vimm.s32 $0x3;
	s19 =	sshrl.u32 s2, $0x3;
	s30 =	sor.u32 $0x200, s11;
	[dreg:$0xa] =	wrdreg s28  }
0x10: {  	v4 =	vimm.s32 $0x4;
	v5 =	vimm.s32 $0x5;
	v6 =	vimm.s32 $0x6;
	s29 =	sshrl.u32 s11, $0x3;
	s1 =	smax.u32 s1, $0x1;
	[dreg:$0xb] =	wrdreg s30  }
0x11: {  	v7 =	vimm.s32 $0x7;
	v8 =	vimm.s32 $0x8;
	v9 =	vimm.s32 $0x9;
	s24 =	simm.s32 $0x80;
	s31 =	sadd.s32 s3, s29;
	[dreg:$0xe] =	wrdreg s1  }
0x12: {  	v10 =	vimm.s32 $0xA;
	v11 =	vimm.s32 $0xB;
	v12 =	vimm.s32 $0xC;
	s9 =	simm.s32 $0x0;
	s5 =	sadd.s32 s4, s29;
	[dreg:$0xc] =	wrdreg s31  }
0x13: {  	v13 =	vimm.s32 $0xD;
	v14 =	vimm.s32 $0xE;
	v15 =	vimm.s32 $0xF;
	s1 =	simm.s32 $0x1;
	[dreg:$0xd] =	wrdreg s5;
	s5 =	simm.s32 $0x2  }
.LBB2_1:
0x14: {  	[dreg:$0xf] =	wrdreg s9;
	p1 =	por $0x1, $0x1;
	s2 =	simm.s32 $0x0  }
.LBB2_2:
0x15: {  	s9 =	rddreg [dreg:$0x8]  }
0x16: {  	s28 =	rddreg [dreg:$0x9];
	s22 =	sor.u32 s9, s2  }
0x17: {  	[spmem:s19], [sflag:s13] =	dma.local [hbm:s28], $0x30E0  }
0x18: {  	s9 =	smul.u32 $0xC8000, s22;
	_ =	swait.ge [sflag:s20], $0x30E0  }
0x19: {  	[sflag:s20] =	ssyncset.done $0x0  }
0x1a: {  	s25 =	sadd.s32 s11, s9;
	[sflag:s20] =	ssyncadd.s32 $0xFFFFCF20  }
0x1b: {  	s29 =	sshrl.u32 s25, $0x3;
	[bflag:$0x0] =	sbarrier.arrive $0xFFFF  }
0x1c: {  	s2 =	simm.s32 $0x0;
	s10 =	sadd.s32 s8, s29;
	s30 =	rddreg [dreg:$0xa]  }
0x1d: {  	[tilespmem:s2], [sflag:$0x3] =	stream.linear.gather [hbm4b:s10+s2], $0x100, $0x38;
	[tilespmem:$0x1FF00] =	vst v63  }
0x1e: {  	s31 =	rddreg [dreg:$0xb];
	s10 =	sadd.s32 s30, s9  }
0x1f: {  	s9 =	sadd.s32 s31, s9;
	s10 =	sshrl.u32 s10, $0x3  }
0x20: {  	s9 =	sshrl.u32 s9, $0x3;
	s10 =	sadd.s32 s8, s10  }
0x21: {  	[tilespmem:s21], [sflag:$0x3] =	stream.linear.gather [hbm4b:s10+s2], $0x100, $0x38;
	[tilespmem:$0x1FF00] =	vst v63  }
0x22: {  	s12 =	simm.s32 $0x200;
	s9 =	sadd.s32 s8, s9  }
0x23: {  	[tilespmem:s12], [sflag:$0x3] =	stream.linear.gather [hbm4b:s9+s2], $0x100, $0x38;
	[tilespmem:$0x1FF00] =	vst v63  }
0x24: {  	_ =	swait.ge [sflag:s23], $0x100  }
0x25: {  	[sflag:s23] =	ssyncset.done $0x0  }
0x26: {  	s14 =	simm.s32 $0x800;
	[sflag:s23] =	ssyncadd.s32 $0xFFFFFF00  }
0x27: {  	[tilespmem:s14], [sflag:$0x1] =	stream.indirect.gather [hbm4b:s0+s24], $0x10, s2, s24, $0xb8;
	[tilespmem:$0x1FF00] =	vst v63  }
0x28: {  	s15 =	simm.s32 $0x1000  }
0x29: {  	[tilespmem:s15], [sflag:$0x1] =	stream.indirect.gather [hbm4b:s0+s24], $0x10, s24, s24, $0xb8;
	[tilespmem:$0x1FF00] =	vst v63  }
0x2a: {  	_ =	swait.ge [sflag:s23], $0x100  }
0x2b: {  	[sflag:s23] =	ssyncset.done $0x0  }
0x2c: {  	s16 =	simm.s32 $0x1800;
	[sflag:s23] =	ssyncadd.s32 $0xFFFFFF00  }
0x2d: {  	[tilespmem:s16], [sflag:$0x1] =	stream.indirect.gather [hbm4b:s0+s24], $0x10, s21, s24, $0xb8;
	[tilespmem:$0x1FF00] =	vst v63  }
0x2e: {  	s17 =	simm.s32 $0x180;
	s26 =	simm.s32 $0x2000  }
0x2f: {  	[tilespmem:s26], [sflag:$0x1] =	stream.indirect.gather [hbm4b:s0+s24], $0x10, s17, s24, $0xb8;
	[tilespmem:$0x1FF00] =	vst v63  }
0x30: {  	s29 =	simm.s32 $0x300;
	s28 =	rddreg [dreg:$0xc]  }
0x31: {  	[tilespmem:s29], [sflag:$0x4] =	stream.linear.gather [hbm4b:s28+s2], $0x100, $0x38;
	[tilespmem:$0x1FF00] =	vst v63  }
0x32: {  	p0 =	por p1, p1;
	s31 =	simm.s32 $0x600;
	s30 =	rddreg [dreg:$0xd]  }
0x33: {  	[tilespmem:s31], [sflag:$0x4] =	stream.linear.gather [hbm4b:s30+s2], $0x100, $0x38;
	[tilespmem:$0x1FF00] =	vst v63  }
.LBB2_3:
0x34: {  	_ =	swait.ge [sflag:s1], $0x800  }
0x35: {  	[sflag:s1] =	ssyncset.done $0x0  }
0x36: {  	[sflag:s1] =	ssyncadd.s32 $0xFFFFF800  }
0x37: {  	_ =	swait.ge [sflag:s1], $0x800  }
0x38: {  	p1 =	slt.u32 s2, $0x2;
	[sflag:s1] =	ssyncset.done $0x0  }
0x39: {  	s9 =	simm.s32 @!p1 $0x2;
	p2 =	sgt.u32 @!p1 s2, $0xC4;
	[sflag:s1] =	ssyncadd.s32 $0xFFFFF800  }
0x3a: {  	p2 =	por p1, !p2;
	_ =	swait.ge @!p1 [sflag:s9], $0x1000  }
.Ltmp0:
0x3b: {  	[sflag:s9] =	ssyncset.done @!p1 $0x0;
	(pc) =	sbr.rel @!p2 .LBB2_5-.Ltmp0, $4  }
0x3c: {  	[sflag:s9] =	ssyncadd.s32 @!p1 $0xFFFFF000  }
0x3d: {  	_ =	swait.ge @!p1 [sflag:s9], $0x1000  }
0x3e: {  	[sflag:s9] =	ssyncset.done @!p1 $0x0  }
0x3f: {  	[sflag:s9] =	ssyncadd.s32 @!p1 $0xFFFFF000  }
0x40: {  	s9 =	sadd.s32 $0x3, s2  }
0x41: {  	s10 =	smul.u32 $0xAB, s9;
	_ =	sdelay $0x1  }
0x42: {  	s10 =	sshrl.u32 s10, $0x9  }
0x43: {  	s10 =	sand.u32 $0x7F, s10  }
0x44: {  	s10 =	smul.u32 $0x3, s10  }
.Ltmp1:
0x45: {  	s12 =	sshll.u32 s9, $0x8;
	(pc) =	sbr.rel .LBB2_6-.Ltmp1, $4  }
0x46: {  	s31 =	sadd.s32 s12, s25;
	s9 =	ssub.s32 s9, s10  }
0x47: {  	s10 =	sshrl.u32 s31, $0x3;
	s9 =	sand.u32 $0xFF, s9  }
0x48: {  	s10 =	sadd.s32 s8, s10;
	s9 =	sshll.u32 s9, $0x8  }
0x49: {  	[tilespmem:s9], [sflag:$0x3] =	stream.linear.gather [hbm4b:s10+s7], $0x100, $0x38;
	[tilespmem:$0x1FF00] =	vst v63  }
.LBB2_5:
0x4a: {  	p1 =	seq.s32 s2, $0xC7  }
.Ltmp2:
0x4b: {  	_ = 	snop;
	(pc) =	sbr.rel @p1 .LBB2_7-.Ltmp2, $2  }
0x4c: {  	_ =	sdelay $0x2  }
0x4d: {  	s26 =	simm.s32 $0xC8  }
.LBB2_6:
0x4e: {  	s26 =	sadd.s32 $0x1, s2  }
0x4f: {  	s9 =	smul.u32 $0xAB, s26;
	_ =	sdelay $0x1  }
0x50: {  	s9 =	sshrl.u32 s9, $0x9  }
0x51: {  	s9 =	sand.u32 $0x7F, s9  }
0x52: {  	s9 =	smul.u32 $0x3, s9;
	_ =	sdelay $0x1  }
0x53: {  	s10 =	sshll.u32 s26, $0x8;
	s9 =	ssub.s32 s26, s9  }
0x54: {  	s12 =	sadd.s32 s11, s10;
	s9 =	sand.u32 $0xFF, s9  }
0x55: {  	s12 =	sshrl.u32 s12, $0x3;
	s9 =	sshll.u32 s9, $0x8  }
0x56: {  	p1 =	sgt.u32 s2, $0xC5;
	s14 =	sadd.s32 s3, s12;
	s9 =	sadd.s32 $0x300, s9  }
0x57: {  	[tilespmem:s9], [sflag:$0x4] =	stream.linear.gather [hbm4b:s14+s7], $0x100, $0x38;
	[tilespmem:$0x1FF00] =	vst v63  }
0x58: {  	s9 =	sadd.s32 @!p1 $0x2, s2  }
0x59: {  	s10 =	sand.u32 $0x100, s10;
	s14 =	sand.u32 @!p1 $0xFF, s9  }
0x5a: {  	s10 =	sor.u32 $0x600, s10;
	s12 =	sadd.s32 s4, s12;
	s14 =	smul.u32 @!p1 $0xAB, s14  }
0x5b: {  	[tilespmem:s10], [sflag:$0x4] =	stream.linear.gather [hbm4b:s12+s7], $0x100, $0x38;
	[tilespmem:$0x1FF00] =	vst v63  }
0x5c: {  	s10 =	sshrl.u32 @!p1 s14, $0x9  }
0x5d: {  	s10 =	smul.u32 @!p1 $0x3, s10;
	_ =	sdelay $0x1  }
0x5e: {  	s12 =	simm.s32 @!p1 $0x3;
	s9 =	ssub.s32 @!p1 s9, s10  }
0x5f: {  	_ =	swait.ge @!p1 [sflag:s12], $0x100;
	s9 =	sand.u32 @!p1 $0xFF, s9  }
0x60: {  	[sflag:s12] =	ssyncset.done @!p1 $0x0;
	s14 =	simm.s32 @!p1 $0x80;
	s10 =	sshll.u32 @!p1 s9, $0xC  }
0x61: {  	[sflag:s12] =	ssyncadd.s32 @!p1 $0xFFFFFF00;
	s9 =	sshll.u32 @!p1 s9, $0x8;
	s12 =	sor.u32 @!p1 $0x800, s10  }
0x62: {  	[tilespmem:s12], [sflag:$0x1] =	stream.indirect.gather @!p1 [hbm4b:s0+s14], $0x10, s9, s14, $0xb8;
	[tilespmem:$0x1FF00] =	vst v63  }
0x63: {  	s26 =	simm.s32 @p1 $0xC7;
	s10 =	sadd.s32 @!p1 $0x1000, s10;
	s9 =	sor.u32 @!p1 $0x80, s9  }
0x64: {  	[tilespmem:s10], [sflag:$0x1] =	stream.indirect.gather @!p1 [hbm4b:s0+s14], $0x10, s9, s14, $0xb8;
	[tilespmem:$0x1FF00] =	vst v63  }
.LBB2_7:
0x65: {  	s9 =	sand.u32 $0xFF, s2  }
0x66: {  	s9 =	smul.u32 $0xAB, s9;
	_ =	sdelay $0x1  }
0x67: {  	_ =	swait.ge [sflag:s18], $0x100;
	s9 =	sshrl.u32 s9, $0x9  }
0x68: {  	[sflag:s18] =	ssyncset.done $0x0;
	s9 =	smul.u32 $0x3, s9  }
0x69: {  	[sflag:s18] =	ssyncadd.s32 $0xFFFFFF00  }
0x6a: {  	s10 =	sand.u32 $0x1, s2;
	_ =	swait.ge [sflag:s18], $0x100;
	s9 =	ssub.s32 s2, s9  }
0x6b: {  	[sflag:s18] =	ssyncset.done $0x0;
	s2 =	sshll.u32 s10, $0x8;
	s28 =	sand.u32 $0xFF, s9  }
0x6c: {  	[sflag:s18] =	ssyncadd.s32 $0xFFFFFF00;
	s2 =	sor.u32 $0x610, s2;
	s9 =	sshll.u32 s28, $0xC  }
0x6d: {  	v19 =	vld [tilespmem:s2+$0x0];
	s14 =	sor.u32 $0x900, s9  }
0x6e: {  	v16 =	vld [tilespmem:s14+$0x0];
	_ =	sdelay $0x3  }
0x6f: {  	v17 =	vperm.xlane v19, v0  }
0x70: {  	v18 =	vunpack.i.l.bf16.f32 v16  }
0x71: {  	s29 =	sshll.u32 s10, $0xD;
	v16 =	vunpack.i.u.bf16.f32 v16;
	v18 =	vmul.f32 v18, v17  }
0x72: {  	s30 =	sadd.s32 $0x3A00, s29;
	v16 =	vmul.f32 v16, v17  }
0x73: {  	[tilespmem:s30+$0x0] =	vst v18  }
0x74: {  	[tilespmem:s30+$0x10] =	vst v16  }
0x75: {  	v16 =	vld [tilespmem:s14+$0x10];
	_ =	sdelay $0x3  }
0x76: {  	v17 =	vperm.xlane v19, v1  }
0x77: {  	v18 =	vunpack.i.l.bf16.f32 v16  }
0x78: {  	v16 =	vunpack.i.u.bf16.f32 v16;
	v18 =	vmul.f32 v18, v17  }
0x79: {  	v16 =	vmul.f32 v16, v17  }
0x7a: {  	[tilespmem:s30+$0x20] =	vst v18  }
0x7b: {  	[tilespmem:s30+$0x30] =	vst v16  }
0x7c: {  	v16 =	vld [tilespmem:s14+$0x20];
	_ =	sdelay $0x3  }
0x7d: {  	v17 =	vperm.xlane v19, v2  }
0x7e: {  	v18 =	vld [tilespmem:s2+$0xFFFFFFF0];
	v20 =	vunpack.i.l.bf16.f32 v16  }
0x7f: {  	v21 =	vld [tilespmem:s14+$0xFFFFFF00];
	v16 =	vunpack.i.u.bf16.f32 v16;
	v20 =	vmul.f32 v20, v17  }
0x80: {  	v16 =	vmul.f32 v16, v17  }
0x81: {  	[tilespmem:s30+$0x40] =	vst v20  }
0x82: {  	[tilespmem:s30+$0x50] =	vst v16  }
0x83: {  	v16 =	vperm.xlane v18, v0;
	v17 =	vld [tilespmem:s14+$0x30]  }
0x84: {  	v20 =	vunpack.i.l.bf16.f32 v21  }
0x85: {  	v21 =	vunpack.i.u.bf16.f32 v21;
	v20 =	vmul.f32 v20, v16  }
0x86: {  	v16 =	vmul.f32 v21, v16  }
0x87: {  	[tilespmem:s30+$0xFFFFFE00] =	vst v20;
	v20 =	vperm.xlane v19, v3  }
0x88: {  	[tilespmem:s30+$0xFFFFFE10] =	vst v16;
	v16 =	vunpack.i.l.bf16.f32 v17  }
0x89: {  	v21 =	vld [tilespmem:s14+$0xFFFFFF10];
	v17 =	vunpack.i.u.bf16.f32 v17;
	v16 =	vmul.f32 v16, v20  }
0x8a: {  	v17 =	vmul.f32 v17, v20  }
0x8b: {  	[tilespmem:s30+$0x60] =	vst v16  }
0x8c: {  	[tilespmem:s30+$0x70] =	vst v17  }
0x8d: {  	v16 =	vperm.xlane v18, v1;
	v17 =	vld [tilespmem:s14+$0x40]  }
0x8e: {  	v20 =	vunpack.i.l.bf16.f32 v21  }
0x8f: {  	v21 =	vunpack.i.u.bf16.f32 v21;
	v20 =	vmul.f32 v20, v16  }
0x90: {  	v16 =	vmul.f32 v21, v16  }
0x91: {  	[tilespmem:s30+$0xFFFFFE20] =	vst v20;
	v20 =	vperm.xlane v19, v4  }
0x92: {  	[tilespmem:s30+$0xFFFFFE30] =	vst v16;
	v16 =	vunpack.i.l.bf16.f32 v17  }
0x93: {  	v21 =	vld [tilespmem:s14+$0xFFFFFF20];
	v17 =	vunpack.i.u.bf16.f32 v17;
	v16 =	vmul.f32 v16, v20  }
0x94: {  	v17 =	vmul.f32 v17, v20  }
0x95: {  	[tilespmem:s30+$0x80] =	vst v16  }
0x96: {  	[tilespmem:s30+$0x90] =	vst v17  }
0x97: {  	v16 =	vperm.xlane v18, v2;
	v17 =	vld [tilespmem:s14+$0x50]  }
0x98: {  	v20 =	vunpack.i.l.bf16.f32 v21  }
0x99: {  	v21 =	vunpack.i.u.bf16.f32 v21;
	v20 =	vmul.f32 v20, v16  }
0x9a: {  	v16 =	vmul.f32 v21, v16  }
0x9b: {  	[tilespmem:s30+$0xFFFFFE40] =	vst v20;
	v20 =	vperm.xlane v19, v5  }
0x9c: {  	[tilespmem:s30+$0xFFFFFE50] =	vst v16;
	v16 =	vunpack.i.l.bf16.f32 v17  }
0x9d: {  	v21 =	vld [tilespmem:s14+$0xFFFFFF30];
	v17 =	vunpack.i.u.bf16.f32 v17;
	v16 =	vmul.f32 v16, v20  }
0x9e: {  	v17 =	vmul.f32 v17, v20  }
0x9f: {  	[tilespmem:s30+$0xA0] =	vst v16  }
0xa0: {  	[tilespmem:s30+$0xB0] =	vst v17  }
0xa1: {  	v16 =	vperm.xlane v18, v3;
	v17 =	vld [tilespmem:s14+$0x60]  }
0xa2: {  	v20 =	vunpack.i.l.bf16.f32 v21  }
0xa3: {  	s17 =	sadd.s32 $0x20, s2;
	v21 =	vunpack.i.u.bf16.f32 v21;
	v20 =	vmul.f32 v20, v16  }
0xa4: {  	s2 =	sadd.s32 $0x200, s14;
	v21 =	vmul.f32 v21, v16;
	v16 =	vld [tilespmem:s17+$0x0]  }
0xa5: {  	v22 =	vperm.xlane v19, v6;
	[tilespmem:s30+$0xFFFFFE60] =	vst v20;
	v20 =	vld [tilespmem:s2+$0x0]  }
0xa6: {  	[tilespmem:s30+$0xFFFFFE70] =	vst v21;
	v21 =	vunpack.i.l.bf16.f32 v17  }
0xa7: {  	v24 =	vld [tilespmem:s14+$0xFFFFFF40];
	v17 =	vunpack.i.u.bf16.f32 v17;
	v21 =	vmul.f32 v21, v22  }
0xa8: {  	v17 =	vmul.f32 v17, v22  }
0xa9: {  	v22 =	vperm.xlane v16, v0;
	[tilespmem:s30+$0xC0] =	vst v21  }
0xaa: {  	v21 =	vunpack.i.l.bf16.f32 v20;
	[tilespmem:s30+$0xD0] =	vst v17  }
0xab: {  	v17 =	vperm.xlane v18, v4;
	v20 =	vunpack.i.u.bf16.f32 v20;
	v21 =	vmul.f32 v21, v22;
	v25 =	vld [tilespmem:s14+$0x70]  }
0xac: {  	s31 =	sadd.s32 $0x400, s30;
	v23 =	vld [tilespmem:s17+$0xFFFFFFF0];
	v26 =	vunpack.i.l.bf16.f32 v24;
	v20 =	vmul.f32 v20, v22  }
0xad: {  	v22 =	vunpack.i.u.bf16.f32 v24;
	v24 =	vmul.f32 v26, v17;
	v26 =	vld [tilespmem:s2+$0xFFFFFF00];
	[tilespmem:s31+$0x0] =	vst v21  }
0xae: {  	v17 =	vmul.f32 v22, v17;
	[tilespmem:s31+$0x10] =	vst v20  }
0xaf: {  	v21 =	vperm.xlane v19, v7;
	[tilespmem:s30+$0xFFFFFE80] =	vst v24;
	v20 =	vld [tilespmem:s2+$0x10]  }
0xb0: {  	[tilespmem:s30+$0xFFFFFE90] =	vst v17;
	v17 =	vunpack.i.l.bf16.f32 v25  }
0xb1: {  	v24 =	vperm.xlane v23, v0;
	v22 =	vld [tilespmem:s14+$0xFFFFFF50];
	v25 =	vunpack.i.u.bf16.f32 v25;
	v17 =	vmul.f32 v17, v21  }
0xb2: {  	v27 =	vunpack.i.l.bf16.f32 v26;
	v21 =	vmul.f32 v25, v21  }
0xb3: {  	v25 =	vunpack.i.u.bf16.f32 v26;
	v26 =	vmul.f32 v27, v24;
	v27 =	vperm.xlane v16, v1;
	[tilespmem:s30+$0xE0] =	vst v17  }
0xb4: {  	v17 =	vmul.f32 v25, v24;
	v24 =	vunpack.i.l.bf16.f32 v20;
	[tilespmem:s30+$0xF0] =	vst v21  }
0xb5: {  	v21 =	vperm.xlane v18, v5;
	v20 =	vunpack.i.u.bf16.f32 v20;
	[tilespmem:s31+$0xFFFFFE00] =	vst v26;
	v24 =	vmul.f32 v24, v27;
	v25 =	vld [tilespmem:s14+$0x80]  }
0xb6: {  	v26 =	vunpack.i.l.bf16.f32 v22;
	[tilespmem:s31+$0xFFFFFE10] =	vst v17;
	v17 =	vmul.f32 v20, v27  }
0xb7: {  	v20 =	vunpack.i.u.bf16.f32 v22;
	v22 =	vmul.f32 v26, v21;
	v26 =	vld [tilespmem:s2+$0xFFFFFF10];
	[tilespmem:s31+$0x20] =	vst v24  }
0xb8: {  	v20 =	vmul.f32 v20, v21;
	[tilespmem:s31+$0x30] =	vst v17  }
0xb9: {  	v21 =	vperm.xlane v19, v8;
	[tilespmem:s30+$0xFFFFFEA0] =	vst v22;
	v17 =	vld [tilespmem:s2+$0x20]  }
0xba: {  	[tilespmem:s30+$0xFFFFFEB0] =	vst v20;
	v20 =	vunpack.i.l.bf16.f32 v25  }
0xbb: {  	v24 =	vperm.xlane v23, v1;
	v22 =	vld [tilespmem:s14+$0xFFFFFF60];
	v25 =	vunpack.i.u.bf16.f32 v25;
	v20 =	vmul.f32 v20, v21  }
0xbc: {  	v21 =	vmul.f32 v25, v21;
	v27 =	vunpack.i.l.bf16.f32 v26  }
0xbd: {  	v25 =	vunpack.i.u.bf16.f32 v26;
	v26 =	vmul.f32 v27, v24;
	v27 =	vperm.xlane v16, v2;
	[tilespmem:s30+$0x100] =	vst v20  }
0xbe: {  	v20 =	vmul.f32 v25, v24;
	[tilespmem:s30+$0x110] =	vst v21;
	v24 =	vunpack.i.l.bf16.f32 v17  }
0xbf: {  	v21 =	vperm.xlane v18, v6;
	v17 =	vunpack.i.u.bf16.f32 v17;
	v25 =	vld [tilespmem:s14+$0x90];
	[tilespmem:s31+$0xFFFFFE20] =	vst v26;
	v24 =	vmul.f32 v24, v27  }
0xc0: {  	v26 =	vunpack.i.l.bf16.f32 v22;
	[tilespmem:s31+$0xFFFFFE30] =	vst v20;
	v17 =	vmul.f32 v17, v27  }
0xc1: {  	v20 =	vunpack.i.u.bf16.f32 v22;
	v22 =	vmul.f32 v26, v21;
	v26 =	vld [tilespmem:s2+$0xFFFFFF20];
	[tilespmem:s31+$0x40] =	vst v24  }
0xc2: {  	v20 =	vmul.f32 v20, v21;
	[tilespmem:s31+$0x50] =	vst v17  }
0xc3: {  	v21 =	vperm.xlane v19, v9;
	[tilespmem:s30+$0xFFFFFEC0] =	vst v22;
	v17 =	vld [tilespmem:s2+$0x30]  }
0xc4: {  	[tilespmem:s30+$0xFFFFFED0] =	vst v20;
	v20 =	vunpack.i.l.bf16.f32 v25  }
0xc5: {  	v22 =	vperm.xlane v23, v2;
	v24 =	vld [tilespmem:s14+$0xFFFFFF70];
	v25 =	vunpack.i.u.bf16.f32 v25;
	v20 =	vmul.f32 v20, v21  }
0xc6: {  	v21 =	vmul.f32 v25, v21;
	v27 =	vunpack.i.l.bf16.f32 v26  }
0xc7: {  	v25 =	vunpack.i.u.bf16.f32 v26;
	v26 =	vmul.f32 v27, v22;
	v27 =	vperm.xlane v16, v3;
	[tilespmem:s30+$0x120] =	vst v20  }
0xc8: {  	v20 =	vmul.f32 v25, v22;
	[tilespmem:s30+$0x130] =	vst v21;
	v22 =	vunpack.i.l.bf16.f32 v17  }
0xc9: {  	v21 =	vperm.xlane v18, v7;
	v17 =	vunpack.i.u.bf16.f32 v17;
	v25 =	vld [tilespmem:s14+$0xA0];
	[tilespmem:s31+$0xFFFFFE40] =	vst v26;
	v22 =	vmul.f32 v22, v27  }
0xca: {  	[tilespmem:s31+$0xFFFFFE50] =	vst v20;
	v20 =	vunpack.i.l.bf16.f32 v24;
	v17 =	vmul.f32 v17, v27  }
0xcb: {  	v24 =	vunpack.i.u.bf16.f32 v24;
	v26 =	vld [tilespmem:s2+$0xFFFFFF30];
	v20 =	vmul.f32 v20, v21;
	[tilespmem:s31+$0x60] =	vst v22  }
0xcc: {  	v21 =	vmul.f32 v24, v21;
	[tilespmem:s31+$0x70] =	vst v17  }
0xcd: {  	[tilespmem:s30+$0xFFFFFEE0] =	vst v20;
	v17 =	vld [tilespmem:s2+$0x40];
	v20 =	vperm.xlane v19, v10  }
0xce: {  	[tilespmem:s30+$0xFFFFFEF0] =	vst v21;
	v21 =	vunpack.i.l.bf16.f32 v25  }
0xcf: {  	v22 =	vperm.xlane v23, v3;
	v24 =	vld [tilespmem:s14+$0xFFFFFF80];
	v25 =	vunpack.i.u.bf16.f32 v25;
	v21 =	vmul.f32 v21, v20  }
0xd0: {  	v20 =	vmul.f32 v25, v20;
	v27 =	vunpack.i.l.bf16.f32 v26  }
0xd1: {  	v25 =	vunpack.i.u.bf16.f32 v26;
	v26 =	vmul.f32 v27, v22;
	v27 =	vperm.xlane v16, v4;
	[tilespmem:s30+$0x140] =	vst v21  }
0xd2: {  	v21 =	vmul.f32 v25, v22;
	[tilespmem:s30+$0x150] =	vst v20;
	v22 =	vunpack.i.l.bf16.f32 v17  }
0xd3: {  	v20 =	vperm.xlane v18, v8;
	v17 =	vunpack.i.u.bf16.f32 v17;
	v25 =	vld [tilespmem:s14+$0xB0];
	[tilespmem:s31+$0xFFFFFE60] =	vst v26;
	v22 =	vmul.f32 v22, v27  }
0xd4: {  	[tilespmem:s31+$0xFFFFFE70] =	vst v21;
	v21 =	vunpack.i.l.bf16.f32 v24;
	v17 =	vmul.f32 v17, v27  }
0xd5: {  	v24 =	vunpack.i.u.bf16.f32 v24;
	v26 =	vld [tilespmem:s2+$0xFFFFFF40];
	v21 =	vmul.f32 v21, v20;
	[tilespmem:s31+$0x80] =	vst v22  }
0xd6: {  	v20 =	vmul.f32 v24, v20;
	[tilespmem:s31+$0x90] =	vst v17  }
0xd7: {  	[tilespmem:s30+$0xFFFFFF00] =	vst v21;
	v17 =	vld [tilespmem:s2+$0x50];
	v21 =	vperm.xlane v19, v11  }
0xd8: {  	[tilespmem:s30+$0xFFFFFF10] =	vst v20;
	v20 =	vunpack.i.l.bf16.f32 v25  }
0xd9: {  	v22 =	vperm.xlane v23, v4;
	v24 =	vld [tilespmem:s14+$0xFFFFFF90];
	v25 =	vunpack.i.u.bf16.f32 v25;
	v20 =	vmul.f32 v20, v21  }
0xda: {  	v21 =	vmul.f32 v25, v21;
	v27 =	vunpack.i.l.bf16.f32 v26  }
0xdb: {  	v25 =	vunpack.i.u.bf16.f32 v26;
	v26 =	vmul.f32 v27, v22;
	v27 =	vperm.xlane v16, v5;
	[tilespmem:s30+$0x160] =	vst v20  }
0xdc: {  	v20 =	vmul.f32 v25, v22;
	[tilespmem:s30+$0x170] =	vst v21;
	v22 =	vunpack.i.l.bf16.f32 v17  }
0xdd: {  	v21 =	vperm.xlane v18, v9;
	v17 =	vunpack.i.u.bf16.f32 v17;
	v25 =	vld [tilespmem:s14+$0xC0];
	[tilespmem:s31+$0xFFFFFE80] =	vst v26;
	v22 =	vmul.f32 v22, v27  }
0xde: {  	[tilespmem:s31+$0xFFFFFE90] =	vst v20;
	v20 =	vunpack.i.l.bf16.f32 v24;
	v17 =	vmul.f32 v17, v27  }
0xdf: {  	v24 =	vunpack.i.u.bf16.f32 v24;
	v20 =	vmul.f32 v20, v21;
	[tilespmem:s31+$0xA0] =	vst v22  }
0xe0: {  	v21 =	vmul.f32 v24, v21;
	v22 =	vld [tilespmem:s2+$0xFFFFFF50];
	[tilespmem:s31+$0xB0] =	vst v17  }
0xe1: {  	v24 =	vperm.xlane v19, v12;
	[tilespmem:s30+$0xFFFFFF20] =	vst v20;
	v20 =	vld [tilespmem:s2+$0x60]  }
0xe2: {  	[tilespmem:s30+$0xFFFFFF30] =	vst v21;
	v17 =	vunpack.i.l.bf16.f32 v25  }
0xe3: {  	s15 =	sadd.s32 $0x20, s17;
	v21 =	vld [tilespmem:s14+$0xFFFFFFA0];
	v25 =	vunpack.i.u.bf16.f32 v25;
	v26 =	vmul.f32 v17, v24  }
0xe4: {  	s9 =	sadd.s32 $0x200, s2;
	v27 =	vperm.xlane v23, v5;
	v17 =	vld [tilespmem:s15+$0x0];
	v24 =	vmul.f32 v25, v24  }
0xe5: {  	v28 =	vld [tilespmem:s9+$0x0];
	v29 =	vperm.xlane v16, v6;
	v25 =	vunpack.i.l.bf16.f32 v22;
	[tilespmem:s30+$0x180] =	vst v26  }
0xe6: {  	[tilespmem:s30+$0x190] =	vst v24;
	v25 =	vmul.f32 v25, v27;
	v26 =	vunpack.i.l.bf16.f32 v20  }
0xe7: {  	v20 =	vunpack.i.u.bf16.f32 v20;
	v24 =	vmul.f32 v26, v29;
	v26 =	vld [tilespmem:s14+$0xD0]  }
0xe8: {  	v30 =	vld [tilespmem:s15+$0xFFFFFFF0];
	v31 =	vperm.xlane v18, v10;
	v22 =	vunpack.i.u.bf16.f32 v22;
	v20 =	vmul.f32 v20, v29;
	[tilespmem:s31+$0xFFFFFEA0] =	vst v25  }
0xe9: {  	v22 =	vmul.f32 v22, v27;
	v27 =	vld [tilespmem:s9+$0xFFFFFF00];
	v25 =	vunpack.i.l.bf16.f32 v21;
	v29 =	vperm.xlane v17, v0;
	[tilespmem:s31+$0xC0] =	vst v24  }
0xea: {  	v24 =	vmul.f32 v25, v31;
	v25 =	vunpack.i.l.bf16.f32 v28;
	[tilespmem:s31+$0xD0] =	vst v20  }
0xeb: {  	[tilespmem:s31+$0xFFFFFEB0] =	vst v22;
	v20 =	vunpack.i.u.bf16.f32 v28;
	v28 =	vperm.xlane v19, v13;
	v22 =	vmul.f32 v25, v29;
	v25 =	vld [tilespmem:s2+$0x70]  }
0xec: {  	s10 =	sadd.s32 $0x400, s31;
	v20 =	vmul.f32 v20, v29;
	[tilespmem:s30+$0xFFFFFF40] =	vst v24;
	v24 =	vunpack.i.l.bf16.f32 v26  }
0xed: {  	v29 =	vperm.xlane v30, v0;
	[tilespmem:s10+$0x0] =	vst v22;
	v22 =	vunpack.i.u.bf16.f32 v26;
	v24 =	vmul.f32 v24, v28  }
0xee: {  	v32 =	vunpack.i.l.bf16.f32 v27;
	v26 =	vld [tilespmem:s2+$0xFFFFFF60];
	[tilespmem:s10+$0x10] =	vst v20;
	v20 =	vmul.f32 v22, v28  }
0xef: {  	v45 =	vperm.xlane v16, v7;
	v22 =	vunpack.i.u.bf16.f32 v27;
	v27 =	vmul.f32 v32, v29;
	v28 =	vld [tilespmem:s9+$0x10];
	[tilespmem:s30+$0x1A0] =	vst v24  }
0xf0: {  	v22 =	vmul.f32 v22, v29;
	v24 =	vunpack.i.l.bf16.f32 v25;
	[tilespmem:s30+$0x1B0] =	vst v20  }
0xf1: {  	[tilespmem:s10+$0xFFFFFE00] =	vst v27;
	v20 =	vunpack.i.u.bf16.f32 v25;
	v24 =	vmul.f32 v24, v45;
	v25 =	vld [tilespmem:s14+$0xE0]  }
0xf2: {  	v21 =	vunpack.i.u.bf16.f32 v21;
	v27 =	vperm.xlane v23, v6;
	[tilespmem:s10+$0xFFFFFE10] =	vst v22;
	v20 =	vmul.f32 v20, v45  }
0xf3: {  	v21 =	vmul.f32 v21, v31;
	v31 =	vperm.xlane v17, v1;
	v22 =	vunpack.i.l.bf16.f32 v26;
	v29 =	vld [tilespmem:s9+$0xFFFFFF10];
	[tilespmem:s31+$0xE0] =	vst v24  }
0xf4: {  	v24 =	vunpack.i.l.bf16.f32 v28;
	v22 =	vmul.f32 v22, v27;
	[tilespmem:s31+$0xF0] =	vst v20  }
0xf5: {  	[tilespmem:s30+$0xFFFFFF50] =	vst v21;
	v20 =	vunpack.i.u.bf16.f32 v28;
	v28 =	vperm.xlane v19, v14;
	v21 =	vmul.f32 v24, v31;
	v24 =	vld [tilespmem:s2+$0x80]  }
0xf6: {  	v20 =	vmul.f32 v20, v31;
	[tilespmem:s31+$0xFFFFFEC0] =	vst v22;
	v22 =	vunpack.i.l.bf16.f32 v25  }
0xf7: {  	v31 =	vperm.xlane v30, v1;
	[tilespmem:s10+$0x20] =	vst v21;
	v21 =	vunpack.i.u.bf16.f32 v25;
	v22 =	vmul.f32 v22, v28  }
0xf8: {  	v25 =	vld [tilespmem:s14+$0xFFFFFFB0];
	[tilespmem:s10+$0x30] =	vst v20;
	v46 =	vunpack.i.l.bf16.f32 v29;
	v20 =	vmul.f32 v21, v28  }
0xf9: {  	v47 =	vperm.xlane v16, v8;
	v21 =	vunpack.i.u.bf16.f32 v29;
	v29 =	vld [tilespmem:s9+$0x20];
	v28 =	vmul.f32 v46, v31;
	[tilespmem:s30+$0x1C0] =	vst v22  }
0xfa: {  	v21 =	vmul.f32 v21, v31;
	v22 =	vunpack.i.l.bf16.f32 v24;
	[tilespmem:s30+$0x1D0] =	vst v20  }
0xfb: {  	v20 =	vunpack.i.u.bf16.f32 v24;
	[tilespmem:s10+$0xFFFFFE20] =	vst v28;
	v22 =	vmul.f32 v22, v47  }
0xfc: {  	v26 =	vunpack.i.u.bf16.f32 v26;
	v24 =	vperm.xlane v18, v11;
	v36 =	vld [tilespmem:s14+$0xF0];
	[tilespmem:s10+$0xFFFFFE30] =	vst v21;
	v20 =	vmul.f32 v20, v47  }
0xfd: {  	v21 =	vmul.f32 v26, v27;
	v28 =	vperm.xlane v17, v2;
	v26 =	vunpack.i.l.bf16.f32 v25;
	v27 =	vld [tilespmem:s9+$0xFFFFFF20];
	[tilespmem:s31+$0x100] =	vst v22  }
0xfe: {  	v37 =	vperm.xlane v19, v15;
	v22 =	vunpack.i.l.bf16.f32 v29;
	[tilespmem:s31+$0x110] =	vst v20;
	v20 =	vmul.f32 v26, v24  }
0xff: {  	v48 =	vperm.xlane v23, v8;
	v26 =	vunpack.i.u.bf16.f32 v29;
	[tilespmem:s31+$0xFFFFFED0] =	vst v21;
	v22 =	vmul.f32 v22, v28;
	v21 =	vld [tilespmem:s2+$0x90]  }
0x100: {  	v50 =	vperm.xlane v30, v4;
	v25 =	vunpack.i.u.bf16.f32 v25;
	v26 =	vmul.f32 v26, v28;
	[tilespmem:s30+$0xFFFFFF60] =	vst v20  }
0x101: {  	v28 =	vperm.xlane v30, v2;
	v29 =	vld [tilespmem:s2+$0xFFFFFF70];
	v20 =	vunpack.i.u.bf16.f32 v36;
	[tilespmem:s10+$0x40] =	vst v22;
	v22 =	vmul.f32 v25, v24  }
0x102: {  	v43 =	vperm.xlane v30, v5;
	[tilespmem:s10+$0x50] =	vst v26;
	v20 =	vmul.f32 v20, v37;
	v24 =	vunpack.i.l.bf16.f32 v27  }
0x103: {  	v25 =	vunpack.i.u.bf16.f32 v27;
	v26 =	vld [tilespmem:s9+$0x30];
	v27 =	vperm.xlane v16, v9;
	v24 =	vmul.f32 v24, v28;
	[tilespmem:s30+$0xFFFFFF70] =	vst v22  }
0x104: {  	v38 =	vperm.xlane v18, v14;
	[tilespmem:s30+$0x1F0] =	vst v20;
	v20 =	vmul.f32 v25, v28;
	v25 =	vunpack.i.l.bf16.f32 v21  }
0x105: {  	v22 =	vperm.xlane v23, v7;
	v21 =	vunpack.i.u.bf16.f32 v21;
	[tilespmem:s10+$0xFFFFFE40] =	vst v24;
	v24 =	vmul.f32 v25, v27;
	v25 =	vld [tilespmem:s14+$0xFFFFFFC0]  }
0x106: {  	v34 =	vperm.xlane v16, v10;
	v21 =	vmul.f32 v21, v27;
	[tilespmem:s10+$0xFFFFFE50] =	vst v20;
	v20 =	vunpack.i.l.bf16.f32 v29  }
0x107: {  	v27 =	vunpack.i.u.bf16.f32 v29;
	v29 =	vperm.xlane v17, v3;
	v28 =	vld [tilespmem:s9+$0xFFFFFF30];
	v20 =	vmul.f32 v20, v22;
	[tilespmem:s31+$0x120] =	vst v24  }
0x108: {  	v53 =	vperm.xlane v16, v11;
	v22 =	vmul.f32 v27, v22;
	v24 =	vunpack.i.l.bf16.f32 v26;
	[tilespmem:s31+$0x130] =	vst v21  }
0x109: {  	v19 =	vperm.xlane v18, v12;
	v21 =	vunpack.i.u.bf16.f32 v26;
	v24 =	vmul.f32 v24, v29;
	[tilespmem:s31+$0xFFFFFEE0] =	vst v20;
	v20 =	vld [tilespmem:s2+$0xA0]  }
0x10a: {  	v40 =	vperm.xlane v17, v4;
	v21 =	vmul.f32 v21, v29;
	[tilespmem:s31+$0xFFFFFEF0] =	vst v22;
	v22 =	vunpack.i.l.bf16.f32 v25  }
0x10b: {  	v29 =	vperm.xlane v30, v3;
	v25 =	vunpack.i.u.bf16.f32 v25;
	[tilespmem:s10+$0x60] =	vst v24;
	v33 =	vld [tilespmem:s2+$0xFFFFFF80];
	v22 =	vmul.f32 v22, v19  }
0x10c: {  	v27 =	vperm.xlane v23, v9;
	[tilespmem:s10+$0x70] =	vst v21;
	v19 =	vmul.f32 v25, v19;
	v25 =	vunpack.i.l.bf16.f32 v28  }
0x10d: {  	v26 =	vperm.xlane v23, v10;
	v21 =	vunpack.i.u.bf16.f32 v28;
	v28 =	vld [tilespmem:s9+$0x40];
	v25 =	vmul.f32 v25, v29;
	[tilespmem:s30+$0xFFFFFF80] =	vst v22  }
0x10e: {  	v24 =	vperm.xlane v23, v11;
	v29 =	vmul.f32 v21, v29;
	[tilespmem:s30+$0xFFFFFF90] =	vst v19;
	v35 =	vunpack.i.l.bf16.f32 v20  }
0x10f: {  	v22 =	vperm.xlane v23, v12;
	v19 =	vunpack.i.u.bf16.f32 v20;
	v49 =	vld [tilespmem:s14+$0xFFFFFFD0];
	[tilespmem:s10+$0xFFFFFE60] =	vst v25;
	v25 =	vmul.f32 v35, v34  }
0x110: {  	v21 =	vperm.xlane v23, v13;
	[tilespmem:s10+$0xFFFFFE70] =	vst v29;
	v29 =	vunpack.i.l.bf16.f32 v33;
	v34 =	vmul.f32 v19, v34  }
0x111: {  	v20 =	vperm.xlane v23, v14;
	v33 =	vunpack.i.u.bf16.f32 v33;
	v39 =	vld [tilespmem:s9+$0xFFFFFF40];
	v29 =	vmul.f32 v29, v48;
	[tilespmem:s31+$0x140] =	vst v25  }
0x112: {  	v19 =	vperm.xlane v23, v15;
	v23 =	vunpack.i.l.bf16.f32 v28;
	v25 =	vmul.f32 v33, v48;
	[tilespmem:s31+$0x150] =	vst v34  }
0x113: {  	v31 =	vperm.xlane v18, v13;
	v28 =	vunpack.i.u.bf16.f32 v28;
	v23 =	vmul.f32 v23, v40;
	[tilespmem:s31+$0xFFFFFF00] =	vst v29;
	v41 =	vld [tilespmem:s2+$0xB0]  }
0x114: {  	v42 =	vperm.xlane v17, v5;
	v28 =	vmul.f32 v28, v40;
	[tilespmem:s31+$0xFFFFFF10] =	vst v25;
	v25 =	vunpack.i.l.bf16.f32 v49  }
0x115: {  	v18 =	vperm.xlane v18, v15;
	v29 =	vunpack.i.u.bf16.f32 v49;
	[tilespmem:s10+$0x80] =	vst v23;
	v23 =	vld [tilespmem:s2+$0xFFFFFF90];
	v25 =	vmul.f32 v25, v31  }
0x116: {  	v35 =	vperm.xlane v30, v10;
	v29 =	vmul.f32 v29, v31;
	[tilespmem:s10+$0x90] =	vst v28;
	v31 =	vunpack.i.l.bf16.f32 v39  }
0x117: {  	v34 =	vperm.xlane v30, v6;
	v28 =	vunpack.i.u.bf16.f32 v39;
	v52 =	vld [tilespmem:s9+$0x50];
	v51 =	vmul.f32 v31, v50;
	[tilespmem:s30+$0xFFFFFFA0] =	vst v25  }
0x118: {  	v33 =	vperm.xlane v30, v7;
	v25 =	vmul.f32 v28, v50;
	[tilespmem:s30+$0xFFFFFFB0] =	vst v29;
	v28 =	vunpack.i.l.bf16.f32 v41  }
0x119: {  	v31 =	vperm.xlane v30, v8;
	v54 =	vunpack.i.u.bf16.f32 v41;
	v55 =	vld [tilespmem:s14+$0xFFFFFFE0];
	[tilespmem:s10+$0xFFFFFE80] =	vst v51;
	v28 =	vmul.f32 v28, v53  }
0x11a: {  	v29 =	vperm.xlane v30, v9;
	[tilespmem:s10+$0xFFFFFE90] =	vst v25;
	v32 =	vmul.f32 v54, v53;
	v25 =	vunpack.i.l.bf16.f32 v23  }
0x11b: {  	v23 =	vunpack.i.u.bf16.f32 v23;
	v56 =	vld [tilespmem:s9+$0xFFFFFF50];
	v25 =	vmul.f32 v25, v27;
	[tilespmem:s31+$0x160] =	vst v28;
	v28 =	vperm.xlane v30, v11  }
0x11c: {  	v44 =	vunpack.i.l.bf16.f32 v52;
	v23 =	vmul.f32 v23, v27;
	[tilespmem:s31+$0x170] =	vst v32;
	v27 =	vperm.xlane v30, v12  }
0x11d: {  	v57 =	vunpack.i.u.bf16.f32 v52;
	v32 =	vperm.xlane v30, v15;
	v58 =	vmul.f32 v44, v42;
	v59 =	vld [tilespmem:s2+$0xC0];
	[tilespmem:s31+$0xFFFFFF20] =	vst v25  }
0x11e: {  	v42 =	vmul.f32 v57, v42;
	[tilespmem:s31+$0xFFFFFF30] =	vst v23;
	v60 =	vunpack.i.l.bf16.f32 v55;
	v41 =	vunpack.i.u.bf16.f32 v55  }
0x11f: {  	[tilespmem:s10+$0xA0] =	vst v58;
	v61 =	vmul.f32 v60, v38;
	v45 =	vmul.f32 v41, v38;
	v41 =	vld [tilespmem:s2+$0xFFFFFFA0]  }
0x120: {  	v25 =	vperm.xlane v30, v13;
	v23 =	vperm.xlane v30, v14;
	[tilespmem:s10+$0xB0] =	vst v42;
	v30 =	vunpack.i.l.bf16.f32 v56  }
0x121: {  	v38 =	vperm.xlane v16, v12;
	v62 =	vunpack.i.u.bf16.f32 v56;
	v42 =	vld [tilespmem:s9+$0x60];
	v46 =	vmul.f32 v30, v43;
	[tilespmem:s30+$0xFFFFFFC0] =	vst v61  }
0x122: {  	s16 =	simm.s32 $0x4;
	s12 =	sadd.s32 $0x3800, s29;
	v36 =	vunpack.i.l.bf16.f32 v36;
	[tilespmem:s30+$0xFFFFFFD0] =	vst v45;
	v43 =	vmul.f32 v62, v43;
	v63 =	vunpack.i.l.bf16.f32 v59  }
0x123: {  	s17 =	sadd.s32 $0x20, s15;
	s15 =	smov.u32 s9;
	v30 =	vmul.f32 v36, v37;
	v39 =	vunpack.i.u.bf16.f32 v59;
	v36 =	vld [tilespmem:s14+$0xFFFFFFF0];
	s14 =	smov.u32 s10;
	[tilespmem:s10+$0xFFFFFEA0] =	vst v46;
	v37 =	vmul.f32 v63, v38  }
.LBB2_8:
0x124: {  	v40 =	vld [tilespmem:s17+$0x0];
	[tilespmem:s10+$0xFFFFFEB0] =	vst v43;
	s9 =	sadd.s32 $0x200, s9;
	v43 =	vunpack.i.u.bf16.f32 v41;
	v41 =	vunpack.i.l.bf16.f32 v41;
	v39 =	vmul.f32 v39, v38  }
0x125: {  	v45 =	vperm.xlane v17, v6;
	v44 =	vld [tilespmem:s9+$0x0];
	v41 =	vmul.f32 v41, v26;
	[tilespmem:s31+$0x180] =	vst v37  }
0x126: {  	v43 =	vmul.f32 v43, v26;
	v26 =	vmov v35;
	v38 =	vld [tilespmem:s17+$0xFFFFFFF0];
	v37 =	vunpack.i.l.bf16.f32 v42;
	[tilespmem:s31+$0x190] =	vst v39  }
0x127: {  	v35 =	vunpack.i.u.bf16.f32 v42;
	v37 =	vmul.f32 v37, v45;
	[tilespmem:s31+$0xFFFFFF40] =	vst v41;
	v39 =	vld [tilespmem:s2+$0xD0]  }
0x128: {  	v35 =	vmul.f32 v35, v45;
	v41 =	vld [tilespmem:s9+$0xFFFFFF00];
	[tilespmem:s31+$0xFFFFFF50] =	vst v43;
	v42 =	vunpack.i.u.bf16.f32 v36;
	v36 =	vunpack.i.l.bf16.f32 v36  }
0x129: {  	v43 =	vperm.xlane v40, v0;
	v45 =	vld [tilespmem:s15+$0xFFFFFF60];
	[tilespmem:s10+$0xC0] =	vst v37;
	v36 =	vmul.f32 v36, v18  }
0x12a: {  	v42 =	vmul.f32 v42, v18;
	v18 =	vmovc v19;
	v19 =	vmov v32;
	v37 =	vunpack.i.l.bf16.f32 v44;
	[tilespmem:s10+$0xD0] =	vst v35;
	v35 =	vld [tilespmem:s2+$0xFFFFFFB0]  }
0x12b: {  	v46 =	vperm.xlane v16, v13;
	v32 =	vunpack.i.u.bf16.f32 v44;
	v37 =	vmul.f32 v37, v43;
	v44 =	vld [tilespmem:s15+$0x70];
	[tilespmem:s30+$0xFFFFFFE0] =	vst v36  }
0x12c: {  	s10 =	sadd.s32 $0x400, s10;
	v36 =	vperm.xlane v38, v0;
	v32 =	vmul.f32 v32, v43;
	v43 =	vunpack.i.l.bf16.f32 v39;
	[tilespmem:s30+$0xFFFFFFF0] =	vst v42  }
0x12d: {  	v42 =	vunpack.i.u.bf16.f32 v41;
	[tilespmem:s10+$0x0] =	vst v37;
	v37 =	vunpack.i.u.bf16.f32 v39;
	v39 =	vmul.f32 v43, v46  }
0x12e: {  	v41 =	vunpack.i.l.bf16.f32 v41;
	v42 =	vmul.f32 v42, v36;
	[tilespmem:s10+$0x10] =	vst v32;
	v32 =	vmul.f32 v37, v46  }
0x12f: {  	v47 =	vperm.xlane v17, v7;
	v36 =	vmul.f32 v41, v36;
	v46 =	vunpack.i.u.bf16.f32 v45;
	v43 =	vld [tilespmem:s9+$0x10];
	[tilespmem:s31+$0x1A0] =	vst v39  }
0x130: {  	v48 =	vperm.xlane v38, v2;
	v39 =	vperm.xlane v38, v1;
	v37 =	vunpack.i.l.bf16.f32 v44;
	[tilespmem:s31+$0x1B0] =	vst v32  }
0x131: {  	v41 =	vperm.xlane v38, v3;
	v32 =	vunpack.i.u.bf16.f32 v44;
	[tilespmem:s10+$0xFFFFFE00] =	vst v36;
	v44 =	vmul.f32 v37, v47;
	v49 =	vld [tilespmem:s2+$0xE0]  }
0x132: {  	v37 =	vperm.xlane v38, v4;
	v32 =	vmul.f32 v32, v47;
	[tilespmem:s10+$0xFFFFFE10] =	vst v42;
	v42 =	vunpack.i.l.bf16.f32 v45  }
0x133: {  	s16 =	sadd.s32 $0x2, s16;
	v36 =	vperm.xlane v38, v5;
	v47 =	vperm.xlane v40, v1;
	v45 =	vld [tilespmem:s9+$0xFFFFFF10];
	[tilespmem:s14+$0xE0] =	vst v44;
	v44 =	vunpack.i.u.bf16.f32 v35  }
0x134: {  	p1 =	slt.u32 s16, $0xE;
	v50 =	vperm.xlane v38, v6;
	v42 =	vmul.f32 v42, v34;
	v51 =	vunpack.i.l.bf16.f32 v43;
	[tilespmem:s14+$0xF0] =	vst v32  }
0x135: {  	v52 =	vperm.xlane v16, v14;
	v32 =	vunpack.i.u.bf16.f32 v43;
	v43 =	vmul.f32 v51, v47;
	v51 =	vld [tilespmem:s15+$0x80];
	[tilespmem:s30+$0x1E0] =	vst v30;
	s30 =	smov.u32 s31;
	s31 =	smov.u32 s14;
	s14 =	smov.u32 s10  }
0x136: {  	v30 =	vmul.f32 v32, v47;
	v32 =	vmul.f32 v46, v34;
	v34 =	vmovc v50;
	[tilespmem:s31+$0xFFFFFEC0] =	vst v42;
	v42 =	vunpack.i.l.bf16.f32 v49  }
0x137: {  	v46 =	vperm.xlane v38, v7;
	[tilespmem:s10+$0x20] =	vst v43;
	v43 =	vunpack.i.u.bf16.f32 v49;
	v42 =	vmul.f32 v42, v52  }
0x138: {  	v47 =	vunpack.i.u.bf16.f32 v45;
	v45 =	vunpack.i.l.bf16.f32 v45;
	[tilespmem:s10+$0x30] =	vst v30;
	v30 =	vmul.f32 v43, v52  }
0x139: {  	v50 =	vunpack.i.l.bf16.f32 v35;
	v49 =	vperm.xlane v17, v8;
	v43 =	vmul.f32 v45, v39;
	v45 =	vld [tilespmem:s9+$0x20];
	[tilespmem:s30+$0x1C0] =	vst v42  }
0x13a: {  	v35 =	vmul.f32 v47, v39;
	v42 =	vperm.xlane v38, v8;
	v47 =	vunpack.i.l.bf16.f32 v51;
	[tilespmem:s30+$0x1D0] =	vst v30  }
0x13b: {  	v39 =	vperm.xlane v38, v9;
	v30 =	vunpack.i.u.bf16.f32 v51;
	[tilespmem:s10+$0xFFFFFE20] =	vst v43;
	v43 =	vmul.f32 v47, v49;
	v47 =	vld [tilespmem:s2+$0xF0]  }
0x13c: {  	v30 =	vmul.f32 v30, v49;
	[tilespmem:s10+$0xFFFFFE30] =	vst v35;
	v35 =	vperm.xlane v38, v10  }
0x13d: {  	v52 =	vperm.xlane v40, v2;
	v51 =	vperm.xlane v38, v11;
	v49 =	vld [tilespmem:s9+$0xFFFFFF20];
	[tilespmem:s31+$0x100] =	vst v43  }
0x13e: {  	v44 =	vmul.f32 v44, v24;
	v43 =	vunpack.i.l.bf16.f32 v45;
	[tilespmem:s31+$0x110] =	vst v30;
	v30 =	vmul.f32 v50, v24;
	v24 =	vmovc v28  }
0x13f: {  	v56 =	vunpack.i.u.bf16.f32 v45;
	v50 =	vperm.xlane v16, v15;
	v16 =	vmovc v17;
	v43 =	vmul.f32 v43, v52;
	[tilespmem:s31+$0xFFFFFED0] =	vst v32;
	v45 =	vld [tilespmem:s15+$0x90]  }
0x140: {  	v53 =	vperm.xlane v38, v12;
	v17 =	vmovc v40;
	v32 =	vmul.f32 v56, v52;
	v52 =	vld [tilespmem:s15+$0xFFFFFF70];
	[tilespmem:s30+$0xFFFFFF60] =	vst v30;
	v55 =	vunpack.i.u.bf16.f32 v47  }
0x141: {  	v54 =	vperm.xlane v38, v13;
	v28 =	vmovc v51;
	v30 =	vunpack.i.l.bf16.f32 v47;
	[tilespmem:s10+$0x40] =	vst v43;
	v43 =	vmul.f32 v55, v50  }
0x142: {  	v40 =	vperm.xlane v38, v14;
	v47 =	vunpack.i.u.bf16.f32 v49;
	v49 =	vunpack.i.l.bf16.f32 v49;
	[tilespmem:s10+$0x50] =	vst v32  }
0x143: {  	v55 =	vperm.xlane v16, v9;
	v49 =	vmul.f32 v49, v48;
	v51 =	vld [tilespmem:s9+$0x30];
	[tilespmem:s30+$0x1F0] =	vst v43  }
0x144: {  	v32 =	vperm.xlane v38, v15;
	v43 =	vmul.f32 v47, v48;
	v38 =	vunpack.i.l.bf16.f32 v45;
	[tilespmem:s30+$0xFFFFFF70] =	vst v44  }
0x145: {  	v45 =	vunpack.i.u.bf16.f32 v45;
	[tilespmem:s10+$0xFFFFFE40] =	vst v49;
	v44 =	vunpack.i.u.bf16.f32 v52;
	v38 =	vmul.f32 v38, v55;
	v47 =	vld [tilespmem:s2+$0xFFFFFFC0]  }
0x146: {  	v45 =	vmul.f32 v45, v55;
	[tilespmem:s10+$0xFFFFFE50] =	vst v43;
	v43 =	vunpack.i.l.bf16.f32 v52;
	v44 =	vmul.f32 v44, v33  }
0x147: {  	v49 =	vperm.xlane v17, v3;
	v48 =	vld [tilespmem:s9+$0xFFFFFF30];
	v43 =	vmul.f32 v43, v33;
	[tilespmem:s31+$0x120] =	vst v38;
	v33 =	vmov v46  }
0x148: {  	v30 =	vmul.f32 v30, v50;
	v38 =	vunpack.i.l.bf16.f32 v51;
	[tilespmem:s31+$0x130] =	vst v45  }
0x149: {  	v45 =	vunpack.i.u.bf16.f32 v51;
	v38 =	vmul.f32 v38, v49;
	[tilespmem:s31+$0xFFFFFEE0] =	vst v43;
	v43 =	vld [tilespmem:s15+$0xA0]  }
0x14a: {  	v45 =	vmul.f32 v45, v49;
	[tilespmem:s31+$0xFFFFFEF0] =	vst v44;
	v44 =	vunpack.i.u.bf16.f32 v47;
	v46 =	vunpack.i.l.bf16.f32 v47  }
0x14b: {  	[tilespmem:s10+$0x60] =	vst v38;
	v38 =	vld [tilespmem:s15+$0xFFFFFF80];
	v46 =	vmul.f32 v46, v22;
	v44 =	vmul.f32 v44, v22;
	v22 =	vmovc v27;
	v27 =	vmov v53  }
0x14c: {  	v47 =	vunpack.i.u.bf16.f32 v48;
	v48 =	vunpack.i.l.bf16.f32 v48;
	[tilespmem:s10+$0x70] =	vst v45  }
0x14d: {  	v49 =	vperm.xlane v16, v10;
	v45 =	vmul.f32 v48, v41;
	v48 =	vld [tilespmem:s9+$0x40];
	[tilespmem:s30+$0xFFFFFF80] =	vst v46  }
0x14e: {  	v41 =	vmul.f32 v47, v41;
	v46 =	vunpack.i.l.bf16.f32 v43;
	[tilespmem:s30+$0xFFFFFF90] =	vst v44  }
0x14f: {  	v43 =	vunpack.i.u.bf16.f32 v43;
	[tilespmem:s10+$0xFFFFFE60] =	vst v45;
	v44 =	vmul.f32 v46, v49;
	v45 =	vld [tilespmem:s2+$0xFFFFFFD0]  }
0x150: {  	v43 =	vmul.f32 v43, v49;
	[tilespmem:s10+$0xFFFFFE70] =	vst v41;
	v41 =	vunpack.i.u.bf16.f32 v38;
	v38 =	vunpack.i.l.bf16.f32 v38  }
0x151: {  	v47 =	vperm.xlane v17, v4;
	v46 =	vld [tilespmem:s9+$0xFFFFFF40];
	v38 =	vmul.f32 v38, v31;
	[tilespmem:s31+$0x140] =	vst v44  }
0x152: {  	v41 =	vmul.f32 v41, v31;
	v31 =	vmov v42;
	v44 =	vunpack.i.l.bf16.f32 v48;
	[tilespmem:s31+$0x150] =	vst v43  }
0x153: {  	v42 =	vunpack.i.u.bf16.f32 v48;
	v43 =	vmul.f32 v44, v47;
	[tilespmem:s31+$0xFFFFFF00] =	vst v38;
	v38 =	vld [tilespmem:s15+$0xB0]  }
0x154: {  	v42 =	vmul.f32 v42, v47;
	[tilespmem:s31+$0xFFFFFF10] =	vst v41;
	v41 =	vunpack.i.u.bf16.f32 v45;
	v44 =	vunpack.i.l.bf16.f32 v45  }
0x155: {  	[tilespmem:s10+$0x80] =	vst v43;
	v43 =	vld [tilespmem:s15+$0xFFFFFF90];
	v44 =	vmul.f32 v44, v21;
	v41 =	vmul.f32 v41, v21;
	v21 =	vmovc v25;
	v25 =	vmov v54  }
0x156: {  	v45 =	vunpack.i.u.bf16.f32 v46;
	v46 =	vunpack.i.l.bf16.f32 v46;
	[tilespmem:s10+$0x90] =	vst v42  }
0x157: {  	v47 =	vperm.xlane v16, v11;
	v42 =	vmul.f32 v46, v37;
	v46 =	vld [tilespmem:s9+$0x50];
	[tilespmem:s30+$0xFFFFFFA0] =	vst v44  }
0x158: {  	v37 =	vmul.f32 v45, v37;
	v44 =	vunpack.i.l.bf16.f32 v38;
	[tilespmem:s30+$0xFFFFFFB0] =	vst v41  }
0x159: {  	v38 =	vunpack.i.u.bf16.f32 v38;
	[tilespmem:s10+$0xFFFFFE80] =	vst v42;
	v41 =	vmul.f32 v44, v47;
	v42 =	vld [tilespmem:s2+$0xFFFFFFE0]  }
0x15a: {  	v38 =	vmul.f32 v38, v47;
	[tilespmem:s10+$0xFFFFFE90] =	vst v37;
	v37 =	vunpack.i.u.bf16.f32 v43;
	v43 =	vunpack.i.l.bf16.f32 v43  }
0x15b: {  	v45 =	vperm.xlane v17, v5;
	v44 =	vld [tilespmem:s9+$0xFFFFFF50];
	v43 =	vmul.f32 v43, v29;
	[tilespmem:s31+$0x160] =	vst v41  }
0x15c: {  	v37 =	vmul.f32 v37, v29;
	v29 =	vmov v39;
	v41 =	vunpack.i.l.bf16.f32 v46;
	[tilespmem:s31+$0x170] =	vst v38  }
0x15d: {  	v38 =	vunpack.i.u.bf16.f32 v46;
	v39 =	vmul.f32 v41, v45;
	[tilespmem:s31+$0xFFFFFF20] =	vst v43;
	v46 =	vld [tilespmem:s15+$0xC0]  }
0x15e: {  	v38 =	vmul.f32 v38, v45;
	[tilespmem:s31+$0xFFFFFF30] =	vst v37;
	v37 =	vunpack.i.u.bf16.f32 v42;
	v42 =	vunpack.i.l.bf16.f32 v42  }
.Ltmp3:
0x15f: {  	[tilespmem:s10+$0xA0] =	vst v39;
	v41 =	vld [tilespmem:s15+$0xFFFFFFA0];
	v39 =	vmul.f32 v42, v20;
	v37 =	vmul.f32 v37, v20;
	v20 =	vmovc v23;
	v23 =	vmov v40;
	(pc) =	sbr.rel @p1 .LBB2_8-.Ltmp3, $4  }
0x160: {  	v40 =	vunpack.i.u.bf16.f32 v44;
	v42 =	vunpack.i.l.bf16.f32 v44;
	[tilespmem:s10+$0xB0] =	vst v38  }
0x161: {  	v38 =	vperm.xlane v16, v12;
	v44 =	vmul.f32 v42, v36;
	v42 =	vld [tilespmem:s9+$0x60];
	[tilespmem:s30+$0xFFFFFFC0] =	vst v39  }
0x162: {  	v43 =	vmul.f32 v40, v36;
	v36 =	vunpack.i.l.bf16.f32 v46;
	[tilespmem:s30+$0xFFFFFFD0] =	vst v37  }
0x163: {  	s17 =	sadd.s32 $0x20, s17;
	v39 =	vunpack.i.u.bf16.f32 v46;
	[tilespmem:s10+$0xFFFFFEA0] =	vst v44;
	v37 =	vmul.f32 v36, v38;
	v36 =	vld [tilespmem:s2+$0xFFFFFFF0];
	s2 =	smov.u32 s15;
	s15 =	smov.u32 s9  }
0x164: {  	[tilespmem:s10+$0xFFFFFEB0] =	vst v43  }
0x165: {  	v40 =	vld [tilespmem:s15+$0xFFFFFF60];
	_ =	sdelay $0x1  }
0x166: {  	v61 =	vperm.xlane v17, v6  }
0x167: {  	v44 =	vunpack.i.l.bf16.f32 v42  }
0x168: {  	v62 =	vunpack.i.u.bf16.f32 v42;
	v44 =	vmul.f32 v44, v61  }
0x169: {  	v42 =	vmul.f32 v62, v61;
	v63 =	vunpack.i.l.bf16.f32 v40  }
0x16a: {  	[tilespmem:s10+$0xC0] =	vst v44;
	v40 =	vunpack.i.u.bf16.f32 v40;
	v43 =	vmul.f32 v63, v34  }
0x16b: {  	[tilespmem:s10+$0xD0] =	vst v42;
	v45 =	vmul.f32 v40, v34  }
0x16c: {  	v46 =	vld [tilespmem:s15+$0x70];
	[tilespmem:s14+$0xFFFFFEC0] =	vst v43  }
0x16d: {  	[tilespmem:s14+$0xFFFFFED0] =	vst v45  }
0x16e: {  	v34 =	vld [tilespmem:s15+$0xFFFFFF70];
	_ =	sdelay $0x1  }
0x16f: {  	v47 =	vperm.xlane v17, v7  }
0x170: {  	v48 =	vunpack.i.l.bf16.f32 v46  }
0x171: {  	v40 =	vunpack.i.u.bf16.f32 v46;
	v43 =	vmul.f32 v48, v47  }
0x172: {  	v40 =	vmul.f32 v40, v47;
	v49 =	vunpack.i.l.bf16.f32 v34  }
0x173: {  	[tilespmem:s14+$0xE0] =	vst v43;
	v34 =	vunpack.i.u.bf16.f32 v34;
	v42 =	vmul.f32 v49, v33  }
0x174: {  	[tilespmem:s14+$0xF0] =	vst v40;
	v50 =	vmul.f32 v34, v33  }
0x175: {  	v51 =	vld [tilespmem:s15+$0x80];
	[tilespmem:s14+$0xFFFFFEE0] =	vst v42  }
0x176: {  	[tilespmem:s14+$0xFFFFFEF0] =	vst v50  }
0x177: {  	v33 =	vld [tilespmem:s15+$0xFFFFFF80];
	_ =	sdelay $0x1  }
0x178: {  	v52 =	vperm.xlane v17, v8  }
0x179: {  	v53 =	vunpack.i.l.bf16.f32 v51  }
0x17a: {  	v34 =	vunpack.i.u.bf16.f32 v51;
	v42 =	vmul.f32 v53, v52  }
0x17b: {  	v34 =	vmul.f32 v34, v52;
	v54 =	vunpack.i.l.bf16.f32 v33  }
0x17c: {  	[tilespmem:s14+$0x100] =	vst v42;
	v33 =	vunpack.i.u.bf16.f32 v33;
	v40 =	vmul.f32 v54, v31  }
0x17d: {  	[tilespmem:s14+$0x110] =	vst v34;
	v55 =	vmul.f32 v33, v31  }
0x17e: {  	v56 =	vld [tilespmem:s15+$0x90];
	[tilespmem:s14+$0xFFFFFF00] =	vst v40  }
0x17f: {  	[tilespmem:s14+$0xFFFFFF10] =	vst v55  }
0x180: {  	v31 =	vld [tilespmem:s15+$0xFFFFFF90];
	_ =	sdelay $0x1  }
0x181: {  	v57 =	vperm.xlane v17, v9  }
0x182: {  	v58 =	vunpack.i.l.bf16.f32 v56  }
0x183: {  	v33 =	vunpack.i.u.bf16.f32 v56;
	v40 =	vmul.f32 v58, v57  }
0x184: {  	v33 =	vmul.f32 v33, v57;
	v59 =	vunpack.i.l.bf16.f32 v31  }
0x185: {  	[tilespmem:s14+$0x120] =	vst v40;
	v31 =	vunpack.i.u.bf16.f32 v31;
	v34 =	vmul.f32 v59, v29  }
0x186: {  	[tilespmem:s14+$0x130] =	vst v33;
	v60 =	vmul.f32 v31, v29  }
0x187: {  	v61 =	vld [tilespmem:s15+$0xA0];
	[tilespmem:s14+$0xFFFFFF20] =	vst v34  }
0x188: {  	[tilespmem:s14+$0xFFFFFF30] =	vst v60  }
0x189: {  	v63 =	vunpack.i.u.bf16.f32 v41;
	v29 =	vld [tilespmem:s15+$0xFFFFFFA0]  }
0x18a: {  	v62 =	vunpack.i.l.bf16.f32 v41;
	v45 =	vmul.f32 v63, v26  }
0x18b: {  	v44 =	vperm.xlane v17, v10;
	v33 =	vmul.f32 v62, v26  }
0x18c: {  	[tilespmem:s31+$0xFFFFFF50] =	vst v45;
	v46 =	vunpack.i.l.bf16.f32 v61  }
0x18d: {  	[tilespmem:s31+$0xFFFFFF40] =	vst v33;
	v31 =	vunpack.i.u.bf16.f32 v61;
	v47 =	vmul.f32 v46, v44  }
0x18e: {  	v50 =	vld [tilespmem:s2+$0xFFFFFFB0];
	v48 =	vmul.f32 v31, v44;
	v49 =	vunpack.i.l.bf16.f32 v29  }
0x18f: {  	[tilespmem:s14+$0x140] =	vst v47;
	v29 =	vunpack.i.u.bf16.f32 v29;
	v31 =	vmul.f32 v49, v35  }
0x190: {  	[tilespmem:s14+$0x150] =	vst v48;
	v51 =	vmul.f32 v29, v35  }
0x191: {  	v52 =	vld [tilespmem:s15+$0xB0];
	[tilespmem:s14+$0xFFFFFF40] =	vst v31  }
0x192: {  	[tilespmem:s14+$0xFFFFFF50] =	vst v51  }
0x193: {  	v54 =	vunpack.i.u.bf16.f32 v50;
	v26 =	vld [tilespmem:s15+$0xFFFFFFB0]  }
0x194: {  	v53 =	vunpack.i.l.bf16.f32 v50;
	v56 =	vmul.f32 v54, v24  }
0x195: {  	v55 =	vperm.xlane v17, v11;
	v31 =	vmul.f32 v53, v24  }
0x196: {  	[tilespmem:s31+$0xFFFFFF70] =	vst v56;
	v57 =	vunpack.i.l.bf16.f32 v52  }
0x197: {  	[tilespmem:s31+$0xFFFFFF60] =	vst v31;
	v29 =	vunpack.i.u.bf16.f32 v52;
	v58 =	vmul.f32 v57, v55  }
0x198: {  	v59 =	vmul.f32 v29, v55;
	v61 =	vld [tilespmem:s2+$0xFFFFFFC0];
	v60 =	vunpack.i.l.bf16.f32 v26  }
0x199: {  	[tilespmem:s14+$0x160] =	vst v58;
	v26 =	vunpack.i.u.bf16.f32 v26;
	v29 =	vmul.f32 v60, v28  }
0x19a: {  	[tilespmem:s14+$0x170] =	vst v59;
	v62 =	vmul.f32 v26, v28  }
0x19b: {  	v63 =	vld [tilespmem:s15+$0xC0];
	[tilespmem:s14+$0xFFFFFF60] =	vst v29  }
0x19c: {  	[tilespmem:s14+$0xFFFFFF70] =	vst v62  }
0x19d: {  	v39 =	vmul.f32 v39, v38;
	v40 =	vunpack.i.l.bf16.f32 v61;
	v24 =	vld [tilespmem:s15+$0xFFFFFFC0]  }
0x19e: {  	[tilespmem:s31+$0x180] =	vst v37;
	v41 =	vunpack.i.u.bf16.f32 v61;
	v29 =	vmul.f32 v40, v22  }
0x19f: {  	[tilespmem:s31+$0x190] =	vst v39;
	v42 =	vperm.xlane v17, v12;
	v43 =	vmul.f32 v41, v22  }
0x1a0: {  	v45 =	vld [tilespmem:s2+$0xD0];
	v44 =	vunpack.i.l.bf16.f32 v63;
	[tilespmem:s31+$0xFFFFFF80] =	vst v29  }
0x1a1: {  	v26 =	vunpack.i.u.bf16.f32 v63;
	[tilespmem:s31+$0xFFFFFF90] =	vst v43;
	v28 =	vmul.f32 v44, v42  }
0x1a2: {  	v46 =	vmul.f32 v26, v42;
	v29 =	vld [tilespmem:s2+$0xFFFFFFD0];
	v47 =	vunpack.i.l.bf16.f32 v24  }
0x1a3: {  	[tilespmem:s14+$0x180] =	vst v28;
	v24 =	vunpack.i.u.bf16.f32 v24;
	v26 =	vmul.f32 v47, v27  }
0x1a4: {  	v49 =	vperm.xlane v16, v13;
	[tilespmem:s14+$0x190] =	vst v46;
	v48 =	vmul.f32 v24, v27  }
0x1a5: {  	v52 =	vunpack.i.u.bf16.f32 v45;
	v50 =	vld [tilespmem:s15+$0xD0];
	[tilespmem:s14+$0xFFFFFF80] =	vst v26  }
0x1a6: {  	v51 =	vunpack.i.l.bf16.f32 v45;
	v22 =	vmul.f32 v52, v49;
	[tilespmem:s14+$0xFFFFFF90] =	vst v48  }
0x1a7: {  	v54 =	vunpack.i.l.bf16.f32 v29;
	v26 =	vmul.f32 v51, v49;
	v53 =	vld [tilespmem:s15+$0xFFFFFFD0]  }
0x1a8: {  	[tilespmem:s31+$0x1B0] =	vst v22;
	v55 =	vunpack.i.u.bf16.f32 v29;
	v24 =	vmul.f32 v54, v21  }
0x1a9: {  	v56 =	vperm.xlane v17, v13;
	v57 =	vmul.f32 v55, v21;
	[tilespmem:s31+$0x1A0] =	vst v26  }
0x1aa: {  	v58 =	vunpack.i.l.bf16.f32 v50;
	[tilespmem:s31+$0xFFFFFFA0] =	vst v24;
	v59 =	vld [tilespmem:s2+$0xE0]  }
0x1ab: {  	v60 =	vunpack.i.u.bf16.f32 v50;
	[tilespmem:s31+$0xFFFFFFB0] =	vst v57;
	v22 =	vmul.f32 v58, v56  }
0x1ac: {  	v61 =	vmul.f32 v60, v56;
	v63 =	vld [tilespmem:s2+$0xFFFFFFE0];
	v62 =	vunpack.i.l.bf16.f32 v53  }
0x1ad: {  	[tilespmem:s14+$0x1A0] =	vst v22;
	v28 =	vunpack.i.u.bf16.f32 v53;
	v24 =	vmul.f32 v62, v25  }
0x1ae: {  	v31 =	vperm.xlane v16, v14;
	[tilespmem:s14+$0x1B0] =	vst v61;
	v29 =	vmul.f32 v28, v25  }
0x1af: {  	v33 =	vld [tilespmem:s15+$0xE0];
	v34 =	vunpack.i.l.bf16.f32 v59;
	[tilespmem:s14+$0xFFFFFFA0] =	vst v24  }
0x1b0: {  	v35 =	vunpack.i.u.bf16.f32 v59;
	[tilespmem:s14+$0xFFFFFFB0] =	vst v29;
	v24 =	vmul.f32 v34, v31  }
0x1b1: {  	v38 =	vunpack.i.l.bf16.f32 v63;
	v21 =	vmul.f32 v35, v31;
	v37 =	vld [tilespmem:s15+$0xFFFFFFE0]  }
0x1b2: {  	v39 =	vunpack.i.u.bf16.f32 v63;
	v22 =	vmul.f32 v38, v20;
	[tilespmem:s31+$0x1C0] =	vst v24  }
0x1b3: {  	v40 =	vperm.xlane v17, v14;
	v41 =	vmul.f32 v39, v20;
	[tilespmem:s31+$0x1D0] =	vst v21  }
0x1b4: {  	v42 =	vunpack.i.l.bf16.f32 v33;
	[tilespmem:s31+$0xFFFFFFC0] =	vst v22  }
0x1b5: {  	v43 =	vunpack.i.u.bf16.f32 v33;
	[tilespmem:s31+$0xFFFFFFD0] =	vst v41;
	v21 =	vmul.f32 v42, v40;
	v44 =	vld [tilespmem:s2+$0xF0]  }
0x1b6: {  	[tilespmem:s30+$0x1E0] =	vst v30;
	v45 =	vmul.f32 v43, v40;
	v47 =	vld [tilespmem:s2+$0xFFFFFFF0];
	v46 =	vunpack.i.l.bf16.f32 v37  }
0x1b7: {  	[tilespmem:s14+$0x1C0] =	vst v21;
	v48 =	vunpack.i.u.bf16.f32 v37;
	v22 =	vmul.f32 v46, v23  }
0x1b8: {  	v49 =	vunpack.i.l.bf16.f32 v36;
	[tilespmem:s14+$0x1D0] =	vst v45;
	v50 =	vmul.f32 v48, v23  }
0x1b9: {  	v16 =	vperm.xlane v16, v15;
	v51 =	vunpack.i.u.bf16.f32 v36;
	v52 =	vmul.f32 v49, v18;
	v54 =	vld [tilespmem:s15+$0xF0];
	[tilespmem:s14+$0xFFFFFFC0] =	vst v22  }
0x1ba: {  	v53 =	vmul.f32 v51, v18;
	v55 =	vunpack.i.u.bf16.f32 v44;
	[tilespmem:s14+$0xFFFFFFD0] =	vst v50  }
0x1bb: {  	[tilespmem:s30+$0xFFFFFFE0] =	vst v52;
	v57 =	vunpack.i.l.bf16.f32 v47;
	v56 =	vmul.f32 v55, v16;
	v22 =	vld [tilespmem:s15+$0xFFFFFFF0]  }
0x1bc: {  	[tilespmem:s30+$0xFFFFFFF0] =	vst v53;
	v58 =	vunpack.i.u.bf16.f32 v47;
	v20 =	vmul.f32 v57, v19  }
0x1bd: {  	v17 =	vperm.xlane v17, v15;
	v24 =	vunpack.i.l.bf16.f32 v44;
	v59 =	vmul.f32 v58, v19;
	[tilespmem:s31+$0x1F0] =	vst v56  }
0x1be: {  	v16 =	vmul.f32 v24, v16;
	[tilespmem:s31+$0xFFFFFFE0] =	vst v20;
	v60 =	vunpack.i.u.bf16.f32 v54  }
0x1bf: {  	[tilespmem:s31+$0xFFFFFFF0] =	vst v59;
	v63 =	vunpack.i.l.bf16.f32 v54;
	v61 =	vmul.f32 v60, v17  }
0x1c0: {  	[tilespmem:s31+$0x1E0] =	vst v16;
	v17 =	vmul.f32 v63, v17;
	v62 =	vunpack.i.l.bf16.f32 v22  }
0x1c1: {  	[tilespmem:s14+$0x1F0] =	vst v61;
	v16 =	vunpack.i.u.bf16.f32 v22;
	v19 =	vmul.f32 v62, v32  }
0x1c2: {  	[tilespmem:s14+$0x1E0] =	vst v17;
	v16 =	vmul.f32 v16, v32  }
0x1c3: {  	p1 =	slt.u32 s26, $0xC8;
	s30 =	sshll.u32 s28, $0x8;
	[tilespmem:s14+$0xFFFFFFE0] =	vst v19  }
.Ltmp4:
0x1c4: {  	s9 =	sadd.s32 $0x300, s30;
	[tilespmem:s14+$0xFFFFFFF0] =	vst v16;
	(pc) =	sbr.rel @p1 .LBB2_3-.Ltmp4, $4  }
0x1c5: {  	[spmem:s6] =	stream.indirect.scatter.add.f32 [tilespmem:s12], [sflag:$0x2], $0x20, s9, s24, $0xb8;
	[tilespmem:$0x1FF00] =	vst v63  }
0x1c6: {  	s2 =	sadd.s32 $0x380, s30;
	s31 =	sadd.s32 $0x4800, s29  }
0x1c7: {  	[spmem:s6] =	stream.indirect.scatter.add.f32 [tilespmem:s31], [sflag:$0x2], $0x20, s2, s24, $0xb8;
	[tilespmem:$0x1FF00] =	vst v63  }
0x1c8: {  	s2 =	smov.u32 s26  }
0x1c9: {  	_ =	swait.ge [sflag:s5], $0x1000  }
0x1ca: {  	[sflag:s5] =	ssyncset.done $0x0  }
0x1cb: {  	[sflag:s5] =	ssyncadd.s32 $0xFFFFF000  }
0x1cc: {  	_ =	swait.ge [sflag:s5], $0x1000  }
0x1cd: {  	[sflag:s5] =	ssyncset.done $0x0  }
0x1ce: {  	[sflag:s5] =	ssyncadd.s32 $0xFFFFF000  }
0x1cf: {  	_ =	swait.ge [sflag:s5], $0x1000  }
0x1d0: {  	[sflag:s5] =	ssyncset.done $0x0  }
0x1d1: {  	[sflag:s5] =	ssyncadd.s32 $0xFFFFF000  }
0x1d2: {  	_ =	swait.ge [sflag:s5], $0x1000  }
0x1d3: {  	s2 =	smul.u32 $0xC380, s22;
	[sflag:s5] =	ssyncset.done $0x0  }
0x1d4: {  	s9 =	rddreg [dreg:$0x7];
	[sflag:s5] =	ssyncadd.s32 $0xFFFFF000  }
0x1d5: {  	s2 =	sadd.s32 s9, s2;
	[bflag:$0x0] =	sbarrier.arrive $0xFFFF  }
0x1d6: {  	s2 =	sshll.u32 s2, $0x2;
	s31 =	rddreg [dreg:$0x4]  }
0x1d7: {  	s2 =	sadd.s32 s31, s2  }
0x1d8: {  	[hbm:s2], [sflag:s13] =	dma.local [spmem:s19], $0x30E0  }
.Ltmp5:
0x1d9: {  	_ =	swait.ge [sflag:s20], $0x30E0;
	(pc) =	sbr.rel @p0 .LBB2_2-.Ltmp5, $4  }
0x1da: {  	[sflag:s20] =	ssyncset.done $0x0  }
0x1db: {  	[sflag:s20] =	ssyncadd.s32 $0xFFFFCF20  }
0x1dc: {  	[bflag:$0x0] =	sbarrier.arrive $0xFFFF  }
0x1dd: {  	p1 =	por $0x0, $0x0;
	s2 =	simm.s32 $0x1  }
0x1de: {  	s9 =	rddreg [dreg:$0xf]  }
0x1df: {  	s2 =	rddreg [dreg:$0xe];
	s9 =	sadd.s32 $0x1, s9  }
0x1e0: {  	p0 =	sne.s32 s9, s2  }
.Ltmp6:
0x1e1: {  	_ = 	snop;
	(pc) =	sbr.rel @p0 .LBB2_1-.Ltmp6, $1  }
0x1e2: {  	_ =	sdelay $0x3  }
0x1e3: {  	_ =	sfence.sel $0x180000  }
0x1e4: {  	[bflag:$0x0] =	sbarrier.arrive $0xFFFF  }
0x1e5: {  	_ =	strace $0x90000047  }
0x1e6: {  	s0 =	stileid.u32;
	[bflag:$0x2] =	sbarrier.arrive $0xFFFF  }
0x1e7: {  	p0 =	sne.s32 s0, $0x0;
	s0 =	rddreg [dreg:$0x6]  }
0x1e8: {  	s0 =	sadd.s32 @!p0 $0x100000, s0  }
0x1e9: {  	[sflag:s0] =	ssyncadd.tile.s32 @!p0 $0x1;
	_ =	shalt  }
.Lfunc_end2:
_tile_overlayer_lowered:
.L_overlay_start_2:
0x1ea: {  	(tag) =	ssettag $0x2  }
0x1eb: {  	s0 =	rddreg [dreg:$0x0];
	s2 =	stileid.u32  }
0x1ec: {  	s1 =	rddreg [dreg:$0x1];
	p0 =	sne.s32 s2, $0x0  }
0x1ed: {  	s3 =	rddreg [dreg:$0x2];
	[bflag:$0x3] =	sbarrier.arrive $0xFFFF;
	s2 =	simm.s32 @!p0 $0x1C05  }
0x1ee: {  	[timem:s3], [sflag:s2] =	dma.local @!p0 [hbm:s0], s1  }
0x1ef: {  	s0 =	simm.s32 @!p0 $0x5  }
0x1f0: {  	_ =	swait.ge @!p0 [sflag:s0], s1  }
0x1f1: {  	s1 =	ssub.s32 @!p0 $0x0, s1;
	[sflag:s0] =	ssyncset.done @!p0 $0x0  }
0x1f2: {  	[sflag:s0] =	ssyncadd.s32 @!p0 s1  }
0x1f3: {  	[bflag:$0x3] =	sbarrier.arrive $0xFFFF  }
0x1f4: {  	_ =	shalt  }

// kernel: kernel.13.cloned.1.call-start
scs
__scs_entry_jumppad:
0x0: {  	(pc) =	sbr.rel $0x88, $3  }
0x1: {  	(tag) =	ssettag $0x0;
	lr =	simm.s32 $0x1  }
0x2: {  	[smem:$0x3F8D] =	sst lr;
	_ =	strace $0xD0000000  }
0x3: {  	_ = 	snop  }
0x4: {  	_ = 	snop  }
0x5: {  	_ = 	snop  }
0x6: {  	_ = 	snop  }
0x7: {  	_ = 	snop  }
__scs_overlays_trampoline_lowered:
0x8: {  	[smem:$0x3F9C] =	sst s0  }
0x9: {  	[smem:$0x3F9D] =	sst s1  }
0xa: {  	[smem:$0x3F9E] =	sst s2  }
0xb: {  	[smem:$0x3F9F] =	sst s3  }
0xc: {  	[smem:$0x3FA0] =	sst s4  }
0xd: {  	[smem:$0x3FA1] =	sst s5  }
0xe: {  	[smem:$0x3FA2] =	sst s6  }
0xf: {  	[smem:$0x3FA3] =	sst s7  }
0x10: {  	[smem:$0x3FA4] =	sst s8  }
0x11: {  	[smem:$0x3FA5] =	sst s9;
	s0 =	simm.s32 @!p0 $0x0  }
0x12: {  	s1 =	sld [smem:$0x3F8B];
	s0 =	simm.s32 @p0 $0x1  }
0x13: {  	[smem:$0x3FA6] =	sst s0;
	s0 =	simm.s32 @!p1 $0x0  }
0x14: {  	s2 =	sld [smem:$0x3F8A];
	s0 =	simm.s32 @p1 $0x1  }
0x15: {  	[smem:$0x3FA7] =	sst s0;
	s0 =	simm.s32 @!p2 $0x0  }
0x16: {  	s3 =	sld [smem:$0x3FDB];
	s0 =	simm.s32 @p2 $0x1  }
0x17: {  	s4 =	simm.s32 $0x1BF5;
	[smem:$0x3FA9] =	sst s0  }
0x18: {  	s0 =	sld [smem:$0x3F8C];
	_ =	swait.ge [sflag:s4], $0x0  }
0x19: {  	s7 =	sld [smem:$0x3F8D]  }
0x1a: {  	s8 =	sadd.s32 $0xFFFFE003, lr  }
0x1b: {  	s9 =	sadd.s32 $0xFFFFFEF7, lr;
	s5 =	simm.s32 $0xFFFFFFFF;
	p2 =	slt.u32 s8, $0xFFFFF086  }
0x1c: {  	p1 =	slt.u32 s9, $0xF7A;
	s5 =	simm.s32 @!p2 $0x0  }
0x1d: {  	s5 =	simm.s32 @p1 $0x1;
	p0 =	seq.s32 s7, s2  }
0x1e: {  	s7 =	smul.u32 @!p0 $0xF7A, s2;
	p2 =	seq.s32 @!p0 s5, $0x0  }
0x1f: {  	s9 =	smul.u32 $0xF7A, s1;
	s8 =	simm.s32 @!p0 $0x1BF5;
	p2 =	por !p2, p0  }
0x20: {  	[sflag:s8] =	ssyncset.s32 @!p0 $0xFFFFF086;
	s6 =	sadd.s32 @!p0 s3, s7;
	s7 =	simm.s32 @!p0 $0x108  }
0x21: {  	s3 =	sadd.s32 s3, s9;
	s6 =	sadd.s32 @!p0 $0x88, s6;
	s7 =	simm.s32 @p2 $0x1082  }
0x22: {  	[simem:s7], [sflag:s8] =	dma.local @!p0 [hbm:s6], $0xF7A  }
0x23: {  	s9 =	sor.u32 $0xD0000000, s2;
	s6 =	simm.s32 $0x108;
	_ =	swait.ge @!p0 [sflag:s8], $0x0  }
0x24: {  	s3 =	sadd.s32 $0x88, s3;
	s6 =	simm.s32 @!p1 $0x1082;
	[sflag:s4] =	ssyncset.s32 $0xFFFFF086  }
0x25: {  	[simem:s6], [sflag:s4] =	dma.local [hbm:s3], $0xF7A  }
0x26: {  	[smem:$0x3F8D] =	sst s1;
	(tag) =	ssettag s2;
	_ =	strace s9  }
0x27: {  	s1 =	sld [smem:$0x3F9D]  }
0x28: {  	s2 =	sld [smem:$0x3F9E]  }
0x29: {  	s4 =	sld [smem:$0x3FA0]  }
0x2a: {  	p0 =	seq.s32 s5, $0x0;
	s5 =	sld [smem:$0x3FA1]  }
0x2b: {  	s6 =	sld [smem:$0x3FA2]  }
0x2c: {  	s7 =	sld [smem:$0x3FA3]  }
0x2d: {  	s3 =	simm.s32 $0x108;
	s8 =	sld [smem:$0x3FA4]  }
0x2e: {  	s3 =	simm.s32 @!p0 $0x1082;
	s9 =	sld [smem:$0x3FA5]  }
0x2f: {  	lr =	sadd.s32 s0, s3;
	s0 =	sld [smem:$0x3F9C]  }
0x30: {  	s3 =	sld [smem:$0x3F9F]  }
0x31: {  	[smem:$0x3FA8] =	sst s10  }
0x32: {  	s10 =	sld [smem:$0x3FA6];
	_ =	sdelay $0x3  }
0x33: {  	p0 =	seq.s32 s10, $0x1;
	s10 =	sld [smem:$0x3FA8];
	_ =	sdelay $0x3  }
0x34: {  	[smem:$0x3FA8] =	sst s10  }
0x35: {  	s10 =	sld [smem:$0x3FA7];
	_ =	sdelay $0x3  }
0x36: {  	p1 =	seq.s32 s10, $0x1;
	s10 =	sld [smem:$0x3FA8];
	_ =	sdelay $0x3  }
0x37: {  	[smem:$0x3FA8] =	sst s10  }
0x38: {  	s10 =	sld [smem:$0x3FA9]  }
0x39: {  	_ = 	snop;
	(pc) =	sbr.ind lr, $3  }
0x3a: {  	_ = 	snop  }
0x3b: {  	_ = 	snop  }
0x3c: {  	p2 =	seq.s32 s10, $0x1;
	s10 =	sld [smem:$0x3FA8]  }
0x3d: {  	_ =	shalt  }
0x3e: {  	_ =	shalt  }
0x3f: {  	_ =	shalt  }
0x40: {  	_ =	shalt  }
0x41: {  	_ =	shalt  }
0x42: {  	_ =	shalt  }
0x43: {  	_ =	shalt  }
0x44: {  	_ =	shalt  }
0x45: {  	_ =	shalt  }
0x46: {  	_ =	shalt  }
0x47: {  	_ =	shalt  }
0x48: {  	_ =	shalt  }
0x49: {  	_ =	shalt  }
0x4a: {  	_ =	shalt  }
0x4b: {  	_ =	shalt  }
0x4c: {  	_ =	shalt  }
0x4d: {  	_ =	shalt  }
0x4e: {  	_ =	shalt  }
0x4f: {  	_ =	shalt  }
0x50: {  	_ =	shalt  }
0x51: {  	_ =	shalt  }
0x52: {  	_ =	shalt  }
0x53: {  	_ =	shalt  }
0x54: {  	_ =	shalt  }
0x55: {  	_ =	shalt  }
0x56: {  	_ =	shalt  }
0x57: {  	_ =	shalt  }
0x58: {  	_ =	shalt  }
0x59: {  	_ =	shalt  }
0x5a: {  	_ =	shalt  }
0x5b: {  	_ =	shalt  }
0x5c: {  	_ =	shalt  }
0x5d: {  	_ =	shalt  }
0x5e: {  	_ =	shalt  }
0x5f: {  	_ =	shalt  }
0x60: {  	_ =	shalt  }
0x61: {  	_ =	shalt  }
0x62: {  	_ =	shalt  }
0x63: {  	_ =	shalt  }
0x64: {  	_ =	shalt  }
0x65: {  	_ =	shalt  }
0x66: {  	_ =	shalt  }
0x67: {  	_ =	shalt  }
0x68: {  	_ =	shalt  }
0x69: {  	_ =	shalt  }
0x6a: {  	_ =	shalt  }
0x6b: {  	_ =	shalt  }
0x6c: {  	_ =	shalt  }
0x6d: {  	_ =	shalt  }
0x6e: {  	_ =	shalt  }
0x6f: {  	_ =	shalt  }
0x70: {  	_ =	shalt  }
0x71: {  	_ =	shalt  }
0x72: {  	_ =	shalt  }
0x73: {  	_ =	shalt  }
0x74: {  	_ =	shalt  }
0x75: {  	_ =	shalt  }
0x76: {  	_ =	shalt  }
0x77: {  	_ =	shalt  }
0x78: {  	_ =	shalt  }
0x79: {  	_ =	shalt  }
0x7a: {  	_ =	shalt  }
0x7b: {  	_ =	shalt  }
0x7c: {  	_ =	shalt  }
0x7d: {  	_ =	shalt  }
0x7e: {  	_ =	shalt  }
0x7f: {  	_ =	shalt  }
0x80: {  	_ =	shalt  }
0x81: {  	_ =	shalt  }
0x82: {  	_ =	shalt  }
0x83: {  	_ =	shalt  }
0x84: {  	_ =	shalt  }
0x85: {  	_ =	shalt  }
0x86: {  	_ =	shalt  }
0x87: {  	_ =	shalt  }
.Lfunc_end0:
.L_simem_size_0:
called_computation.5_lowered:
.L_overlay_start_0:
0x88: {  	s2 =	sld [smem:$0x3FD9]  }
0x89: {  	s3 =	sld [smem:$0x3FFE];
	_ =	sdelay $0x1  }
0x8a: {  	s1 =	srdreg.scid  }
0x8b: {  	s0 =	sand.u32 $0x1, s1  }
0x8c: {  	s13 =	sshll.u32 s0, $0xA;
	s2 =	sadd.s32 s3, s2  }
0x8d: {  	s2 =	sadd.s32 s2, s13  }
0x8e: {  	[smem:$0x3FB4] =	sst s2  }
0x8f: {  	_ = 	snop  }
0x90: {  	s14 =	sld [smem:$0x3FD0];
	_ =	sdelay $0x3  }
0x91: {  	s6 =	simm.s32 $0xE;
	s4 =	simm.s32 $0x10;
	s15 =	sadd.s32 $0x1, s14  }
0x92: {  	[smem:s4], [sflag:s6] =	dma.local [hbm:s15], $0x1  }
0x93: {  	_ =	swait.eq [sflag:s6], $0x1  }
0x94: {  	[sflag:s6] =	ssyncset.done $0x0  }
0x95: {  	[sflag:s6] =	ssyncadd.s32 $0xFFFFFFFF  }
0x96: {  	s16 =	sld [smem:$0x13]  }
0x97: {  	[smem:s4], [sflag:s6] =	dma.local [hbm:s14], $0x1  }
0x98: {  	_ =	swait.eq [sflag:s6], $0x1  }
0x99: {  	s5 =	sld [smem:$0x11];
	[sflag:s6] =	ssyncset.done $0x0  }
0x9a: {  	s17 =	sld [smem:$0x12];
	[sflag:s6] =	ssyncadd.s32 $0xFFFFFFFF  }
0x9b: {  	s18 =	sld [smem:$0x13];
	(tm) =	ssettm $0x1  }
0x9c: {  	s19 =	sld [smem:$0x3FFB];
	_ =	sdelay $0x3  }
0x9d: {  	_ =	strace s19  }
0x9e: {  	s3 =	sld [smem:$0x3FFC];
	_ =	sdelay $0x3  }
0x9f: {  	_ =	strace s3  }
0xa0: {  	s3 =	sld [smem:$0x3FFD];
	_ =	sdelay $0x3  }
0xa1: {  	_ =	strace s3  }
0xa2: {  	_ =	strace $0x8FFFFFFF  }
0xa3: {  	s20 =	sld [smem:$0x3FDB];
	_ =	sdelay $0x1  }
0xa4: {  	s7 =	simm.s32 $_scs_section_size  }
0xa5: {  	s8 =	simm.s32 $_size__tile_overlayer_lowered;
	s9 =	simm.s32 $_tile_overlayer_lowered  }
0xa6: {  	s10 =	simm.s32 $0x1BFF;
	s21 =	sshll.u32 s9, $0x1;
	s7 =	sadd.s32 s7, s20  }
0xa7: {  	s22 =	simm.s32 $0x0;
	s8 =	sshll.u32 s8, $0x1;
	s9 =	sadd.s32 s21, s7  }
0xa8: {  	[timem:s22], [sflag:s10] =	dma.local [hbm:s9], s8  }
0xa9: {  	_ =	swait.ge [sflag:s10], s8  }
0xaa: {  	s8 =	ssub.s32 $0x0, s8;
	[sflag:s10] =	ssyncset.done $0x0  }
0xab: {  	[sflag:s10] =	ssyncadd.s32 s8;
	_ =	sdelay $0x1  }
0xac: {  	s23 =	simm.s32 $0x1B8B  }
0xad: {  	_ =	swait.ge [sflag:s23], $0x1  }
0xae: {  	[sflag:s23] =	ssyncset.done $0x0  }
0xaf: {  	[sflag:s23] =	ssyncadd.s32 $0xFFFFFFFF  }
0xb0: {  	s8 =	sld [smem:$0x0]  }
0xb1: {  	s9 =	sand.u32 $0xFFFFFFFE, s1  }
0xb2: {  	p0 =	sne.s32 s1, s9  }
0xb3: {  	s9 =	sshll.u32 @p0 s9, $0xE  }
0xb4: {  	s9 =	sadd.s32 @p0 $0x11B8D, s9;
	s10 =	sshll.u32 @p0 s8, $0x11  }
0xb5: {  	s9 =	sor.u32 @p0 s10, s9  }
0xb6: {  	[sflag:s9] =	ssyncadd.remote.s32 @p0 $0x1;
	_ =	sdelay $0x1  }
0xb7: {  	s9 =	simm.s32 @p0 $0x1B8D  }
0xb8: {  	_ =	swait.eq @p0 [sflag:s9], $0x1  }
0xb9: {  	[sflag:s9] =	ssyncadd.s32 @p0 $0xFFFFFFFF  }
0xba: {  	s10 =	sshll.u32 @!p0 s1, $0xE  }
0xbb: {  	s10 =	sor.u32 @!p0 $0x4000, s10;
	s9 =	simm.s32 @!p0 $0x1B8D  }
0xbc: {  	s8 =	sshll.u32 @!p0 s8, $0x11;
	s10 =	sadd.s32 @!p0 $0x11B8D, s10;
	_ =	swait.eq @!p0 [sflag:s9], $0x1  }
0xbd: {  	s8 =	sor.u32 @!p0 s8, s10;
	[sflag:s9] =	ssyncadd.s32 @!p0 $0xFFFFFFFF  }
0xbe: {  	s25 =	simm.s32 $0x1B8E;
	s24 =	sld [smem:$0x3FFE];
	[sflag:s8] =	ssyncadd.remote.s32 @!p0 $0x1  }
0xbf: {  	s26 =	simm.s32 $execute0_lowered;
	[smem:$0x3FD2] =	sst s25  }
0xc0: {  	s9 =	sshll.u32 s26, $0x1;
	_ =	strace $0x80000055;
	[dreg:$0x1] =	wrdreg $0xFFFFFFFF  }
0xc1: {  	s28 =	simm.s32 $_size_execute0_lowered;
	s7 =	sadd.s32 s7, s9;
	[dreg:$0x0] =	wrdreg $0x0  }
0xc2: {  	s9 =	sshll.u32 s28, $0x1;
	[dreg:$0x2] =	wrdreg s7  }
0xc3: {  	[dreg:$0x3] =	wrdreg s9  }
0xc4: {  	[dreg:$0x4] =	wrdreg $0xC0  }
0xc5: {  	_ =	task [dreg:s22], $0x5FFFF  }
0xc6: {  	[dreg:$0x1] =	wrdreg $0xFFFFFFFF  }
0xc7: {  	[dreg:$0x0] =	wrdreg $0x60  }
0xc8: {  	[dreg:$0x2] =	wrdreg s5  }
0xc9: {  	[dreg:$0x3] =	wrdreg s24  }
0xca: {  	[dreg:$0x4] =	wrdreg s18  }
0xcb: {  	[dreg:$0x5] =	wrdreg s17  }
0xcc: {  	[dreg:$0x6] =	wrdreg s16  }
0xcd: {  	[dreg:$0x7] =	wrdreg $0x78000  }
0xce: {  	[dreg:$0x8] =	wrdreg $0xD  }
0xcf: {  	_ =	task.clear_ibuf [dreg:s22], $0x9FFFF;
	_ =	strace $0x90000055  }
0xd0: {  	s29 =	simm.s32 $0xD;
	_ =	strace $0x80000057  }
0xd1: {  	_ =	swait.ge [sflag:s29], $0x1  }
0xd2: {  	[sflag:s29] =	ssyncadd.s32 $0xFFFFFFFF  }
0xd3: {  	_ =	strace $0x90000057  }
0xd4: {  	_ =	sfence  }
0xd5: {  	s30 =	sld [smem:$0x0];
	_ =	sdelay $0x2  }
0xd6: {  	s31 =	sshll.u32 s1, $0xD;
	s1 =	sshrl.u32 s1, $0x2  }
0xd7: {  	s4 =	sand.u32 $0x4000, s31;
	s1 =	sadd.s32 s1, s30  }
0xd8: {  	s0 =	sor.u32 s4, s0;
	s1 =	sshll.u32 s1, $0x11  }
0xd9: {  	s0 =	sor.u32 s1, s0  }
0xda: {  	s0 =	sadd.s32 $0x8F2B, s0  }
0xdb: {  	[sflag:s0] =	ssyncadd.remote.s32 $0x1  }
0xdc: {  	_ =	sfence.sel $0xFFFF  }
0xdd: {  	[dreg:$0x0] =	wrdreg $0xFFFFFFFF;
	(pc) =	sbr.abs _section_cstart, $3  }
0xde: {  	[dreg:$0x1] =	wrdreg $0xFFFFFFFF  }
0xdf: {  	_ =	task.clear_ibuf [dreg:s22], $0x2FFFF;
	_ =	strace $0x9FFFFFFF  }
0xe0: {  	(tm) =	ssettm $0x7FFFFFFF  }
0xe1: {  	_ =	shalt  }
tec
execute0_lowered:
.L_overlay_start_1:
0x0: {  	(tag) =	ssettag $0x1  }
0x1: {  	s0 =	rddreg [dreg:$0x0]  }
0x2: {  	s1 =	rddreg [dreg:$0x1]  }
0x3: {  	s3 =	rddreg [dreg:$0x2]  }
0x4: {  	s4 =	rddreg [dreg:$0x3]  }
0x5: {  	s12 =	stileid.u32;
	s6 =	rddreg [dreg:$0x5]  }
0x6: {  	s7 =	simm.s32 $0x0;
	s5 =	srdreg.scid;
	s20 =	simm.s32 $0x5  }
0x7: {  	s21 =	simm.s32 $0x100;
	s23 =	simm.s32 $0x3;
	s18 =	simm.s32 $0x4  }
0x8: {  	s2 =	smul.u32 $0x18700, s12;
	[smem:$0x7FF] =	sst s7;
	s5 =	sand.u32 $0x1, s5  }
0x9: {  	s11 =	smul.u32 $0xC38, s12;
	s26 =	sshll.u32 s12, $0x6;
	_ =	strace $0x80000056  }
0xa: {  	s10 =	ssub.s32 $0x2, s5;
	s5 =	sshll.u32 s5, $0x1;
	s13 =	sor.u32 $0x1C05, s26  }
0xb: {  	s8 =	sshrl.u32 s2, $0x3;
	s24 =	sshrl.u32 s10, $0x1;
	[dreg:$0x7] =	wrdreg s11  }
0xc: {  	[dreg:$0x8] =	wrdreg s5;
	s11 =	smul.u32 $0xC800, s12;
	s9 =	sadd.s32 s8, s1  }
0xd: {  	s2 =	sadd.s32 s2, s6;
	s8 =	sadd.s32 $0x6200, s1;
	s25 =	sadd.s32 $0x6A200, s9  }
0xe: {  	v0 =	vimm.s32 $0x0;
	s1 =	ssub.s32 s10, s24;
	s28 =	sor.u32 $0x100, s11;
	[dreg:$0x9] =	wrdreg s25  }
0xf: {  	v1 =	vimm.s32 $0x1;
	v2 =	vimm.s32 $0x2;
	v3 =	vimm.s32 $0x3;
	s19 =	sshrl.u32 s2, $0x3;
	s30 =	sor.u32 $0x200, s11;
	[dreg:$0xa] =	wrdreg s28  }
0x10: {  	v4 =	vimm.s32 $0x4;
	v5 =	vimm.s32 $0x5;
	v6 =	vimm.s32 $0x6;
	s29 =	sshrl.u32 s11, $0x3;
	s1 =	smax.u32 s1, $0x1;
	[dreg:$0xb] =	wrdreg s30  }
0x11: {  	v7 =	vimm.s32 $0x7;
	v8 =	vimm.s32 $0x8;
	v9 =	vimm.s32 $0x9;
	s24 =	simm.s32 $0x80;
	s31 =	sadd.s32 s3, s29;
	[dreg:$0xe] =	wrdreg s1  }
0x12: {  	v10 =	vimm.s32 $0xA;
	v11 =	vimm.s32 $0xB;
	v12 =	vimm.s32 $0xC;
	s9 =	simm.s32 $0x0;
	s5 =	sadd.s32 s4, s29;
	[dreg:$0xc] =	wrdreg s31  }
0x13: {  	v13 =	vimm.s32 $0xD;
	v14 =	vimm.s32 $0xE;
	v15 =	vimm.s32 $0xF;
	s1 =	simm.s32 $0x1;
	[dreg:$0xd] =	wrdreg s5;
	s5 =	simm.s32 $0x2  }
.LBB2_1:
0x14: {  	[dreg:$0xf] =	wrdreg s9;
	p1 =	por $0x1, $0x1;
	s2 =	simm.s32 $0x0  }
.LBB2_2:
0x15: {  	s9 =	rddreg [dreg:$0x8]  }
0x16: {  	s28 =	rddreg [dreg:$0x9];
	s22 =	sor.u32 s9, s2  }
0x17: {  	[spmem:s19], [sflag:s13] =	dma.local [hbm:s28], $0x30E0  }
0x18: {  	s9 =	smul.u32 $0xC8000, s22;
	_ =	swait.ge [sflag:s20], $0x30E0  }
0x19: {  	[sflag:s20] =	ssyncset.done $0x0  }
0x1a: {  	s25 =	sadd.s32 s11, s9;
	[sflag:s20] =	ssyncadd.s32 $0xFFFFCF20  }
0x1b: {  	s29 =	sshrl.u32 s25, $0x3;
	[bflag:$0x0] =	sbarrier.arrive $0xFFFF  }
0x1c: {  	s2 =	simm.s32 $0x0;
	s10 =	sadd.s32 s8, s29;
	s30 =	rddreg [dreg:$0xa]  }
0x1d: {  	[tilespmem:s2], [sflag:$0x3] =	stream.linear.gather [hbm4b:s10+s2], $0x100, $0x38;
	[tilespmem:$0x1FF00] =	vst v63  }
0x1e: {  	s31 =	rddreg [dreg:$0xb];
	s10 =	sadd.s32 s30, s9  }
0x1f: {  	s9 =	sadd.s32 s31, s9;
	s10 =	sshrl.u32 s10, $0x3  }
0x20: {  	s9 =	sshrl.u32 s9, $0x3;
	s10 =	sadd.s32 s8, s10  }
0x21: {  	[tilespmem:s21], [sflag:$0x3] =	stream.linear.gather [hbm4b:s10+s2], $0x100, $0x38;
	[tilespmem:$0x1FF00] =	vst v63  }
0x22: {  	s12 =	simm.s32 $0x200;
	s9 =	sadd.s32 s8, s9  }
0x23: {  	[tilespmem:s12], [sflag:$0x3] =	stream.linear.gather [hbm4b:s9+s2], $0x100, $0x38;
	[tilespmem:$0x1FF00] =	vst v63  }
0x24: {  	_ =	swait.ge [sflag:s23], $0x100  }
0x25: {  	[sflag:s23] =	ssyncset.done $0x0  }
0x26: {  	s14 =	simm.s32 $0x800;
	[sflag:s23] =	ssyncadd.s32 $0xFFFFFF00  }
0x27: {  	[tilespmem:s14], [sflag:$0x1] =	stream.indirect.gather [hbm4b:s0+s24], $0x10, s2, s24, $0xb8;
	[tilespmem:$0x1FF00] =	vst v63  }
0x28: {  	s15 =	simm.s32 $0x1000  }
0x29: {  	[tilespmem:s15], [sflag:$0x1] =	stream.indirect.gather [hbm4b:s0+s24], $0x10, s24, s24, $0xb8;
	[tilespmem:$0x1FF00] =	vst v63  }
0x2a: {  	_ =	swait.ge [sflag:s23], $0x100  }
0x2b: {  	[sflag:s23] =	ssyncset.done $0x0  }
0x2c: {  	s16 =	simm.s32 $0x1800;
	[sflag:s23] =	ssyncadd.s32 $0xFFFFFF00  }
0x2d: {  	[tilespmem:s16], [sflag:$0x1] =	stream.indirect.gather [hbm4b:s0+s24], $0x10, s21, s24, $0xb8;
	[tilespmem:$0x1FF00] =	vst v63  }
0x2e: {  	s17 =	simm.s32 $0x180;
	s26 =	simm.s32 $0x2000  }
0x2f: {  	[tilespmem:s26], [sflag:$0x1] =	stream.indirect.gather [hbm4b:s0+s24], $0x10, s17, s24, $0xb8;
	[tilespmem:$0x1FF00] =	vst v63  }
0x30: {  	s29 =	simm.s32 $0x300;
	s28 =	rddreg [dreg:$0xc]  }
0x31: {  	[tilespmem:s29], [sflag:$0x4] =	stream.linear.gather [hbm4b:s28+s2], $0x100, $0x38;
	[tilespmem:$0x1FF00] =	vst v63  }
0x32: {  	p0 =	por p1, p1;
	s31 =	simm.s32 $0x600;
	s30 =	rddreg [dreg:$0xd]  }
0x33: {  	[tilespmem:s31], [sflag:$0x4] =	stream.linear.gather [hbm4b:s30+s2], $0x100, $0x38;
	[tilespmem:$0x1FF00] =	vst v63  }
.LBB2_3:
0x34: {  	_ =	swait.ge [sflag:s1], $0x800  }
0x35: {  	[sflag:s1] =	ssyncset.done $0x0  }
0x36: {  	[sflag:s1] =	ssyncadd.s32 $0xFFFFF800  }
0x37: {  	_ =	swait.ge [sflag:s1], $0x800  }
0x38: {  	p1 =	slt.u32 s2, $0x2;
	[sflag:s1] =	ssyncset.done $0x0  }
0x39: {  	s9 =	simm.s32 @!p1 $0x2;
	p2 =	sgt.u32 @!p1 s2, $0xC4;
	[sflag:s1] =	ssyncadd.s32 $0xFFFFF800  }
0x3a: {  	p2 =	por p1, !p2;
	_ =	swait.ge @!p1 [sflag:s9], $0x1000  }
.Ltmp0:
0x3b: {  	[sflag:s9] =	ssyncset.done @!p1 $0x0;
	(pc) =	sbr.rel @!p2 .LBB2_5-.Ltmp0, $4  }
0x3c: {  	[sflag:s9] =	ssyncadd.s32 @!p1 $0xFFFFF000  }
0x3d: {  	_ =	swait.ge @!p1 [sflag:s9], $0x1000  }
0x3e: {  	[sflag:s9] =	ssyncset.done @!p1 $0x0  }
0x3f: {  	[sflag:s9] =	ssyncadd.s32 @!p1 $0xFFFFF000  }
0x40: {  	s9 =	sadd.s32 $0x3, s2  }
0x41: {  	s10 =	smul.u32 $0xAB, s9;
	_ =	sdelay $0x1  }
0x42: {  	s10 =	sshrl.u32 s10, $0x9  }
0x43: {  	s10 =	sand.u32 $0x7F, s10  }
0x44: {  	s10 =	smul.u32 $0x3, s10  }
.Ltmp1:
0x45: {  	s12 =	sshll.u32 s9, $0x8;
	(pc) =	sbr.rel .LBB2_6-.Ltmp1, $4  }
0x46: {  	s31 =	sadd.s32 s12, s25;
	s9 =	ssub.s32 s9, s10  }
0x47: {  	s10 =	sshrl.u32 s31, $0x3;
	s9 =	sand.u32 $0xFF, s9  }
0x48: {  	s10 =	sadd.s32 s8, s10;
	s9 =	sshll.u32 s9, $0x8  }
0x49: {  	[tilespmem:s9], [sflag:$0x3] =	stream.linear.gather [hbm4b:s10+s7], $0x100, $0x38;
	[tilespmem:$0x1FF00] =	vst v63  }
.LBB2_5:
0x4a: {  	p1 =	seq.s32 s2, $0xC7  }
.Ltmp2:
0x4b: {  	_ = 	snop;
	(pc) =	sbr.rel @p1 .LBB2_7-.Ltmp2, $2  }
0x4c: {  	_ =	sdelay $0x2  }
0x4d: {  	s26 =	simm.s32 $0xC8  }
.LBB2_6:
0x4e: {  	s26 =	sadd.s32 $0x1, s2  }
0x4f: {  	s9 =	smul.u32 $0xAB, s26;
	_ =	sdelay $0x1  }
0x50: {  	s9 =	sshrl.u32 s9, $0x9  }
0x51: {  	s9 =	sand.u32 $0x7F, s9  }
0x52: {  	s9 =	smul.u32 $0x3, s9;
	_ =	sdelay $0x1  }
0x53: {  	s10 =	sshll.u32 s26, $0x8;
	s9 =	ssub.s32 s26, s9  }
0x54: {  	s12 =	sadd.s32 s11, s10;
	s9 =	sand.u32 $0xFF, s9  }
0x55: {  	s12 =	sshrl.u32 s12, $0x3;
	s9 =	sshll.u32 s9, $0x8  }
0x56: {  	p1 =	sgt.u32 s2, $0xC5;
	s14 =	sadd.s32 s3, s12;
	s9 =	sadd.s32 $0x300, s9  }
0x57: {  	[tilespmem:s9], [sflag:$0x4] =	stream.linear.gather [hbm4b:s14+s7], $0x100, $0x38;
	[tilespmem:$0x1FF00] =	vst v63  }
0x58: {  	s9 =	sadd.s32 @!p1 $0x2, s2  }
0x59: {  	s10 =	sand.u32 $0x100, s10;
	s14 =	sand.u32 @!p1 $0xFF, s9  }
0x5a: {  	s10 =	sor.u32 $0x600, s10;
	s12 =	sadd.s32 s4, s12;
	s14 =	smul.u32 @!p1 $0xAB, s14  }
0x5b: {  	[tilespmem:s10], [sflag:$0x4] =	stream.linear.gather [hbm4b:s12+s7], $0x100, $0x38;
	[tilespmem:$0x1FF00] =	vst v63  }
0x5c: {  	s10 =	sshrl.u32 @!p1 s14, $0x9  }
0x5d: {  	s10 =	smul.u32 @!p1 $0x3, s10;
	_ =	sdelay $0x1  }
0x5e: {  	s12 =	simm.s32 @!p1 $0x3;
	s9 =	ssub.s32 @!p1 s9, s10  }
0x5f: {  	_ =	swait.ge @!p1 [sflag:s12], $0x100;
	s9 =	sand.u32 @!p1 $0xFF, s9  }
0x60: {  	[sflag:s12] =	ssyncset.done @!p1 $0x0;
	s14 =	simm.s32 @!p1 $0x80;
	s10 =	sshll.u32 @!p1 s9, $0xC  }
0x61: {  	[sflag:s12] =	ssyncadd.s32 @!p1 $0xFFFFFF00;
	s9 =	sshll.u32 @!p1 s9, $0x8;
	s12 =	sor.u32 @!p1 $0x800, s10  }
0x62: {  	[tilespmem:s12], [sflag:$0x1] =	stream.indirect.gather @!p1 [hbm4b:s0+s14], $0x10, s9, s14, $0xb8;
	[tilespmem:$0x1FF00] =	vst v63  }
0x63: {  	s26 =	simm.s32 @p1 $0xC7;
	s10 =	sadd.s32 @!p1 $0x1000, s10;
	s9 =	sor.u32 @!p1 $0x80, s9  }
0x64: {  	[tilespmem:s10], [sflag:$0x1] =	stream.indirect.gather @!p1 [hbm4b:s0+s14], $0x10, s9, s14, $0xb8;
	[tilespmem:$0x1FF00] =	vst v63  }
.LBB2_7:
0x65: {  	s9 =	sand.u32 $0xFF, s2  }
0x66: {  	s9 =	smul.u32 $0xAB, s9;
	_ =	sdelay $0x1  }
0x67: {  	_ =	swait.ge [sflag:s18], $0x100;
	s9 =	sshrl.u32 s9, $0x9  }
0x68: {  	[sflag:s18] =	ssyncset.done $0x0;
	s9 =	smul.u32 $0x3, s9  }
0x69: {  	[sflag:s18] =	ssyncadd.s32 $0xFFFFFF00  }
0x6a: {  	s10 =	sand.u32 $0x1, s2;
	_ =	swait.ge [sflag:s18], $0x100;
	s9 =	ssub.s32 s2, s9  }
0x6b: {  	[sflag:s18] =	ssyncset.done $0x0;
	s2 =	sshll.u32 s10, $0x8;
	s28 =	sand.u32 $0xFF, s9  }
0x6c: {  	[sflag:s18] =	ssyncadd.s32 $0xFFFFFF00;
	s2 =	sor.u32 $0x610, s2;
	s9 =	sshll.u32 s28, $0xC  }
0x6d: {  	v19 =	vld [tilespmem:s2+$0x0];
	s14 =	sor.u32 $0x900, s9  }
0x6e: {  	v16 =	vld [tilespmem:s14+$0x0];
	_ =	sdelay $0x3  }
0x6f: {  	v17 =	vperm.xlane v19, v0  }
0x70: {  	v18 =	vunpack.i.l.bf16.f32 v16  }
0x71: {  	s29 =	sshll.u32 s10, $0xD;
	v16 =	vunpack.i.u.bf16.f32 v16;
	v18 =	vmul.f32 v18, v17  }
0x72: {  	s30 =	sadd.s32 $0x3A00, s29;
	v16 =	vmul.f32 v16, v17  }
0x73: {  	[tilespmem:s30+$0x0] =	vst v18  }
0x74: {  	[tilespmem:s30+$0x10] =	vst v16  }
0x75: {  	v16 =	vld [tilespmem:s14+$0x10];
	_ =	sdelay $0x3  }
0x76: {  	v17 =	vperm.xlane v19, v1  }
0x77: {  	v18 =	vunpack.i.l.bf16.f32 v16  }
0x78: {  	v16 =	vunpack.i.u.bf16.f32 v16;
	v18 =	vmul.f32 v18, v17  }
0x79: {  	v16 =	vmul.f32 v16, v17  }
0x7a: {  	[tilespmem:s30+$0x20] =	vst v18  }
0x7b: {  	[tilespmem:s30+$0x30] =	vst v16  }
0x7c: {  	v16 =	vld [tilespmem:s14+$0x20];
	_ =	sdelay $0x3  }
0x7d: {  	v17 =	vperm.xlane v19, v2  }
0x7e: {  	v18 =	vld [tilespmem:s2+$0xFFFFFFF0];
	v20 =	vunpack.i.l.bf16.f32 v16  }
0x7f: {  	v21 =	vld [tilespmem:s14+$0xFFFFFF00];
	v16 =	vunpack.i.u.bf16.f32 v16;
	v20 =	vmul.f32 v20, v17  }
0x80: {  	v16 =	vmul.f32 v16, v17  }
0x81: {  	[tilespmem:s30+$0x40] =	vst v20  }
0x82: {  	[tilespmem:s30+$0x50] =	vst v16  }
0x83: {  	v16 =	vperm.xlane v18, v0;
	v17 =	vld [tilespmem:s14+$0x30]  }
0x84: {  	v20 =	vunpack.i.l.bf16.f32 v21  }
0x85: {  	v21 =	vunpack.i.u.bf16.f32 v21;
	v20 =	vmul.f32 v20, v16  }
0x86: {  	v16 =	vmul.f32 v21, v16  }
0x87: {  	[tilespmem:s30+$0xFFFFFE00] =	vst v20;
	v20 =	vperm.xlane v19, v3  }
0x88: {  	[tilespmem:s30+$0xFFFFFE10] =	vst v16;
	v16 =	vunpack.i.l.bf16.f32 v17  }
0x89: {  	v21 =	vld [tilespmem:s14+$0xFFFFFF10];
	v17 =	vunpack.i.u.bf16.f32 v17;
	v16 =	vmul.f32 v16, v20  }
0x8a: {  	v17 =	vmul.f32 v17, v20  }
0x8b: {  	[tilespmem:s30+$0x60] =	vst v16  }
0x8c: {  	[tilespmem:s30+$0x70] =	vst v17  }
0x8d: {  	v16 =	vperm.xlane v18, v1;
	v17 =	vld [tilespmem:s14+$0x40]  }
0x8e: {  	v20 =	vunpack.i.l.bf16.f32 v21  }
0x8f: {  	v21 =	vunpack.i.u.bf16.f32 v21;
	v20 =	vmul.f32 v20, v16  }
0x90: {  	v16 =	vmul.f32 v21, v16  }
0x91: {  	[tilespmem:s30+$0xFFFFFE20] =	vst v20;
	v20 =	vperm.xlane v19, v4  }
0x92: {  	[tilespmem:s30+$0xFFFFFE30] =	vst v16;
	v16 =	vunpack.i.l.bf16.f32 v17  }
0x93: {  	v21 =	vld [tilespmem:s14+$0xFFFFFF20];
	v17 =	vunpack.i.u.bf16.f32 v17;
	v16 =	vmul.f32 v16, v20  }
0x94: {  	v17 =	vmul.f32 v17, v20  }
0x95: {  	[tilespmem:s30+$0x80] =	vst v16  }
0x96: {  	[tilespmem:s30+$0x90] =	vst v17  }
0x97: {  	v16 =	vperm.xlane v18, v2;
	v17 =	vld [tilespmem:s14+$0x50]  }
0x98: {  	v20 =	vunpack.i.l.bf16.f32 v21  }
0x99: {  	v21 =	vunpack.i.u.bf16.f32 v21;
	v20 =	vmul.f32 v20, v16  }
0x9a: {  	v16 =	vmul.f32 v21, v16  }
0x9b: {  	[tilespmem:s30+$0xFFFFFE40] =	vst v20;
	v20 =	vperm.xlane v19, v5  }
0x9c: {  	[tilespmem:s30+$0xFFFFFE50] =	vst v16;
	v16 =	vunpack.i.l.bf16.f32 v17  }
0x9d: {  	v21 =	vld [tilespmem:s14+$0xFFFFFF30];
	v17 =	vunpack.i.u.bf16.f32 v17;
	v16 =	vmul.f32 v16, v20  }
0x9e: {  	v17 =	vmul.f32 v17, v20  }
0x9f: {  	[tilespmem:s30+$0xA0] =	vst v16  }
0xa0: {  	[tilespmem:s30+$0xB0] =	vst v17  }
0xa1: {  	v16 =	vperm.xlane v18, v3;
	v17 =	vld [tilespmem:s14+$0x60]  }
0xa2: {  	v20 =	vunpack.i.l.bf16.f32 v21  }
0xa3: {  	s17 =	sadd.s32 $0x20, s2;
	v21 =	vunpack.i.u.bf16.f32 v21;
	v20 =	vmul.f32 v20, v16  }
0xa4: {  	s2 =	sadd.s32 $0x200, s14;
	v21 =	vmul.f32 v21, v16;
	v16 =	vld [tilespmem:s17+$0x0]  }
0xa5: {  	v22 =	vperm.xlane v19, v6;
	[tilespmem:s30+$0xFFFFFE60] =	vst v20;
	v20 =	vld [tilespmem:s2+$0x0]  }
0xa6: {  	[tilespmem:s30+$0xFFFFFE70] =	vst v21;
	v21 =	vunpack.i.l.bf16.f32 v17  }
0xa7: {  	v24 =	vld [tilespmem:s14+$0xFFFFFF40];
	v17 =	vunpack.i.u.bf16.f32 v17;
	v21 =	vmul.f32 v21, v22  }
0xa8: {  	v17 =	vmul.f32 v17, v22  }
0xa9: {  	v22 =	vperm.xlane v16, v0;
	[tilespmem:s30+$0xC0] =	vst v21  }
0xaa: {  	v21 =	vunpack.i.l.bf16.f32 v20;
	[tilespmem:s30+$0xD0] =	vst v17  }
0xab: {  	v17 =	vperm.xlane v18, v4;
	v20 =	vunpack.i.u.bf16.f32 v20;
	v21 =	vmul.f32 v21, v22;
	v25 =	vld [tilespmem:s14+$0x70]  }
0xac: {  	s31 =	sadd.s32 $0x400, s30;
	v23 =	vld [tilespmem:s17+$0xFFFFFFF0];
	v26 =	vunpack.i.l.bf16.f32 v24;
	v20 =	vmul.f32 v20, v22  }
0xad: {  	v22 =	vunpack.i.u.bf16.f32 v24;
	v24 =	vmul.f32 v26, v17;
	v26 =	vld [tilespmem:s2+$0xFFFFFF00];
	[tilespmem:s31+$0x0] =	vst v21  }
0xae: {  	v17 =	vmul.f32 v22, v17;
	[tilespmem:s31+$0x10] =	vst v20  }
0xaf: {  	v21 =	vperm.xlane v19, v7;
	[tilespmem:s30+$0xFFFFFE80] =	vst v24;
	v20 =	vld [tilespmem:s2+$0x10]  }
0xb0: {  	[tilespmem:s30+$0xFFFFFE90] =	vst v17;
	v17 =	vunpack.i.l.bf16.f32 v25  }
0xb1: {  	v24 =	vperm.xlane v23, v0;
	v22 =	vld [tilespmem:s14+$0xFFFFFF50];
	v25 =	vunpack.i.u.bf16.f32 v25;
	v17 =	vmul.f32 v17, v21  }
0xb2: {  	v27 =	vunpack.i.l.bf16.f32 v26;
	v21 =	vmul.f32 v25, v21  }
0xb3: {  	v25 =	vunpack.i.u.bf16.f32 v26;
	v26 =	vmul.f32 v27, v24;
	v27 =	vperm.xlane v16, v1;
	[tilespmem:s30+$0xE0] =	vst v17  }
0xb4: {  	v17 =	vmul.f32 v25, v24;
	v24 =	vunpack.i.l.bf16.f32 v20;
	[tilespmem:s30+$0xF0] =	vst v21  }
0xb5: {  	v21 =	vperm.xlane v18, v5;
	v20 =	vunpack.i.u.bf16.f32 v20;
	[tilespmem:s31+$0xFFFFFE00] =	vst v26;
	v24 =	vmul.f32 v24, v27;
	v25 =	vld [tilespmem:s14+$0x80]  }
0xb6: {  	v26 =	vunpack.i.l.bf16.f32 v22;
	[tilespmem:s31+$0xFFFFFE10] =	vst v17;
	v17 =	vmul.f32 v20, v27  }
0xb7: {  	v20 =	vunpack.i.u.bf16.f32 v22;
	v22 =	vmul.f32 v26, v21;
	v26 =	vld [tilespmem:s2+$0xFFFFFF10];
	[tilespmem:s31+$0x20] =	vst v24  }
0xb8: {  	v20 =	vmul.f32 v20, v21;
	[tilespmem:s31+$0x30] =	vst v17  }
0xb9: {  	v21 =	vperm.xlane v19, v8;
	[tilespmem:s30+$0xFFFFFEA0] =	vst v22;
	v17 =	vld [tilespmem:s2+$0x20]  }
0xba: {  	[tilespmem:s30+$0xFFFFFEB0] =	vst v20;
	v20 =	vunpack.i.l.bf16.f32 v25  }
0xbb: {  	v24 =	vperm.xlane v23, v1;
	v22 =	vld [tilespmem:s14+$0xFFFFFF60];
	v25 =	vunpack.i.u.bf16.f32 v25;
	v20 =	vmul.f32 v20, v21  }
0xbc: {  	v21 =	vmul.f32 v25, v21;
	v27 =	vunpack.i.l.bf16.f32 v26  }
0xbd: {  	v25 =	vunpack.i.u.bf16.f32 v26;
	v26 =	vmul.f32 v27, v24;
	v27 =	vperm.xlane v16, v2;
	[tilespmem:s30+$0x100] =	vst v20  }
0xbe: {  	v20 =	vmul.f32 v25, v24;
	[tilespmem:s30+$0x110] =	vst v21;
	v24 =	vunpack.i.l.bf16.f32 v17  }
0xbf: {  	v21 =	vperm.xlane v18, v6;
	v17 =	vunpack.i.u.bf16.f32 v17;
	v25 =	vld [tilespmem:s14+$0x90];
	[tilespmem:s31+$0xFFFFFE20] =	vst v26;
	v24 =	vmul.f32 v24, v27  }
0xc0: {  	v26 =	vunpack.i.l.bf16.f32 v22;
	[tilespmem:s31+$0xFFFFFE30] =	vst v20;
	v17 =	vmul.f32 v17, v27  }
0xc1: {  	v20 =	vunpack.i.u.bf16.f32 v22;
	v22 =	vmul.f32 v26, v21;
	v26 =	vld [tilespmem:s2+$0xFFFFFF20];
	[tilespmem:s31+$0x40] =	vst v24  }
0xc2: {  	v20 =	vmul.f32 v20, v21;
	[tilespmem:s31+$0x50] =	vst v17  }
0xc3: {  	v21 =	vperm.xlane v19, v9;
	[tilespmem:s30+$0xFFFFFEC0] =	vst v22;
	v17 =	vld [tilespmem:s2+$0x30]  }
0xc4: {  	[tilespmem:s30+$0xFFFFFED0] =	vst v20;
	v20 =	vunpack.i.l.bf16.f32 v25  }
0xc5: {  	v22 =	vperm.xlane v23, v2;
	v24 =	vld [tilespmem:s14+$0xFFFFFF70];
	v25 =	vunpack.i.u.bf16.f32 v25;
	v20 =	vmul.f32 v20, v21  }
0xc6: {  	v21 =	vmul.f32 v25, v21;
	v27 =	vunpack.i.l.bf16.f32 v26  }
0xc7: {  	v25 =	vunpack.i.u.bf16.f32 v26;
	v26 =	vmul.f32 v27, v22;
	v27 =	vperm.xlane v16, v3;
	[tilespmem:s30+$0x120] =	vst v20  }
0xc8: {  	v20 =	vmul.f32 v25, v22;
	[tilespmem:s30+$0x130] =	vst v21;
	v22 =	vunpack.i.l.bf16.f32 v17  }
0xc9: {  	v21 =	vperm.xlane v18, v7;
	v17 =	vunpack.i.u.bf16.f32 v17;
	v25 =	vld [tilespmem:s14+$0xA0];
	[tilespmem:s31+$0xFFFFFE40] =	vst v26;
	v22 =	vmul.f32 v22, v27  }
0xca: {  	[tilespmem:s31+$0xFFFFFE50] =	vst v20;
	v20 =	vunpack.i.l.bf16.f32 v24;
	v17 =	vmul.f32 v17, v27  }
0xcb: {  	v24 =	vunpack.i.u.bf16.f32 v24;
	v26 =	vld [tilespmem:s2+$0xFFFFFF30];
	v20 =	vmul.f32 v20, v21;
	[tilespmem:s31+$0x60] =	vst v22  }
0xcc: {  	v21 =	vmul.f32 v24, v21;
	[tilespmem:s31+$0x70] =	vst v17  }
0xcd: {  	[tilespmem:s30+$0xFFFFFEE0] =	vst v20;
	v17 =	vld [tilespmem:s2+$0x40];
	v20 =	vperm.xlane v19, v10  }
0xce: {  	[tilespmem:s30+$0xFFFFFEF0] =	vst v21;
	v21 =	vunpack.i.l.bf16.f32 v25  }
0xcf: {  	v22 =	vperm.xlane v23, v3;
	v24 =	vld [tilespmem:s14+$0xFFFFFF80];
	v25 =	vunpack.i.u.bf16.f32 v25;
	v21 =	vmul.f32 v21, v20  }
0xd0: {  	v20 =	vmul.f32 v25, v20;
	v27 =	vunpack.i.l.bf16.f32 v26  }
0xd1: {  	v25 =	vunpack.i.u.bf16.f32 v26;
	v26 =	vmul.f32 v27, v22;
	v27 =	vperm.xlane v16, v4;
	[tilespmem:s30+$0x140] =	vst v21  }
0xd2: {  	v21 =	vmul.f32 v25, v22;
	[tilespmem:s30+$0x150] =	vst v20;
	v22 =	vunpack.i.l.bf16.f32 v17  }
0xd3: {  	v20 =	vperm.xlane v18, v8;
	v17 =	vunpack.i.u.bf16.f32 v17;
	v25 =	vld [tilespmem:s14+$0xB0];
	[tilespmem:s31+$0xFFFFFE60] =	vst v26;
	v22 =	vmul.f32 v22, v27  }
0xd4: {  	[tilespmem:s31+$0xFFFFFE70] =	vst v21;
	v21 =	vunpack.i.l.bf16.f32 v24;
	v17 =	vmul.f32 v17, v27  }
0xd5: {  	v24 =	vunpack.i.u.bf16.f32 v24;
	v26 =	vld [tilespmem:s2+$0xFFFFFF40];
	v21 =	vmul.f32 v21, v20;
	[tilespmem:s31+$0x80] =	vst v22  }
0xd6: {  	v20 =	vmul.f32 v24, v20;
	[tilespmem:s31+$0x90] =	vst v17  }
0xd7: {  	[tilespmem:s30+$0xFFFFFF00] =	vst v21;
	v17 =	vld [tilespmem:s2+$0x50];
	v21 =	vperm.xlane v19, v11  }
0xd8: {  	[tilespmem:s30+$0xFFFFFF10] =	vst v20;
	v20 =	vunpack.i.l.bf16.f32 v25  }
0xd9: {  	v22 =	vperm.xlane v23, v4;
	v24 =	vld [tilespmem:s14+$0xFFFFFF90];
	v25 =	vunpack.i.u.bf16.f32 v25;
	v20 =	vmul.f32 v20, v21  }
0xda: {  	v21 =	vmul.f32 v25, v21;
	v27 =	vunpack.i.l.bf16.f32 v26  }
0xdb: {  	v25 =	vunpack.i.u.bf16.f32 v26;
	v26 =	vmul.f32 v27, v22;
	v27 =	vperm.xlane v16, v5;
	[tilespmem:s30+$0x160] =	vst v20  }
0xdc: {  	v20 =	vmul.f32 v25, v22;
	[tilespmem:s30+$0x170] =	vst v21;
	v22 =	vunpack.i.l.bf16.f32 v17  }
0xdd: {  	v21 =	vperm.xlane v18, v9;
	v17 =	vunpack.i.u.bf16.f32 v17;
	v25 =	vld [tilespmem:s14+$0xC0];
	[tilespmem:s31+$0xFFFFFE80] =	vst v26;
	v22 =	vmul.f32 v22, v27  }
0xde: {  	[tilespmem:s31+$0xFFFFFE90] =	vst v20;
	v20 =	vunpack.i.l.bf16.f32 v24;
	v17 =	vmul.f32 v17, v27  }
0xdf: {  	v24 =	vunpack.i.u.bf16.f32 v24;
	v20 =	vmul.f32 v20, v21;
	[tilespmem:s31+$0xA0] =	vst v22  }
0xe0: {  	v21 =	vmul.f32 v24, v21;
	v22 =	vld [tilespmem:s2+$0xFFFFFF50];
	[tilespmem:s31+$0xB0] =	vst v17  }
0xe1: {  	v24 =	vperm.xlane v19, v12;
	[tilespmem:s30+$0xFFFFFF20] =	vst v20;
	v20 =	vld [tilespmem:s2+$0x60]  }
0xe2: {  	[tilespmem:s30+$0xFFFFFF30] =	vst v21;
	v17 =	vunpack.i.l.bf16.f32 v25  }
0xe3: {  	s15 =	sadd.s32 $0x20, s17;
	v21 =	vld [tilespmem:s14+$0xFFFFFFA0];
	v25 =	vunpack.i.u.bf16.f32 v25;
	v26 =	vmul.f32 v17, v24  }
0xe4: {  	s9 =	sadd.s32 $0x200, s2;
	v27 =	vperm.xlane v23, v5;
	v17 =	vld [tilespmem:s15+$0x0];
	v24 =	vmul.f32 v25, v24  }
0xe5: {  	v28 =	vld [tilespmem:s9+$0x0];
	v29 =	vperm.xlane v16, v6;
	v25 =	vunpack.i.l.bf16.f32 v22;
	[tilespmem:s30+$0x180] =	vst v26  }
0xe6: {  	[tilespmem:s30+$0x190] =	vst v24;
	v25 =	vmul.f32 v25, v27;
	v26 =	vunpack.i.l.bf16.f32 v20  }
0xe7: {  	v20 =	vunpack.i.u.bf16.f32 v20;
	v24 =	vmul.f32 v26, v29;
	v26 =	vld [tilespmem:s14+$0xD0]  }
0xe8: {  	v30 =	vld [tilespmem:s15+$0xFFFFFFF0];
	v31 =	vperm.xlane v18, v10;
	v22 =	vunpack.i.u.bf16.f32 v22;
	v20 =	vmul.f32 v20, v29;
	[tilespmem:s31+$0xFFFFFEA0] =	vst v25  }
0xe9: {  	v22 =	vmul.f32 v22, v27;
	v27 =	vld [tilespmem:s9+$0xFFFFFF00];
	v25 =	vunpack.i.l.bf16.f32 v21;
	v29 =	vperm.xlane v17, v0;
	[tilespmem:s31+$0xC0] =	vst v24  }
0xea: {  	v24 =	vmul.f32 v25, v31;
	v25 =	vunpack.i.l.bf16.f32 v28;
	[tilespmem:s31+$0xD0] =	vst v20  }
0xeb: {  	[tilespmem:s31+$0xFFFFFEB0] =	vst v22;
	v20 =	vunpack.i.u.bf16.f32 v28;
	v28 =	vperm.xlane v19, v13;
	v22 =	vmul.f32 v25, v29;
	v25 =	vld [tilespmem:s2+$0x70]  }
0xec: {  	s10 =	sadd.s32 $0x400, s31;
	v20 =	vmul.f32 v20, v29;
	[tilespmem:s30+$0xFFFFFF40] =	vst v24;
	v24 =	vunpack.i.l.bf16.f32 v26  }
0xed: {  	v29 =	vperm.xlane v30, v0;
	[tilespmem:s10+$0x0] =	vst v22;
	v22 =	vunpack.i.u.bf16.f32 v26;
	v24 =	vmul.f32 v24, v28  }
0xee: {  	v32 =	vunpack.i.l.bf16.f32 v27;
	v26 =	vld [tilespmem:s2+$0xFFFFFF60];
	[tilespmem:s10+$0x10] =	vst v20;
	v20 =	vmul.f32 v22, v28  }
0xef: {  	v45 =	vperm.xlane v16, v7;
	v22 =	vunpack.i.u.bf16.f32 v27;
	v27 =	vmul.f32 v32, v29;
	v28 =	vld [tilespmem:s9+$0x10];
	[tilespmem:s30+$0x1A0] =	vst v24  }
0xf0: {  	v22 =	vmul.f32 v22, v29;
	v24 =	vunpack.i.l.bf16.f32 v25;
	[tilespmem:s30+$0x1B0] =	vst v20  }
0xf1: {  	[tilespmem:s10+$0xFFFFFE00] =	vst v27;
	v20 =	vunpack.i.u.bf16.f32 v25;
	v24 =	vmul.f32 v24, v45;
	v25 =	vld [tilespmem:s14+$0xE0]  }
0xf2: {  	v21 =	vunpack.i.u.bf16.f32 v21;
	v27 =	vperm.xlane v23, v6;
	[tilespmem:s10+$0xFFFFFE10] =	vst v22;
	v20 =	vmul.f32 v20, v45  }
0xf3: {  	v21 =	vmul.f32 v21, v31;
	v31 =	vperm.xlane v17, v1;
	v22 =	vunpack.i.l.bf16.f32 v26;
	v29 =	vld [tilespmem:s9+$0xFFFFFF10];
	[tilespmem:s31+$0xE0] =	vst v24  }
0xf4: {  	v24 =	vunpack.i.l.bf16.f32 v28;
	v22 =	vmul.f32 v22, v27;
	[tilespmem:s31+$0xF0] =	vst v20  }
0xf5: {  	[tilespmem:s30+$0xFFFFFF50] =	vst v21;
	v20 =	vunpack.i.u.bf16.f32 v28;
	v28 =	vperm.xlane v19, v14;
	v21 =	vmul.f32 v24, v31;
	v24 =	vld [tilespmem:s2+$0x80]  }
0xf6: {  	v20 =	vmul.f32 v20, v31;
	[tilespmem:s31+$0xFFFFFEC0] =	vst v22;
	v22 =	vunpack.i.l.bf16.f32 v25  }
0xf7: {  	v31 =	vperm.xlane v30, v1;
	[tilespmem:s10+$0x20] =	vst v21;
	v21 =	vunpack.i.u.bf16.f32 v25;
	v22 =	vmul.f32 v22, v28  }
0xf8: {  	v25 =	vld [tilespmem:s14+$0xFFFFFFB0];
	[tilespmem:s10+$0x30] =	vst v20;
	v46 =	vunpack.i.l.bf16.f32 v29;
	v20 =	vmul.f32 v21, v28  }
0xf9: {  	v47 =	vperm.xlane v16, v8;
	v21 =	vunpack.i.u.bf16.f32 v29;
	v29 =	vld [tilespmem:s9+$0x20];
	v28 =	vmul.f32 v46, v31;
	[tilespmem:s30+$0x1C0] =	vst v22  }
0xfa: {  	v21 =	vmul.f32 v21, v31;
	v22 =	vunpack.i.l.bf16.f32 v24;
	[tilespmem:s30+$0x1D0] =	vst v20  }
0xfb: {  	v20 =	vunpack.i.u.bf16.f32 v24;
	[tilespmem:s10+$0xFFFFFE20] =	vst v28;
	v22 =	vmul.f32 v22, v47  }
0xfc: {  	v26 =	vunpack.i.u.bf16.f32 v26;
	v24 =	vperm.xlane v18, v11;
	v36 =	vld [tilespmem:s14+$0xF0];
	[tilespmem:s10+$0xFFFFFE30] =	vst v21;
	v20 =	vmul.f32 v20, v47  }
0xfd: {  	v21 =	vmul.f32 v26, v27;
	v28 =	vperm.xlane v17, v2;
	v26 =	vunpack.i.l.bf16.f32 v25;
	v27 =	vld [tilespmem:s9+$0xFFFFFF20];
	[tilespmem:s31+$0x100] =	vst v22  }
0xfe: {  	v37 =	vperm.xlane v19, v15;
	v22 =	vunpack.i.l.bf16.f32 v29;
	[tilespmem:s31+$0x110] =	vst v20;
	v20 =	vmul.f32 v26, v24  }
0xff: {  	v48 =	vperm.xlane v23, v8;
	v26 =	vunpack.i.u.bf16.f32 v29;
	[tilespmem:s31+$0xFFFFFED0] =	vst v21;
	v22 =	vmul.f32 v22, v28;
	v21 =	vld [tilespmem:s2+$0x90]  }
0x100: {  	v50 =	vperm.xlane v30, v4;
	v25 =	vunpack.i.u.bf16.f32 v25;
	v26 =	vmul.f32 v26, v28;
	[tilespmem:s30+$0xFFFFFF60] =	vst v20  }
0x101: {  	v28 =	vperm.xlane v30, v2;
	v29 =	vld [tilespmem:s2+$0xFFFFFF70];
	v20 =	vunpack.i.u.bf16.f32 v36;
	[tilespmem:s10+$0x40] =	vst v22;
	v22 =	vmul.f32 v25, v24  }
0x102: {  	v43 =	vperm.xlane v30, v5;
	[tilespmem:s10+$0x50] =	vst v26;
	v20 =	vmul.f32 v20, v37;
	v24 =	vunpack.i.l.bf16.f32 v27  }
0x103: {  	v25 =	vunpack.i.u.bf16.f32 v27;
	v26 =	vld [tilespmem:s9+$0x30];
	v27 =	vperm.xlane v16, v9;
	v24 =	vmul.f32 v24, v28;
	[tilespmem:s30+$0xFFFFFF70] =	vst v22  }
0x104: {  	v38 =	vperm.xlane v18, v14;
	[tilespmem:s30+$0x1F0] =	vst v20;
	v20 =	vmul.f32 v25, v28;
	v25 =	vunpack.i.l.bf16.f32 v21  }
0x105: {  	v22 =	vperm.xlane v23, v7;
	v21 =	vunpack.i.u.bf16.f32 v21;
	[tilespmem:s10+$0xFFFFFE40] =	vst v24;
	v24 =	vmul.f32 v25, v27;
	v25 =	vld [tilespmem:s14+$0xFFFFFFC0]  }
0x106: {  	v34 =	vperm.xlane v16, v10;
	v21 =	vmul.f32 v21, v27;
	[tilespmem:s10+$0xFFFFFE50] =	vst v20;
	v20 =	vunpack.i.l.bf16.f32 v29  }
0x107: {  	v27 =	vunpack.i.u.bf16.f32 v29;
	v29 =	vperm.xlane v17, v3;
	v28 =	vld [tilespmem:s9+$0xFFFFFF30];
	v20 =	vmul.f32 v20, v22;
	[tilespmem:s31+$0x120] =	vst v24  }
0x108: {  	v53 =	vperm.xlane v16, v11;
	v22 =	vmul.f32 v27, v22;
	v24 =	vunpack.i.l.bf16.f32 v26;
	[tilespmem:s31+$0x130] =	vst v21  }
0x109: {  	v19 =	vperm.xlane v18, v12;
	v21 =	vunpack.i.u.bf16.f32 v26;
	v24 =	vmul.f32 v24, v29;
	[tilespmem:s31+$0xFFFFFEE0] =	vst v20;
	v20 =	vld [tilespmem:s2+$0xA0]  }
0x10a: {  	v40 =	vperm.xlane v17, v4;
	v21 =	vmul.f32 v21, v29;
	[tilespmem:s31+$0xFFFFFEF0] =	vst v22;
	v22 =	vunpack.i.l.bf16.f32 v25  }
0x10b: {  	v29 =	vperm.xlane v30, v3;
	v25 =	vunpack.i.u.bf16.f32 v25;
	[tilespmem:s10+$0x60] =	vst v24;
	v33 =	vld [tilespmem:s2+$0xFFFFFF80];
	v22 =	vmul.f32 v22, v19  }
0x10c: {  	v27 =	vperm.xlane v23, v9;
	[tilespmem:s10+$0x70] =	vst v21;
	v19 =	vmul.f32 v25, v19;
	v25 =	vunpack.i.l.bf16.f32 v28  }
0x10d: {  	v26 =	vperm.xlane v23, v10;
	v21 =	vunpack.i.u.bf16.f32 v28;
	v28 =	vld [tilespmem:s9+$0x40];
	v25 =	vmul.f32 v25, v29;
	[tilespmem:s30+$0xFFFFFF80] =	vst v22  }
0x10e: {  	v24 =	vperm.xlane v23, v11;
	v29 =	vmul.f32 v21, v29;
	[tilespmem:s30+$0xFFFFFF90] =	vst v19;
	v35 =	vunpack.i.l.bf16.f32 v20  }
0x10f: {  	v22 =	vperm.xlane v23, v12;
	v19 =	vunpack.i.u.bf16.f32 v20;
	v49 =	vld [tilespmem:s14+$0xFFFFFFD0];
	[tilespmem:s10+$0xFFFFFE60] =	vst v25;
	v25 =	vmul.f32 v35, v34  }
0x110: {  	v21 =	vperm.xlane v23, v13;
	[tilespmem:s10+$0xFFFFFE70] =	vst v29;
	v29 =	vunpack.i.l.bf16.f32 v33;
	v34 =	vmul.f32 v19, v34  }
0x111: {  	v20 =	vperm.xlane v23, v14;
	v33 =	vunpack.i.u.bf16.f32 v33;
	v39 =	vld [tilespmem:s9+$0xFFFFFF40];
	v29 =	vmul.f32 v29, v48;
	[tilespmem:s31+$0x140] =	vst v25  }
0x112: {  	v19 =	vperm.xlane v23, v15;
	v23 =	vunpack.i.l.bf16.f32 v28;
	v25 =	vmul.f32 v33, v48;
	[tilespmem:s31+$0x150] =	vst v34  }
0x113: {  	v31 =	vperm.xlane v18, v13;
	v28 =	vunpack.i.u.bf16.f32 v28;
	v23 =	vmul.f32 v23, v40;
	[tilespmem:s31+$0xFFFFFF00] =	vst v29;
	v41 =	vld [tilespmem:s2+$0xB0]  }
0x114: {  	v42 =	vperm.xlane v17, v5;
	v28 =	vmul.f32 v28, v40;
	[tilespmem:s31+$0xFFFFFF10] =	vst v25;
	v25 =	vunpack.i.l.bf16.f32 v49  }
0x115: {  	v18 =	vperm.xlane v18, v15;
	v29 =	vunpack.i.u.bf16.f32 v49;
	[tilespmem:s10+$0x80] =	vst v23;
	v23 =	vld [tilespmem:s2+$0xFFFFFF90];
	v25 =	vmul.f32 v25, v31  }
0x116: {  	v35 =	vperm.xlane v30, v10;
	v29 =	vmul.f32 v29, v31;
	[tilespmem:s10+$0x90] =	vst v28;
	v31 =	vunpack.i.l.bf16.f32 v39  }
0x117: {  	v34 =	vperm.xlane v30, v6;
	v28 =	vunpack.i.u.bf16.f32 v39;
	v52 =	vld [tilespmem:s9+$0x50];
	v51 =	vmul.f32 v31, v50;
	[tilespmem:s30+$0xFFFFFFA0] =	vst v25  }
0x118: {  	v33 =	vperm.xlane v30, v7;
	v25 =	vmul.f32 v28, v50;
	[tilespmem:s30+$0xFFFFFFB0] =	vst v29;
	v28 =	vunpack.i.l.bf16.f32 v41  }
0x119: {  	v31 =	vperm.xlane v30, v8;
	v54 =	vunpack.i.u.bf16.f32 v41;
	v55 =	vld [tilespmem:s14+$0xFFFFFFE0];
	[tilespmem:s10+$0xFFFFFE80] =	vst v51;
	v28 =	vmul.f32 v28, v53  }
0x11a: {  	v29 =	vperm.xlane v30, v9;
	[tilespmem:s10+$0xFFFFFE90] =	vst v25;
	v32 =	vmul.f32 v54, v53;
	v25 =	vunpack.i.l.bf16.f32 v23  }
0x11b: {  	v23 =	vunpack.i.u.bf16.f32 v23;
	v56 =	vld [tilespmem:s9+$0xFFFFFF50];
	v25 =	vmul.f32 v25, v27;
	[tilespmem:s31+$0x160] =	vst v28;
	v28 =	vperm.xlane v30, v11  }
0x11c: {  	v44 =	vunpack.i.l.bf16.f32 v52;
	v23 =	vmul.f32 v23, v27;
	[tilespmem:s31+$0x170] =	vst v32;
	v27 =	vperm.xlane v30, v12  }
0x11d: {  	v57 =	vunpack.i.u.bf16.f32 v52;
	v32 =	vperm.xlane v30, v15;
	v58 =	vmul.f32 v44, v42;
	v59 =	vld [tilespmem:s2+$0xC0];
	[tilespmem:s31+$0xFFFFFF20] =	vst v25  }
0x11e: {  	v42 =	vmul.f32 v57, v42;
	[tilespmem:s31+$0xFFFFFF30] =	vst v23;
	v60 =	vunpack.i.l.bf16.f32 v55;
	v41 =	vunpack.i.u.bf16.f32 v55  }
0x11f: {  	[tilespmem:s10+$0xA0] =	vst v58;
	v61 =	vmul.f32 v60, v38;
	v45 =	vmul.f32 v41, v38;
	v41 =	vld [tilespmem:s2+$0xFFFFFFA0]  }
0x120: {  	v25 =	vperm.xlane v30, v13;
	v23 =	vperm.xlane v30, v14;
	[tilespmem:s10+$0xB0] =	vst v42;
	v30 =	vunpack.i.l.bf16.f32 v56  }
0x121: {  	v38 =	vperm.xlane v16, v12;
	v62 =	vunpack.i.u.bf16.f32 v56;
	v42 =	vld [tilespmem:s9+$0x60];
	v46 =	vmul.f32 v30, v43;
	[tilespmem:s30+$0xFFFFFFC0] =	vst v61  }
0x122: {  	s16 =	simm.s32 $0x4;
	s12 =	sadd.s32 $0x3800, s29;
	v36 =	vunpack.i.l.bf16.f32 v36;
	[tilespmem:s30+$0xFFFFFFD0] =	vst v45;
	v43 =	vmul.f32 v62, v43;
	v63 =	vunpack.i.l.bf16.f32 v59  }
0x123: {  	s17 =	sadd.s32 $0x20, s15;
	s15 =	smov.u32 s9;
	v30 =	vmul.f32 v36, v37;
	v39 =	vunpack.i.u.bf16.f32 v59;
	v36 =	vld [tilespmem:s14+$0xFFFFFFF0];
	s14 =	smov.u32 s10;
	[tilespmem:s10+$0xFFFFFEA0] =	vst v46;
	v37 =	vmul.f32 v63, v38  }
.LBB2_8:
0x124: {  	v40 =	vld [tilespmem:s17+$0x0];
	[tilespmem:s10+$0xFFFFFEB0] =	vst v43;
	s9 =	sadd.s32 $0x200, s9;
	v43 =	vunpack.i.u.bf16.f32 v41;
	v41 =	vunpack.i.l.bf16.f32 v41;
	v39 =	vmul.f32 v39, v38  }
0x125: {  	v45 =	vperm.xlane v17, v6;
	v44 =	vld [tilespmem:s9+$0x0];
	v41 =	vmul.f32 v41, v26;
	[tilespmem:s31+$0x180] =	vst v37  }
0x126: {  	v43 =	vmul.f32 v43, v26;
	v26 =	vmov v35;
	v38 =	vld [tilespmem:s17+$0xFFFFFFF0];
	v37 =	vunpack.i.l.bf16.f32 v42;
	[tilespmem:s31+$0x190] =	vst v39  }
0x127: {  	v35 =	vunpack.i.u.bf16.f32 v42;
	v37 =	vmul.f32 v37, v45;
	[tilespmem:s31+$0xFFFFFF40] =	vst v41;
	v39 =	vld [tilespmem:s2+$0xD0]  }
0x128: {  	v35 =	vmul.f32 v35, v45;
	v41 =	vld [tilespmem:s9+$0xFFFFFF00];
	[tilespmem:s31+$0xFFFFFF50] =	vst v43;
	v42 =	vunpack.i.u.bf16.f32 v36;
	v36 =	vunpack.i.l.bf16.f32 v36  }
0x129: {  	v43 =	vperm.xlane v40, v0;
	v45 =	vld [tilespmem:s15+$0xFFFFFF60];
	[tilespmem:s10+$0xC0] =	vst v37;
	v36 =	vmul.f32 v36, v18  }
0x12a: {  	v42 =	vmul.f32 v42, v18;
	v18 =	vmovc v19;
	v19 =	vmov v32;
	v37 =	vunpack.i.l.bf16.f32 v44;
	[tilespmem:s10+$0xD0] =	vst v35;
	v35 =	vld [tilespmem:s2+$0xFFFFFFB0]  }
0x12b: {  	v46 =	vperm.xlane v16, v13;
	v32 =	vunpack.i.u.bf16.f32 v44;
	v37 =	vmul.f32 v37, v43;
	v44 =	vld [tilespmem:s15+$0x70];
	[tilespmem:s30+$0xFFFFFFE0] =	vst v36  }
0x12c: {  	s10 =	sadd.s32 $0x400, s10;
	v36 =	vperm.xlane v38, v0;
	v32 =	vmul.f32 v32, v43;
	v43 =	vunpack.i.l.bf16.f32 v39;
	[tilespmem:s30+$0xFFFFFFF0] =	vst v42  }
0x12d: {  	v42 =	vunpack.i.u.bf16.f32 v41;
	[tilespmem:s10+$0x0] =	vst v37;
	v37 =	vunpack.i.u.bf16.f32 v39;
	v39 =	vmul.f32 v43, v46  }
0x12e: {  	v41 =	vunpack.i.l.bf16.f32 v41;
	v42 =	vmul.f32 v42, v36;
	[tilespmem:s10+$0x10] =	vst v32;
	v32 =	vmul.f32 v37, v46  }
0x12f: {  	v47 =	vperm.xlane v17, v7;
	v36 =	vmul.f32 v41, v36;
	v46 =	vunpack.i.u.bf16.f32 v45;
	v43 =	vld [tilespmem:s9+$0x10];
	[tilespmem:s31+$0x1A0] =	vst v39  }
0x130: {  	v48 =	vperm.xlane v38, v2;
	v39 =	vperm.xlane v38, v1;
	v37 =	vunpack.i.l.bf16.f32 v44;
	[tilespmem:s31+$0x1B0] =	vst v32  }
0x131: {  	v41 =	vperm.xlane v38, v3;
	v32 =	vunpack.i.u.bf16.f32 v44;
	[tilespmem:s10+$0xFFFFFE00] =	vst v36;
	v44 =	vmul.f32 v37, v47;
	v49 =	vld [tilespmem:s2+$0xE0]  }
0x132: {  	v37 =	vperm.xlane v38, v4;
	v32 =	vmul.f32 v32, v47;
	[tilespmem:s10+$0xFFFFFE10] =	vst v42;
	v42 =	vunpack.i.l.bf16.f32 v45  }
0x133: {  	s16 =	sadd.s32 $0x2, s16;
	v36 =	vperm.xlane v38, v5;
	v47 =	vperm.xlane v40, v1;
	v45 =	vld [tilespmem:s9+$0xFFFFFF10];
	[tilespmem:s14+$0xE0] =	vst v44;
	v44 =	vunpack.i.u.bf16.f32 v35  }
0x134: {  	p1 =	slt.u32 s16, $0xE;
	v50 =	vperm.xlane v38, v6;
	v42 =	vmul.f32 v42, v34;
	v51 =	vunpack.i.l.bf16.f32 v43;
	[tilespmem:s14+$0xF0] =	vst v32  }
0x135: {  	v52 =	vperm.xlane v16, v14;
	v32 =	vunpack.i.u.bf16.f32 v43;
	v43 =	vmul.f32 v51, v47;
	v51 =	vld [tilespmem:s15+$0x80];
	[tilespmem:s30+$0x1E0] =	vst v30;
	s30 =	smov.u32 s31;
	s31 =	smov.u32 s14;
	s14 =	smov.u32 s10  }
0x136: {  	v30 =	vmul.f32 v32, v47;
	v32 =	vmul.f32 v46, v34;
	v34 =	vmovc v50;
	[tilespmem:s31+$0xFFFFFEC0] =	vst v42;
	v42 =	vunpack.i.l.bf16.f32 v49  }
0x137: {  	v46 =	vperm.xlane v38, v7;
	[tilespmem:s10+$0x20] =	vst v43;
	v43 =	vunpack.i.u.bf16.f32 v49;
	v42 =	vmul.f32 v42, v52  }
0x138: {  	v47 =	vunpack.i.u.bf16.f32 v45;
	v45 =	vunpack.i.l.bf16.f32 v45;
	[tilespmem:s10+$0x30] =	vst v30;
	v30 =	vmul.f32 v43, v52  }
0x139: {  	v50 =	vunpack.i.l.bf16.f32 v35;
	v49 =	vperm.xlane v17, v8;
	v43 =	vmul.f32 v45, v39;
	v45 =	vld [tilespmem:s9+$0x20];
	[tilespmem:s30+$0x1C0] =	vst v42  }
0x13a: {  	v35 =	vmul.f32 v47, v39;
	v42 =	vperm.xlane v38, v8;
	v47 =	vunpack.i.l.bf16.f32 v51;
	[tilespmem:s30+$0x1D0] =	vst v30  }
0x13b: {  	v39 =	vperm.xlane v38, v9;
	v30 =	vunpack.i.u.bf16.f32 v51;
	[tilespmem:s10+$0xFFFFFE20] =	vst v43;
	v43 =	vmul.f32 v47, v49;
	v47 =	vld [tilespmem:s2+$0xF0]  }
0x13c: {  	v30 =	vmul.f32 v30, v49;
	[tilespmem:s10+$0xFFFFFE30] =	vst v35;
	v35 =	vperm.xlane v38, v10  }
0x13d: {  	v52 =	vperm.xlane v40, v2;
	v51 =	vperm.xlane v38, v11;
	v49 =	vld [tilespmem:s9+$0xFFFFFF20];
	[tilespmem:s31+$0x100] =	vst v43  }
0x13e: {  	v44 =	vmul.f32 v44, v24;
	v43 =	vunpack.i.l.bf16.f32 v45;
	[tilespmem:s31+$0x110] =	vst v30;
	v30 =	vmul.f32 v50, v24;
	v24 =	vmovc v28  }
0x13f: {  	v56 =	vunpack.i.u.bf16.f32 v45;
	v50 =	vperm.xlane v16, v15;
	v16 =	vmovc v17;
	v43 =	vmul.f32 v43, v52;
	[tilespmem:s31+$0xFFFFFED0] =	vst v32;
	v45 =	vld [tilespmem:s15+$0x90]  }
0x140: {  	v53 =	vperm.xlane v38, v12;
	v17 =	vmovc v40;
	v32 =	vmul.f32 v56, v52;
	v52 =	vld [tilespmem:s15+$0xFFFFFF70];
	[tilespmem:s30+$0xFFFFFF60] =	vst v30;
	v55 =	vunpack.i.u.bf16.f32 v47  }
0x141: {  	v54 =	vperm.xlane v38, v13;
	v28 =	vmovc v51;
	v30 =	vunpack.i.l.bf16.f32 v47;
	[tilespmem:s10+$0x40] =	vst v43;
	v43 =	vmul.f32 v55, v50  }
0x142: {  	v40 =	vperm.xlane v38, v14;
	v47 =	vunpack.i.u.bf16.f32 v49;
	v49 =	vunpack.i.l.bf16.f32 v49;
	[tilespmem:s10+$0x50] =	vst v32  }
0x143: {  	v55 =	vperm.xlane v16, v9;
	v49 =	vmul.f32 v49, v48;
	v51 =	vld [tilespmem:s9+$0x30];
	[tilespmem:s30+$0x1F0] =	vst v43  }
0x144: {  	v32 =	vperm.xlane v38, v15;
	v43 =	vmul.f32 v47, v48;
	v38 =	vunpack.i.l.bf16.f32 v45;
	[tilespmem:s30+$0xFFFFFF70] =	vst v44  }
0x145: {  	v45 =	vunpack.i.u.bf16.f32 v45;
	[tilespmem:s10+$0xFFFFFE40] =	vst v49;
	v44 =	vunpack.i.u.bf16.f32 v52;
	v38 =	vmul.f32 v38, v55;
	v47 =	vld [tilespmem:s2+$0xFFFFFFC0]  }
0x146: {  	v45 =	vmul.f32 v45, v55;
	[tilespmem:s10+$0xFFFFFE50] =	vst v43;
	v43 =	vunpack.i.l.bf16.f32 v52;
	v44 =	vmul.f32 v44, v33  }
0x147: {  	v49 =	vperm.xlane v17, v3;
	v48 =	vld [tilespmem:s9+$0xFFFFFF30];
	v43 =	vmul.f32 v43, v33;
	[tilespmem:s31+$0x120] =	vst v38;
	v33 =	vmov v46  }
0x148: {  	v30 =	vmul.f32 v30, v50;
	v38 =	vunpack.i.l.bf16.f32 v51;
	[tilespmem:s31+$0x130] =	vst v45  }
0x149: {  	v45 =	vunpack.i.u.bf16.f32 v51;
	v38 =	vmul.f32 v38, v49;
	[tilespmem:s31+$0xFFFFFEE0] =	vst v43;
	v43 =	vld [tilespmem:s15+$0xA0]  }
0x14a: {  	v45 =	vmul.f32 v45, v49;
	[tilespmem:s31+$0xFFFFFEF0] =	vst v44;
	v44 =	vunpack.i.u.bf16.f32 v47;
	v46 =	vunpack.i.l.bf16.f32 v47  }
0x14b: {  	[tilespmem:s10+$0x60] =	vst v38;
	v38 =	vld [tilespmem:s15+$0xFFFFFF80];
	v46 =	vmul.f32 v46, v22;
	v44 =	vmul.f32 v44, v22;
	v22 =	vmovc v27;
	v27 =	vmov v53  }
0x14c: {  	v47 =	vunpack.i.u.bf16.f32 v48;
	v48 =	vunpack.i.l.bf16.f32 v48;
	[tilespmem:s10+$0x70] =	vst v45  }
0x14d: {  	v49 =	vperm.xlane v16, v10;
	v45 =	vmul.f32 v48, v41;
	v48 =	vld [tilespmem:s9+$0x40];
	[tilespmem:s30+$0xFFFFFF80] =	vst v46  }
0x14e: {  	v41 =	vmul.f32 v47, v41;
	v46 =	vunpack.i.l.bf16.f32 v43;
	[tilespmem:s30+$0xFFFFFF90] =	vst v44  }
0x14f: {  	v43 =	vunpack.i.u.bf16.f32 v43;
	[tilespmem:s10+$0xFFFFFE60] =	vst v45;
	v44 =	vmul.f32 v46, v49;
	v45 =	vld [tilespmem:s2+$0xFFFFFFD0]  }
0x150: {  	v43 =	vmul.f32 v43, v49;
	[tilespmem:s10+$0xFFFFFE70] =	vst v41;
	v41 =	vunpack.i.u.bf16.f32 v38;
	v38 =	vunpack.i.l.bf16.f32 v38  }
0x151: {  	v47 =	vperm.xlane v17, v4;
	v46 =	vld [tilespmem:s9+$0xFFFFFF40];
	v38 =	vmul.f32 v38, v31;
	[tilespmem:s31+$0x140] =	vst v44  }
0x152: {  	v41 =	vmul.f32 v41, v31;
	v31 =	vmov v42;
	v44 =	vunpack.i.l.bf16.f32 v48;
	[tilespmem:s31+$0x150] =	vst v43  }
0x153: {  	v42 =	vunpack.i.u.bf16.f32 v48;
	v43 =	vmul.f32 v44, v47;
	[tilespmem:s31+$0xFFFFFF00] =	vst v38;
	v38 =	vld [tilespmem:s15+$0xB0]  }
0x154: {  	v42 =	vmul.f32 v42, v47;
	[tilespmem:s31+$0xFFFFFF10] =	vst v41;
	v41 =	vunpack.i.u.bf16.f32 v45;
	v44 =	vunpack.i.l.bf16.f32 v45  }
0x155: {  	[tilespmem:s10+$0x80] =	vst v43;
	v43 =	vld [tilespmem:s15+$0xFFFFFF90];
	v44 =	vmul.f32 v44, v21;
	v41 =	vmul.f32 v41, v21;
	v21 =	vmovc v25;
	v25 =	vmov v54  }
0x156: {  	v45 =	vunpack.i.u.bf16.f32 v46;
	v46 =	vunpack.i.l.bf16.f32 v46;
	[tilespmem:s10+$0x90] =	vst v42  }
0x157: {  	v47 =	vperm.xlane v16, v11;
	v42 =	vmul.f32 v46, v37;
	v46 =	vld [tilespmem:s9+$0x50];
	[tilespmem:s30+$0xFFFFFFA0] =	vst v44  }
0x158: {  	v37 =	vmul.f32 v45, v37;
	v44 =	vunpack.i.l.bf16.f32 v38;
	[tilespmem:s30+$0xFFFFFFB0] =	vst v41  }
0x159: {  	v38 =	vunpack.i.u.bf16.f32 v38;
	[tilespmem:s10+$0xFFFFFE80] =	vst v42;
	v41 =	vmul.f32 v44, v47;
	v42 =	vld [tilespmem:s2+$0xFFFFFFE0]  }
0x15a: {  	v38 =	vmul.f32 v38, v47;
	[tilespmem:s10+$0xFFFFFE90] =	vst v37;
	v37 =	vunpack.i.u.bf16.f32 v43;
	v43 =	vunpack.i.l.bf16.f32 v43  }
0x15b: {  	v45 =	vperm.xlane v17, v5;
	v44 =	vld [tilespmem:s9+$0xFFFFFF50];
	v43 =	vmul.f32 v43, v29;
	[tilespmem:s31+$0x160] =	vst v41  }
0x15c: {  	v37 =	vmul.f32 v37, v29;
	v29 =	vmov v39;
	v41 =	vunpack.i.l.bf16.f32 v46;
	[tilespmem:s31+$0x170] =	vst v38  }
0x15d: {  	v38 =	vunpack.i.u.bf16.f32 v46;
	v39 =	vmul.f32 v41, v45;
	[tilespmem:s31+$0xFFFFFF20] =	vst v43;
	v46 =	vld [tilespmem:s15+$0xC0]  }
0x15e: {  	v38 =	vmul.f32 v38, v45;
	[tilespmem:s31+$0xFFFFFF30] =	vst v37;
	v37 =	vunpack.i.u.bf16.f32 v42;
	v42 =	vunpack.i.l.bf16.f32 v42  }
.Ltmp3:
0x15f: {  	[tilespmem:s10+$0xA0] =	vst v39;
	v41 =	vld [tilespmem:s15+$0xFFFFFFA0];
	v39 =	vmul.f32 v42, v20;
	v37 =	vmul.f32 v37, v20;
	v20 =	vmovc v23;
	v23 =	vmov v40;
	(pc) =	sbr.rel @p1 .LBB2_8-.Ltmp3, $4  }
0x160: {  	v40 =	vunpack.i.u.bf16.f32 v44;
	v42 =	vunpack.i.l.bf16.f32 v44;
	[tilespmem:s10+$0xB0] =	vst v38  }
0x161: {  	v38 =	vperm.xlane v16, v12;
	v44 =	vmul.f32 v42, v36;
	v42 =	vld [tilespmem:s9+$0x60];
	[tilespmem:s30+$0xFFFFFFC0] =	vst v39  }
0x162: {  	v43 =	vmul.f32 v40, v36;
	v36 =	vunpack.i.l.bf16.f32 v46;
	[tilespmem:s30+$0xFFFFFFD0] =	vst v37  }
0x163: {  	s17 =	sadd.s32 $0x20, s17;
	v39 =	vunpack.i.u.bf16.f32 v46;
	[tilespmem:s10+$0xFFFFFEA0] =	vst v44;
	v37 =	vmul.f32 v36, v38;
	v36 =	vld [tilespmem:s2+$0xFFFFFFF0];
	s2 =	smov.u32 s15;
	s15 =	smov.u32 s9  }
0x164: {  	[tilespmem:s10+$0xFFFFFEB0] =	vst v43  }
0x165: {  	v40 =	vld [tilespmem:s15+$0xFFFFFF60];
	_ =	sdelay $0x1  }
0x166: {  	v61 =	vperm.xlane v17, v6  }
0x167: {  	v44 =	vunpack.i.l.bf16.f32 v42  }
0x168: {  	v62 =	vunpack.i.u.bf16.f32 v42;
	v44 =	vmul.f32 v44, v61  }
0x169: {  	v42 =	vmul.f32 v62, v61;
	v63 =	vunpack.i.l.bf16.f32 v40  }
0x16a: {  	[tilespmem:s10+$0xC0] =	vst v44;
	v40 =	vunpack.i.u.bf16.f32 v40;
	v43 =	vmul.f32 v63, v34  }
0x16b: {  	[tilespmem:s10+$0xD0] =	vst v42;
	v45 =	vmul.f32 v40, v34  }
0x16c: {  	v46 =	vld [tilespmem:s15+$0x70];
	[tilespmem:s14+$0xFFFFFEC0] =	vst v43  }
0x16d: {  	[tilespmem:s14+$0xFFFFFED0] =	vst v45  }
0x16e: {  	v34 =	vld [tilespmem:s15+$0xFFFFFF70];
	_ =	sdelay $0x1  }
0x16f: {  	v47 =	vperm.xlane v17, v7  }
0x170: {  	v48 =	vunpack.i.l.bf16.f32 v46  }
0x171: {  	v40 =	vunpack.i.u.bf16.f32 v46;
	v43 =	vmul.f32 v48, v47  }
0x172: {  	v40 =	vmul.f32 v40, v47;
	v49 =	vunpack.i.l.bf16.f32 v34  }
0x173: {  	[tilespmem:s14+$0xE0] =	vst v43;
	v34 =	vunpack.i.u.bf16.f32 v34;
	v42 =	vmul.f32 v49, v33  }
0x174: {  	[tilespmem:s14+$0xF0] =	vst v40;
	v50 =	vmul.f32 v34, v33  }
0x175: {  	v51 =	vld [tilespmem:s15+$0x80];
	[tilespmem:s14+$0xFFFFFEE0] =	vst v42  }
0x176: {  	[tilespmem:s14+$0xFFFFFEF0] =	vst v50  }
0x177: {  	v33 =	vld [tilespmem:s15+$0xFFFFFF80];
	_ =	sdelay $0x1  }
0x178: {  	v52 =	vperm.xlane v17, v8  }
0x179: {  	v53 =	vunpack.i.l.bf16.f32 v51  }
0x17a: {  	v34 =	vunpack.i.u.bf16.f32 v51;
	v42 =	vmul.f32 v53, v52  }
0x17b: {  	v34 =	vmul.f32 v34, v52;
	v54 =	vunpack.i.l.bf16.f32 v33  }
0x17c: {  	[tilespmem:s14+$0x100] =	vst v42;
	v33 =	vunpack.i.u.bf16.f32 v33;
	v40 =	vmul.f32 v54, v31  }
0x17d: {  	[tilespmem:s14+$0x110] =	vst v34;
	v55 =	vmul.f32 v33, v31  }
0x17e: {  	v56 =	vld [tilespmem:s15+$0x90];
	[tilespmem:s14+$0xFFFFFF00] =	vst v40  }
0x17f: {  	[tilespmem:s14+$0xFFFFFF10] =	vst v55  }
0x180: {  	v31 =	vld [tilespmem:s15+$0xFFFFFF90];
	_ =	sdelay $0x1  }
0x181: {  	v57 =	vperm.xlane v17, v9  }
0x182: {  	v58 =	vunpack.i.l.bf16.f32 v56  }
0x183: {  	v33 =	vunpack.i.u.bf16.f32 v56;
	v40 =	vmul.f32 v58, v57  }
0x184: {  	v33 =	vmul.f32 v33, v57;
	v59 =	vunpack.i.l.bf16.f32 v31  }
0x185: {  	[tilespmem:s14+$0x120] =	vst v40;
	v31 =	vunpack.i.u.bf16.f32 v31;
	v34 =	vmul.f32 v59, v29  }
0x186: {  	[tilespmem:s14+$0x130] =	vst v33;
	v60 =	vmul.f32 v31, v29  }
0x187: {  	v61 =	vld [tilespmem:s15+$0xA0];
	[tilespmem:s14+$0xFFFFFF20] =	vst v34  }
0x188: {  	[tilespmem:s14+$0xFFFFFF30] =	vst v60  }
0x189: {  	v63 =	vunpack.i.u.bf16.f32 v41;
	v29 =	vld [tilespmem:s15+$0xFFFFFFA0]  }
0x18a: {  	v62 =	vunpack.i.l.bf16.f32 v41;
	v45 =	vmul.f32 v63, v26  }
0x18b: {  	v44 =	vperm.xlane v17, v10;
	v33 =	vmul.f32 v62, v26  }
0x18c: {  	[tilespmem:s31+$0xFFFFFF50] =	vst v45;
	v46 =	vunpack.i.l.bf16.f32 v61  }
0x18d: {  	[tilespmem:s31+$0xFFFFFF40] =	vst v33;
	v31 =	vunpack.i.u.bf16.f32 v61;
	v47 =	vmul.f32 v46, v44  }
0x18e: {  	v50 =	vld [tilespmem:s2+$0xFFFFFFB0];
	v48 =	vmul.f32 v31, v44;
	v49 =	vunpack.i.l.bf16.f32 v29  }
0x18f: {  	[tilespmem:s14+$0x140] =	vst v47;
	v29 =	vunpack.i.u.bf16.f32 v29;
	v31 =	vmul.f32 v49, v35  }
0x190: {  	[tilespmem:s14+$0x150] =	vst v48;
	v51 =	vmul.f32 v29, v35  }
0x191: {  	v52 =	vld [tilespmem:s15+$0xB0];
	[tilespmem:s14+$0xFFFFFF40] =	vst v31  }
0x192: {  	[tilespmem:s14+$0xFFFFFF50] =	vst v51  }
0x193: {  	v54 =	vunpack.i.u.bf16.f32 v50;
	v26 =	vld [tilespmem:s15+$0xFFFFFFB0]  }
0x194: {  	v53 =	vunpack.i.l.bf16.f32 v50;
	v56 =	vmul.f32 v54, v24  }
0x195: {  	v55 =	vperm.xlane v17, v11;
	v31 =	vmul.f32 v53, v24  }
0x196: {  	[tilespmem:s31+$0xFFFFFF70] =	vst v56;
	v57 =	vunpack.i.l.bf16.f32 v52  }
0x197: {  	[tilespmem:s31+$0xFFFFFF60] =	vst v31;
	v29 =	vunpack.i.u.bf16.f32 v52;
	v58 =	vmul.f32 v57, v55  }
0x198: {  	v59 =	vmul.f32 v29, v55;
	v61 =	vld [tilespmem:s2+$0xFFFFFFC0];
	v60 =	vunpack.i.l.bf16.f32 v26  }
0x199: {  	[tilespmem:s14+$0x160] =	vst v58;
	v26 =	vunpack.i.u.bf16.f32 v26;
	v29 =	vmul.f32 v60, v28  }
0x19a: {  	[tilespmem:s14+$0x170] =	vst v59;
	v62 =	vmul.f32 v26, v28  }
0x19b: {  	v63 =	vld [tilespmem:s15+$0xC0];
	[tilespmem:s14+$0xFFFFFF60] =	vst v29  }
0x19c: {  	[tilespmem:s14+$0xFFFFFF70] =	vst v62  }
0x19d: {  	v39 =	vmul.f32 v39, v38;
	v40 =	vunpack.i.l.bf16.f32 v61;
	v24 =	vld [tilespmem:s15+$0xFFFFFFC0]  }
0x19e: {  	[tilespmem:s31+$0x180] =	vst v37;
	v41 =	vunpack.i.u.bf16.f32 v61;
	v29 =	vmul.f32 v40, v22  }
0x19f: {  	[tilespmem:s31+$0x190] =	vst v39;
	v42 =	vperm.xlane v17, v12;
	v43 =	vmul.f32 v41, v22  }
0x1a0: {  	v45 =	vld [tilespmem:s2+$0xD0];
	v44 =	vunpack.i.l.bf16.f32 v63;
	[tilespmem:s31+$0xFFFFFF80] =	vst v29  }
0x1a1: {  	v26 =	vunpack.i.u.bf16.f32 v63;
	[tilespmem:s31+$0xFFFFFF90] =	vst v43;
	v28 =	vmul.f32 v44, v42  }
0x1a2: {  	v46 =	vmul.f32 v26, v42;
	v29 =	vld [tilespmem:s2+$0xFFFFFFD0];
	v47 =	vunpack.i.l.bf16.f32 v24  }
0x1a3: {  	[tilespmem:s14+$0x180] =	vst v28;
	v24 =	vunpack.i.u.bf16.f32 v24;
	v26 =	vmul.f32 v47, v27  }
0x1a4: {  	v49 =	vperm.xlane v16, v13;
	[tilespmem:s14+$0x190] =	vst v46;
	v48 =	vmul.f32 v24, v27  }
0x1a5: {  	v52 =	vunpack.i.u.bf16.f32 v45;
	v50 =	vld [tilespmem:s15+$0xD0];
	[tilespmem:s14+$0xFFFFFF80] =	vst v26  }
0x1a6: {  	v51 =	vunpack.i.l.bf16.f32 v45;
	v22 =	vmul.f32 v52, v49;
	[tilespmem:s14+$0xFFFFFF90] =	vst v48  }
0x1a7: {  	v54 =	vunpack.i.l.bf16.f32 v29;
	v26 =	vmul.f32 v51, v49;
	v53 =	vld [tilespmem:s15+$0xFFFFFFD0]  }
0x1a8: {  	[tilespmem:s31+$0x1B0] =	vst v22;
	v55 =	vunpack.i.u.bf16.f32 v29;
	v24 =	vmul.f32 v54, v21  }
0x1a9: {  	v56 =	vperm.xlane v17, v13;
	v57 =	vmul.f32 v55, v21;
	[tilespmem:s31+$0x1A0] =	vst v26  }
0x1aa: {  	v58 =	vunpack.i.l.bf16.f32 v50;
	[tilespmem:s31+$0xFFFFFFA0] =	vst v24;
	v59 =	vld [tilespmem:s2+$0xE0]  }
0x1ab: {  	v60 =	vunpack.i.u.bf16.f32 v50;
	[tilespmem:s31+$0xFFFFFFB0] =	vst v57;
	v22 =	vmul.f32 v58, v56  }
0x1ac: {  	v61 =	vmul.f32 v60, v56;
	v63 =	vld [tilespmem:s2+$0xFFFFFFE0];
	v62 =	vunpack.i.l.bf16.f32 v53  }
0x1ad: {  	[tilespmem:s14+$0x1A0] =	vst v22;
	v28 =	vunpack.i.u.bf16.f32 v53;
	v24 =	vmul.f32 v62, v25  }
0x1ae: {  	v31 =	vperm.xlane v16, v14;
	[tilespmem:s14+$0x1B0] =	vst v61;
	v29 =	vmul.f32 v28, v25  }
0x1af: {  	v33 =	vld [tilespmem:s15+$0xE0];
	v34 =	vunpack.i.l.bf16.f32 v59;
	[tilespmem:s14+$0xFFFFFFA0] =	vst v24  }
0x1b0: {  	v35 =	vunpack.i.u.bf16.f32 v59;
	[tilespmem:s14+$0xFFFFFFB0] =	vst v29;
	v24 =	vmul.f32 v34, v31  }
0x1b1: {  	v38 =	vunpack.i.l.bf16.f32 v63;
	v21 =	vmul.f32 v35, v31;
	v37 =	vld [tilespmem:s15+$0xFFFFFFE0]  }
0x1b2: {  	v39 =	vunpack.i.u.bf16.f32 v63;
	v22 =	vmul.f32 v38, v20;
	[tilespmem:s31+$0x1C0] =	vst v24  }
0x1b3: {  	v40 =	vperm.xlane v17, v14;
	v41 =	vmul.f32 v39, v20;
	[tilespmem:s31+$0x1D0] =	vst v21  }
0x1b4: {  	v42 =	vunpack.i.l.bf16.f32 v33;
	[tilespmem:s31+$0xFFFFFFC0] =	vst v22  }
0x1b5: {  	v43 =	vunpack.i.u.bf16.f32 v33;
	[tilespmem:s31+$0xFFFFFFD0] =	vst v41;
	v21 =	vmul.f32 v42, v40;
	v44 =	vld [tilespmem:s2+$0xF0]  }
0x1b6: {  	[tilespmem:s30+$0x1E0] =	vst v30;
	v45 =	vmul.f32 v43, v40;
	v47 =	vld [tilespmem:s2+$0xFFFFFFF0];
	v46 =	vunpack.i.l.bf16.f32 v37  }
0x1b7: {  	[tilespmem:s14+$0x1C0] =	vst v21;
	v48 =	vunpack.i.u.bf16.f32 v37;
	v22 =	vmul.f32 v46, v23  }
0x1b8: {  	v49 =	vunpack.i.l.bf16.f32 v36;
	[tilespmem:s14+$0x1D0] =	vst v45;
	v50 =	vmul.f32 v48, v23  }
0x1b9: {  	v16 =	vperm.xlane v16, v15;
	v51 =	vunpack.i.u.bf16.f32 v36;
	v52 =	vmul.f32 v49, v18;
	v54 =	vld [tilespmem:s15+$0xF0];
	[tilespmem:s14+$0xFFFFFFC0] =	vst v22  }
0x1ba: {  	v53 =	vmul.f32 v51, v18;
	v55 =	vunpack.i.u.bf16.f32 v44;
	[tilespmem:s14+$0xFFFFFFD0] =	vst v50  }
0x1bb: {  	[tilespmem:s30+$0xFFFFFFE0] =	vst v52;
	v57 =	vunpack.i.l.bf16.f32 v47;
	v56 =	vmul.f32 v55, v16;
	v22 =	vld [tilespmem:s15+$0xFFFFFFF0]  }
0x1bc: {  	[tilespmem:s30+$0xFFFFFFF0] =	vst v53;
	v58 =	vunpack.i.u.bf16.f32 v47;
	v20 =	vmul.f32 v57, v19  }
0x1bd: {  	v17 =	vperm.xlane v17, v15;
	v24 =	vunpack.i.l.bf16.f32 v44;
	v59 =	vmul.f32 v58, v19;
	[tilespmem:s31+$0x1F0] =	vst v56  }
0x1be: {  	v16 =	vmul.f32 v24, v16;
	[tilespmem:s31+$0xFFFFFFE0] =	vst v20;
	v60 =	vunpack.i.u.bf16.f32 v54  }
0x1bf: {  	[tilespmem:s31+$0xFFFFFFF0] =	vst v59;
	v63 =	vunpack.i.l.bf16.f32 v54;
	v61 =	vmul.f32 v60, v17  }
0x1c0: {  	[tilespmem:s31+$0x1E0] =	vst v16;
	v17 =	vmul.f32 v63, v17;
	v62 =	vunpack.i.l.bf16.f32 v22  }
0x1c1: {  	[tilespmem:s14+$0x1F0] =	vst v61;
	v16 =	vunpack.i.u.bf16.f32 v22;
	v19 =	vmul.f32 v62, v32  }
0x1c2: {  	[tilespmem:s14+$0x1E0] =	vst v17;
	v16 =	vmul.f32 v16, v32  }
0x1c3: {  	p1 =	slt.u32 s26, $0xC8;
	s30 =	sshll.u32 s28, $0x8;
	[tilespmem:s14+$0xFFFFFFE0] =	vst v19  }
.Ltmp4:
0x1c4: {  	s9 =	sadd.s32 $0x300, s30;
	[tilespmem:s14+$0xFFFFFFF0] =	vst v16;
	(pc) =	sbr.rel @p1 .LBB2_3-.Ltmp4, $4  }
0x1c5: {  	[spmem:s6] =	stream.indirect.scatter.add.f32 [tilespmem:s12], [sflag:$0x2], $0x20, s9, s24, $0xb8;
	[tilespmem:$0x1FF00] =	vst v63  }
0x1c6: {  	s2 =	sadd.s32 $0x380, s30;
	s31 =	sadd.s32 $0x4800, s29  }
0x1c7: {  	[spmem:s6] =	stream.indirect.scatter.add.f32 [tilespmem:s31], [sflag:$0x2], $0x20, s2, s24, $0xb8;
	[tilespmem:$0x1FF00] =	vst v63  }
0x1c8: {  	s2 =	smov.u32 s26  }
0x1c9: {  	_ =	swait.ge [sflag:s5], $0x1000  }
0x1ca: {  	[sflag:s5] =	ssyncset.done $0x0  }
0x1cb: {  	[sflag:s5] =	ssyncadd.s32 $0xFFFFF000  }
0x1cc: {  	_ =	swait.ge [sflag:s5], $0x1000  }
0x1cd: {  	[sflag:s5] =	ssyncset.done $0x0  }
0x1ce: {  	[sflag:s5] =	ssyncadd.s32 $0xFFFFF000  }
0x1cf: {  	_ =	swait.ge [sflag:s5], $0x1000  }
0x1d0: {  	[sflag:s5] =	ssyncset.done $0x0  }
0x1d1: {  	[sflag:s5] =	ssyncadd.s32 $0xFFFFF000  }
0x1d2: {  	_ =	swait.ge [sflag:s5], $0x1000  }
0x1d3: {  	s2 =	smul.u32 $0xC380, s22;
	[sflag:s5] =	ssyncset.done $0x0  }
0x1d4: {  	s9 =	rddreg [dreg:$0x7];
	[sflag:s5] =	ssyncadd.s32 $0xFFFFF000  }
0x1d5: {  	s2 =	sadd.s32 s9, s2;
	[bflag:$0x0] =	sbarrier.arrive $0xFFFF  }
0x1d6: {  	s2 =	sshll.u32 s2, $0x2;
	s31 =	rddreg [dreg:$0x4]  }
0x1d7: {  	s2 =	sadd.s32 s31, s2  }
0x1d8: {  	[hbm:s2], [sflag:s13] =	dma.local [spmem:s19], $0x30E0  }
.Ltmp5:
0x1d9: {  	_ =	swait.ge [sflag:s20], $0x30E0;
	(pc) =	sbr.rel @p0 .LBB2_2-.Ltmp5, $4  }
0x1da: {  	[sflag:s20] =	ssyncset.done $0x0  }
0x1db: {  	[sflag:s20] =	ssyncadd.s32 $0xFFFFCF20  }
0x1dc: {  	[bflag:$0x0] =	sbarrier.arrive $0xFFFF  }
0x1dd: {  	p1 =	por $0x0, $0x0;
	s2 =	simm.s32 $0x1  }
0x1de: {  	s9 =	rddreg [dreg:$0xf]  }
0x1df: {  	s2 =	rddreg [dreg:$0xe];
	s9 =	sadd.s32 $0x1, s9  }
0x1e0: {  	p0 =	sne.s32 s9, s2  }
.Ltmp6:
0x1e1: {  	_ = 	snop;
	(pc) =	sbr.rel @p0 .LBB2_1-.Ltmp6, $1  }
0x1e2: {  	_ =	sdelay $0x3  }
0x1e3: {  	_ =	sfence.sel $0x180000  }
0x1e4: {  	[bflag:$0x0] =	sbarrier.arrive $0xFFFF  }
0x1e5: {  	_ =	strace $0x90000056  }
0x1e6: {  	s0 =	stileid.u32;
	[bflag:$0x2] =	sbarrier.arrive $0xFFFF  }
0x1e7: {  	p0 =	sne.s32 s0, $0x0;
	s0 =	rddreg [dreg:$0x6]  }
0x1e8: {  	s0 =	sadd.s32 @!p0 $0x100000, s0  }
0x1e9: {  	[sflag:s0] =	ssyncadd.tile.s32 @!p0 $0x1;
	_ =	shalt  }
.Lfunc_end2:
_tile_overlayer_lowered:
.L_overlay_start_2:
0x1ea: {  	(tag) =	ssettag $0x2  }
0x1eb: {  	s0 =	rddreg [dreg:$0x0];
	s2 =	stileid.u32  }
0x1ec: {  	s1 =	rddreg [dreg:$0x1];
	p0 =	sne.s32 s2, $0x0  }
0x1ed: {  	s3 =	rddreg [dreg:$0x2];
	[bflag:$0x3] =	sbarrier.arrive $0xFFFF;
	s2 =	simm.s32 @!p0 $0x1C05  }
0x1ee: {  	[timem:s3], [sflag:s2] =	dma.local @!p0 [hbm:s0], s1  }
0x1ef: {  	s0 =	simm.s32 @!p0 $0x5  }
0x1f0: {  	_ =	swait.ge @!p0 [sflag:s0], s1  }
0x1f1: {  	s1 =	ssub.s32 @!p0 $0x0, s1;
	[sflag:s0] =	ssyncset.done @!p0 $0x0  }
0x1f2: {  	[sflag:s0] =	ssyncadd.s32 @!p0 s1  }
0x1f3: {  	[bflag:$0x3] =	sbarrier.arrive $0xFFFF  }
0x1f4: {  	_ =	shalt  }

</sc_bundles>
